<compile_context>
chip_gen: v7x
topology: tpu7x:2x2x1
jax: 0.10.2.dev20260603
libtpu: 0.0.44.dev20260713+nightly
codegen_flags: <defaults>
</compile_context>

<pallas_src>
import functools

import jax
import jax.numpy as jnp
from jax import lax
from jax.experimental import pallas as pl
from jax.experimental.pallas import tpu as pltpu
from jax.experimental.pallas import tpu_sc as plsc

D_IN = 32
LANES = 128
SUBS = 8
NB = 50
N_SUBCORES = 16
EPT = NB * SUBS * LANES
SPROWS = 50176
ROW_STRIDE = 3200
ROW_STEP = 200


def _prep_edges(edge_index, src_offset, dump_idx):
    src = edge_index[0].reshape(N_SUBCORES, -1)
    dst = edge_index[1].reshape(N_SUBCORES, -1)
    pad = EPT - src.shape[1]
    src = jnp.pad(src, ((0, 0), (0, pad))) + src_offset
    dst = jnp.pad(dst, ((0, 0), (0, pad)), constant_values=dump_idx)
    src = src.reshape(N_SUBCORES, NB, SUBS, LANES)
    dst = dst.reshape(N_SUBCORES, NB, SUBS, LANES)
    return jnp.stack([src, dst], axis=2)


def _sc_accumulate(n_dst, edges_all, x_all):
    mesh = plsc.VectorSubcoreMesh(core_axis_name="c", subcore_axis_name="s")

    @functools.partial(
        pl.kernel,
        out_type=(
            jax.ShapeDtypeStruct((n_dst, D_IN), jnp.float32),
            jax.ShapeDtypeStruct((n_dst,), jnp.float32),
            jax.ShapeDtypeStruct((n_dst, D_IN), jnp.float32),
            jax.ShapeDtypeStruct((n_dst,), jnp.float32),
        ),
        mesh=mesh,
        scratch_types=(
            pltpu.VMEM((2, SUBS, LANES), jnp.int32),
            pltpu.VMEM((2, SUBS, LANES), jnp.int32),
            pltpu.VMEM((LANES, D_IN), jnp.float32),
            pltpu.VMEM((LANES, D_IN), jnp.float32),
            pltpu.VMEM((LANES, D_IN), jnp.float32),
            pltpu.VMEM((LANES, D_IN), jnp.float32),
            pltpu.VMEM((LANES,), jnp.float32),
            pltpu.VMEM((ROW_STEP, D_IN), jnp.float32),
            pltpu.VMEM((ROW_STEP,), jnp.float32),
            pltpu.VMEM_SHARED((SPROWS, D_IN), jnp.float32),
            pltpu.VMEM_SHARED((SPROWS,), jnp.float32),
            pltpu.SemaphoreType.DMA,
            pltpu.SemaphoreType.DMA,
            pltpu.SemaphoreType.DMA((4,)),
        ),
        compiler_params=pltpu.CompilerParams(use_tc_tiling_on_sc=False),
    )
    def k(edges_h, x_h, acc_a_h, cnt_a_h, acc_b_h, cnt_b_h,
          ib0, ib1, rows0, rows1, rows2, rows3, ones_v, zrow_v, zcnt_v,
          acc_sh, cnt_sh, si0, si1, sg):
        core = lax.axis_index("c")
        tile = lax.axis_index("s")
        ib = (ib0, ib1)
        si = (si0, si1)
        rows = (rows0, rows1, rows2, rows3)

        zero16 = jnp.zeros((16,), jnp.float32)
        one16 = jnp.ones((16,), jnp.float32)

        def init_ones(i, _):
            ones_v[pl.ds(i * 16, 16)] = one16
            return 0
        lax.fori_loop(0, LANES // 16, init_ones, 0)

        def init_zcnt(i, _):
            zcnt_v[pl.ds(i * 16, 16)] = zero16
            return 0
        lax.fori_loop(0, ROW_STEP // 16, init_zcnt, 0)

        def init_zrow(r, _):
            zrow_v[r, pl.ds(0, 16)] = zero16
            zrow_v[r, pl.ds(16, 16)] = zero16
            return 0
        lax.fori_loop(0, ROW_STEP, init_zrow, 0)

        for j in range(ROW_STRIDE // ROW_STEP):
            off = tile * ROW_STRIDE + j * ROW_STEP

            @pl.when(off < n_dst)
            def _():
                pltpu.sync_copy(zrow_v, acc_sh.at[pl.ds(off, ROW_STEP)])
                pltpu.sync_copy(zcnt_v, cnt_sh.at[pl.ds(off, ROW_STEP)])
        plsc.subcore_barrier()

        def gwait(r):
            pltpu.make_async_copy(x_h.at[pl.ds(0, LANES)], rows[r],
                                  sg.at[r]).wait()

        AHEAD = 3

        def emit_batch(i, bb, last=False):
            inxt = jnp.minimum(i + 1, NB - 1)
            for s in range(SUBS):
                b3 = (s + AHEAD) % 4
                if s < SUBS - AHEAD:
                    pltpu.async_copy(x_h.at[ib[bb].at[0, s + AHEAD]],
                                     rows[b3], sg.at[b3])
                elif not last:
                    if s == SUBS - AHEAD:
                        pltpu.make_async_copy(edges_h.at[core, tile, inxt],
                                              ib[1 - bb], si[1 - bb]).wait()
                    pltpu.async_copy(x_h.at[ib[1 - bb].at[0, s - (SUBS - AHEAD)]],
                                     rows[b3], sg.at[b3])
                bc = s % 4
                gwait(bc)
                pltpu.sync_copy(rows[bc], acc_sh.at[ib[bb].at[1, s]],
                                add=True)
                pltpu.sync_copy(ones_v, cnt_sh.at[ib[bb].at[1, s]],
                                add=True)
                if s == 1 and not last:
                    pltpu.async_copy(edges_h.at[core, tile, inxt], ib[1 - bb],
                                     si[1 - bb])

        pltpu.sync_copy(edges_h.at[core, tile, 0], ib[0])
        pltpu.async_copy(x_h.at[ib[0].at[0, 0]], rows[0], sg.at[0])
        pltpu.async_copy(x_h.at[ib[0].at[0, 1]], rows[1], sg.at[1])
        pltpu.async_copy(x_h.at[ib[0].at[0, 2]], rows[2], sg.at[2])

        emit_batch(0, 0)

        def pair_body(m, _):
            emit_batch(1 + 2 * m, 1)
            emit_batch(2 + 2 * m, 0)
            return 0
        lax.fori_loop(0, (NB - 2) // 2, pair_body, 0)
        emit_batch(NB - 1, 1, last=True)
        plsc.subcore_barrier()

        for j in range(ROW_STRIDE // ROW_STEP):
            off = tile * ROW_STRIDE + j * ROW_STEP

            @pl.when(off < n_dst)
            def _():
                @pl.when(core == 0)
                def _():
                    pltpu.sync_copy(acc_sh.at[pl.ds(off, ROW_STEP)],
                                    acc_a_h.at[pl.ds(off, ROW_STEP)])
                    pltpu.sync_copy(cnt_sh.at[pl.ds(off, ROW_STEP)],
                                    cnt_a_h.at[pl.ds(off, ROW_STEP)])

                @pl.when(core == 1)
                def _():
                    pltpu.sync_copy(acc_sh.at[pl.ds(off, ROW_STEP)],
                                    acc_b_h.at[pl.ds(off, ROW_STEP)])
                    pltpu.sync_copy(cnt_sh.at[pl.ds(off, ROW_STEP)],
                                    cnt_b_h.at[pl.ds(off, ROW_STEP)])

    return k(edges_all, x_all)


def _tc_body(acc_a, cnt_a, acc_b, cnt_b, xp,
             wl_a, bl_a, wr_a, wl_b, bl_b, wr_b, lin_w, lin_b, out):
    mean_a = acc_a[...] / jnp.maximum(cnt_a[...], 1.0)
    mean_b = acc_b[...] / jnp.maximum(cnt_b[...], 1.0)
    h = (jnp.dot(mean_a, wl_a[...], preferred_element_type=jnp.float32)
         + jnp.dot(mean_b, wl_b[...], preferred_element_type=jnp.float32)
         + jnp.dot(xp[...], wr_a[...] + wr_b[...],
                   preferred_element_type=jnp.float32)
         + bl_a[...] + bl_b[...]) * 0.5
    h = jnp.where(h >= 0, h, 0.01 * h)
    out[...] = (jnp.dot(h, lin_w[...], preferred_element_type=jnp.float32)
                + lin_b[...])


def _tc_epilogue(acc_a, cnt_a, acc_b, cnt_b, x_product,
                 wl_a, bl_a, wr_a, wl_b, bl_b, wr_b, lin_w, lin_b):
    n = x_product.shape[0]
    n_cls = lin_w.shape[1]
    bm = 1000
    grid = (n // bm,)
    row_spec = lambda w: pl.BlockSpec((bm, w), lambda i: (i, 0))
    full = lambda a: pl.BlockSpec(a.shape, lambda i: (0,) * a.ndim)
    return pl.pallas_call(
        _tc_body,
        grid=grid,
        in_specs=[
            row_spec(D_IN), row_spec(1), row_spec(D_IN), row_spec(1),
            row_spec(D_IN),
            full(wl_a), full(bl_a), full(wr_a),
            full(wl_b), full(bl_b), full(wr_b),
            full(lin_w), full(lin_b),
        ],
        out_specs=row_spec(n_cls),
        out_shape=jax.ShapeDtypeStruct((n, n_cls), jnp.float32),
    )(acc_a, cnt_a, acc_b, cnt_b, x_product,
      wl_a, bl_a, wr_a, wl_b, bl_b, wr_b, lin_w, lin_b)


def kernel(x_product, x_demographic, x_platform, edge_index_targets,
           edge_index_rev_targets, edge_index_uses, edge_index_rev_uses,
           edge_index_self,
           Wl_targets, bl_targets, Wr_targets,
           Wl_rev_targets, bl_rev_targets, Wr_rev_targets,
           Wl_uses, bl_uses, Wr_uses,
           Wl_rev_uses, bl_rev_uses, Wr_rev_uses,
           Wl_self, bl_self, Wr_self,
           lin_W, lin_b):
    n_prod = x_product.shape[0]
    n_demo = x_demographic.shape[0]

    x_all = jnp.concatenate([x_demographic, x_product], axis=0)
    edges_all = jnp.stack([
        _prep_edges(edge_index_rev_targets, 0, n_prod),
        _prep_edges(edge_index_self, n_demo, n_prod),
    ], axis=0)

    acc_a, cnt_a, acc_b, cnt_b = _sc_accumulate(n_prod, edges_all, x_all)

    return _tc_epilogue(
        acc_a, cnt_a.reshape(n_prod, 1), acc_b, cnt_b.reshape(n_prod, 1),
        x_product,
        Wl_rev_targets, bl_rev_targets.reshape(1, -1), Wr_rev_targets,
        Wl_self, bl_self.reshape(1, -1), Wr_self,
        lin_W, lin_b.reshape(1, -1))

# --- scband reference (transcript-rebuilt; emitter-appended) ---
"""Pipeline reference for scband-marketing-gnn-71004399338031 (READ-ONLY COPY).

The authoritative reference and input builder live on the scoring server;
editing this copy changes nothing except your own understanding.
"""

import jax, jax.numpy as jnp
import numpy as np

N_PROD = 50000
N_DEMO = 50000
N_PLAT = 10000
E = 800000
D_IN = 32
D_HID = 64
N_CLASSES = 5


def _sage(x_src, x_dst, edge_index, Wl, bl, Wr):
    # PyG SAGEConv (bipartite, aggr='mean'): lin_l(mean_j x_src[j]) + lin_r(x_dst)
    src = edge_index[0]
    dst = edge_index[1]
    msg = jnp.take(x_src, src, axis=0)
    n_dst = x_dst.shape[0]
    s = jax.ops.segment_sum(msg, dst, num_segments=n_dst)
    cnt = jax.ops.segment_sum(jnp.ones((dst.shape[0],), dtype=x_src.dtype), dst, num_segments=n_dst)
    mean = s / jnp.maximum(cnt, 1.0)[:, None]
    return mean @ Wl + bl + x_dst @ Wr


def setup_inputs(seed: int = 0) -> dict:
    key = jax.random.key(seed)
    ks = [jax.random.fold_in(key, i) for i in range(40)]

    def edge(k, n_src, n_dst):
        ka, kb = jax.random.split(k)
        return jnp.stack([
            jax.random.randint(ka, (E,), 0, n_src, dtype=jnp.int32),
            jax.random.randint(kb, (E,), 0, n_dst, dtype=jnp.int32),
        ])

    def conv_params(k):
        ka, kb = jax.random.split(k)
        Wl = jax.random.normal(ka, (D_IN, D_HID), dtype=jnp.float32) * 0.05
        bl = jnp.zeros((D_HID,), dtype=jnp.float32)
        Wr = jax.random.normal(kb, (D_IN, D_HID), dtype=jnp.float32) * 0.05
        return Wl, bl, Wr

    inp = {}
    inp['x_product'] = jax.random.normal(ks[0], (N_PROD, D_IN), dtype=jnp.float32)
    inp['x_demographic'] = jax.random.normal(ks[1], (N_DEMO, D_IN), dtype=jnp.float32)
    inp['x_platform'] = jax.random.normal(ks[2], (N_PLAT, D_IN), dtype=jnp.float32)
    inp['edge_index_targets'] = edge(ks[3], N_PROD, N_DEMO)
    inp['edge_index_rev_targets'] = edge(ks[4], N_DEMO, N_PROD)
    inp['edge_index_uses'] = edge(ks[5], N_DEMO, N_PLAT)
    inp['edge_index_rev_uses'] = edge(ks[6], N_PLAT, N_DEMO)
    inp['edge_index_self'] = edge(ks[7], N_PROD, N_PROD)
    names = ['targets', 'rev_targets', 'uses', 'rev_uses', 'self']
    for i, nm in enumerate(names):
        Wl, bl, Wr = conv_params(ks[10 + i])
        inp['Wl_' + nm] = Wl
        inp['bl_' + nm] = bl
        inp['Wr_' + nm] = Wr
    inp['lin_W'] = jax.random.normal(ks[20], (D_HID, N_CLASSES), dtype=jnp.float32) * 0.05
    inp['lin_b'] = jnp.zeros((N_CLASSES,), dtype=jnp.float32)
    return inp


def reference(x_product, x_demographic, x_platform,
              edge_index_targets, edge_index_rev_targets, edge_index_uses,
              edge_index_rev_uses, edge_index_self,
              Wl_targets, bl_targets, Wr_targets,
              Wl_rev_targets, bl_rev_targets, Wr_rev_targets,
              Wl_uses, bl_uses, Wr_uses,
              Wl_rev_uses, bl_rev_uses, Wr_rev_uses,
              Wl_self, bl_self, Wr_self,
              lin_W, lin_b):
    # HeteroConv with aggr='mean' over edge types sharing the same dst node type
    out_targets = _sage(x_product, x_demographic, edge_index_targets, Wl_targets, bl_targets, Wr_targets)      # -> demographic
    out_rev_targets = _sage(x_demographic, x_product, edge_index_rev_targets, Wl_rev_targets, bl_rev_targets, Wr_rev_targets)  # -> product
    out_uses = _sage(x_demographic, x_platform, edge_index_uses, Wl_uses, bl_uses, Wr_uses)                    # -> platform
    out_rev_uses = _sage(x_platform, x_demographic, edge_index_rev_uses, Wl_rev_uses, bl_rev_uses, Wr_rev_uses)  # -> demographic
    out_self = _sage(x_product, x_product, edge_index_self, Wl_self, bl_self, Wr_self)                         # -> product
    h_product = (out_rev_targets + out_self) / 2.0
    h_demographic = (out_targets + out_rev_uses) / 2.0
    h_platform = out_uses
    h_product = jax.nn.leaky_relu(h_product, 0.01)
    h_demographic = jax.nn.leaky_relu(h_demographic, 0.01)
    h_platform = jax.nn.leaky_relu(h_platform, 0.01)
    return h_product @ lin_W + lin_b

if __name__ == "__main__":
    import jax
    _d = setup_inputs()
    print(jax.jit(kernel)(*tuple(_d.values())))

</pallas_src>

<mosaic_0001>
#map = affine_map<(d0, d1) -> (0, 0, 0, 0, 0, 0)>
#map1 = affine_map<(d0, d1) -> (0, 0)>
#map2 = affine_map<(d0, d1) -> (0)>
module attributes {stable_mosaic.version = 14 : i64} {
  func.func @k(%arg0: i32, %arg1: i32, %arg2: memref<2x16x50x2x8x128xi32, #tpu.memory_space<hbm>>, %arg3: memref<100000x32xf32, #tpu.memory_space<hbm>>, %arg4: memref<50000x32xf32, #tpu.memory_space<hbm>>, %arg5: memref<50000xf32, #tpu.memory_space<hbm>>, %arg6: memref<50000x32xf32, #tpu.memory_space<hbm>>, %arg7: memref<50000xf32, #tpu.memory_space<hbm>>, %arg8: memref<2x8x128xi32, #tpu.memory_space<vmem>>, %arg9: memref<2x8x128xi32, #tpu.memory_space<vmem>>, %arg10: memref<128x32xf32, #tpu.memory_space<vmem>>, %arg11: memref<128x32xf32, #tpu.memory_space<vmem>>, %arg12: memref<128x32xf32, #tpu.memory_space<vmem>>, %arg13: memref<128x32xf32, #tpu.memory_space<vmem>>, %arg14: memref<128xf32, #tpu.memory_space<vmem>>, %arg15: memref<200x32xf32, #tpu.memory_space<vmem>>, %arg16: memref<200xf32, #tpu.memory_space<vmem>>, %arg17: memref<50176x32xf32, #tpu.memory_space<vmem_shared>>, %arg18: memref<50176xf32, #tpu.memory_space<vmem_shared>>, %arg19: memref<!tpu.dma_semaphore, #tpu.memory_space<semaphore_mem>>, %arg20: memref<!tpu.dma_semaphore, #tpu.memory_space<semaphore_mem>>, %arg21: memref<4x!tpu.dma_semaphore, #tpu.memory_space<semaphore_mem>>) attributes {dimension_semantics = [#tpu.dimension_semantics<core_parallel>, #tpu.dimension_semantics<subcore_parallel>], iteration_bounds = array<i64: 2, 16>, scalar_prefetch = 0 : i64, scratch_operands = 14 : i64, tpu.core_type = #tpu.core_type<sc_vector_subcore>, window_params = [{transform_indices = #map}, {transform_indices = #map1}, {transform_indices = #map1}, {transform_indices = #map2}, {transform_indices = #map1}, {transform_indices = #map2}]} {
    %broadcast_in_dim3A = arith.constant 0.000000e+00 : f32
    %broadcast_in_dim3A_0 = vector.broadcast %broadcast_in_dim3A : f32 to vector<16xf32>
    %broadcast_in_dim3A_1 = arith.constant 1.000000e+00 : f32
    %broadcast_in_dim3A_2 = vector.broadcast %broadcast_in_dim3A_1 : f32 to vector<16xf32>
    %scan3A = arith.constant 0 : i32
    %scan3A_3 = arith.constant 0 : i32
    %scan3A_4 = arith.constant 8 : i32
    %scan3A_5 = arith.addi %scan3A_3, %scan3A_4 : i32
    %scan3A_6 = arith.constant 1 : i32
    %scan3A_7 = scf.for %scan3A_721 = %scan3A_3 to %scan3A_5 step %scan3A_6 iter_args(%scan3A_722 = %scan3A) -> (i32)  : i32 {
      %mul3A_723 = arith.constant 16 : i32
      %mul3A_724 = arith.muli %scan3A_721, %mul3A_723 : i32
      %swap3A = arith.index_cast %mul3A_724 : i32 to index
      %swap3A_725 = tpu.vector_load %arg14[%swap3A] {strides = array<i32>} : memref<128xf32, #tpu.memory_space<vmem>>, vector<16xf32>,
      %swap3A_726 = vector.shape_cast %swap3A_725 : vector<16xf32> to vector<16xf32>
      %swap3A_727 = vector.shape_cast %broadcast_in_dim3A_2 : vector<16xf32> to vector<16xf32>
      tpu.vector_store %arg14[%swap3A], %swap3A_727 {strides = array<i32>} : memref<128xf32, #tpu.memory_space<vmem>>, vector<16xf32>,
      %scan3A_728 = arith.constant 0 : i32
      scf.yield %scan3A_728 : i32
    }
    %scan3A_8 = arith.constant 8 : i32
    %scan3A_9 = arith.constant 0 : i32
    %scan3A_10 = arith.constant 0 : i32
    %scan3A_11 = arith.constant 12 : i32
    %scan3A_12 = arith.addi %scan3A_10, %scan3A_11 : i32
    %scan3A_13 = arith.constant 1 : i32
    %scan3A_14 = scf.for %scan3A_721 = %scan3A_10 to %scan3A_12 step %scan3A_13 iter_args(%scan3A_722 = %scan3A_9) -> (i32)  : i32 {
      %mul3A_723 = arith.constant 16 : i32
      %mul3A_724 = arith.muli %scan3A_721, %mul3A_723 : i32
      %swap3A = arith.index_cast %mul3A_724 : i32 to index
      %swap3A_725 = tpu.vector_load %arg16[%swap3A] {strides = array<i32>} : memref<200xf32, #tpu.memory_space<vmem>>, vector<16xf32>,
      %swap3A_726 = vector.shape_cast %swap3A_725 : vector<16xf32> to vector<16xf32>
      %swap3A_727 = vector.shape_cast %broadcast_in_dim3A_0 : vector<16xf32> to vector<16xf32>
      tpu.vector_store %arg16[%swap3A], %swap3A_727 {strides = array<i32>} : memref<200xf32, #tpu.memory_space<vmem>>, vector<16xf32>,
      %scan3A_728 = arith.constant 0 : i32
      scf.yield %scan3A_728 : i32
    }
    %scan3A_15 = arith.constant 12 : i32
    %scan3A_16 = arith.constant 0 : i32
    %scan3A_17 = arith.constant 0 : i32
    %scan3A_18 = arith.constant 200 : i32
    %scan3A_19 = arith.addi %scan3A_17, %scan3A_18 : i32
    %scan3A_20 = arith.constant 1 : i32
    %scan3A_21 = scf.for %scan3A_721 = %scan3A_17 to %scan3A_19 step %scan3A_20 iter_args(%scan3A_722 = %scan3A_16) -> (i32)  : i32 {
      %swap3A = arith.index_cast %scan3A_721 : i32 to index
      %swap3A_723 = arith.constant 0 : index
      %swap3A_724 = tpu.vector_load %arg15[%swap3A, %swap3A_723] {strides = array<i32>} : memref<200x32xf32, #tpu.memory_space<vmem>>, vector<1x16xf32>,
      %swap3A_725 = vector.shape_cast %swap3A_724 : vector<1x16xf32> to vector<16xf32>
      %swap3A_726 = vector.shape_cast %broadcast_in_dim3A_0 : vector<16xf32> to vector<1x16xf32>
      tpu.vector_store %arg15[%swap3A, %swap3A_723], %swap3A_726 {strides = array<i32>} : memref<200x32xf32, #tpu.memory_space<vmem>>, vector<1x16xf32>,
      %swap3A_727 = arith.index_cast %scan3A_721 : i32 to index
      %swap3A_728 = arith.constant 16 : index
      %swap3A_729 = tpu.vector_load %arg15[%swap3A_727, %swap3A_728] {strides = array<i32>} : memref<200x32xf32, #tpu.memory_space<vmem>>, vector<1x16xf32>,
      %swap3A_730 = vector.shape_cast %swap3A_729 : vector<1x16xf32> to vector<16xf32>
      %swap3A_731 = vector.shape_cast %broadcast_in_dim3A_0 : vector<16xf32> to vector<1x16xf32>
      tpu.vector_store %arg15[%swap3A_727, %swap3A_728], %swap3A_731 {strides = array<i32>} : memref<200x32xf32, #tpu.memory_space<vmem>>, vector<1x16xf32>,
      %scan3A_732 = arith.constant 0 : i32
      scf.yield %scan3A_732 : i32
    }
    %scan3A_22 = arith.constant 200 : i32
    %mul3A = arith.constant 3200 : i32
    %mul3A_23 = arith.muli %arg1, %mul3A : i32
    %add3A = arith.constant 0 : i32
    %add3A_24 = arith.addi %mul3A_23, %add3A : i32
    %lt3A = arith.constant 50000 : i32
    %lt3A_25 = arith.cmpi slt, %add3A_24, %lt3A : i32
    %convert_element_type3A = arith.extui %lt3A_25 : i1 to i32
    %cond3A = arith.constant 0 : i32
    %cond3A_26 = arith.cmpi ne, %convert_element_type3A, %cond3A : i32
    scf.if %cond3A_26 {
      "tpu.region"() ({
        %run_scoped3A_721 = tpu.sem_alloc : memref<!tpu.dma_semaphore, #tpu.memory_space<semaphore_mem>>
        %dma_start3A_722 = arith.constant 0 : i32
        %dma_start3A_723 = tpu.memref_slice %arg17[%add3A_24, %dma_start3A_722] : memref<50176x32xf32, #tpu.memory_space<vmem_shared>> -> memref<200x32xf32, #tpu.memory_space<vmem_shared>>
        %dma_start3A_724 = arith.constant 0 : i32
        %dma_start3A_725 = tpu.memref_slice %arg17[%add3A_24, %dma_start3A_724] : memref<50176x32xf32, #tpu.memory_space<vmem_shared>> -> memref<200x32xf32, #tpu.memory_space<vmem_shared>>
        tpu.enqueue_dma source(%arg15 : memref<200x32xf32, #tpu.memory_space<vmem>>) target(%dma_start3A_725 : memref<200x32xf32, #tpu.memory_space<vmem_shared>>) target_semaphore(%run_scoped3A_721 : memref<!tpu.dma_semaphore, #tpu.memory_space<semaphore_mem>>)
        %dma_wait3A_726 = arith.constant 0 : i32
        %dma_wait3A_727 = tpu.memref_slice %arg17[%add3A_24, %dma_wait3A_726] : memref<50176x32xf32, #tpu.memory_space<vmem_shared>> -> memref<200x32xf32, #tpu.memory_space<vmem_shared>>
        %dma_wait3A_728 = arith.constant 0 : i32
        %dma_wait3A_729 = tpu.memref_slice %arg17[%add3A_24, %dma_wait3A_728] : memref<50176x32xf32, #tpu.memory_space<vmem_shared>> -> memref<200x32xf32, #tpu.memory_space<vmem_shared>>
        tpu.wait_dma2 semaphore(%run_scoped3A_721 : memref<!tpu.dma_semaphore, #tpu.memory_space<semaphore_mem>>) src(%arg15 : memref<200x32xf32, #tpu.memory_space<vmem>>) dst(%dma_wait3A_729 : memref<200x32xf32, #tpu.memory_space<vmem_shared>>)
        tpu.yield
      }) : () -> ()
      "tpu.region"() ({
        %run_scoped3A_721 = tpu.sem_alloc : memref<!tpu.dma_semaphore, #tpu.memory_space<semaphore_mem>>
        %dma_start3A_722 = tpu.memref_slice %arg18[%add3A_24] : memref<50176xf32, #tpu.memory_space<vmem_shared>> -> memref<200xf32, #tpu.memory_space<vmem_shared>>
        %dma_start3A_723 = tpu.memref_slice %arg18[%add3A_24] : memref<50176xf32, #tpu.memory_space<vmem_shared>> -> memref<200xf32, #tpu.memory_space<vmem_shared>>
        tpu.enqueue_dma source(%arg16 : memref<200xf32, #tpu.memory_space<vmem>>) target(%dma_start3A_723 : memref<200xf32, #tpu.memory_space<vmem_shared>>) target_semaphore(%run_scoped3A_721 : memref<!tpu.dma_semaphore, #tpu.memory_space<semaphore_mem>>)
        %dma_wait3A_724 = tpu.memref_slice %arg18[%add3A_24] : memref<50176xf32, #tpu.memory_space<vmem_shared>> -> memref<200xf32, #tpu.memory_space<vmem_shared>>
        %dma_wait3A_725 = tpu.memref_slice %arg18[%add3A_24] : memref<50176xf32, #tpu.memory_space<vmem_shared>> -> memref<200xf32, #tpu.memory_space<vmem_shared>>
        tpu.wait_dma2 semaphore(%run_scoped3A_721 : memref<!tpu.dma_semaphore, #tpu.memory_space<semaphore_mem>>) src(%arg16 : memref<200xf32, #tpu.memory_space<vmem>>) dst(%dma_wait3A_725 : memref<200xf32, #tpu.memory_space<vmem_shared>>)
        tpu.yield
      }) : () -> ()
    } else {
    }
    %mul3A_27 = arith.constant 3200 : i32
    %mul3A_28 = arith.muli %arg1, %mul3A_27 : i32
    %add3A_29 = arith.constant 200 : i32
    %add3A_30 = arith.addi %mul3A_28, %add3A_29 : i32
    %lt3A_31 = arith.constant 50000 : i32
    %lt3A_32 = arith.cmpi slt, %add3A_30, %lt3A_31 : i32
    %convert_element_type3A_33 = arith.extui %lt3A_32 : i1 to i32
    %cond3A_34 = arith.constant 0 : i32
    %cond3A_35 = arith.cmpi ne, %convert_element_type3A_33, %cond3A_34 : i32
    scf.if %cond3A_35 {
      "tpu.region"() ({
        %run_scoped3A_721 = tpu.sem_alloc : memref<!tpu.dma_semaphore, #tpu.memory_space<semaphore_mem>>
        %dma_start3A_722 = arith.constant 0 : i32
        %dma_start3A_723 = tpu.memref_slice %arg17[%add3A_30, %dma_start3A_722] : memref<50176x32xf32, #tpu.memory_space<vmem_shared>> -> memref<200x32xf32, #tpu.memory_space<vmem_shared>>
        %dma_start3A_724 = arith.constant 0 : i32
        %dma_start3A_725 = tpu.memref_slice %arg17[%add3A_30, %dma_start3A_724] : memref<50176x32xf32, #tpu.memory_space<vmem_shared>> -> memref<200x32xf32, #tpu.memory_space<vmem_shared>>
        tpu.enqueue_dma source(%arg15 : memref<200x32xf32, #tpu.memory_space<vmem>>) target(%dma_start3A_725 : memref<200x32xf32, #tpu.memory_space<vmem_shared>>) target_semaphore(%run_scoped3A_721 : memref<!tpu.dma_semaphore, #tpu.memory_space<semaphore_mem>>)
        %dma_wait3A_726 = arith.constant 0 : i32
        %dma_wait3A_727 = tpu.memref_slice %arg17[%add3A_30, %dma_wait3A_726] : memref<50176x32xf32, #tpu.memory_space<vmem_shared>> -> memref<200x32xf32, #tpu.memory_space<vmem_shared>>
        %dma_wait3A_728 = arith.constant 0 : i32
        %dma_wait3A_729 = tpu.memref_slice %arg17[%add3A_30, %dma_wait3A_728] : memref<50176x32xf32, #tpu.memory_space<vmem_shared>> -> memref<200x32xf32, #tpu.memory_space<vmem_shared>>
        tpu.wait_dma2 semaphore(%run_scoped3A_721 : memref<!tpu.dma_semaphore, #tpu.memory_space<semaphore_mem>>) src(%arg15 : memref<200x32xf32, #tpu.memory_space<vmem>>) dst(%dma_wait3A_729 : memref<200x32xf32, #tpu.memory_space<vmem_shared>>)
        tpu.yield
      }) : () -> ()
      "tpu.region"() ({
        %run_scoped3A_721 = tpu.sem_alloc : memref<!tpu.dma_semaphore, #tpu.memory_space<semaphore_mem>>
        %dma_start3A_722 = tpu.memref_slice %arg18[%add3A_30] : memref<50176xf32, #tpu.memory_space<vmem_shared>> -> memref<200xf32, #tpu.memory_space<vmem_shared>>
        %dma_start3A_723 = tpu.memref_slice %arg18[%add3A_30] : memref<50176xf32, #tpu.memory_space<vmem_shared>> -> memref<200xf32, #tpu.memory_space<vmem_shared>>
        tpu.enqueue_dma source(%arg16 : memref<200xf32, #tpu.memory_space<vmem>>) target(%dma_start3A_723 : memref<200xf32, #tpu.memory_space<vmem_shared>>) target_semaphore(%run_scoped3A_721 : memref<!tpu.dma_semaphore, #tpu.memory_space<semaphore_mem>>)
        %dma_wait3A_724 = tpu.memref_slice %arg18[%add3A_30] : memref<50176xf32, #tpu.memory_space<vmem_shared>> -> memref<200xf32, #tpu.memory_space<vmem_shared>>
        %dma_wait3A_725 = tpu.memref_slice %arg18[%add3A_30] : memref<50176xf32, #tpu.memory_space<vmem_shared>> -> memref<200xf32, #tpu.memory_space<vmem_shared>>
        tpu.wait_dma2 semaphore(%run_scoped3A_721 : memref<!tpu.dma_semaphore, #tpu.memory_space<semaphore_mem>>) src(%arg16 : memref<200xf32, #tpu.memory_space<vmem>>) dst(%dma_wait3A_725 : memref<200xf32, #tpu.memory_space<vmem_shared>>)
        tpu.yield
      }) : () -> ()
    } else {
    }
    %mul3A_36 = arith.constant 3200 : i32
    %mul3A_37 = arith.muli %arg1, %mul3A_36 : i32
    %add3A_38 = arith.constant 400 : i32
    %add3A_39 = arith.addi %mul3A_37, %add3A_38 : i32
    %lt3A_40 = arith.constant 50000 : i32
    %lt3A_41 = arith.cmpi slt, %add3A_39, %lt3A_40 : i32
    %convert_element_type3A_42 = arith.extui %lt3A_41 : i1 to i32
    %cond3A_43 = arith.constant 0 : i32
    %cond3A_44 = arith.cmpi ne, %convert_element_type3A_42, %cond3A_43 : i32
    scf.if %cond3A_44 {
      "tpu.region"() ({
        %run_scoped3A_721 = tpu.sem_alloc : memref<!tpu.dma_semaphore, #tpu.memory_space<semaphore_mem>>
        %dma_start3A_722 = arith.constant 0 : i32
        %dma_start3A_723 = tpu.memref_slice %arg17[%add3A_39, %dma_start3A_722] : memref<50176x32xf32, #tpu.memory_space<vmem_shared>> -> memref<200x32xf32, #tpu.memory_space<vmem_shared>>
        %dma_start3A_724 = arith.constant 0 : i32
        %dma_start3A_725 = tpu.memref_slice %arg17[%add3A_39, %dma_start3A_724] : memref<50176x32xf32, #tpu.memory_space<vmem_shared>> -> memref<200x32xf32, #tpu.memory_space<vmem_shared>>
        tpu.enqueue_dma source(%arg15 : memref<200x32xf32, #tpu.memory_space<vmem>>) target(%dma_start3A_725 : memref<200x32xf32, #tpu.memory_space<vmem_shared>>) target_semaphore(%run_scoped3A_721 : memref<!tpu.dma_semaphore, #tpu.memory_space<semaphore_mem>>)
        %dma_wait3A_726 = arith.constant 0 : i32
        %dma_wait3A_727 = tpu.memref_slice %arg17[%add3A_39, %dma_wait3A_726] : memref<50176x32xf32, #tpu.memory_space<vmem_shared>> -> memref<200x32xf32, #tpu.memory_space<vmem_shared>>
        %dma_wait3A_728 = arith.constant 0 : i32
        %dma_wait3A_729 = tpu.memref_slice %arg17[%add3A_39, %dma_wait3A_728] : memref<50176x32xf32, #tpu.memory_space<vmem_shared>> -> memref<200x32xf32, #tpu.memory_space<vmem_shared>>
        tpu.wait_dma2 semaphore(%run_scoped3A_721 : memref<!tpu.dma_semaphore, #tpu.memory_space<semaphore_mem>>) src(%arg15 : memref<200x32xf32, #tpu.memory_space<vmem>>) dst(%dma_wait3A_729 : memref<200x32xf32, #tpu.memory_space<vmem_shared>>)
        tpu.yield
      }) : () -> ()
      "tpu.region"() ({
        %run_scoped3A_721 = tpu.sem_alloc : memref<!tpu.dma_semaphore, #tpu.memory_space<semaphore_mem>>
        %dma_start3A_722 = tpu.memref_slice %arg18[%add3A_39] : memref<50176xf32, #tpu.memory_space<vmem_shared>> -> memref<200xf32, #tpu.memory_space<vmem_shared>>
        %dma_start3A_723 = tpu.memref_slice %arg18[%add3A_39] : memref<50176xf32, #tpu.memory_space<vmem_shared>> -> memref<200xf32, #tpu.memory_space<vmem_shared>>
        tpu.enqueue_dma source(%arg16 : memref<200xf32, #tpu.memory_space<vmem>>) target(%dma_start3A_723 : memref<200xf32, #tpu.memory_space<vmem_shared>>) target_semaphore(%run_scoped3A_721 : memref<!tpu.dma_semaphore, #tpu.memory_space<semaphore_mem>>)
        %dma_wait3A_724 = tpu.memref_slice %arg18[%add3A_39] : memref<50176xf32, #tpu.memory_space<vmem_shared>> -> memref<200xf32, #tpu.memory_space<vmem_shared>>
        %dma_wait3A_725 = tpu.memref_slice %arg18[%add3A_39] : memref<50176xf32, #tpu.memory_space<vmem_shared>> -> memref<200xf32, #tpu.memory_space<vmem_shared>>
        tpu.wait_dma2 semaphore(%run_scoped3A_721 : memref<!tpu.dma_semaphore, #tpu.memory_space<semaphore_mem>>) src(%arg16 : memref<200xf32, #tpu.memory_space<vmem>>) dst(%dma_wait3A_725 : memref<200xf32, #tpu.memory_space<vmem_shared>>)
        tpu.yield
      }) : () -> ()
    } else {
    }
    %mul3A_45 = arith.constant 3200 : i32
    %mul3A_46 = arith.muli %arg1, %mul3A_45 : i32
    %add3A_47 = arith.constant 600 : i32
    %add3A_48 = arith.addi %mul3A_46, %add3A_47 : i32
    %lt3A_49 = arith.constant 50000 : i32
    %lt3A_50 = arith.cmpi slt, %add3A_48, %lt3A_49 : i32
    %convert_element_type3A_51 = arith.extui %lt3A_50 : i1 to i32
    %cond3A_52 = arith.constant 0 : i32
    %cond3A_53 = arith.cmpi ne, %convert_element_type3A_51, %cond3A_52 : i32
    scf.if %cond3A_53 {
      "tpu.region"() ({
        %run_scoped3A_721 = tpu.sem_alloc : memref<!tpu.dma_semaphore, #tpu.memory_space<semaphore_mem>>
        %dma_start3A_722 = arith.constant 0 : i32
        %dma_start3A_723 = tpu.memref_slice %arg17[%add3A_48, %dma_start3A_722] : memref<50176x32xf32, #tpu.memory_space<vmem_shared>> -> memref<200x32xf32, #tpu.memory_space<vmem_shared>>
        %dma_start3A_724 = arith.constant 0 : i32
        %dma_start3A_725 = tpu.memref_slice %arg17[%add3A_48, %dma_start3A_724] : memref<50176x32xf32, #tpu.memory_space<vmem_shared>> -> memref<200x32xf32, #tpu.memory_space<vmem_shared>>
        tpu.enqueue_dma source(%arg15 : memref<200x32xf32, #tpu.memory_space<vmem>>) target(%dma_start3A_725 : memref<200x32xf32, #tpu.memory_space<vmem_shared>>) target_semaphore(%run_scoped3A_721 : memref<!tpu.dma_semaphore, #tpu.memory_space<semaphore_mem>>)
        %dma_wait3A_726 = arith.constant 0 : i32
        %dma_wait3A_727 = tpu.memref_slice %arg17[%add3A_48, %dma_wait3A_726] : memref<50176x32xf32, #tpu.memory_space<vmem_shared>> -> memref<200x32xf32, #tpu.memory_space<vmem_shared>>
        %dma_wait3A_728 = arith.constant 0 : i32
        %dma_wait3A_729 = tpu.memref_slice %arg17[%add3A_48, %dma_wait3A_728] : memref<50176x32xf32, #tpu.memory_space<vmem_shared>> -> memref<200x32xf32, #tpu.memory_space<vmem_shared>>
        tpu.wait_dma2 semaphore(%run_scoped3A_721 : memref<!tpu.dma_semaphore, #tpu.memory_space<semaphore_mem>>) src(%arg15 : memref<200x32xf32, #tpu.memory_space<vmem>>) dst(%dma_wait3A_729 : memref<200x32xf32, #tpu.memory_space<vmem_shared>>)
        tpu.yield
      }) : () -> ()
      "tpu.region"() ({
        %run_scoped3A_721 = tpu.sem_alloc : memref<!tpu.dma_semaphore, #tpu.memory_space<semaphore_mem>>
        %dma_start3A_722 = tpu.memref_slice %arg18[%add3A_48] : memref<50176xf32, #tpu.memory_space<vmem_shared>> -> memref<200xf32, #tpu.memory_space<vmem_shared>>
        %dma_start3A_723 = tpu.memref_slice %arg18[%add3A_48] : memref<50176xf32, #tpu.memory_space<vmem_shared>> -> memref<200xf32, #tpu.memory_space<vmem_shared>>
        tpu.enqueue_dma source(%arg16 : memref<200xf32, #tpu.memory_space<vmem>>) target(%dma_start3A_723 : memref<200xf32, #tpu.memory_space<vmem_shared>>) target_semaphore(%run_scoped3A_721 : memref<!tpu.dma_semaphore, #tpu.memory_space<semaphore_mem>>)
        %dma_wait3A_724 = tpu.memref_slice %arg18[%add3A_48] : memref<50176xf32, #tpu.memory_space<vmem_shared>> -> memref<200xf32, #tpu.memory_space<vmem_shared>>
        %dma_wait3A_725 = tpu.memref_slice %arg18[%add3A_48] : memref<50176xf32, #tpu.memory_space<vmem_shared>> -> memref<200xf32, #tpu.memory_space<vmem_shared>>
        tpu.wait_dma2 semaphore(%run_scoped3A_721 : memref<!tpu.dma_semaphore, #tpu.memory_space<semaphore_mem>>) src(%arg16 : memref<200xf32, #tpu.memory_space<vmem>>) dst(%dma_wait3A_725 : memref<200xf32, #tpu.memory_space<vmem_shared>>)
        tpu.yield
      }) : () -> ()
    } else {
    }
    %mul3A_54 = arith.constant 3200 : i32
    %mul3A_55 = arith.muli %arg1, %mul3A_54 : i32
    %add3A_56 = arith.constant 800 : i32
    %add3A_57 = arith.addi %mul3A_55, %add3A_56 : i32
    %lt3A_58 = arith.constant 50000 : i32
    %lt3A_59 = arith.cmpi slt, %add3A_57, %lt3A_58 : i32
    %convert_element_type3A_60 = arith.extui %lt3A_59 : i1 to i32
    %cond3A_61 = arith.constant 0 : i32
    %cond3A_62 = arith.cmpi ne, %convert_element_type3A_60, %cond3A_61 : i32
    scf.if %cond3A_62 {
      "tpu.region"() ({
        %run_scoped3A_721 = tpu.sem_alloc : memref<!tpu.dma_semaphore, #tpu.memory_space<semaphore_mem>>
        %dma_start3A_722 = arith.constant 0 : i32
        %dma_start3A_723 = tpu.memref_slice %arg17[%add3A_57, %dma_start3A_722] : memref<50176x32xf32, #tpu.memory_space<vmem_shared>> -> memref<200x32xf32, #tpu.memory_space<vmem_shared>>
        %dma_start3A_724 = arith.constant 0 : i32
        %dma_start3A_725 = tpu.memref_slice %arg17[%add3A_57, %dma_start3A_724] : memref<50176x32xf32, #tpu.memory_space<vmem_shared>> -> memref<200x32xf32, #tpu.memory_space<vmem_shared>>
        tpu.enqueue_dma source(%arg15 : memref<200x32xf32, #tpu.memory_space<vmem>>) target(%dma_start3A_725 : memref<200x32xf32, #tpu.memory_space<vmem_shared>>) target_semaphore(%run_scoped3A_721 : memref<!tpu.dma_semaphore, #tpu.memory_space<semaphore_mem>>)
        %dma_wait3A_726 = arith.constant 0 : i32
        %dma_wait3A_727 = tpu.memref_slice %arg17[%add3A_57, %dma_wait3A_726] : memref<50176x32xf32, #tpu.memory_space<vmem_shared>> -> memref<200x32xf32, #tpu.memory_space<vmem_shared>>
        %dma_wait3A_728 = arith.constant 0 : i32
        %dma_wait3A_729 = tpu.memref_slice %arg17[%add3A_57, %dma_wait3A_728] : memref<50176x32xf32, #tpu.memory_space<vmem_shared>> -> memref<200x32xf32, #tpu.memory_space<vmem_shared>>
        tpu.wait_dma2 semaphore(%run_scoped3A_721 : memref<!tpu.dma_semaphore, #tpu.memory_space<semaphore_mem>>) src(%arg15 : memref<200x32xf32, #tpu.memory_space<vmem>>) dst(%dma_wait3A_729 : memref<200x32xf32, #tpu.memory_space<vmem_shared>>)
        tpu.yield
      }) : () -> ()
      "tpu.region"() ({
        %run_scoped3A_721 = tpu.sem_alloc : memref<!tpu.dma_semaphore, #tpu.memory_space<semaphore_mem>>
        %dma_start3A_722 = tpu.memref_slice %arg18[%add3A_57] : memref<50176xf32, #tpu.memory_space<vmem_shared>> -> memref<200xf32, #tpu.memory_space<vmem_shared>>
        %dma_start3A_723 = tpu.memref_slice %arg18[%add3A_57] : memref<50176xf32, #tpu.memory_space<vmem_shared>> -> memref<200xf32, #tpu.memory_space<vmem_shared>>
        tpu.enqueue_dma source(%arg16 : memref<200xf32, #tpu.memory_space<vmem>>) target(%dma_start3A_723 : memref<200xf32, #tpu.memory_space<vmem_shared>>) target_semaphore(%run_scoped3A_721 : memref<!tpu.dma_semaphore, #tpu.memory_space<semaphore_mem>>)
        %dma_wait3A_724 = tpu.memref_slice %arg18[%add3A_57] : memref<50176xf32, #tpu.memory_space<vmem_shared>> -> memref<200xf32, #tpu.memory_space<vmem_shared>>
        %dma_wait3A_725 = tpu.memref_slice %arg18[%add3A_57] : memref<50176xf32, #tpu.memory_space<vmem_shared>> -> memref<200xf32, #tpu.memory_space<vmem_shared>>
        tpu.wait_dma2 semaphore(%run_scoped3A_721 : memref<!tpu.dma_semaphore, #tpu.memory_space<semaphore_mem>>) src(%arg16 : memref<200xf32, #tpu.memory_space<vmem>>) dst(%dma_wait3A_725 : memref<200xf32, #tpu.memory_space<vmem_shared>>)
        tpu.yield
      }) : () -> ()
    } else {
    }
    %mul3A_63 = arith.constant 3200 : i32
    %mul3A_64 = arith.muli %arg1, %mul3A_63 : i32
    %add3A_65 = arith.constant 1000 : i32
    %add3A_66 = arith.addi %mul3A_64, %add3A_65 : i32
    %lt3A_67 = arith.constant 50000 : i32
    %lt3A_68 = arith.cmpi slt, %add3A_66, %lt3A_67 : i32
    %convert_element_type3A_69 = arith.extui %lt3A_68 : i1 to i32
    %cond3A_70 = arith.constant 0 : i32
    %cond3A_71 = arith.cmpi ne, %convert_element_type3A_69, %cond3A_70 : i32
    scf.if %cond3A_71 {
      "tpu.region"() ({
        %run_scoped3A_721 = tpu.sem_alloc : memref<!tpu.dma_semaphore, #tpu.memory_space<semaphore_mem>>
        %dma_start3A_722 = arith.constant 0 : i32
        %dma_start3A_723 = tpu.memref_slice %arg17[%add3A_66, %dma_start3A_722] : memref<50176x32xf32, #tpu.memory_space<vmem_shared>> -> memref<200x32xf32, #tpu.memory_space<vmem_shared>>
        %dma_start3A_724 = arith.constant 0 : i32
        %dma_start3A_725 = tpu.memref_slice %arg17[%add3A_66, %dma_start3A_724] : memref<50176x32xf32, #tpu.memory_space<vmem_shared>> -> memref<200x32xf32, #tpu.memory_space<vmem_shared>>
        tpu.enqueue_dma source(%arg15 : memref<200x32xf32, #tpu.memory_space<vmem>>) target(%dma_start3A_725 : memref<200x32xf32, #tpu.memory_space<vmem_shared>>) target_semaphore(%run_scoped3A_721 : memref<!tpu.dma_semaphore, #tpu.memory_space<semaphore_mem>>)
        %dma_wait3A_726 = arith.constant 0 : i32
        %dma_wait3A_727 = tpu.memref_slice %arg17[%add3A_66, %dma_wait3A_726] : memref<50176x32xf32, #tpu.memory_space<vmem_shared>> -> memref<200x32xf32, #tpu.memory_space<vmem_shared>>
        %dma_wait3A_728 = arith.constant 0 : i32
        %dma_wait3A_729 = tpu.memref_slice %arg17[%add3A_66, %dma_wait3A_728] : memref<50176x32xf32, #tpu.memory_space<vmem_shared>> -> memref<200x32xf32, #tpu.memory_space<vmem_shared>>
        tpu.wait_dma2 semaphore(%run_scoped3A_721 : memref<!tpu.dma_semaphore, #tpu.memory_space<semaphore_mem>>) src(%arg15 : memref<200x32xf32, #tpu.memory_space<vmem>>) dst(%dma_wait3A_729 : memref<200x32xf32, #tpu.memory_space<vmem_shared>>)
        tpu.yield
      }) : () -> ()
      "tpu.region"() ({
        %run_scoped3A_721 = tpu.sem_alloc : memref<!tpu.dma_semaphore, #tpu.memory_space<semaphore_mem>>
        %dma_start3A_722 = tpu.memref_slice %arg18[%add3A_66] : memref<50176xf32, #tpu.memory_space<vmem_shared>> -> memref<200xf32, #tpu.memory_space<vmem_shared>>
        %dma_start3A_723 = tpu.memref_slice %arg18[%add3A_66] : memref<50176xf32, #tpu.memory_space<vmem_shared>> -> memref<200xf32, #tpu.memory_space<vmem_shared>>
        tpu.enqueue_dma source(%arg16 : memref<200xf32, #tpu.memory_space<vmem>>) target(%dma_start3A_723 : memref<200xf32, #tpu.memory_space<vmem_shared>>) target_semaphore(%run_scoped3A_721 : memref<!tpu.dma_semaphore, #tpu.memory_space<semaphore_mem>>)
        %dma_wait3A_724 = tpu.memref_slice %arg18[%add3A_66] : memref<50176xf32, #tpu.memory_space<vmem_shared>> -> memref<200xf32, #tpu.memory_space<vmem_shared>>
        %dma_wait3A_725 = tpu.memref_slice %arg18[%add3A_66] : memref<50176xf32, #tpu.memory_space<vmem_shared>> -> memref<200xf32, #tpu.memory_space<vmem_shared>>
        tpu.wait_dma2 semaphore(%run_scoped3A_721 : memref<!tpu.dma_semaphore, #tpu.memory_space<semaphore_mem>>) src(%arg16 : memref<200xf32, #tpu.memory_space<vmem>>) dst(%dma_wait3A_725 : memref<200xf32, #tpu.memory_space<vmem_shared>>)
        tpu.yield
      }) : () -> ()
    } else {
    }
    %mul3A_72 = arith.constant 3200 : i32
    %mul3A_73 = arith.muli %arg1, %mul3A_72 : i32
    %add3A_74 = arith.constant 1200 : i32
    %add3A_75 = arith.addi %mul3A_73, %add3A_74 : i32
    %lt3A_76 = arith.constant 50000 : i32
    %lt3A_77 = arith.cmpi slt, %add3A_75, %lt3A_76 : i32
    %convert_element_type3A_78 = arith.extui %lt3A_77 : i1 to i32
    %cond3A_79 = arith.constant 0 : i32
    %cond3A_80 = arith.cmpi ne, %convert_element_type3A_78, %cond3A_79 : i32
    scf.if %cond3A_80 {
      "tpu.region"() ({
        %run_scoped3A_721 = tpu.sem_alloc : memref<!tpu.dma_semaphore, #tpu.memory_space<semaphore_mem>>
        %dma_start3A_722 = arith.constant 0 : i32
        %dma_start3A_723 = tpu.memref_slice %arg17[%add3A_75, %dma_start3A_722] : memref<50176x32xf32, #tpu.memory_space<vmem_shared>> -> memref<200x32xf32, #tpu.memory_space<vmem_shared>>
        %dma_start3A_724 = arith.constant 0 : i32
        %dma_start3A_725 = tpu.memref_slice %arg17[%add3A_75, %dma_start3A_724] : memref<50176x32xf32, #tpu.memory_space<vmem_shared>> -> memref<200x32xf32, #tpu.memory_space<vmem_shared>>
        tpu.enqueue_dma source(%arg15 : memref<200x32xf32, #tpu.memory_space<vmem>>) target(%dma_start3A_725 : memref<200x32xf32, #tpu.memory_space<vmem_shared>>) target_semaphore(%run_scoped3A_721 : memref<!tpu.dma_semaphore, #tpu.memory_space<semaphore_mem>>)
        %dma_wait3A_726 = arith.constant 0 : i32
        %dma_wait3A_727 = tpu.memref_slice %arg17[%add3A_75, %dma_wait3A_726] : memref<50176x32xf32, #tpu.memory_space<vmem_shared>> -> memref<200x32xf32, #tpu.memory_space<vmem_shared>>
        %dma_wait3A_728 = arith.constant 0 : i32
        %dma_wait3A_729 = tpu.memref_slice %arg17[%add3A_75, %dma_wait3A_728] : memref<50176x32xf32, #tpu.memory_space<vmem_shared>> -> memref<200x32xf32, #tpu.memory_space<vmem_shared>>
        tpu.wait_dma2 semaphore(%run_scoped3A_721 : memref<!tpu.dma_semaphore, #tpu.memory_space<semaphore_mem>>) src(%arg15 : memref<200x32xf32, #tpu.memory_space<vmem>>) dst(%dma_wait3A_729 : memref<200x32xf32, #tpu.memory_space<vmem_shared>>)
        tpu.yield
      }) : () -> ()
      "tpu.region"() ({
        %run_scoped3A_721 = tpu.sem_alloc : memref<!tpu.dma_semaphore, #tpu.memory_space<semaphore_mem>>
        %dma_start3A_722 = tpu.memref_slice %arg18[%add3A_75] : memref<50176xf32, #tpu.memory_space<vmem_shared>> -> memref<200xf32, #tpu.memory_space<vmem_shared>>
        %dma_start3A_723 = tpu.memref_slice %arg18[%add3A_75] : memref<50176xf32, #tpu.memory_space<vmem_shared>> -> memref<200xf32, #tpu.memory_space<vmem_shared>>
        tpu.enqueue_dma source(%arg16 : memref<200xf32, #tpu.memory_space<vmem>>) target(%dma_start3A_723 : memref<200xf32, #tpu.memory_space<vmem_shared>>) target_semaphore(%run_scoped3A_721 : memref<!tpu.dma_semaphore, #tpu.memory_space<semaphore_mem>>)
        %dma_wait3A_724 = tpu.memref_slice %arg18[%add3A_75] : memref<50176xf32, #tpu.memory_space<vmem_shared>> -> memref<200xf32, #tpu.memory_space<vmem_shared>>
        %dma_wait3A_725 = tpu.memref_slice %arg18[%add3A_75] : memref<50176xf32, #tpu.memory_space<vmem_shared>> -> memref<200xf32, #tpu.memory_space<vmem_shared>>
        tpu.wait_dma2 semaphore(%run_scoped3A_721 : memref<!tpu.dma_semaphore, #tpu.memory_space<semaphore_mem>>) src(%arg16 : memref<200xf32, #tpu.memory_space<vmem>>) dst(%dma_wait3A_725 : memref<200xf32, #tpu.memory_space<vmem_shared>>)
        tpu.yield
      }) : () -> ()
    } else {
    }
    %mul3A_81 = arith.constant 3200 : i32
    %mul3A_82 = arith.muli %arg1, %mul3A_81 : i32
    %add3A_83 = arith.constant 1400 : i32
    %add3A_84 = arith.addi %mul3A_82, %add3A_83 : i32
    %lt3A_85 = arith.constant 50000 : i32
    %lt3A_86 = arith.cmpi slt, %add3A_84, %lt3A_85 : i32
    %convert_element_type3A_87 = arith.extui %lt3A_86 : i1 to i32
    %cond3A_88 = arith.constant 0 : i32
    %cond3A_89 = arith.cmpi ne, %convert_element_type3A_87, %cond3A_88 : i32
    scf.if %cond3A_89 {
      "tpu.region"() ({
        %run_scoped3A_721 = tpu.sem_alloc : memref<!tpu.dma_semaphore, #tpu.memory_space<semaphore_mem>>
        %dma_start3A_722 = arith.constant 0 : i32
        %dma_start3A_723 = tpu.memref_slice %arg17[%add3A_84, %dma_start3A_722] : memref<50176x32xf32, #tpu.memory_space<vmem_shared>> -> memref<200x32xf32, #tpu.memory_space<vmem_shared>>
        %dma_start3A_724 = arith.constant 0 : i32
        %dma_start3A_725 = tpu.memref_slice %arg17[%add3A_84, %dma_start3A_724] : memref<50176x32xf32, #tpu.memory_space<vmem_shared>> -> memref<200x32xf32, #tpu.memory_space<vmem_shared>>
        tpu.enqueue_dma source(%arg15 : memref<200x32xf32, #tpu.memory_space<vmem>>) target(%dma_start3A_725 : memref<200x32xf32, #tpu.memory_space<vmem_shared>>) target_semaphore(%run_scoped3A_721 : memref<!tpu.dma_semaphore, #tpu.memory_space<semaphore_mem>>)
        %dma_wait3A_726 = arith.constant 0 : i32
        %dma_wait3A_727 = tpu.memref_slice %arg17[%add3A_84, %dma_wait3A_726] : memref<50176x32xf32, #tpu.memory_space<vmem_shared>> -> memref<200x32xf32, #tpu.memory_space<vmem_shared>>
        %dma_wait3A_728 = arith.constant 0 : i32
        %dma_wait3A_729 = tpu.memref_slice %arg17[%add3A_84, %dma_wait3A_728] : memref<50176x32xf32, #tpu.memory_space<vmem_shared>> -> memref<200x32xf32, #tpu.memory_space<vmem_shared>>
        tpu.wait_dma2 semaphore(%run_scoped3A_721 : memref<!tpu.dma_semaphore, #tpu.memory_space<semaphore_mem>>) src(%arg15 : memref<200x32xf32, #tpu.memory_space<vmem>>) dst(%dma_wait3A_729 : memref<200x32xf32, #tpu.memory_space<vmem_shared>>)
        tpu.yield
      }) : () -> ()
      "tpu.region"() ({
        %run_scoped3A_721 = tpu.sem_alloc : memref<!tpu.dma_semaphore, #tpu.memory_space<semaphore_mem>>
        %dma_start3A_722 = tpu.memref_slice %arg18[%add3A_84] : memref<50176xf32, #tpu.memory_space<vmem_shared>> -> memref<200xf32, #tpu.memory_space<vmem_shared>>
        %dma_start3A_723 = tpu.memref_slice %arg18[%add3A_84] : memref<50176xf32, #tpu.memory_space<vmem_shared>> -> memref<200xf32, #tpu.memory_space<vmem_shared>>
        tpu.enqueue_dma source(%arg16 : memref<200xf32, #tpu.memory_space<vmem>>) target(%dma_start3A_723 : memref<200xf32, #tpu.memory_space<vmem_shared>>) target_semaphore(%run_scoped3A_721 : memref<!tpu.dma_semaphore, #tpu.memory_space<semaphore_mem>>)
        %dma_wait3A_724 = tpu.memref_slice %arg18[%add3A_84] : memref<50176xf32, #tpu.memory_space<vmem_shared>> -> memref<200xf32, #tpu.memory_space<vmem_shared>>
        %dma_wait3A_725 = tpu.memref_slice %arg18[%add3A_84] : memref<50176xf32, #tpu.memory_space<vmem_shared>> -> memref<200xf32, #tpu.memory_space<vmem_shared>>
        tpu.wait_dma2 semaphore(%run_scoped3A_721 : memref<!tpu.dma_semaphore, #tpu.memory_space<semaphore_mem>>) src(%arg16 : memref<200xf32, #tpu.memory_space<vmem>>) dst(%dma_wait3A_725 : memref<200xf32, #tpu.memory_space<vmem_shared>>)
        tpu.yield
      }) : () -> ()
    } else {
    }
    %mul3A_90 = arith.constant 3200 : i32
    %mul3A_91 = arith.muli %arg1, %mul3A_90 : i32
    %add3A_92 = arith.constant 1600 : i32
    %add3A_93 = arith.addi %mul3A_91, %add3A_92 : i32
    %lt3A_94 = arith.constant 50000 : i32
    %lt3A_95 = arith.cmpi slt, %add3A_93, %lt3A_94 : i32
    %convert_element_type3A_96 = arith.extui %lt3A_95 : i1 to i32
    %cond3A_97 = arith.constant 0 : i32
    %cond3A_98 = arith.cmpi ne, %convert_element_type3A_96, %cond3A_97 : i32
    scf.if %cond3A_98 {
      "tpu.region"() ({
        %run_scoped3A_721 = tpu.sem_alloc : memref<!tpu.dma_semaphore, #tpu.memory_space<semaphore_mem>>
        %dma_start3A_722 = arith.constant 0 : i32
        %dma_start3A_723 = tpu.memref_slice %arg17[%add3A_93, %dma_start3A_722] : memref<50176x32xf32, #tpu.memory_space<vmem_shared>> -> memref<200x32xf32, #tpu.memory_space<vmem_shared>>
        %dma_start3A_724 = arith.constant 0 : i32
        %dma_start3A_725 = tpu.memref_slice %arg17[%add3A_93, %dma_start3A_724] : memref<50176x32xf32, #tpu.memory_space<vmem_shared>> -> memref<200x32xf32, #tpu.memory_space<vmem_shared>>
        tpu.enqueue_dma source(%arg15 : memref<200x32xf32, #tpu.memory_space<vmem>>) target(%dma_start3A_725 : memref<200x32xf32, #tpu.memory_space<vmem_shared>>) target_semaphore(%run_scoped3A_721 : memref<!tpu.dma_semaphore, #tpu.memory_space<semaphore_mem>>)
        %dma_wait3A_726 = arith.constant 0 : i32
        %dma_wait3A_727 = tpu.memref_slice %arg17[%add3A_93, %dma_wait3A_726] : memref<50176x32xf32, #tpu.memory_space<vmem_shared>> -> memref<200x32xf32, #tpu.memory_space<vmem_shared>>
        %dma_wait3A_728 = arith.constant 0 : i32
        %dma_wait3A_729 = tpu.memref_slice %arg17[%add3A_93, %dma_wait3A_728] : memref<50176x32xf32, #tpu.memory_space<vmem_shared>> -> memref<200x32xf32, #tpu.memory_space<vmem_shared>>
        tpu.wait_dma2 semaphore(%run_scoped3A_721 : memref<!tpu.dma_semaphore, #tpu.memory_space<semaphore_mem>>) src(%arg15 : memref<200x32xf32, #tpu.memory_space<vmem>>) dst(%dma_wait3A_729 : memref<200x32xf32, #tpu.memory_space<vmem_shared>>)
        tpu.yield
      }) : () -> ()
      "tpu.region"() ({
        %run_scoped3A_721 = tpu.sem_alloc : memref<!tpu.dma_semaphore, #tpu.memory_space<semaphore_mem>>
        %dma_start3A_722 = tpu.memref_slice %arg18[%add3A_93] : memref<50176xf32, #tpu.memory_space<vmem_shared>> -> memref<200xf32, #tpu.memory_space<vmem_shared>>
        %dma_start3A_723 = tpu.memref_slice %arg18[%add3A_93] : memref<50176xf32, #tpu.memory_space<vmem_shared>> -> memref<200xf32, #tpu.memory_space<vmem_shared>>
        tpu.enqueue_dma source(%arg16 : memref<200xf32, #tpu.memory_space<vmem>>) target(%dma_start3A_723 : memref<200xf32, #tpu.memory_space<vmem_shared>>) target_semaphore(%run_scoped3A_721 : memref<!tpu.dma_semaphore, #tpu.memory_space<semaphore_mem>>)
        %dma_wait3A_724 = tpu.memref_slice %arg18[%add3A_93] : memref<50176xf32, #tpu.memory_space<vmem_shared>> -> memref<200xf32, #tpu.memory_space<vmem_shared>>
        %dma_wait3A_725 = tpu.memref_slice %arg18[%add3A_93] : memref<50176xf32, #tpu.memory_space<vmem_shared>> -> memref<200xf32, #tpu.memory_space<vmem_shared>>
        tpu.wait_dma2 semaphore(%run_scoped3A_721 : memref<!tpu.dma_semaphore, #tpu.memory_space<semaphore_mem>>) src(%arg16 : memref<200xf32, #tpu.memory_space<vmem>>) dst(%dma_wait3A_725 : memref<200xf32, #tpu.memory_space<vmem_shared>>)
        tpu.yield
      }) : () -> ()
    } else {
    }
    %mul3A_99 = arith.constant 3200 : i32
    %mul3A_100 = arith.muli %arg1, %mul3A_99 : i32
    %add3A_101 = arith.constant 1800 : i32
    %add3A_102 = arith.addi %mul3A_100, %add3A_101 : i32
    %lt3A_103 = arith.constant 50000 : i32
    %lt3A_104 = arith.cmpi slt, %add3A_102, %lt3A_103 : i32
    %convert_element_type3A_105 = arith.extui %lt3A_104 : i1 to i32
    %cond3A_106 = arith.constant 0 : i32
    %cond3A_107 = arith.cmpi ne, %convert_element_type3A_105, %cond3A_106 : i32
    scf.if %cond3A_107 {
      "tpu.region"() ({
        %run_scoped3A_721 = tpu.sem_alloc : memref<!tpu.dma_semaphore, #tpu.memory_space<semaphore_mem>>
        %dma_start3A_722 = arith.constant 0 : i32
        %dma_start3A_723 = tpu.memref_slice %arg17[%add3A_102, %dma_start3A_722] : memref<50176x32xf32, #tpu.memory_space<vmem_shared>> -> memref<200x32xf32, #tpu.memory_space<vmem_shared>>
        %dma_start3A_724 = arith.constant 0 : i32
        %dma_start3A_725 = tpu.memref_slice %arg17[%add3A_102, %dma_start3A_724] : memref<50176x32xf32, #tpu.memory_space<vmem_shared>> -> memref<200x32xf32, #tpu.memory_space<vmem_shared>>
        tpu.enqueue_dma source(%arg15 : memref<200x32xf32, #tpu.memory_space<vmem>>) target(%dma_start3A_725 : memref<200x32xf32, #tpu.memory_space<vmem_shared>>) target_semaphore(%run_scoped3A_721 : memref<!tpu.dma_semaphore, #tpu.memory_space<semaphore_mem>>)
        %dma_wait3A_726 = arith.constant 0 : i32
        %dma_wait3A_727 = tpu.memref_slice %arg17[%add3A_102, %dma_wait3A_726] : memref<50176x32xf32, #tpu.memory_space<vmem_shared>> -> memref<200x32xf32, #tpu.memory_space<vmem_shared>>
        %dma_wait3A_728 = arith.constant 0 : i32
        %dma_wait3A_729 = tpu.memref_slice %arg17[%add3A_102, %dma_wait3A_728] : memref<50176x32xf32, #tpu.memory_space<vmem_shared>> -> memref<200x32xf32, #tpu.memory_space<vmem_shared>>
        tpu.wait_dma2 semaphore(%run_scoped3A_721 : memref<!tpu.dma_semaphore, #tpu.memory_space<semaphore_mem>>) src(%arg15 : memref<200x32xf32, #tpu.memory_space<vmem>>) dst(%dma_wait3A_729 : memref<200x32xf32, #tpu.memory_space<vmem_shared>>)
        tpu.yield
      }) : () -> ()
      "tpu.region"() ({
        %run_scoped3A_721 = tpu.sem_alloc : memref<!tpu.dma_semaphore, #tpu.memory_space<semaphore_mem>>
        %dma_start3A_722 = tpu.memref_slice %arg18[%add3A_102] : memref<50176xf32, #tpu.memory_space<vmem_shared>> -> memref<200xf32, #tpu.memory_space<vmem_shared>>
        %dma_start3A_723 = tpu.memref_slice %arg18[%add3A_102] : memref<50176xf32, #tpu.memory_space<vmem_shared>> -> memref<200xf32, #tpu.memory_space<vmem_shared>>
        tpu.enqueue_dma source(%arg16 : memref<200xf32, #tpu.memory_space<vmem>>) target(%dma_start3A_723 : memref<200xf32, #tpu.memory_space<vmem_shared>>) target_semaphore(%run_scoped3A_721 : memref<!tpu.dma_semaphore, #tpu.memory_space<semaphore_mem>>)
        %dma_wait3A_724 = tpu.memref_slice %arg18[%add3A_102] : memref<50176xf32, #tpu.memory_space<vmem_shared>> -> memref<200xf32, #tpu.memory_space<vmem_shared>>
        %dma_wait3A_725 = tpu.memref_slice %arg18[%add3A_102] : memref<50176xf32, #tpu.memory_space<vmem_shared>> -> memref<200xf32, #tpu.memory_space<vmem_shared>>
        tpu.wait_dma2 semaphore(%run_scoped3A_721 : memref<!tpu.dma_semaphore, #tpu.memory_space<semaphore_mem>>) src(%arg16 : memref<200xf32, #tpu.memory_space<vmem>>) dst(%dma_wait3A_725 : memref<200xf32, #tpu.memory_space<vmem_shared>>)
        tpu.yield
      }) : () -> ()
    } else {
    }
    %mul3A_108 = arith.constant 3200 : i32
    %mul3A_109 = arith.muli %arg1, %mul3A_108 : i32
    %add3A_110 = arith.constant 2000 : i32
    %add3A_111 = arith.addi %mul3A_109, %add3A_110 : i32
    %lt3A_112 = arith.constant 50000 : i32
    %lt3A_113 = arith.cmpi slt, %add3A_111, %lt3A_112 : i32
    %convert_element_type3A_114 = arith.extui %lt3A_113 : i1 to i32
    %cond3A_115 = arith.constant 0 : i32
    %cond3A_116 = arith.cmpi ne, %convert_element_type3A_114, %cond3A_115 : i32
    scf.if %cond3A_116 {
      "tpu.region"() ({
        %run_scoped3A_721 = tpu.sem_alloc : memref<!tpu.dma_semaphore, #tpu.memory_space<semaphore_mem>>
        %dma_start3A_722 = arith.constant 0 : i32
        %dma_start3A_723 = tpu.memref_slice %arg17[%add3A_111, %dma_start3A_722] : memref<50176x32xf32, #tpu.memory_space<vmem_shared>> -> memref<200x32xf32, #tpu.memory_space<vmem_shared>>
        %dma_start3A_724 = arith.constant 0 : i32
        %dma_start3A_725 = tpu.memref_slice %arg17[%add3A_111, %dma_start3A_724] : memref<50176x32xf32, #tpu.memory_space<vmem_shared>> -> memref<200x32xf32, #tpu.memory_space<vmem_shared>>
        tpu.enqueue_dma source(%arg15 : memref<200x32xf32, #tpu.memory_space<vmem>>) target(%dma_start3A_725 : memref<200x32xf32, #tpu.memory_space<vmem_shared>>) target_semaphore(%run_scoped3A_721 : memref<!tpu.dma_semaphore, #tpu.memory_space<semaphore_mem>>)
        %dma_wait3A_726 = arith.constant 0 : i32
        %dma_wait3A_727 = tpu.memref_slice %arg17[%add3A_111, %dma_wait3A_726] : memref<50176x32xf32, #tpu.memory_space<vmem_shared>> -> memref<200x32xf32, #tpu.memory_space<vmem_shared>>
        %dma_wait3A_728 = arith.constant 0 : i32
        %dma_wait3A_729 = tpu.memref_slice %arg17[%add3A_111, %dma_wait3A_728] : memref<50176x32xf32, #tpu.memory_space<vmem_shared>> -> memref<200x32xf32, #tpu.memory_space<vmem_shared>>
        tpu.wait_dma2 semaphore(%run_scoped3A_721 : memref<!tpu.dma_semaphore, #tpu.memory_space<semaphore_mem>>) src(%arg15 : memref<200x32xf32, #tpu.memory_space<vmem>>) dst(%dma_wait3A_729 : memref<200x32xf32, #tpu.memory_space<vmem_shared>>)
        tpu.yield
      }) : () -> ()
      "tpu.region"() ({
        %run_scoped3A_721 = tpu.sem_alloc : memref<!tpu.dma_semaphore, #tpu.memory_space<semaphore_mem>>
        %dma_start3A_722 = tpu.memref_slice %arg18[%add3A_111] : memref<50176xf32, #tpu.memory_space<vmem_shared>> -> memref<200xf32, #tpu.memory_space<vmem_shared>>
        %dma_start3A_723 = tpu.memref_slice %arg18[%add3A_111] : memref<50176xf32, #tpu.memory_space<vmem_shared>> -> memref<200xf32, #tpu.memory_space<vmem_shared>>
        tpu.enqueue_dma source(%arg16 : memref<200xf32, #tpu.memory_space<vmem>>) target(%dma_start3A_723 : memref<200xf32, #tpu.memory_space<vmem_shared>>) target_semaphore(%run_scoped3A_721 : memref<!tpu.dma_semaphore, #tpu.memory_space<semaphore_mem>>)
        %dma_wait3A_724 = tpu.memref_slice %arg18[%add3A_111] : memref<50176xf32, #tpu.memory_space<vmem_shared>> -> memref<200xf32, #tpu.memory_space<vmem_shared>>
        %dma_wait3A_725 = tpu.memref_slice %arg18[%add3A_111] : memref<50176xf32, #tpu.memory_space<vmem_shared>> -> memref<200xf32, #tpu.memory_space<vmem_shared>>
        tpu.wait_dma2 semaphore(%run_scoped3A_721 : memref<!tpu.dma_semaphore, #tpu.memory_space<semaphore_mem>>) src(%arg16 : memref<200xf32, #tpu.memory_space<vmem>>) dst(%dma_wait3A_725 : memref<200xf32, #tpu.memory_space<vmem_shared>>)
        tpu.yield
      }) : () -> ()
    } else {
    }
    %mul3A_117 = arith.constant 3200 : i32
    %mul3A_118 = arith.muli %arg1, %mul3A_117 : i32
    %add3A_119 = arith.constant 2200 : i32
    %add3A_120 = arith.addi %mul3A_118, %add3A_119 : i32
    %lt3A_121 = arith.constant 50000 : i32
    %lt3A_122 = arith.cmpi slt, %add3A_120, %lt3A_121 : i32
    %convert_element_type3A_123 = arith.extui %lt3A_122 : i1 to i32
    %cond3A_124 = arith.constant 0 : i32
    %cond3A_125 = arith.cmpi ne, %convert_element_type3A_123, %cond3A_124 : i32
    scf.if %cond3A_125 {
      "tpu.region"() ({
        %run_scoped3A_721 = tpu.sem_alloc : memref<!tpu.dma_semaphore, #tpu.memory_space<semaphore_mem>>
        %dma_start3A_722 = arith.constant 0 : i32
        %dma_start3A_723 = tpu.memref_slice %arg17[%add3A_120, %dma_start3A_722] : memref<50176x32xf32, #tpu.memory_space<vmem_shared>> -> memref<200x32xf32, #tpu.memory_space<vmem_shared>>
        %dma_start3A_724 = arith.constant 0 : i32
        %dma_start3A_725 = tpu.memref_slice %arg17[%add3A_120, %dma_start3A_724] : memref<50176x32xf32, #tpu.memory_space<vmem_shared>> -> memref<200x32xf32, #tpu.memory_space<vmem_shared>>
        tpu.enqueue_dma source(%arg15 : memref<200x32xf32, #tpu.memory_space<vmem>>) target(%dma_start3A_725 : memref<200x32xf32, #tpu.memory_space<vmem_shared>>) target_semaphore(%run_scoped3A_721 : memref<!tpu.dma_semaphore, #tpu.memory_space<semaphore_mem>>)
        %dma_wait3A_726 = arith.constant 0 : i32
        %dma_wait3A_727 = tpu.memref_slice %arg17[%add3A_120, %dma_wait3A_726] : memref<50176x32xf32, #tpu.memory_space<vmem_shared>> -> memref<200x32xf32, #tpu.memory_space<vmem_shared>>
        %dma_wait3A_728 = arith.constant 0 : i32
        %dma_wait3A_729 = tpu.memref_slice %arg17[%add3A_120, %dma_wait3A_728] : memref<50176x32xf32, #tpu.memory_space<vmem_shared>> -> memref<200x32xf32, #tpu.memory_space<vmem_shared>>
        tpu.wait_dma2 semaphore(%run_scoped3A_721 : memref<!tpu.dma_semaphore, #tpu.memory_space<semaphore_mem>>) src(%arg15 : memref<200x32xf32, #tpu.memory_space<vmem>>) dst(%dma_wait3A_729 : memref<200x32xf32, #tpu.memory_space<vmem_shared>>)
        tpu.yield
      }) : () -> ()
      "tpu.region"() ({
        %run_scoped3A_721 = tpu.sem_alloc : memref<!tpu.dma_semaphore, #tpu.memory_space<semaphore_mem>>
        %dma_start3A_722 = tpu.memref_slice %arg18[%add3A_120] : memref<50176xf32, #tpu.memory_space<vmem_shared>> -> memref<200xf32, #tpu.memory_space<vmem_shared>>
        %dma_start3A_723 = tpu.memref_slice %arg18[%add3A_120] : memref<50176xf32, #tpu.memory_space<vmem_shared>> -> memref<200xf32, #tpu.memory_space<vmem_shared>>
        tpu.enqueue_dma source(%arg16 : memref<200xf32, #tpu.memory_space<vmem>>) target(%dma_start3A_723 : memref<200xf32, #tpu.memory_space<vmem_shared>>) target_semaphore(%run_scoped3A_721 : memref<!tpu.dma_semaphore, #tpu.memory_space<semaphore_mem>>)
        %dma_wait3A_724 = tpu.memref_slice %arg18[%add3A_120] : memref<50176xf32, #tpu.memory_space<vmem_shared>> -> memref<200xf32, #tpu.memory_space<vmem_shared>>
        %dma_wait3A_725 = tpu.memref_slice %arg18[%add3A_120] : memref<50176xf32, #tpu.memory_space<vmem_shared>> -> memref<200xf32, #tpu.memory_space<vmem_shared>>
        tpu.wait_dma2 semaphore(%run_scoped3A_721 : memref<!tpu.dma_semaphore, #tpu.memory_space<semaphore_mem>>) src(%arg16 : memref<200xf32, #tpu.memory_space<vmem>>) dst(%dma_wait3A_725 : memref<200xf32, #tpu.memory_space<vmem_shared>>)
        tpu.yield
      }) : () -> ()
    } else {
    }
    %mul3A_126 = arith.constant 3200 : i32
    %mul3A_127 = arith.muli %arg1, %mul3A_126 : i32
    %add3A_128 = arith.constant 2400 : i32
    %add3A_129 = arith.addi %mul3A_127, %add3A_128 : i32
    %lt3A_130 = arith.constant 50000 : i32
    %lt3A_131 = arith.cmpi slt, %add3A_129, %lt3A_130 : i32
    %convert_element_type3A_132 = arith.extui %lt3A_131 : i1 to i32
    %cond3A_133 = arith.constant 0 : i32
    %cond3A_134 = arith.cmpi ne, %convert_element_type3A_132, %cond3A_133 : i32
    scf.if %cond3A_134 {
      "tpu.region"() ({
        %run_scoped3A_721 = tpu.sem_alloc : memref<!tpu.dma_semaphore, #tpu.memory_space<semaphore_mem>>
        %dma_start3A_722 = arith.constant 0 : i32
        %dma_start3A_723 = tpu.memref_slice %arg17[%add3A_129, %dma_start3A_722] : memref<50176x32xf32, #tpu.memory_space<vmem_shared>> -> memref<200x32xf32, #tpu.memory_space<vmem_shared>>
        %dma_start3A_724 = arith.constant 0 : i32
        %dma_start3A_725 = tpu.memref_slice %arg17[%add3A_129, %dma_start3A_724] : memref<50176x32xf32, #tpu.memory_space<vmem_shared>> -> memref<200x32xf32, #tpu.memory_space<vmem_shared>>
        tpu.enqueue_dma source(%arg15 : memref<200x32xf32, #tpu.memory_space<vmem>>) target(%dma_start3A_725 : memref<200x32xf32, #tpu.memory_space<vmem_shared>>) target_semaphore(%run_scoped3A_721 : memref<!tpu.dma_semaphore, #tpu.memory_space<semaphore_mem>>)
        %dma_wait3A_726 = arith.constant 0 : i32
        %dma_wait3A_727 = tpu.memref_slice %arg17[%add3A_129, %dma_wait3A_726] : memref<50176x32xf32, #tpu.memory_space<vmem_shared>> -> memref<200x32xf32, #tpu.memory_space<vmem_shared>>
        %dma_wait3A_728 = arith.constant 0 : i32
        %dma_wait3A_729 = tpu.memref_slice %arg17[%add3A_129, %dma_wait3A_728] : memref<50176x32xf32, #tpu.memory_space<vmem_shared>> -> memref<200x32xf32, #tpu.memory_space<vmem_shared>>
        tpu.wait_dma2 semaphore(%run_scoped3A_721 : memref<!tpu.dma_semaphore, #tpu.memory_space<semaphore_mem>>) src(%arg15 : memref<200x32xf32, #tpu.memory_space<vmem>>) dst(%dma_wait3A_729 : memref<200x32xf32, #tpu.memory_space<vmem_shared>>)
        tpu.yield
      }) : () -> ()
      "tpu.region"() ({
        %run_scoped3A_721 = tpu.sem_alloc : memref<!tpu.dma_semaphore, #tpu.memory_space<semaphore_mem>>
        %dma_start3A_722 = tpu.memref_slice %arg18[%add3A_129] : memref<50176xf32, #tpu.memory_space<vmem_shared>> -> memref<200xf32, #tpu.memory_space<vmem_shared>>
        %dma_start3A_723 = tpu.memref_slice %arg18[%add3A_129] : memref<50176xf32, #tpu.memory_space<vmem_shared>> -> memref<200xf32, #tpu.memory_space<vmem_shared>>
        tpu.enqueue_dma source(%arg16 : memref<200xf32, #tpu.memory_space<vmem>>) target(%dma_start3A_723 : memref<200xf32, #tpu.memory_space<vmem_shared>>) target_semaphore(%run_scoped3A_721 : memref<!tpu.dma_semaphore, #tpu.memory_space<semaphore_mem>>)
        %dma_wait3A_724 = tpu.memref_slice %arg18[%add3A_129] : memref<50176xf32, #tpu.memory_space<vmem_shared>> -> memref<200xf32, #tpu.memory_space<vmem_shared>>
        %dma_wait3A_725 = tpu.memref_slice %arg18[%add3A_129] : memref<50176xf32, #tpu.memory_space<vmem_shared>> -> memref<200xf32, #tpu.memory_space<vmem_shared>>
        tpu.wait_dma2 semaphore(%run_scoped3A_721 : memref<!tpu.dma_semaphore, #tpu.memory_space<semaphore_mem>>) src(%arg16 : memref<200xf32, #tpu.memory_space<vmem>>) dst(%dma_wait3A_725 : memref<200xf32, #tpu.memory_space<vmem_shared>>)
        tpu.yield
      }) : () -> ()
    } else {
    }
    %mul3A_135 = arith.constant 3200 : i32
    %mul3A_136 = arith.muli %arg1, %mul3A_135 : i32
    %add3A_137 = arith.constant 2600 : i32
    %add3A_138 = arith.addi %mul3A_136, %add3A_137 : i32
    %lt3A_139 = arith.constant 50000 : i32
    %lt3A_140 = arith.cmpi slt, %add3A_138, %lt3A_139 : i32
    %convert_element_type3A_141 = arith.extui %lt3A_140 : i1 to i32
    %cond3A_142 = arith.constant 0 : i32
    %cond3A_143 = arith.cmpi ne, %convert_element_type3A_141, %cond3A_142 : i32
    scf.if %cond3A_143 {
      "tpu.region"() ({
        %run_scoped3A_721 = tpu.sem_alloc : memref<!tpu.dma_semaphore, #tpu.memory_space<semaphore_mem>>
        %dma_start3A_722 = arith.constant 0 : i32
        %dma_start3A_723 = tpu.memref_slice %arg17[%add3A_138, %dma_start3A_722] : memref<50176x32xf32, #tpu.memory_space<vmem_shared>> -> memref<200x32xf32, #tpu.memory_space<vmem_shared>>
        %dma_start3A_724 = arith.constant 0 : i32
        %dma_start3A_725 = tpu.memref_slice %arg17[%add3A_138, %dma_start3A_724] : memref<50176x32xf32, #tpu.memory_space<vmem_shared>> -> memref<200x32xf32, #tpu.memory_space<vmem_shared>>
        tpu.enqueue_dma source(%arg15 : memref<200x32xf32, #tpu.memory_space<vmem>>) target(%dma_start3A_725 : memref<200x32xf32, #tpu.memory_space<vmem_shared>>) target_semaphore(%run_scoped3A_721 : memref<!tpu.dma_semaphore, #tpu.memory_space<semaphore_mem>>)
        %dma_wait3A_726 = arith.constant 0 : i32
        %dma_wait3A_727 = tpu.memref_slice %arg17[%add3A_138, %dma_wait3A_726] : memref<50176x32xf32, #tpu.memory_space<vmem_shared>> -> memref<200x32xf32, #tpu.memory_space<vmem_shared>>
        %dma_wait3A_728 = arith.constant 0 : i32
        %dma_wait3A_729 = tpu.memref_slice %arg17[%add3A_138, %dma_wait3A_728] : memref<50176x32xf32, #tpu.memory_space<vmem_shared>> -> memref<200x32xf32, #tpu.memory_space<vmem_shared>>
        tpu.wait_dma2 semaphore(%run_scoped3A_721 : memref<!tpu.dma_semaphore, #tpu.memory_space<semaphore_mem>>) src(%arg15 : memref<200x32xf32, #tpu.memory_space<vmem>>) dst(%dma_wait3A_729 : memref<200x32xf32, #tpu.memory_space<vmem_shared>>)
        tpu.yield
      }) : () -> ()
      "tpu.region"() ({
        %run_scoped3A_721 = tpu.sem_alloc : memref<!tpu.dma_semaphore, #tpu.memory_space<semaphore_mem>>
        %dma_start3A_722 = tpu.memref_slice %arg18[%add3A_138] : memref<50176xf32, #tpu.memory_space<vmem_shared>> -> memref<200xf32, #tpu.memory_space<vmem_shared>>
        %dma_start3A_723 = tpu.memref_slice %arg18[%add3A_138] : memref<50176xf32, #tpu.memory_space<vmem_shared>> -> memref<200xf32, #tpu.memory_space<vmem_shared>>
        tpu.enqueue_dma source(%arg16 : memref<200xf32, #tpu.memory_space<vmem>>) target(%dma_start3A_723 : memref<200xf32, #tpu.memory_space<vmem_shared>>) target_semaphore(%run_scoped3A_721 : memref<!tpu.dma_semaphore, #tpu.memory_space<semaphore_mem>>)
        %dma_wait3A_724 = tpu.memref_slice %arg18[%add3A_138] : memref<50176xf32, #tpu.memory_space<vmem_shared>> -> memref<200xf32, #tpu.memory_space<vmem_shared>>
        %dma_wait3A_725 = tpu.memref_slice %arg18[%add3A_138] : memref<50176xf32, #tpu.memory_space<vmem_shared>> -> memref<200xf32, #tpu.memory_space<vmem_shared>>
        tpu.wait_dma2 semaphore(%run_scoped3A_721 : memref<!tpu.dma_semaphore, #tpu.memory_space<semaphore_mem>>) src(%arg16 : memref<200xf32, #tpu.memory_space<vmem>>) dst(%dma_wait3A_725 : memref<200xf32, #tpu.memory_space<vmem_shared>>)
        tpu.yield
      }) : () -> ()
    } else {
    }
    %mul3A_144 = arith.constant 3200 : i32
    %mul3A_145 = arith.muli %arg1, %mul3A_144 : i32
    %add3A_146 = arith.constant 2800 : i32
    %add3A_147 = arith.addi %mul3A_145, %add3A_146 : i32
    %lt3A_148 = arith.constant 50000 : i32
    %lt3A_149 = arith.cmpi slt, %add3A_147, %lt3A_148 : i32
    %convert_element_type3A_150 = arith.extui %lt3A_149 : i1 to i32
    %cond3A_151 = arith.constant 0 : i32
    %cond3A_152 = arith.cmpi ne, %convert_element_type3A_150, %cond3A_151 : i32
    scf.if %cond3A_152 {
      "tpu.region"() ({
        %run_scoped3A_721 = tpu.sem_alloc : memref<!tpu.dma_semaphore, #tpu.memory_space<semaphore_mem>>
        %dma_start3A_722 = arith.constant 0 : i32
        %dma_start3A_723 = tpu.memref_slice %arg17[%add3A_147, %dma_start3A_722] : memref<50176x32xf32, #tpu.memory_space<vmem_shared>> -> memref<200x32xf32, #tpu.memory_space<vmem_shared>>
        %dma_start3A_724 = arith.constant 0 : i32
        %dma_start3A_725 = tpu.memref_slice %arg17[%add3A_147, %dma_start3A_724] : memref<50176x32xf32, #tpu.memory_space<vmem_shared>> -> memref<200x32xf32, #tpu.memory_space<vmem_shared>>
        tpu.enqueue_dma source(%arg15 : memref<200x32xf32, #tpu.memory_space<vmem>>) target(%dma_start3A_725 : memref<200x32xf32, #tpu.memory_space<vmem_shared>>) target_semaphore(%run_scoped3A_721 : memref<!tpu.dma_semaphore, #tpu.memory_space<semaphore_mem>>)
        %dma_wait3A_726 = arith.constant 0 : i32
        %dma_wait3A_727 = tpu.memref_slice %arg17[%add3A_147, %dma_wait3A_726] : memref<50176x32xf32, #tpu.memory_space<vmem_shared>> -> memref<200x32xf32, #tpu.memory_space<vmem_shared>>
        %dma_wait3A_728 = arith.constant 0 : i32
        %dma_wait3A_729 = tpu.memref_slice %arg17[%add3A_147, %dma_wait3A_728] : memref<50176x32xf32, #tpu.memory_space<vmem_shared>> -> memref<200x32xf32, #tpu.memory_space<vmem_shared>>
        tpu.wait_dma2 semaphore(%run_scoped3A_721 : memref<!tpu.dma_semaphore, #tpu.memory_space<semaphore_mem>>) src(%arg15 : memref<200x32xf32, #tpu.memory_space<vmem>>) dst(%dma_wait3A_729 : memref<200x32xf32, #tpu.memory_space<vmem_shared>>)
        tpu.yield
      }) : () -> ()
      "tpu.region"() ({
        %run_scoped3A_721 = tpu.sem_alloc : memref<!tpu.dma_semaphore, #tpu.memory_space<semaphore_mem>>
        %dma_start3A_722 = tpu.memref_slice %arg18[%add3A_147] : memref<50176xf32, #tpu.memory_space<vmem_shared>> -> memref<200xf32, #tpu.memory_space<vmem_shared>>
        %dma_start3A_723 = tpu.memref_slice %arg18[%add3A_147] : memref<50176xf32, #tpu.memory_space<vmem_shared>> -> memref<200xf32, #tpu.memory_space<vmem_shared>>
        tpu.enqueue_dma source(%arg16 : memref<200xf32, #tpu.memory_space<vmem>>) target(%dma_start3A_723 : memref<200xf32, #tpu.memory_space<vmem_shared>>) target_semaphore(%run_scoped3A_721 : memref<!tpu.dma_semaphore, #tpu.memory_space<semaphore_mem>>)
        %dma_wait3A_724 = tpu.memref_slice %arg18[%add3A_147] : memref<50176xf32, #tpu.memory_space<vmem_shared>> -> memref<200xf32, #tpu.memory_space<vmem_shared>>
        %dma_wait3A_725 = tpu.memref_slice %arg18[%add3A_147] : memref<50176xf32, #tpu.memory_space<vmem_shared>> -> memref<200xf32, #tpu.memory_space<vmem_shared>>
        tpu.wait_dma2 semaphore(%run_scoped3A_721 : memref<!tpu.dma_semaphore, #tpu.memory_space<semaphore_mem>>) src(%arg16 : memref<200xf32, #tpu.memory_space<vmem>>) dst(%dma_wait3A_725 : memref<200xf32, #tpu.memory_space<vmem_shared>>)
        tpu.yield
      }) : () -> ()
    } else {
    }
    %mul3A_153 = arith.constant 3200 : i32
    %mul3A_154 = arith.muli %arg1, %mul3A_153 : i32
    %add3A_155 = arith.constant 3000 : i32
    %add3A_156 = arith.addi %mul3A_154, %add3A_155 : i32
    %lt3A_157 = arith.constant 50000 : i32
    %lt3A_158 = arith.cmpi slt, %add3A_156, %lt3A_157 : i32
    %convert_element_type3A_159 = arith.extui %lt3A_158 : i1 to i32
    %cond3A_160 = arith.constant 0 : i32
    %cond3A_161 = arith.cmpi ne, %convert_element_type3A_159, %cond3A_160 : i32
    scf.if %cond3A_161 {
      "tpu.region"() ({
        %run_scoped3A_721 = tpu.sem_alloc : memref<!tpu.dma_semaphore, #tpu.memory_space<semaphore_mem>>
        %dma_start3A_722 = arith.constant 0 : i32
        %dma_start3A_723 = tpu.memref_slice %arg17[%add3A_156, %dma_start3A_722] : memref<50176x32xf32, #tpu.memory_space<vmem_shared>> -> memref<200x32xf32, #tpu.memory_space<vmem_shared>>
        %dma_start3A_724 = arith.constant 0 : i32
        %dma_start3A_725 = tpu.memref_slice %arg17[%add3A_156, %dma_start3A_724] : memref<50176x32xf32, #tpu.memory_space<vmem_shared>> -> memref<200x32xf32, #tpu.memory_space<vmem_shared>>
        tpu.enqueue_dma source(%arg15 : memref<200x32xf32, #tpu.memory_space<vmem>>) target(%dma_start3A_725 : memref<200x32xf32, #tpu.memory_space<vmem_shared>>) target_semaphore(%run_scoped3A_721 : memref<!tpu.dma_semaphore, #tpu.memory_space<semaphore_mem>>)
        %dma_wait3A_726 = arith.constant 0 : i32
        %dma_wait3A_727 = tpu.memref_slice %arg17[%add3A_156, %dma_wait3A_726] : memref<50176x32xf32, #tpu.memory_space<vmem_shared>> -> memref<200x32xf32, #tpu.memory_space<vmem_shared>>
        %dma_wait3A_728 = arith.constant 0 : i32
        %dma_wait3A_729 = tpu.memref_slice %arg17[%add3A_156, %dma_wait3A_728] : memref<50176x32xf32, #tpu.memory_space<vmem_shared>> -> memref<200x32xf32, #tpu.memory_space<vmem_shared>>
        tpu.wait_dma2 semaphore(%run_scoped3A_721 : memref<!tpu.dma_semaphore, #tpu.memory_space<semaphore_mem>>) src(%arg15 : memref<200x32xf32, #tpu.memory_space<vmem>>) dst(%dma_wait3A_729 : memref<200x32xf32, #tpu.memory_space<vmem_shared>>)
        tpu.yield
      }) : () -> ()
      "tpu.region"() ({
        %run_scoped3A_721 = tpu.sem_alloc : memref<!tpu.dma_semaphore, #tpu.memory_space<semaphore_mem>>
        %dma_start3A_722 = tpu.memref_slice %arg18[%add3A_156] : memref<50176xf32, #tpu.memory_space<vmem_shared>> -> memref<200xf32, #tpu.memory_space<vmem_shared>>
        %dma_start3A_723 = tpu.memref_slice %arg18[%add3A_156] : memref<50176xf32, #tpu.memory_space<vmem_shared>> -> memref<200xf32, #tpu.memory_space<vmem_shared>>
        tpu.enqueue_dma source(%arg16 : memref<200xf32, #tpu.memory_space<vmem>>) target(%dma_start3A_723 : memref<200xf32, #tpu.memory_space<vmem_shared>>) target_semaphore(%run_scoped3A_721 : memref<!tpu.dma_semaphore, #tpu.memory_space<semaphore_mem>>)
        %dma_wait3A_724 = tpu.memref_slice %arg18[%add3A_156] : memref<50176xf32, #tpu.memory_space<vmem_shared>> -> memref<200xf32, #tpu.memory_space<vmem_shared>>
        %dma_wait3A_725 = tpu.memref_slice %arg18[%add3A_156] : memref<50176xf32, #tpu.memory_space<vmem_shared>> -> memref<200xf32, #tpu.memory_space<vmem_shared>>
        tpu.wait_dma2 semaphore(%run_scoped3A_721 : memref<!tpu.dma_semaphore, #tpu.memory_space<semaphore_mem>>) src(%arg16 : memref<200xf32, #tpu.memory_space<vmem>>) dst(%dma_wait3A_725 : memref<200xf32, #tpu.memory_space<vmem_shared>>)
        tpu.yield
      }) : () -> ()
    } else {
    }
    %barrier3A = arith.constant 0 : index
    tpu.barrier barrier_id(%barrier3A)
    %run_scoped3A = arith.constant 0 : i32
    "tpu.region"() ({
      %run_scoped3A_721 = tpu.sem_alloc : memref<!tpu.dma_semaphore, #tpu.memory_space<semaphore_mem>>
      %dma_start3A_722 = arith.constant 0 : i32
      %dma_start3A_723 = arith.constant 0 : i32
      %dma_start3A_724 = arith.constant 0 : i32
      %dma_start3A_725 = tpu.memref_slice %arg2[%arg0, %arg1, %run_scoped3A, %dma_start3A_722, %dma_start3A_723, %dma_start3A_724] : memref<2x16x50x2x8x128xi32, #tpu.memory_space<hbm>> -> memref<1x1x1x2x8x128xi32, #tpu.memory_space<hbm>>
      %dma_start3A_726 = tpu.memref_squeeze %dma_start3A_725 : memref<1x1x1x2x8x128xi32, #tpu.memory_space<hbm>> -> memref<2x8x128xi32, #tpu.memory_space<hbm>>
      %dma_start3A_727 = arith.constant 0 : i32
      %dma_start3A_728 = arith.constant 0 : i32
      %dma_start3A_729 = arith.constant 0 : i32
      %dma_start3A_730 = tpu.memref_slice %arg2[%arg0, %arg1, %run_scoped3A, %dma_start3A_727, %dma_start3A_728, %dma_start3A_729] : memref<2x16x50x2x8x128xi32, #tpu.memory_space<hbm>> -> memref<1x1x1x2x8x128xi32, #tpu.memory_space<hbm>>
      %dma_start3A_731 = tpu.memref_squeeze %dma_start3A_730 : memref<1x1x1x2x8x128xi32, #tpu.memory_space<hbm>> -> memref<2x8x128xi32, #tpu.memory_space<hbm>>
      tpu.enqueue_dma source(%dma_start3A_731 : memref<2x8x128xi32, #tpu.memory_space<hbm>>) target(%arg8 : memref<2x8x128xi32, #tpu.memory_space<vmem>>) target_semaphore(%run_scoped3A_721 : memref<!tpu.dma_semaphore, #tpu.memory_space<semaphore_mem>>)
      %dma_wait3A_732 = arith.constant 0 : i32
      %dma_wait3A_733 = arith.constant 0 : i32
      %dma_wait3A_734 = arith.constant 0 : i32
      %dma_wait3A_735 = tpu.memref_slice %arg2[%arg0, %arg1, %run_scoped3A, %dma_wait3A_732, %dma_wait3A_733, %dma_wait3A_734] : memref<2x16x50x2x8x128xi32, #tpu.memory_space<hbm>> -> memref<1x1x1x2x8x128xi32, #tpu.memory_space<hbm>>
      %dma_wait3A_736 = tpu.memref_squeeze %dma_wait3A_735 : memref<1x1x1x2x8x128xi32, #tpu.memory_space<hbm>> -> memref<2x8x128xi32, #tpu.memory_space<hbm>>
      %dma_wait3A_737 = arith.constant 0 : i32
      %dma_wait3A_738 = arith.constant 0 : i32
      %dma_wait3A_739 = arith.constant 0 : i32
      %dma_wait3A_740 = tpu.memref_slice %arg2[%arg0, %arg1, %run_scoped3A, %dma_wait3A_737, %dma_wait3A_738, %dma_wait3A_739] : memref<2x16x50x2x8x128xi32, #tpu.memory_space<hbm>> -> memref<1x1x1x2x8x128xi32, #tpu.memory_space<hbm>>
      %dma_wait3A_741 = tpu.memref_squeeze %dma_wait3A_740 : memref<1x1x1x2x8x128xi32, #tpu.memory_space<hbm>> -> memref<2x8x128xi32, #tpu.memory_space<hbm>>
      tpu.wait_dma2 semaphore(%run_scoped3A_721 : memref<!tpu.dma_semaphore, #tpu.memory_space<semaphore_mem>>) src(%dma_wait3A_741 : memref<2x8x128xi32, #tpu.memory_space<hbm>>) dst(%arg8 : memref<2x8x128xi32, #tpu.memory_space<vmem>>)
      tpu.yield
    }) : () -> ()
    %dma_start3A = arith.constant 0 : i32
    %dma_start3A_162 = arith.constant 0 : i32
    %dma_start3A_163 = arith.constant 0 : i32
    %dma_start3A_164 = arith.constant 0 : i32
    %dma_start3A_165 = tpu.memref_slice %arg8[%dma_start3A, %dma_start3A_162, %dma_start3A_164] : memref<2x8x128xi32, #tpu.memory_space<vmem>> -> memref<1x1x128xi32, #tpu.memory_space<vmem>>
    %dma_start3A_166 = tpu.memref_squeeze %dma_start3A_165 : memref<1x1x128xi32, #tpu.memory_space<vmem>> -> memref<128xi32, #tpu.memory_space<vmem>>
    %dma_start3A_167 = arith.constant 0 : i32
    %dma_start3A_168 = arith.constant 0 : i32
    %dma_start3A_169 = tpu.memref_slice %arg3[%dma_start3A_167, %dma_start3A_168] : memref<100000x32xf32, #tpu.memory_space<hbm>> -> memref<100000x32xf32, #tpu.memory_space<hbm>>
    %dma_start3A_170 = tpu.memref_slice %arg21[%dma_start3A_163] : memref<4x!tpu.dma_semaphore, #tpu.memory_space<semaphore_mem>> -> memref<1x!tpu.dma_semaphore, #tpu.memory_space<semaphore_mem>>
    %dma_start3A_171 = tpu.memref_squeeze %dma_start3A_170 : memref<1x!tpu.dma_semaphore, #tpu.memory_space<semaphore_mem>> -> memref<!tpu.dma_semaphore, #tpu.memory_space<semaphore_mem>>
    tpu.enqueue_indirect_dma source(%dma_start3A_169 : memref<100000x32xf32, #tpu.memory_space<hbm>>) target(%arg10 : memref<128x32xf32, #tpu.memory_space<vmem>>) offsets(%dma_start3A_166 : memref<128xi32, #tpu.memory_space<vmem>>) semaphore(%dma_start3A_171 : memref<!tpu.dma_semaphore, #tpu.memory_space<semaphore_mem>>)
    %dma_start3A_172 = arith.constant 0 : i32
    %dma_start3A_173 = arith.constant 1 : i32
    %dma_start3A_174 = arith.constant 1 : i32
    %dma_start3A_175 = arith.constant 0 : i32
    %dma_start3A_176 = tpu.memref_slice %arg8[%dma_start3A_172, %dma_start3A_173, %dma_start3A_175] : memref<2x8x128xi32, #tpu.memory_space<vmem>> -> memref<1x1x128xi32, #tpu.memory_space<vmem>>
    %dma_start3A_177 = tpu.memref_squeeze %dma_start3A_176 : memref<1x1x128xi32, #tpu.memory_space<vmem>> -> memref<128xi32, #tpu.memory_space<vmem>>
    %dma_start3A_178 = arith.constant 0 : i32
    %dma_start3A_179 = arith.constant 0 : i32
    %dma_start3A_180 = tpu.memref_slice %arg3[%dma_start3A_178, %dma_start3A_179] : memref<100000x32xf32, #tpu.memory_space<hbm>> -> memref<100000x32xf32, #tpu.memory_space<hbm>>
    %dma_start3A_181 = tpu.memref_slice %arg21[%dma_start3A_174] : memref<4x!tpu.dma_semaphore, #tpu.memory_space<semaphore_mem>> -> memref<1x!tpu.dma_semaphore, #tpu.memory_space<semaphore_mem>>
    %dma_start3A_182 = tpu.memref_squeeze %dma_start3A_181 : memref<1x!tpu.dma_semaphore, #tpu.memory_space<semaphore_mem>> -> memref<!tpu.dma_semaphore, #tpu.memory_space<semaphore_mem>>
    tpu.enqueue_indirect_dma source(%dma_start3A_180 : memref<100000x32xf32, #tpu.memory_space<hbm>>) target(%arg11 : memref<128x32xf32, #tpu.memory_space<vmem>>) offsets(%dma_start3A_177 : memref<128xi32, #tpu.memory_space<vmem>>) semaphore(%dma_start3A_182 : memref<!tpu.dma_semaphore, #tpu.memory_space<semaphore_mem>>)
    %dma_start3A_183 = arith.constant 0 : i32
    %dma_start3A_184 = arith.constant 2 : i32
    %dma_start3A_185 = arith.constant 2 : i32
    %dma_start3A_186 = arith.constant 0 : i32
    %dma_start3A_187 = tpu.memref_slice %arg8[%dma_start3A_183, %dma_start3A_184, %dma_start3A_186] : memref<2x8x128xi32, #tpu.memory_space<vmem>> -> memref<1x1x128xi32, #tpu.memory_space<vmem>>
    %dma_start3A_188 = tpu.memref_squeeze %dma_start3A_187 : memref<1x1x128xi32, #tpu.memory_space<vmem>> -> memref<128xi32, #tpu.memory_space<vmem>>
    %dma_start3A_189 = arith.constant 0 : i32
    %dma_start3A_190 = arith.constant 0 : i32
    %dma_start3A_191 = tpu.memref_slice %arg3[%dma_start3A_189, %dma_start3A_190] : memref<100000x32xf32, #tpu.memory_space<hbm>> -> memref<100000x32xf32, #tpu.memory_space<hbm>>
    %dma_start3A_192 = tpu.memref_slice %arg21[%dma_start3A_185] : memref<4x!tpu.dma_semaphore, #tpu.memory_space<semaphore_mem>> -> memref<1x!tpu.dma_semaphore, #tpu.memory_space<semaphore_mem>>
    %dma_start3A_193 = tpu.memref_squeeze %dma_start3A_192 : memref<1x!tpu.dma_semaphore, #tpu.memory_space<semaphore_mem>> -> memref<!tpu.dma_semaphore, #tpu.memory_space<semaphore_mem>>
    tpu.enqueue_indirect_dma source(%dma_start3A_191 : memref<100000x32xf32, #tpu.memory_space<hbm>>) target(%arg12 : memref<128x32xf32, #tpu.memory_space<vmem>>) offsets(%dma_start3A_188 : memref<128xi32, #tpu.memory_space<vmem>>) semaphore(%dma_start3A_193 : memref<!tpu.dma_semaphore, #tpu.memory_space<semaphore_mem>>)
    %min3A = arith.constant 1 : i32
    %min3A_194 = arith.constant 49 : i32
    %min3A_195 = arith.minsi %min3A, %min3A_194 : i32
    %dma_start3A_196 = arith.constant 0 : i32
    %dma_start3A_197 = arith.constant 3 : i32
    %dma_start3A_198 = arith.constant 3 : i32
    %dma_start3A_199 = arith.constant 0 : i32
    %dma_start3A_200 = tpu.memref_slice %arg8[%dma_start3A_196, %dma_start3A_197, %dma_start3A_199] : memref<2x8x128xi32, #tpu.memory_space<vmem>> -> memref<1x1x128xi32, #tpu.memory_space<vmem>>
    %dma_start3A_201 = tpu.memref_squeeze %dma_start3A_200 : memref<1x1x128xi32, #tpu.memory_space<vmem>> -> memref<128xi32, #tpu.memory_space<vmem>>
    %dma_start3A_202 = arith.constant 0 : i32
    %dma_start3A_203 = arith.constant 0 : i32
    %dma_start3A_204 = tpu.memref_slice %arg3[%dma_start3A_202, %dma_start3A_203] : memref<100000x32xf32, #tpu.memory_space<hbm>> -> memref<100000x32xf32, #tpu.memory_space<hbm>>
    %dma_start3A_205 = tpu.memref_slice %arg21[%dma_start3A_198] : memref<4x!tpu.dma_semaphore, #tpu.memory_space<semaphore_mem>> -> memref<1x!tpu.dma_semaphore, #tpu.memory_space<semaphore_mem>>
    %dma_start3A_206 = tpu.memref_squeeze %dma_start3A_205 : memref<1x!tpu.dma_semaphore, #tpu.memory_space<semaphore_mem>> -> memref<!tpu.dma_semaphore, #tpu.memory_space<semaphore_mem>>
    tpu.enqueue_indirect_dma source(%dma_start3A_204 : memref<100000x32xf32, #tpu.memory_space<hbm>>) target(%arg13 : memref<128x32xf32, #tpu.memory_space<vmem>>) offsets(%dma_start3A_201 : memref<128xi32, #tpu.memory_space<vmem>>) semaphore(%dma_start3A_206 : memref<!tpu.dma_semaphore, #tpu.memory_space<semaphore_mem>>)
    %dma_wait3A = arith.constant 0 : i32
    %dma_wait3A_207 = arith.constant 0 : i32
    %dma_wait3A_208 = arith.constant 0 : i32
    %dma_wait3A_209 = tpu.memref_slice %arg3[%dma_wait3A_207, %dma_wait3A_208] : memref<100000x32xf32, #tpu.memory_space<hbm>> -> memref<128x32xf32, #tpu.memory_space<hbm>>
    %dma_wait3A_210 = tpu.memref_slice %arg21[%dma_wait3A] : memref<4x!tpu.dma_semaphore, #tpu.memory_space<semaphore_mem>> -> memref<1x!tpu.dma_semaphore, #tpu.memory_space<semaphore_mem>>
    %dma_wait3A_211 = tpu.memref_squeeze %dma_wait3A_210 : memref<1x!tpu.dma_semaphore, #tpu.memory_space<semaphore_mem>> -> memref<!tpu.dma_semaphore, #tpu.memory_space<semaphore_mem>>
    %dma_wait3A_212 = arith.constant 0 : i32
    %dma_wait3A_213 = arith.constant 0 : i32
    %dma_wait3A_214 = tpu.memref_slice %arg3[%dma_wait3A_212, %dma_wait3A_213] : memref<100000x32xf32, #tpu.memory_space<hbm>> -> memref<128x32xf32, #tpu.memory_space<hbm>>
    tpu.wait_dma2 semaphore(%dma_wait3A_211 : memref<!tpu.dma_semaphore, #tpu.memory_space<semaphore_mem>>) src(%dma_wait3A_214 : memref<128x32xf32, #tpu.memory_space<hbm>>) dst(%arg10 : memref<128x32xf32, #tpu.memory_space<vmem>>)
    %run_scoped3A_215 = arith.constant 1 : i32
    %run_scoped3A_216 = arith.constant 0 : i32
    "tpu.region"() ({
      %run_scoped3A_721 = tpu.sem_alloc : memref<!tpu.dma_semaphore, #tpu.memory_space<semaphore_mem>>
      %dma_start3A_722 = arith.constant 0 : i32
      %dma_start3A_723 = tpu.memref_slice %arg8[%run_scoped3A_215, %run_scoped3A_216, %dma_start3A_722] : memref<2x8x128xi32, #tpu.memory_space<vmem>> -> memref<1x1x128xi32, #tpu.memory_space<vmem>>
      %dma_start3A_724 = tpu.memref_squeeze %dma_start3A_723 : memref<1x1x128xi32, #tpu.memory_space<vmem>> -> memref<128xi32, #tpu.memory_space<vmem>>
      %dma_start3A_725 = arith.constant 0 : i32
      %dma_start3A_726 = arith.constant 0 : i32
      %dma_start3A_727 = tpu.memref_slice %arg17[%dma_start3A_725, %dma_start3A_726] : memref<50176x32xf32, #tpu.memory_space<vmem_shared>> -> memref<50176x32xf32, #tpu.memory_space<vmem_shared>>
      tpu.enqueue_indirect_dma source(%arg10 : memref<128x32xf32, #tpu.memory_space<vmem>>) target(%dma_start3A_727 : memref<50176x32xf32, #tpu.memory_space<vmem_shared>>) offsets(%dma_start3A_724 : memref<128xi32, #tpu.memory_space<vmem>>) semaphore(%run_scoped3A_721 : memref<!tpu.dma_semaphore, #tpu.memory_space<semaphore_mem>>) {add = true}
      %dma_wait3A_728 = arith.constant 0 : i32
      %dma_wait3A_729 = tpu.memref_slice %arg8[%run_scoped3A_215, %run_scoped3A_216, %dma_wait3A_728] : memref<2x8x128xi32, #tpu.memory_space<vmem>> -> memref<1x1x128xi32, #tpu.memory_space<vmem>>
      %dma_wait3A_730 = tpu.memref_squeeze %dma_wait3A_729 : memref<1x1x128xi32, #tpu.memory_space<vmem>> -> memref<128xi32, #tpu.memory_space<vmem>>
      %dma_wait3A_731 = arith.constant 0 : i32
      %dma_wait3A_732 = arith.constant 0 : i32
      %dma_wait3A_733 = tpu.memref_slice %arg17[%dma_wait3A_731, %dma_wait3A_732] : memref<50176x32xf32, #tpu.memory_space<vmem_shared>> -> memref<50176x32xf32, #tpu.memory_space<vmem_shared>>
      tpu.wait_indirect_dma semaphore(%run_scoped3A_721 : memref<!tpu.dma_semaphore, #tpu.memory_space<semaphore_mem>>) src(%arg10 : memref<128x32xf32, #tpu.memory_space<vmem>>) dst(%dma_wait3A_733 : memref<50176x32xf32, #tpu.memory_space<vmem_shared>>)
      tpu.yield
    }) : () -> ()
    %run_scoped3A_217 = arith.constant 1 : i32
    %run_scoped3A_218 = arith.constant 0 : i32
    "tpu.region"() ({
      %run_scoped3A_721 = tpu.sem_alloc : memref<!tpu.dma_semaphore, #tpu.memory_space<semaphore_mem>>
      %dma_start3A_722 = arith.constant 0 : i32
      %dma_start3A_723 = tpu.memref_slice %arg8[%run_scoped3A_217, %run_scoped3A_218, %dma_start3A_722] : memref<2x8x128xi32, #tpu.memory_space<vmem>> -> memref<1x1x128xi32, #tpu.memory_space<vmem>>
      %dma_start3A_724 = tpu.memref_squeeze %dma_start3A_723 : memref<1x1x128xi32, #tpu.memory_space<vmem>> -> memref<128xi32, #tpu.memory_space<vmem>>
      %dma_start3A_725 = arith.constant 0 : i32
      %dma_start3A_726 = tpu.memref_slice %arg18[%dma_start3A_725] : memref<50176xf32, #tpu.memory_space<vmem_shared>> -> memref<50176xf32, #tpu.memory_space<vmem_shared>>
      tpu.enqueue_indirect_dma source(%arg14 : memref<128xf32, #tpu.memory_space<vmem>>) target(%dma_start3A_726 : memref<50176xf32, #tpu.memory_space<vmem_shared>>) offsets(%dma_start3A_724 : memref<128xi32, #tpu.memory_space<vmem>>) semaphore(%run_scoped3A_721 : memref<!tpu.dma_semaphore, #tpu.memory_space<semaphore_mem>>) {add = true}
      %dma_wait3A_727 = arith.constant 0 : i32
      %dma_wait3A_728 = tpu.memref_slice %arg8[%run_scoped3A_217, %run_scoped3A_218, %dma_wait3A_727] : memref<2x8x128xi32, #tpu.memory_space<vmem>> -> memref<1x1x128xi32, #tpu.memory_space<vmem>>
      %dma_wait3A_729 = tpu.memref_squeeze %dma_wait3A_728 : memref<1x1x128xi32, #tpu.memory_space<vmem>> -> memref<128xi32, #tpu.memory_space<vmem>>
      %dma_wait3A_730 = arith.constant 0 : i32
      %dma_wait3A_731 = tpu.memref_slice %arg18[%dma_wait3A_730] : memref<50176xf32, #tpu.memory_space<vmem_shared>> -> memref<50176xf32, #tpu.memory_space<vmem_shared>>
      tpu.wait_indirect_dma semaphore(%run_scoped3A_721 : memref<!tpu.dma_semaphore, #tpu.memory_space<semaphore_mem>>) src(%arg14 : memref<128xf32, #tpu.memory_space<vmem>>) dst(%dma_wait3A_731 : memref<50176xf32, #tpu.memory_space<vmem_shared>>)
      tpu.yield
    }) : () -> ()
    %dma_start3A_219 = arith.constant 0 : i32
    %dma_start3A_220 = arith.constant 4 : i32
    %dma_start3A_221 = arith.constant 0 : i32
    %dma_start3A_222 = arith.constant 0 : i32
    %dma_start3A_223 = tpu.memref_slice %arg8[%dma_start3A_219, %dma_start3A_220, %dma_start3A_222] : memref<2x8x128xi32, #tpu.memory_space<vmem>> -> memref<1x1x128xi32, #tpu.memory_space<vmem>>
    %dma_start3A_224 = tpu.memref_squeeze %dma_start3A_223 : memref<1x1x128xi32, #tpu.memory_space<vmem>> -> memref<128xi32, #tpu.memory_space<vmem>>
    %dma_start3A_225 = arith.constant 0 : i32
    %dma_start3A_226 = arith.constant 0 : i32
    %dma_start3A_227 = tpu.memref_slice %arg3[%dma_start3A_225, %dma_start3A_226] : memref<100000x32xf32, #tpu.memory_space<hbm>> -> memref<100000x32xf32, #tpu.memory_space<hbm>>
    %dma_start3A_228 = tpu.memref_slice %arg21[%dma_start3A_221] : memref<4x!tpu.dma_semaphore, #tpu.memory_space<semaphore_mem>> -> memref<1x!tpu.dma_semaphore, #tpu.memory_space<semaphore_mem>>
    %dma_start3A_229 = tpu.memref_squeeze %dma_start3A_228 : memref<1x!tpu.dma_semaphore, #tpu.memory_space<semaphore_mem>> -> memref<!tpu.dma_semaphore, #tpu.memory_space<semaphore_mem>>
    tpu.enqueue_indirect_dma source(%dma_start3A_227 : memref<100000x32xf32, #tpu.memory_space<hbm>>) target(%arg10 : memref<128x32xf32, #tpu.memory_space<vmem>>) offsets(%dma_start3A_224 : memref<128xi32, #tpu.memory_space<vmem>>) semaphore(%dma_start3A_229 : memref<!tpu.dma_semaphore, #tpu.memory_space<semaphore_mem>>)
    %dma_wait3A_230 = arith.constant 1 : i32
    %dma_wait3A_231 = arith.constant 0 : i32
    %dma_wait3A_232 = arith.constant 0 : i32
    %dma_wait3A_233 = tpu.memref_slice %arg3[%dma_wait3A_231, %dma_wait3A_232] : memref<100000x32xf32, #tpu.memory_space<hbm>> -> memref<128x32xf32, #tpu.memory_space<hbm>>
    %dma_wait3A_234 = tpu.memref_slice %arg21[%dma_wait3A_230] : memref<4x!tpu.dma_semaphore, #tpu.memory_space<semaphore_mem>> -> memref<1x!tpu.dma_semaphore, #tpu.memory_space<semaphore_mem>>
    %dma_wait3A_235 = tpu.memref_squeeze %dma_wait3A_234 : memref<1x!tpu.dma_semaphore, #tpu.memory_space<semaphore_mem>> -> memref<!tpu.dma_semaphore, #tpu.memory_space<semaphore_mem>>
    %dma_wait3A_236 = arith.constant 0 : i32
    %dma_wait3A_237 = arith.constant 0 : i32
    %dma_wait3A_238 = tpu.memref_slice %arg3[%dma_wait3A_236, %dma_wait3A_237] : memref<100000x32xf32, #tpu.memory_space<hbm>> -> memref<128x32xf32, #tpu.memory_space<hbm>>
    tpu.wait_dma2 semaphore(%dma_wait3A_235 : memref<!tpu.dma_semaphore, #tpu.memory_space<semaphore_mem>>) src(%dma_wait3A_238 : memref<128x32xf32, #tpu.memory_space<hbm>>) dst(%arg11 : memref<128x32xf32, #tpu.memory_space<vmem>>)
    %run_scoped3A_239 = arith.constant 1 : i32
    %run_scoped3A_240 = arith.constant 1 : i32
    "tpu.region"() ({
      %run_scoped3A_721 = tpu.sem_alloc : memref<!tpu.dma_semaphore, #tpu.memory_space<semaphore_mem>>
      %dma_start3A_722 = arith.constant 0 : i32
      %dma_start3A_723 = tpu.memref_slice %arg8[%run_scoped3A_239, %run_scoped3A_240, %dma_start3A_722] : memref<2x8x128xi32, #tpu.memory_space<vmem>> -> memref<1x1x128xi32, #tpu.memory_space<vmem>>
      %dma_start3A_724 = tpu.memref_squeeze %dma_start3A_723 : memref<1x1x128xi32, #tpu.memory_space<vmem>> -> memref<128xi32, #tpu.memory_space<vmem>>
      %dma_start3A_725 = arith.constant 0 : i32
      %dma_start3A_726 = arith.constant 0 : i32
      %dma_start3A_727 = tpu.memref_slice %arg17[%dma_start3A_725, %dma_start3A_726] : memref<50176x32xf32, #tpu.memory_space<vmem_shared>> -> memref<50176x32xf32, #tpu.memory_space<vmem_shared>>
      tpu.enqueue_indirect_dma source(%arg11 : memref<128x32xf32, #tpu.memory_space<vmem>>) target(%dma_start3A_727 : memref<50176x32xf32, #tpu.memory_space<vmem_shared>>) offsets(%dma_start3A_724 : memref<128xi32, #tpu.memory_space<vmem>>) semaphore(%run_scoped3A_721 : memref<!tpu.dma_semaphore, #tpu.memory_space<semaphore_mem>>) {add = true}
      %dma_wait3A_728 = arith.constant 0 : i32
      %dma_wait3A_729 = tpu.memref_slice %arg8[%run_scoped3A_239, %run_scoped3A_240, %dma_wait3A_728] : memref<2x8x128xi32, #tpu.memory_space<vmem>> -> memref<1x1x128xi32, #tpu.memory_space<vmem>>
      %dma_wait3A_730 = tpu.memref_squeeze %dma_wait3A_729 : memref<1x1x128xi32, #tpu.memory_space<vmem>> -> memref<128xi32, #tpu.memory_space<vmem>>
      %dma_wait3A_731 = arith.constant 0 : i32
      %dma_wait3A_732 = arith.constant 0 : i32
      %dma_wait3A_733 = tpu.memref_slice %arg17[%dma_wait3A_731, %dma_wait3A_732] : memref<50176x32xf32, #tpu.memory_space<vmem_shared>> -> memref<50176x32xf32, #tpu.memory_space<vmem_shared>>
      tpu.wait_indirect_dma semaphore(%run_scoped3A_721 : memref<!tpu.dma_semaphore, #tpu.memory_space<semaphore_mem>>) src(%arg11 : memref<128x32xf32, #tpu.memory_space<vmem>>) dst(%dma_wait3A_733 : memref<50176x32xf32, #tpu.memory_space<vmem_shared>>)
      tpu.yield
    }) : () -> ()
    %run_scoped3A_241 = arith.constant 1 : i32
    %run_scoped3A_242 = arith.constant 1 : i32
    "tpu.region"() ({
      %run_scoped3A_721 = tpu.sem_alloc : memref<!tpu.dma_semaphore, #tpu.memory_space<semaphore_mem>>
      %dma_start3A_722 = arith.constant 0 : i32
      %dma_start3A_723 = tpu.memref_slice %arg8[%run_scoped3A_241, %run_scoped3A_242, %dma_start3A_722] : memref<2x8x128xi32, #tpu.memory_space<vmem>> -> memref<1x1x128xi32, #tpu.memory_space<vmem>>
      %dma_start3A_724 = tpu.memref_squeeze %dma_start3A_723 : memref<1x1x128xi32, #tpu.memory_space<vmem>> -> memref<128xi32, #tpu.memory_space<vmem>>
      %dma_start3A_725 = arith.constant 0 : i32
      %dma_start3A_726 = tpu.memref_slice %arg18[%dma_start3A_725] : memref<50176xf32, #tpu.memory_space<vmem_shared>> -> memref<50176xf32, #tpu.memory_space<vmem_shared>>
      tpu.enqueue_indirect_dma source(%arg14 : memref<128xf32, #tpu.memory_space<vmem>>) target(%dma_start3A_726 : memref<50176xf32, #tpu.memory_space<vmem_shared>>) offsets(%dma_start3A_724 : memref<128xi32, #tpu.memory_space<vmem>>) semaphore(%run_scoped3A_721 : memref<!tpu.dma_semaphore, #tpu.memory_space<semaphore_mem>>) {add = true}
      %dma_wait3A_727 = arith.constant 0 : i32
      %dma_wait3A_728 = tpu.memref_slice %arg8[%run_scoped3A_241, %run_scoped3A_242, %dma_wait3A_727] : memref<2x8x128xi32, #tpu.memory_space<vmem>> -> memref<1x1x128xi32, #tpu.memory_space<vmem>>
      %dma_wait3A_729 = tpu.memref_squeeze %dma_wait3A_728 : memref<1x1x128xi32, #tpu.memory_space<vmem>> -> memref<128xi32, #tpu.memory_space<vmem>>
      %dma_wait3A_730 = arith.constant 0 : i32
      %dma_wait3A_731 = tpu.memref_slice %arg18[%dma_wait3A_730] : memref<50176xf32, #tpu.memory_space<vmem_shared>> -> memref<50176xf32, #tpu.memory_space<vmem_shared>>
      tpu.wait_indirect_dma semaphore(%run_scoped3A_721 : memref<!tpu.dma_semaphore, #tpu.memory_space<semaphore_mem>>) src(%arg14 : memref<128xf32, #tpu.memory_space<vmem>>) dst(%dma_wait3A_731 : memref<50176xf32, #tpu.memory_space<vmem_shared>>)
      tpu.yield
    }) : () -> ()
    %dma_start3A_243 = arith.constant 0 : i32
    %dma_start3A_244 = arith.constant 0 : i32
    %dma_start3A_245 = arith.constant 0 : i32
    %dma_start3A_246 = tpu.memref_slice %arg2[%arg0, %arg1, %min3A_195, %dma_start3A_243, %dma_start3A_244, %dma_start3A_245] : memref<2x16x50x2x8x128xi32, #tpu.memory_space<hbm>> -> memref<1x1x1x2x8x128xi32, #tpu.memory_space<hbm>>
    %dma_start3A_247 = tpu.memref_squeeze %dma_start3A_246 : memref<1x1x1x2x8x128xi32, #tpu.memory_space<hbm>> -> memref<2x8x128xi32, #tpu.memory_space<hbm>>
    %dma_start3A_248 = arith.constant 0 : i32
    %dma_start3A_249 = arith.constant 0 : i32
    %dma_start3A_250 = arith.constant 0 : i32
    %dma_start3A_251 = tpu.memref_slice %arg2[%arg0, %arg1, %min3A_195, %dma_start3A_248, %dma_start3A_249, %dma_start3A_250] : memref<2x16x50x2x8x128xi32, #tpu.memory_space<hbm>> -> memref<1x1x1x2x8x128xi32, #tpu.memory_space<hbm>>
    %dma_start3A_252 = tpu.memref_squeeze %dma_start3A_251 : memref<1x1x1x2x8x128xi32, #tpu.memory_space<hbm>> -> memref<2x8x128xi32, #tpu.memory_space<hbm>>
    tpu.enqueue_dma source(%dma_start3A_252 : memref<2x8x128xi32, #tpu.memory_space<hbm>>) target(%arg9 : memref<2x8x128xi32, #tpu.memory_space<vmem>>) target_semaphore(%arg20 : memref<!tpu.dma_semaphore, #tpu.memory_space<semaphore_mem>>)
    %dma_start3A_253 = arith.constant 0 : i32
    %dma_start3A_254 = arith.constant 5 : i32
    %dma_start3A_255 = arith.constant 1 : i32
    %dma_start3A_256 = arith.constant 0 : i32
    %dma_start3A_257 = tpu.memref_slice %arg8[%dma_start3A_253, %dma_start3A_254, %dma_start3A_256] : memref<2x8x128xi32, #tpu.memory_space<vmem>> -> memref<1x1x128xi32, #tpu.memory_space<vmem>>
    %dma_start3A_258 = tpu.memref_squeeze %dma_start3A_257 : memref<1x1x128xi32, #tpu.memory_space<vmem>> -> memref<128xi32, #tpu.memory_space<vmem>>
    %dma_start3A_259 = arith.constant 0 : i32
    %dma_start3A_260 = arith.constant 0 : i32
    %dma_start3A_261 = tpu.memref_slice %arg3[%dma_start3A_259, %dma_start3A_260] : memref<100000x32xf32, #tpu.memory_space<hbm>> -> memref<100000x32xf32, #tpu.memory_space<hbm>>
    %dma_start3A_262 = tpu.memref_slice %arg21[%dma_start3A_255] : memref<4x!tpu.dma_semaphore, #tpu.memory_space<semaphore_mem>> -> memref<1x!tpu.dma_semaphore, #tpu.memory_space<semaphore_mem>>
    %dma_start3A_263 = tpu.memref_squeeze %dma_start3A_262 : memref<1x!tpu.dma_semaphore, #tpu.memory_space<semaphore_mem>> -> memref<!tpu.dma_semaphore, #tpu.memory_space<semaphore_mem>>
    tpu.enqueue_indirect_dma source(%dma_start3A_261 : memref<100000x32xf32, #tpu.memory_space<hbm>>) target(%arg11 : memref<128x32xf32, #tpu.memory_space<vmem>>) offsets(%dma_start3A_258 : memref<128xi32, #tpu.memory_space<vmem>>) semaphore(%dma_start3A_263 : memref<!tpu.dma_semaphore, #tpu.memory_space<semaphore_mem>>)
    %dma_wait3A_264 = arith.constant 2 : i32
    %dma_wait3A_265 = arith.constant 0 : i32
    %dma_wait3A_266 = arith.constant 0 : i32
    %dma_wait3A_267 = tpu.memref_slice %arg3[%dma_wait3A_265, %dma_wait3A_266] : memref<100000x32xf32, #tpu.memory_space<hbm>> -> memref<128x32xf32, #tpu.memory_space<hbm>>
    %dma_wait3A_268 = tpu.memref_slice %arg21[%dma_wait3A_264] : memref<4x!tpu.dma_semaphore, #tpu.memory_space<semaphore_mem>> -> memref<1x!tpu.dma_semaphore, #tpu.memory_space<semaphore_mem>>
    %dma_wait3A_269 = tpu.memref_squeeze %dma_wait3A_268 : memref<1x!tpu.dma_semaphore, #tpu.memory_space<semaphore_mem>> -> memref<!tpu.dma_semaphore, #tpu.memory_space<semaphore_mem>>
    %dma_wait3A_270 = arith.constant 0 : i32
    %dma_wait3A_271 = arith.constant 0 : i32
    %dma_wait3A_272 = tpu.memref_slice %arg3[%dma_wait3A_270, %dma_wait3A_271] : memref<100000x32xf32, #tpu.memory_space<hbm>> -> memref<128x32xf32, #tpu.memory_space<hbm>>
    tpu.wait_dma2 semaphore(%dma_wait3A_269 : memref<!tpu.dma_semaphore, #tpu.memory_space<semaphore_mem>>) src(%dma_wait3A_272 : memref<128x32xf32, #tpu.memory_space<hbm>>) dst(%arg12 : memref<128x32xf32, #tpu.memory_space<vmem>>)
    %run_scoped3A_273 = arith.constant 1 : i32
    %run_scoped3A_274 = arith.constant 2 : i32
    "tpu.region"() ({
      %run_scoped3A_721 = tpu.sem_alloc : memref<!tpu.dma_semaphore, #tpu.memory_space<semaphore_mem>>
      %dma_start3A_722 = arith.constant 0 : i32
      %dma_start3A_723 = tpu.memref_slice %arg8[%run_scoped3A_273, %run_scoped3A_274, %dma_start3A_722] : memref<2x8x128xi32, #tpu.memory_space<vmem>> -> memref<1x1x128xi32, #tpu.memory_space<vmem>>
      %dma_start3A_724 = tpu.memref_squeeze %dma_start3A_723 : memref<1x1x128xi32, #tpu.memory_space<vmem>> -> memref<128xi32, #tpu.memory_space<vmem>>
      %dma_start3A_725 = arith.constant 0 : i32
      %dma_start3A_726 = arith.constant 0 : i32
      %dma_start3A_727 = tpu.memref_slice %arg17[%dma_start3A_725, %dma_start3A_726] : memref<50176x32xf32, #tpu.memory_space<vmem_shared>> -> memref<50176x32xf32, #tpu.memory_space<vmem_shared>>
      tpu.enqueue_indirect_dma source(%arg12 : memref<128x32xf32, #tpu.memory_space<vmem>>) target(%dma_start3A_727 : memref<50176x32xf32, #tpu.memory_space<vmem_shared>>) offsets(%dma_start3A_724 : memref<128xi32, #tpu.memory_space<vmem>>) semaphore(%run_scoped3A_721 : memref<!tpu.dma_semaphore, #tpu.memory_space<semaphore_mem>>) {add = true}
      %dma_wait3A_728 = arith.constant 0 : i32
      %dma_wait3A_729 = tpu.memref_slice %arg8[%run_scoped3A_273, %run_scoped3A_274, %dma_wait3A_728] : memref<2x8x128xi32, #tpu.memory_space<vmem>> -> memref<1x1x128xi32, #tpu.memory_space<vmem>>
      %dma_wait3A_730 = tpu.memref_squeeze %dma_wait3A_729 : memref<1x1x128xi32, #tpu.memory_space<vmem>> -> memref<128xi32, #tpu.memory_space<vmem>>
      %dma_wait3A_731 = arith.constant 0 : i32
      %dma_wait3A_732 = arith.constant 0 : i32
      %dma_wait3A_733 = tpu.memref_slice %arg17[%dma_wait3A_731, %dma_wait3A_732] : memref<50176x32xf32, #tpu.memory_space<vmem_shared>> -> memref<50176x32xf32, #tpu.memory_space<vmem_shared>>
      tpu.wait_indirect_dma semaphore(%run_scoped3A_721 : memref<!tpu.dma_semaphore, #tpu.memory_space<semaphore_mem>>) src(%arg12 : memref<128x32xf32, #tpu.memory_space<vmem>>) dst(%dma_wait3A_733 : memref<50176x32xf32, #tpu.memory_space<vmem_shared>>)
      tpu.yield
    }) : () -> ()
    %run_scoped3A_275 = arith.constant 1 : i32
    %run_scoped3A_276 = arith.constant 2 : i32
    "tpu.region"() ({
      %run_scoped3A_721 = tpu.sem_alloc : memref<!tpu.dma_semaphore, #tpu.memory_space<semaphore_mem>>
      %dma_start3A_722 = arith.constant 0 : i32
      %dma_start3A_723 = tpu.memref_slice %arg8[%run_scoped3A_275, %run_scoped3A_276, %dma_start3A_722] : memref<2x8x128xi32, #tpu.memory_space<vmem>> -> memref<1x1x128xi32, #tpu.memory_space<vmem>>
      %dma_start3A_724 = tpu.memref_squeeze %dma_start3A_723 : memref<1x1x128xi32, #tpu.memory_space<vmem>> -> memref<128xi32, #tpu.memory_space<vmem>>
      %dma_start3A_725 = arith.constant 0 : i32
      %dma_start3A_726 = tpu.memref_slice %arg18[%dma_start3A_725] : memref<50176xf32, #tpu.memory_space<vmem_shared>> -> memref<50176xf32, #tpu.memory_space<vmem_shared>>
      tpu.enqueue_indirect_dma source(%arg14 : memref<128xf32, #tpu.memory_space<vmem>>) target(%dma_start3A_726 : memref<50176xf32, #tpu.memory_space<vmem_shared>>) offsets(%dma_start3A_724 : memref<128xi32, #tpu.memory_space<vmem>>) semaphore(%run_scoped3A_721 : memref<!tpu.dma_semaphore, #tpu.memory_space<semaphore_mem>>) {add = true}
      %dma_wait3A_727 = arith.constant 0 : i32
      %dma_wait3A_728 = tpu.memref_slice %arg8[%run_scoped3A_275, %run_scoped3A_276, %dma_wait3A_727] : memref<2x8x128xi32, #tpu.memory_space<vmem>> -> memref<1x1x128xi32, #tpu.memory_space<vmem>>
      %dma_wait3A_729 = tpu.memref_squeeze %dma_wait3A_728 : memref<1x1x128xi32, #tpu.memory_space<vmem>> -> memref<128xi32, #tpu.memory_space<vmem>>
      %dma_wait3A_730 = arith.constant 0 : i32
      %dma_wait3A_731 = tpu.memref_slice %arg18[%dma_wait3A_730] : memref<50176xf32, #tpu.memory_space<vmem_shared>> -> memref<50176xf32, #tpu.memory_space<vmem_shared>>
      tpu.wait_indirect_dma semaphore(%run_scoped3A_721 : memref<!tpu.dma_semaphore, #tpu.memory_space<semaphore_mem>>) src(%arg14 : memref<128xf32, #tpu.memory_space<vmem>>) dst(%dma_wait3A_731 : memref<50176xf32, #tpu.memory_space<vmem_shared>>)
      tpu.yield
    }) : () -> ()
    %dma_start3A_277 = arith.constant 0 : i32
    %dma_start3A_278 = arith.constant 6 : i32
    %dma_start3A_279 = arith.constant 2 : i32
    %dma_start3A_280 = arith.constant 0 : i32
    %dma_start3A_281 = tpu.memref_slice %arg8[%dma_start3A_277, %dma_start3A_278, %dma_start3A_280] : memref<2x8x128xi32, #tpu.memory_space<vmem>> -> memref<1x1x128xi32, #tpu.memory_space<vmem>>
    %dma_start3A_282 = tpu.memref_squeeze %dma_start3A_281 : memref<1x1x128xi32, #tpu.memory_space<vmem>> -> memref<128xi32, #tpu.memory_space<vmem>>
    %dma_start3A_283 = arith.constant 0 : i32
    %dma_start3A_284 = arith.constant 0 : i32
    %dma_start3A_285 = tpu.memref_slice %arg3[%dma_start3A_283, %dma_start3A_284] : memref<100000x32xf32, #tpu.memory_space<hbm>> -> memref<100000x32xf32, #tpu.memory_space<hbm>>
    %dma_start3A_286 = tpu.memref_slice %arg21[%dma_start3A_279] : memref<4x!tpu.dma_semaphore, #tpu.memory_space<semaphore_mem>> -> memref<1x!tpu.dma_semaphore, #tpu.memory_space<semaphore_mem>>
    %dma_start3A_287 = tpu.memref_squeeze %dma_start3A_286 : memref<1x!tpu.dma_semaphore, #tpu.memory_space<semaphore_mem>> -> memref<!tpu.dma_semaphore, #tpu.memory_space<semaphore_mem>>
    tpu.enqueue_indirect_dma source(%dma_start3A_285 : memref<100000x32xf32, #tpu.memory_space<hbm>>) target(%arg12 : memref<128x32xf32, #tpu.memory_space<vmem>>) offsets(%dma_start3A_282 : memref<128xi32, #tpu.memory_space<vmem>>) semaphore(%dma_start3A_287 : memref<!tpu.dma_semaphore, #tpu.memory_space<semaphore_mem>>)
    %dma_wait3A_288 = arith.constant 3 : i32
    %dma_wait3A_289 = arith.constant 0 : i32
    %dma_wait3A_290 = arith.constant 0 : i32
    %dma_wait3A_291 = tpu.memref_slice %arg3[%dma_wait3A_289, %dma_wait3A_290] : memref<100000x32xf32, #tpu.memory_space<hbm>> -> memref<128x32xf32, #tpu.memory_space<hbm>>
    %dma_wait3A_292 = tpu.memref_slice %arg21[%dma_wait3A_288] : memref<4x!tpu.dma_semaphore, #tpu.memory_space<semaphore_mem>> -> memref<1x!tpu.dma_semaphore, #tpu.memory_space<semaphore_mem>>
    %dma_wait3A_293 = tpu.memref_squeeze %dma_wait3A_292 : memref<1x!tpu.dma_semaphore, #tpu.memory_space<semaphore_mem>> -> memref<!tpu.dma_semaphore, #tpu.memory_space<semaphore_mem>>
    %dma_wait3A_294 = arith.constant 0 : i32
    %dma_wait3A_295 = arith.constant 0 : i32
    %dma_wait3A_296 = tpu.memref_slice %arg3[%dma_wait3A_294, %dma_wait3A_295] : memref<100000x32xf32, #tpu.memory_space<hbm>> -> memref<128x32xf32, #tpu.memory_space<hbm>>
    tpu.wait_dma2 semaphore(%dma_wait3A_293 : memref<!tpu.dma_semaphore, #tpu.memory_space<semaphore_mem>>) src(%dma_wait3A_296 : memref<128x32xf32, #tpu.memory_space<hbm>>) dst(%arg13 : memref<128x32xf32, #tpu.memory_space<vmem>>)
    %run_scoped3A_297 = arith.constant 1 : i32
    %run_scoped3A_298 = arith.constant 3 : i32
    "tpu.region"() ({
      %run_scoped3A_721 = tpu.sem_alloc : memref<!tpu.dma_semaphore, #tpu.memory_space<semaphore_mem>>
      %dma_start3A_722 = arith.constant 0 : i32
      %dma_start3A_723 = tpu.memref_slice %arg8[%run_scoped3A_297, %run_scoped3A_298, %dma_start3A_722] : memref<2x8x128xi32, #tpu.memory_space<vmem>> -> memref<1x1x128xi32, #tpu.memory_space<vmem>>
      %dma_start3A_724 = tpu.memref_squeeze %dma_start3A_723 : memref<1x1x128xi32, #tpu.memory_space<vmem>> -> memref<128xi32, #tpu.memory_space<vmem>>
      %dma_start3A_725 = arith.constant 0 : i32
      %dma_start3A_726 = arith.constant 0 : i32
      %dma_start3A_727 = tpu.memref_slice %arg17[%dma_start3A_725, %dma_start3A_726] : memref<50176x32xf32, #tpu.memory_space<vmem_shared>> -> memref<50176x32xf32, #tpu.memory_space<vmem_shared>>
      tpu.enqueue_indirect_dma source(%arg13 : memref<128x32xf32, #tpu.memory_space<vmem>>) target(%dma_start3A_727 : memref<50176x32xf32, #tpu.memory_space<vmem_shared>>) offsets(%dma_start3A_724 : memref<128xi32, #tpu.memory_space<vmem>>) semaphore(%run_scoped3A_721 : memref<!tpu.dma_semaphore, #tpu.memory_space<semaphore_mem>>) {add = true}
      %dma_wait3A_728 = arith.constant 0 : i32
      %dma_wait3A_729 = tpu.memref_slice %arg8[%run_scoped3A_297, %run_scoped3A_298, %dma_wait3A_728] : memref<2x8x128xi32, #tpu.memory_space<vmem>> -> memref<1x1x128xi32, #tpu.memory_space<vmem>>
      %dma_wait3A_730 = tpu.memref_squeeze %dma_wait3A_729 : memref<1x1x128xi32, #tpu.memory_space<vmem>> -> memref<128xi32, #tpu.memory_space<vmem>>
      %dma_wait3A_731 = arith.constant 0 : i32
      %dma_wait3A_732 = arith.constant 0 : i32
      %dma_wait3A_733 = tpu.memref_slice %arg17[%dma_wait3A_731, %dma_wait3A_732] : memref<50176x32xf32, #tpu.memory_space<vmem_shared>> -> memref<50176x32xf32, #tpu.memory_space<vmem_shared>>
      tpu.wait_indirect_dma semaphore(%run_scoped3A_721 : memref<!tpu.dma_semaphore, #tpu.memory_space<semaphore_mem>>) src(%arg13 : memref<128x32xf32, #tpu.memory_space<vmem>>) dst(%dma_wait3A_733 : memref<50176x32xf32, #tpu.memory_space<vmem_shared>>)
      tpu.yield
    }) : () -> ()
    %run_scoped3A_299 = arith.constant 1 : i32
    %run_scoped3A_300 = arith.constant 3 : i32
    "tpu.region"() ({
      %run_scoped3A_721 = tpu.sem_alloc : memref<!tpu.dma_semaphore, #tpu.memory_space<semaphore_mem>>
      %dma_start3A_722 = arith.constant 0 : i32
      %dma_start3A_723 = tpu.memref_slice %arg8[%run_scoped3A_299, %run_scoped3A_300, %dma_start3A_722] : memref<2x8x128xi32, #tpu.memory_space<vmem>> -> memref<1x1x128xi32, #tpu.memory_space<vmem>>
      %dma_start3A_724 = tpu.memref_squeeze %dma_start3A_723 : memref<1x1x128xi32, #tpu.memory_space<vmem>> -> memref<128xi32, #tpu.memory_space<vmem>>
      %dma_start3A_725 = arith.constant 0 : i32
      %dma_start3A_726 = tpu.memref_slice %arg18[%dma_start3A_725] : memref<50176xf32, #tpu.memory_space<vmem_shared>> -> memref<50176xf32, #tpu.memory_space<vmem_shared>>
      tpu.enqueue_indirect_dma source(%arg14 : memref<128xf32, #tpu.memory_space<vmem>>) target(%dma_start3A_726 : memref<50176xf32, #tpu.memory_space<vmem_shared>>) offsets(%dma_start3A_724 : memref<128xi32, #tpu.memory_space<vmem>>) semaphore(%run_scoped3A_721 : memref<!tpu.dma_semaphore, #tpu.memory_space<semaphore_mem>>) {add = true}
      %dma_wait3A_727 = arith.constant 0 : i32
      %dma_wait3A_728 = tpu.memref_slice %arg8[%run_scoped3A_299, %run_scoped3A_300, %dma_wait3A_727] : memref<2x8x128xi32, #tpu.memory_space<vmem>> -> memref<1x1x128xi32, #tpu.memory_space<vmem>>
      %dma_wait3A_729 = tpu.memref_squeeze %dma_wait3A_728 : memref<1x1x128xi32, #tpu.memory_space<vmem>> -> memref<128xi32, #tpu.memory_space<vmem>>
      %dma_wait3A_730 = arith.constant 0 : i32
      %dma_wait3A_731 = tpu.memref_slice %arg18[%dma_wait3A_730] : memref<50176xf32, #tpu.memory_space<vmem_shared>> -> memref<50176xf32, #tpu.memory_space<vmem_shared>>
      tpu.wait_indirect_dma semaphore(%run_scoped3A_721 : memref<!tpu.dma_semaphore, #tpu.memory_space<semaphore_mem>>) src(%arg14 : memref<128xf32, #tpu.memory_space<vmem>>) dst(%dma_wait3A_731 : memref<50176xf32, #tpu.memory_space<vmem_shared>>)
      tpu.yield
    }) : () -> ()
    %dma_start3A_301 = arith.constant 0 : i32
    %dma_start3A_302 = arith.constant 7 : i32
    %dma_start3A_303 = arith.constant 3 : i32
    %dma_start3A_304 = arith.constant 0 : i32
    %dma_start3A_305 = tpu.memref_slice %arg8[%dma_start3A_301, %dma_start3A_302, %dma_start3A_304] : memref<2x8x128xi32, #tpu.memory_space<vmem>> -> memref<1x1x128xi32, #tpu.memory_space<vmem>>
    %dma_start3A_306 = tpu.memref_squeeze %dma_start3A_305 : memref<1x1x128xi32, #tpu.memory_space<vmem>> -> memref<128xi32, #tpu.memory_space<vmem>>
    %dma_start3A_307 = arith.constant 0 : i32
    %dma_start3A_308 = arith.constant 0 : i32
    %dma_start3A_309 = tpu.memref_slice %arg3[%dma_start3A_307, %dma_start3A_308] : memref<100000x32xf32, #tpu.memory_space<hbm>> -> memref<100000x32xf32, #tpu.memory_space<hbm>>
    %dma_start3A_310 = tpu.memref_slice %arg21[%dma_start3A_303] : memref<4x!tpu.dma_semaphore, #tpu.memory_space<semaphore_mem>> -> memref<1x!tpu.dma_semaphore, #tpu.memory_space<semaphore_mem>>
    %dma_start3A_311 = tpu.memref_squeeze %dma_start3A_310 : memref<1x!tpu.dma_semaphore, #tpu.memory_space<semaphore_mem>> -> memref<!tpu.dma_semaphore, #tpu.memory_space<semaphore_mem>>
    tpu.enqueue_indirect_dma source(%dma_start3A_309 : memref<100000x32xf32, #tpu.memory_space<hbm>>) target(%arg13 : memref<128x32xf32, #tpu.memory_space<vmem>>) offsets(%dma_start3A_306 : memref<128xi32, #tpu.memory_space<vmem>>) semaphore(%dma_start3A_311 : memref<!tpu.dma_semaphore, #tpu.memory_space<semaphore_mem>>)
    %dma_wait3A_312 = arith.constant 0 : i32
    %dma_wait3A_313 = arith.constant 0 : i32
    %dma_wait3A_314 = arith.constant 0 : i32
    %dma_wait3A_315 = tpu.memref_slice %arg3[%dma_wait3A_313, %dma_wait3A_314] : memref<100000x32xf32, #tpu.memory_space<hbm>> -> memref<128x32xf32, #tpu.memory_space<hbm>>
    %dma_wait3A_316 = tpu.memref_slice %arg21[%dma_wait3A_312] : memref<4x!tpu.dma_semaphore, #tpu.memory_space<semaphore_mem>> -> memref<1x!tpu.dma_semaphore, #tpu.memory_space<semaphore_mem>>
    %dma_wait3A_317 = tpu.memref_squeeze %dma_wait3A_316 : memref<1x!tpu.dma_semaphore, #tpu.memory_space<semaphore_mem>> -> memref<!tpu.dma_semaphore, #tpu.memory_space<semaphore_mem>>
    %dma_wait3A_318 = arith.constant 0 : i32
    %dma_wait3A_319 = arith.constant 0 : i32
    %dma_wait3A_320 = tpu.memref_slice %arg3[%dma_wait3A_318, %dma_wait3A_319] : memref<100000x32xf32, #tpu.memory_space<hbm>> -> memref<128x32xf32, #tpu.memory_space<hbm>>
    tpu.wait_dma2 semaphore(%dma_wait3A_317 : memref<!tpu.dma_semaphore, #tpu.memory_space<semaphore_mem>>) src(%dma_wait3A_320 : memref<128x32xf32, #tpu.memory_space<hbm>>) dst(%arg10 : memref<128x32xf32, #tpu.memory_space<vmem>>)
    %run_scoped3A_321 = arith.constant 1 : i32
    %run_scoped3A_322 = arith.constant 4 : i32
    "tpu.region"() ({
      %run_scoped3A_721 = tpu.sem_alloc : memref<!tpu.dma_semaphore, #tpu.memory_space<semaphore_mem>>
      %dma_start3A_722 = arith.constant 0 : i32
      %dma_start3A_723 = tpu.memref_slice %arg8[%run_scoped3A_321, %run_scoped3A_322, %dma_start3A_722] : memref<2x8x128xi32, #tpu.memory_space<vmem>> -> memref<1x1x128xi32, #tpu.memory_space<vmem>>
      %dma_start3A_724 = tpu.memref_squeeze %dma_start3A_723 : memref<1x1x128xi32, #tpu.memory_space<vmem>> -> memref<128xi32, #tpu.memory_space<vmem>>
      %dma_start3A_725 = arith.constant 0 : i32
      %dma_start3A_726 = arith.constant 0 : i32
      %dma_start3A_727 = tpu.memref_slice %arg17[%dma_start3A_725, %dma_start3A_726] : memref<50176x32xf32, #tpu.memory_space<vmem_shared>> -> memref<50176x32xf32, #tpu.memory_space<vmem_shared>>
      tpu.enqueue_indirect_dma source(%arg10 : memref<128x32xf32, #tpu.memory_space<vmem>>) target(%dma_start3A_727 : memref<50176x32xf32, #tpu.memory_space<vmem_shared>>) offsets(%dma_start3A_724 : memref<128xi32, #tpu.memory_space<vmem>>) semaphore(%run_scoped3A_721 : memref<!tpu.dma_semaphore, #tpu.memory_space<semaphore_mem>>) {add = true}
      %dma_wait3A_728 = arith.constant 0 : i32
      %dma_wait3A_729 = tpu.memref_slice %arg8[%run_scoped3A_321, %run_scoped3A_322, %dma_wait3A_728] : memref<2x8x128xi32, #tpu.memory_space<vmem>> -> memref<1x1x128xi32, #tpu.memory_space<vmem>>
      %dma_wait3A_730 = tpu.memref_squeeze %dma_wait3A_729 : memref<1x1x128xi32, #tpu.memory_space<vmem>> -> memref<128xi32, #tpu.memory_space<vmem>>
      %dma_wait3A_731 = arith.constant 0 : i32
      %dma_wait3A_732 = arith.constant 0 : i32
      %dma_wait3A_733 = tpu.memref_slice %arg17[%dma_wait3A_731, %dma_wait3A_732] : memref<50176x32xf32, #tpu.memory_space<vmem_shared>> -> memref<50176x32xf32, #tpu.memory_space<vmem_shared>>
      tpu.wait_indirect_dma semaphore(%run_scoped3A_721 : memref<!tpu.dma_semaphore, #tpu.memory_space<semaphore_mem>>) src(%arg10 : memref<128x32xf32, #tpu.memory_space<vmem>>) dst(%dma_wait3A_733 : memref<50176x32xf32, #tpu.memory_space<vmem_shared>>)
      tpu.yield
    }) : () -> ()
    %run_scoped3A_323 = arith.constant 1 : i32
    %run_scoped3A_324 = arith.constant 4 : i32
    "tpu.region"() ({
      %run_scoped3A_721 = tpu.sem_alloc : memref<!tpu.dma_semaphore, #tpu.memory_space<semaphore_mem>>
      %dma_start3A_722 = arith.constant 0 : i32
      %dma_start3A_723 = tpu.memref_slice %arg8[%run_scoped3A_323, %run_scoped3A_324, %dma_start3A_722] : memref<2x8x128xi32, #tpu.memory_space<vmem>> -> memref<1x1x128xi32, #tpu.memory_space<vmem>>
      %dma_start3A_724 = tpu.memref_squeeze %dma_start3A_723 : memref<1x1x128xi32, #tpu.memory_space<vmem>> -> memref<128xi32, #tpu.memory_space<vmem>>
      %dma_start3A_725 = arith.constant 0 : i32
      %dma_start3A_726 = tpu.memref_slice %arg18[%dma_start3A_725] : memref<50176xf32, #tpu.memory_space<vmem_shared>> -> memref<50176xf32, #tpu.memory_space<vmem_shared>>
      tpu.enqueue_indirect_dma source(%arg14 : memref<128xf32, #tpu.memory_space<vmem>>) target(%dma_start3A_726 : memref<50176xf32, #tpu.memory_space<vmem_shared>>) offsets(%dma_start3A_724 : memref<128xi32, #tpu.memory_space<vmem>>) semaphore(%run_scoped3A_721 : memref<!tpu.dma_semaphore, #tpu.memory_space<semaphore_mem>>) {add = true}
      %dma_wait3A_727 = arith.constant 0 : i32
      %dma_wait3A_728 = tpu.memref_slice %arg8[%run_scoped3A_323, %run_scoped3A_324, %dma_wait3A_727] : memref<2x8x128xi32, #tpu.memory_space<vmem>> -> memref<1x1x128xi32, #tpu.memory_space<vmem>>
      %dma_wait3A_729 = tpu.memref_squeeze %dma_wait3A_728 : memref<1x1x128xi32, #tpu.memory_space<vmem>> -> memref<128xi32, #tpu.memory_space<vmem>>
      %dma_wait3A_730 = arith.constant 0 : i32
      %dma_wait3A_731 = tpu.memref_slice %arg18[%dma_wait3A_730] : memref<50176xf32, #tpu.memory_space<vmem_shared>> -> memref<50176xf32, #tpu.memory_space<vmem_shared>>
      tpu.wait_indirect_dma semaphore(%run_scoped3A_721 : memref<!tpu.dma_semaphore, #tpu.memory_space<semaphore_mem>>) src(%arg14 : memref<128xf32, #tpu.memory_space<vmem>>) dst(%dma_wait3A_731 : memref<50176xf32, #tpu.memory_space<vmem_shared>>)
      tpu.yield
    }) : () -> ()
    %dma_wait3A_325 = arith.constant 0 : i32
    %dma_wait3A_326 = arith.constant 0 : i32
    %dma_wait3A_327 = arith.constant 0 : i32
    %dma_wait3A_328 = tpu.memref_slice %arg2[%arg0, %arg1, %min3A_195, %dma_wait3A_325, %dma_wait3A_326, %dma_wait3A_327] : memref<2x16x50x2x8x128xi32, #tpu.memory_space<hbm>> -> memref<1x1x1x2x8x128xi32, #tpu.memory_space<hbm>>
    %dma_wait3A_329 = tpu.memref_squeeze %dma_wait3A_328 : memref<1x1x1x2x8x128xi32, #tpu.memory_space<hbm>> -> memref<2x8x128xi32, #tpu.memory_space<hbm>>
    %dma_wait3A_330 = arith.constant 0 : i32
    %dma_wait3A_331 = arith.constant 0 : i32
    %dma_wait3A_332 = arith.constant 0 : i32
    %dma_wait3A_333 = tpu.memref_slice %arg2[%arg0, %arg1, %min3A_195, %dma_wait3A_330, %dma_wait3A_331, %dma_wait3A_332] : memref<2x16x50x2x8x128xi32, #tpu.memory_space<hbm>> -> memref<1x1x1x2x8x128xi32, #tpu.memory_space<hbm>>
    %dma_wait3A_334 = tpu.memref_squeeze %dma_wait3A_333 : memref<1x1x1x2x8x128xi32, #tpu.memory_space<hbm>> -> memref<2x8x128xi32, #tpu.memory_space<hbm>>
    tpu.wait_dma2 semaphore(%arg20 : memref<!tpu.dma_semaphore, #tpu.memory_space<semaphore_mem>>) src(%dma_wait3A_334 : memref<2x8x128xi32, #tpu.memory_space<hbm>>) dst(%arg9 : memref<2x8x128xi32, #tpu.memory_space<vmem>>)
    %dma_start3A_335 = arith.constant 0 : i32
    %dma_start3A_336 = arith.constant 0 : i32
    %dma_start3A_337 = arith.constant 0 : i32
    %dma_start3A_338 = arith.constant 0 : i32
    %dma_start3A_339 = tpu.memref_slice %arg9[%dma_start3A_335, %dma_start3A_336, %dma_start3A_338] : memref<2x8x128xi32, #tpu.memory_space<vmem>> -> memref<1x1x128xi32, #tpu.memory_space<vmem>>
    %dma_start3A_340 = tpu.memref_squeeze %dma_start3A_339 : memref<1x1x128xi32, #tpu.memory_space<vmem>> -> memref<128xi32, #tpu.memory_space<vmem>>
    %dma_start3A_341 = arith.constant 0 : i32
    %dma_start3A_342 = arith.constant 0 : i32
    %dma_start3A_343 = tpu.memref_slice %arg3[%dma_start3A_341, %dma_start3A_342] : memref<100000x32xf32, #tpu.memory_space<hbm>> -> memref<100000x32xf32, #tpu.memory_space<hbm>>
    %dma_start3A_344 = tpu.memref_slice %arg21[%dma_start3A_337] : memref<4x!tpu.dma_semaphore, #tpu.memory_space<semaphore_mem>> -> memref<1x!tpu.dma_semaphore, #tpu.memory_space<semaphore_mem>>
    %dma_start3A_345 = tpu.memref_squeeze %dma_start3A_344 : memref<1x!tpu.dma_semaphore, #tpu.memory_space<semaphore_mem>> -> memref<!tpu.dma_semaphore, #tpu.memory_space<semaphore_mem>>
    tpu.enqueue_indirect_dma source(%dma_start3A_343 : memref<100000x32xf32, #tpu.memory_space<hbm>>) target(%arg10 : memref<128x32xf32, #tpu.memory_space<vmem>>) offsets(%dma_start3A_340 : memref<128xi32, #tpu.memory_space<vmem>>) semaphore(%dma_start3A_345 : memref<!tpu.dma_semaphore, #tpu.memory_space<semaphore_mem>>)
    %dma_wait3A_346 = arith.constant 1 : i32
    %dma_wait3A_347 = arith.constant 0 : i32
    %dma_wait3A_348 = arith.constant 0 : i32
    %dma_wait3A_349 = tpu.memref_slice %arg3[%dma_wait3A_347, %dma_wait3A_348] : memref<100000x32xf32, #tpu.memory_space<hbm>> -> memref<128x32xf32, #tpu.memory_space<hbm>>
    %dma_wait3A_350 = tpu.memref_slice %arg21[%dma_wait3A_346] : memref<4x!tpu.dma_semaphore, #tpu.memory_space<semaphore_mem>> -> memref<1x!tpu.dma_semaphore, #tpu.memory_space<semaphore_mem>>
    %dma_wait3A_351 = tpu.memref_squeeze %dma_wait3A_350 : memref<1x!tpu.dma_semaphore, #tpu.memory_space<semaphore_mem>> -> memref<!tpu.dma_semaphore, #tpu.memory_space<semaphore_mem>>
    %dma_wait3A_352 = arith.constant 0 : i32
    %dma_wait3A_353 = arith.constant 0 : i32
    %dma_wait3A_354 = tpu.memref_slice %arg3[%dma_wait3A_352, %dma_wait3A_353] : memref<100000x32xf32, #tpu.memory_space<hbm>> -> memref<128x32xf32, #tpu.memory_space<hbm>>
    tpu.wait_dma2 semaphore(%dma_wait3A_351 : memref<!tpu.dma_semaphore, #tpu.memory_space<semaphore_mem>>) src(%dma_wait3A_354 : memref<128x32xf32, #tpu.memory_space<hbm>>) dst(%arg11 : memref<128x32xf32, #tpu.memory_space<vmem>>)
    %run_scoped3A_355 = arith.constant 1 : i32
    %run_scoped3A_356 = arith.constant 5 : i32
    "tpu.region"() ({
      %run_scoped3A_721 = tpu.sem_alloc : memref<!tpu.dma_semaphore, #tpu.memory_space<semaphore_mem>>
      %dma_start3A_722 = arith.constant 0 : i32
      %dma_start3A_723 = tpu.memref_slice %arg8[%run_scoped3A_355, %run_scoped3A_356, %dma_start3A_722] : memref<2x8x128xi32, #tpu.memory_space<vmem>> -> memref<1x1x128xi32, #tpu.memory_space<vmem>>
      %dma_start3A_724 = tpu.memref_squeeze %dma_start3A_723 : memref<1x1x128xi32, #tpu.memory_space<vmem>> -> memref<128xi32, #tpu.memory_space<vmem>>
      %dma_start3A_725 = arith.constant 0 : i32
      %dma_start3A_726 = arith.constant 0 : i32
      %dma_start3A_727 = tpu.memref_slice %arg17[%dma_start3A_725, %dma_start3A_726] : memref<50176x32xf32, #tpu.memory_space<vmem_shared>> -> memref<50176x32xf32, #tpu.memory_space<vmem_shared>>
      tpu.enqueue_indirect_dma source(%arg11 : memref<128x32xf32, #tpu.memory_space<vmem>>) target(%dma_start3A_727 : memref<50176x32xf32, #tpu.memory_space<vmem_shared>>) offsets(%dma_start3A_724 : memref<128xi32, #tpu.memory_space<vmem>>) semaphore(%run_scoped3A_721 : memref<!tpu.dma_semaphore, #tpu.memory_space<semaphore_mem>>) {add = true}
      %dma_wait3A_728 = arith.constant 0 : i32
      %dma_wait3A_729 = tpu.memref_slice %arg8[%run_scoped3A_355, %run_scoped3A_356, %dma_wait3A_728] : memref<2x8x128xi32, #tpu.memory_space<vmem>> -> memref<1x1x128xi32, #tpu.memory_space<vmem>>
      %dma_wait3A_730 = tpu.memref_squeeze %dma_wait3A_729 : memref<1x1x128xi32, #tpu.memory_space<vmem>> -> memref<128xi32, #tpu.memory_space<vmem>>
      %dma_wait3A_731 = arith.constant 0 : i32
      %dma_wait3A_732 = arith.constant 0 : i32
      %dma_wait3A_733 = tpu.memref_slice %arg17[%dma_wait3A_731, %dma_wait3A_732] : memref<50176x32xf32, #tpu.memory_space<vmem_shared>> -> memref<50176x32xf32, #tpu.memory_space<vmem_shared>>
      tpu.wait_indirect_dma semaphore(%run_scoped3A_721 : memref<!tpu.dma_semaphore, #tpu.memory_space<semaphore_mem>>) src(%arg11 : memref<128x32xf32, #tpu.memory_space<vmem>>) dst(%dma_wait3A_733 : memref<50176x32xf32, #tpu.memory_space<vmem_shared>>)
      tpu.yield
    }) : () -> ()
    %run_scoped3A_357 = arith.constant 1 : i32
    %run_scoped3A_358 = arith.constant 5 : i32
    "tpu.region"() ({
      %run_scoped3A_721 = tpu.sem_alloc : memref<!tpu.dma_semaphore, #tpu.memory_space<semaphore_mem>>
      %dma_start3A_722 = arith.constant 0 : i32
      %dma_start3A_723 = tpu.memref_slice %arg8[%run_scoped3A_357, %run_scoped3A_358, %dma_start3A_722] : memref<2x8x128xi32, #tpu.memory_space<vmem>> -> memref<1x1x128xi32, #tpu.memory_space<vmem>>
      %dma_start3A_724 = tpu.memref_squeeze %dma_start3A_723 : memref<1x1x128xi32, #tpu.memory_space<vmem>> -> memref<128xi32, #tpu.memory_space<vmem>>
      %dma_start3A_725 = arith.constant 0 : i32
      %dma_start3A_726 = tpu.memref_slice %arg18[%dma_start3A_725] : memref<50176xf32, #tpu.memory_space<vmem_shared>> -> memref<50176xf32, #tpu.memory_space<vmem_shared>>
      tpu.enqueue_indirect_dma source(%arg14 : memref<128xf32, #tpu.memory_space<vmem>>) target(%dma_start3A_726 : memref<50176xf32, #tpu.memory_space<vmem_shared>>) offsets(%dma_start3A_724 : memref<128xi32, #tpu.memory_space<vmem>>) semaphore(%run_scoped3A_721 : memref<!tpu.dma_semaphore, #tpu.memory_space<semaphore_mem>>) {add = true}
      %dma_wait3A_727 = arith.constant 0 : i32
      %dma_wait3A_728 = tpu.memref_slice %arg8[%run_scoped3A_357, %run_scoped3A_358, %dma_wait3A_727] : memref<2x8x128xi32, #tpu.memory_space<vmem>> -> memref<1x1x128xi32, #tpu.memory_space<vmem>>
      %dma_wait3A_729 = tpu.memref_squeeze %dma_wait3A_728 : memref<1x1x128xi32, #tpu.memory_space<vmem>> -> memref<128xi32, #tpu.memory_space<vmem>>
      %dma_wait3A_730 = arith.constant 0 : i32
      %dma_wait3A_731 = tpu.memref_slice %arg18[%dma_wait3A_730] : memref<50176xf32, #tpu.memory_space<vmem_shared>> -> memref<50176xf32, #tpu.memory_space<vmem_shared>>
      tpu.wait_indirect_dma semaphore(%run_scoped3A_721 : memref<!tpu.dma_semaphore, #tpu.memory_space<semaphore_mem>>) src(%arg14 : memref<128xf32, #tpu.memory_space<vmem>>) dst(%dma_wait3A_731 : memref<50176xf32, #tpu.memory_space<vmem_shared>>)
      tpu.yield
    }) : () -> ()
    %dma_start3A_359 = arith.constant 0 : i32
    %dma_start3A_360 = arith.constant 1 : i32
    %dma_start3A_361 = arith.constant 1 : i32
    %dma_start3A_362 = arith.constant 0 : i32
    %dma_start3A_363 = tpu.memref_slice %arg9[%dma_start3A_359, %dma_start3A_360, %dma_start3A_362] : memref<2x8x128xi32, #tpu.memory_space<vmem>> -> memref<1x1x128xi32, #tpu.memory_space<vmem>>
    %dma_start3A_364 = tpu.memref_squeeze %dma_start3A_363 : memref<1x1x128xi32, #tpu.memory_space<vmem>> -> memref<128xi32, #tpu.memory_space<vmem>>
    %dma_start3A_365 = arith.constant 0 : i32
    %dma_start3A_366 = arith.constant 0 : i32
    %dma_start3A_367 = tpu.memref_slice %arg3[%dma_start3A_365, %dma_start3A_366] : memref<100000x32xf32, #tpu.memory_space<hbm>> -> memref<100000x32xf32, #tpu.memory_space<hbm>>
    %dma_start3A_368 = tpu.memref_slice %arg21[%dma_start3A_361] : memref<4x!tpu.dma_semaphore, #tpu.memory_space<semaphore_mem>> -> memref<1x!tpu.dma_semaphore, #tpu.memory_space<semaphore_mem>>
    %dma_start3A_369 = tpu.memref_squeeze %dma_start3A_368 : memref<1x!tpu.dma_semaphore, #tpu.memory_space<semaphore_mem>> -> memref<!tpu.dma_semaphore, #tpu.memory_space<semaphore_mem>>
    tpu.enqueue_indirect_dma source(%dma_start3A_367 : memref<100000x32xf32, #tpu.memory_space<hbm>>) target(%arg11 : memref<128x32xf32, #tpu.memory_space<vmem>>) offsets(%dma_start3A_364 : memref<128xi32, #tpu.memory_space<vmem>>) semaphore(%dma_start3A_369 : memref<!tpu.dma_semaphore, #tpu.memory_space<semaphore_mem>>)
    %dma_wait3A_370 = arith.constant 2 : i32
    %dma_wait3A_371 = arith.constant 0 : i32
    %dma_wait3A_372 = arith.constant 0 : i32
    %dma_wait3A_373 = tpu.memref_slice %arg3[%dma_wait3A_371, %dma_wait3A_372] : memref<100000x32xf32, #tpu.memory_space<hbm>> -> memref<128x32xf32, #tpu.memory_space<hbm>>
    %dma_wait3A_374 = tpu.memref_slice %arg21[%dma_wait3A_370] : memref<4x!tpu.dma_semaphore, #tpu.memory_space<semaphore_mem>> -> memref<1x!tpu.dma_semaphore, #tpu.memory_space<semaphore_mem>>
    %dma_wait3A_375 = tpu.memref_squeeze %dma_wait3A_374 : memref<1x!tpu.dma_semaphore, #tpu.memory_space<semaphore_mem>> -> memref<!tpu.dma_semaphore, #tpu.memory_space<semaphore_mem>>
    %dma_wait3A_376 = arith.constant 0 : i32
    %dma_wait3A_377 = arith.constant 0 : i32
    %dma_wait3A_378 = tpu.memref_slice %arg3[%dma_wait3A_376, %dma_wait3A_377] : memref<100000x32xf32, #tpu.memory_space<hbm>> -> memref<128x32xf32, #tpu.memory_space<hbm>>
    tpu.wait_dma2 semaphore(%dma_wait3A_375 : memref<!tpu.dma_semaphore, #tpu.memory_space<semaphore_mem>>) src(%dma_wait3A_378 : memref<128x32xf32, #tpu.memory_space<hbm>>) dst(%arg12 : memref<128x32xf32, #tpu.memory_space<vmem>>)
    %run_scoped3A_379 = arith.constant 1 : i32
    %run_scoped3A_380 = arith.constant 6 : i32
    "tpu.region"() ({
      %run_scoped3A_721 = tpu.sem_alloc : memref<!tpu.dma_semaphore, #tpu.memory_space<semaphore_mem>>
      %dma_start3A_722 = arith.constant 0 : i32
      %dma_start3A_723 = tpu.memref_slice %arg8[%run_scoped3A_379, %run_scoped3A_380, %dma_start3A_722] : memref<2x8x128xi32, #tpu.memory_space<vmem>> -> memref<1x1x128xi32, #tpu.memory_space<vmem>>
      %dma_start3A_724 = tpu.memref_squeeze %dma_start3A_723 : memref<1x1x128xi32, #tpu.memory_space<vmem>> -> memref<128xi32, #tpu.memory_space<vmem>>
      %dma_start3A_725 = arith.constant 0 : i32
      %dma_start3A_726 = arith.constant 0 : i32
      %dma_start3A_727 = tpu.memref_slice %arg17[%dma_start3A_725, %dma_start3A_726] : memref<50176x32xf32, #tpu.memory_space<vmem_shared>> -> memref<50176x32xf32, #tpu.memory_space<vmem_shared>>
      tpu.enqueue_indirect_dma source(%arg12 : memref<128x32xf32, #tpu.memory_space<vmem>>) target(%dma_start3A_727 : memref<50176x32xf32, #tpu.memory_space<vmem_shared>>) offsets(%dma_start3A_724 : memref<128xi32, #tpu.memory_space<vmem>>) semaphore(%run_scoped3A_721 : memref<!tpu.dma_semaphore, #tpu.memory_space<semaphore_mem>>) {add = true}
      %dma_wait3A_728 = arith.constant 0 : i32
      %dma_wait3A_729 = tpu.memref_slice %arg8[%run_scoped3A_379, %run_scoped3A_380, %dma_wait3A_728] : memref<2x8x128xi32, #tpu.memory_space<vmem>> -> memref<1x1x128xi32, #tpu.memory_space<vmem>>
      %dma_wait3A_730 = tpu.memref_squeeze %dma_wait3A_729 : memref<1x1x128xi32, #tpu.memory_space<vmem>> -> memref<128xi32, #tpu.memory_space<vmem>>
      %dma_wait3A_731 = arith.constant 0 : i32
      %dma_wait3A_732 = arith.constant 0 : i32
      %dma_wait3A_733 = tpu.memref_slice %arg17[%dma_wait3A_731, %dma_wait3A_732] : memref<50176x32xf32, #tpu.memory_space<vmem_shared>> -> memref<50176x32xf32, #tpu.memory_space<vmem_shared>>
      tpu.wait_indirect_dma semaphore(%run_scoped3A_721 : memref<!tpu.dma_semaphore, #tpu.memory_space<semaphore_mem>>) src(%arg12 : memref<128x32xf32, #tpu.memory_space<vmem>>) dst(%dma_wait3A_733 : memref<50176x32xf32, #tpu.memory_space<vmem_shared>>)
      tpu.yield
    }) : () -> ()
    %run_scoped3A_381 = arith.constant 1 : i32
    %run_scoped3A_382 = arith.constant 6 : i32
    "tpu.region"() ({
      %run_scoped3A_721 = tpu.sem_alloc : memref<!tpu.dma_semaphore, #tpu.memory_space<semaphore_mem>>
      %dma_start3A_722 = arith.constant 0 : i32
      %dma_start3A_723 = tpu.memref_slice %arg8[%run_scoped3A_381, %run_scoped3A_382, %dma_start3A_722] : memref<2x8x128xi32, #tpu.memory_space<vmem>> -> memref<1x1x128xi32, #tpu.memory_space<vmem>>
      %dma_start3A_724 = tpu.memref_squeeze %dma_start3A_723 : memref<1x1x128xi32, #tpu.memory_space<vmem>> -> memref<128xi32, #tpu.memory_space<vmem>>
      %dma_start3A_725 = arith.constant 0 : i32
      %dma_start3A_726 = tpu.memref_slice %arg18[%dma_start3A_725] : memref<50176xf32, #tpu.memory_space<vmem_shared>> -> memref<50176xf32, #tpu.memory_space<vmem_shared>>
      tpu.enqueue_indirect_dma source(%arg14 : memref<128xf32, #tpu.memory_space<vmem>>) target(%dma_start3A_726 : memref<50176xf32, #tpu.memory_space<vmem_shared>>) offsets(%dma_start3A_724 : memref<128xi32, #tpu.memory_space<vmem>>) semaphore(%run_scoped3A_721 : memref<!tpu.dma_semaphore, #tpu.memory_space<semaphore_mem>>) {add = true}
      %dma_wait3A_727 = arith.constant 0 : i32
      %dma_wait3A_728 = tpu.memref_slice %arg8[%run_scoped3A_381, %run_scoped3A_382, %dma_wait3A_727] : memref<2x8x128xi32, #tpu.memory_space<vmem>> -> memref<1x1x128xi32, #tpu.memory_space<vmem>>
      %dma_wait3A_729 = tpu.memref_squeeze %dma_wait3A_728 : memref<1x1x128xi32, #tpu.memory_space<vmem>> -> memref<128xi32, #tpu.memory_space<vmem>>
      %dma_wait3A_730 = arith.constant 0 : i32
      %dma_wait3A_731 = tpu.memref_slice %arg18[%dma_wait3A_730] : memref<50176xf32, #tpu.memory_space<vmem_shared>> -> memref<50176xf32, #tpu.memory_space<vmem_shared>>
      tpu.wait_indirect_dma semaphore(%run_scoped3A_721 : memref<!tpu.dma_semaphore, #tpu.memory_space<semaphore_mem>>) src(%arg14 : memref<128xf32, #tpu.memory_space<vmem>>) dst(%dma_wait3A_731 : memref<50176xf32, #tpu.memory_space<vmem_shared>>)
      tpu.yield
    }) : () -> ()
    %dma_start3A_383 = arith.constant 0 : i32
    %dma_start3A_384 = arith.constant 2 : i32
    %dma_start3A_385 = arith.constant 2 : i32
    %dma_start3A_386 = arith.constant 0 : i32
    %dma_start3A_387 = tpu.memref_slice %arg9[%dma_start3A_383, %dma_start3A_384, %dma_start3A_386] : memref<2x8x128xi32, #tpu.memory_space<vmem>> -> memref<1x1x128xi32, #tpu.memory_space<vmem>>
    %dma_start3A_388 = tpu.memref_squeeze %dma_start3A_387 : memref<1x1x128xi32, #tpu.memory_space<vmem>> -> memref<128xi32, #tpu.memory_space<vmem>>
    %dma_start3A_389 = arith.constant 0 : i32
    %dma_start3A_390 = arith.constant 0 : i32
    %dma_start3A_391 = tpu.memref_slice %arg3[%dma_start3A_389, %dma_start3A_390] : memref<100000x32xf32, #tpu.memory_space<hbm>> -> memref<100000x32xf32, #tpu.memory_space<hbm>>
    %dma_start3A_392 = tpu.memref_slice %arg21[%dma_start3A_385] : memref<4x!tpu.dma_semaphore, #tpu.memory_space<semaphore_mem>> -> memref<1x!tpu.dma_semaphore, #tpu.memory_space<semaphore_mem>>
    %dma_start3A_393 = tpu.memref_squeeze %dma_start3A_392 : memref<1x!tpu.dma_semaphore, #tpu.memory_space<semaphore_mem>> -> memref<!tpu.dma_semaphore, #tpu.memory_space<semaphore_mem>>
    tpu.enqueue_indirect_dma source(%dma_start3A_391 : memref<100000x32xf32, #tpu.memory_space<hbm>>) target(%arg12 : memref<128x32xf32, #tpu.memory_space<vmem>>) offsets(%dma_start3A_388 : memref<128xi32, #tpu.memory_space<vmem>>) semaphore(%dma_start3A_393 : memref<!tpu.dma_semaphore, #tpu.memory_space<semaphore_mem>>)
    %dma_wait3A_394 = arith.constant 3 : i32
    %dma_wait3A_395 = arith.constant 0 : i32
    %dma_wait3A_396 = arith.constant 0 : i32
    %dma_wait3A_397 = tpu.memref_slice %arg3[%dma_wait3A_395, %dma_wait3A_396] : memref<100000x32xf32, #tpu.memory_space<hbm>> -> memref<128x32xf32, #tpu.memory_space<hbm>>
    %dma_wait3A_398 = tpu.memref_slice %arg21[%dma_wait3A_394] : memref<4x!tpu.dma_semaphore, #tpu.memory_space<semaphore_mem>> -> memref<1x!tpu.dma_semaphore, #tpu.memory_space<semaphore_mem>>
    %dma_wait3A_399 = tpu.memref_squeeze %dma_wait3A_398 : memref<1x!tpu.dma_semaphore, #tpu.memory_space<semaphore_mem>> -> memref<!tpu.dma_semaphore, #tpu.memory_space<semaphore_mem>>
    %dma_wait3A_400 = arith.constant 0 : i32
    %dma_wait3A_401 = arith.constant 0 : i32
    %dma_wait3A_402 = tpu.memref_slice %arg3[%dma_wait3A_400, %dma_wait3A_401] : memref<100000x32xf32, #tpu.memory_space<hbm>> -> memref<128x32xf32, #tpu.memory_space<hbm>>
    tpu.wait_dma2 semaphore(%dma_wait3A_399 : memref<!tpu.dma_semaphore, #tpu.memory_space<semaphore_mem>>) src(%dma_wait3A_402 : memref<128x32xf32, #tpu.memory_space<hbm>>) dst(%arg13 : memref<128x32xf32, #tpu.memory_space<vmem>>)
    %run_scoped3A_403 = arith.constant 1 : i32
    %run_scoped3A_404 = arith.constant 7 : i32
    "tpu.region"() ({
      %run_scoped3A_721 = tpu.sem_alloc : memref<!tpu.dma_semaphore, #tpu.memory_space<semaphore_mem>>
      %dma_start3A_722 = arith.constant 0 : i32
      %dma_start3A_723 = tpu.memref_slice %arg8[%run_scoped3A_403, %run_scoped3A_404, %dma_start3A_722] : memref<2x8x128xi32, #tpu.memory_space<vmem>> -> memref<1x1x128xi32, #tpu.memory_space<vmem>>
      %dma_start3A_724 = tpu.memref_squeeze %dma_start3A_723 : memref<1x1x128xi32, #tpu.memory_space<vmem>> -> memref<128xi32, #tpu.memory_space<vmem>>
      %dma_start3A_725 = arith.constant 0 : i32
      %dma_start3A_726 = arith.constant 0 : i32
      %dma_start3A_727 = tpu.memref_slice %arg17[%dma_start3A_725, %dma_start3A_726] : memref<50176x32xf32, #tpu.memory_space<vmem_shared>> -> memref<50176x32xf32, #tpu.memory_space<vmem_shared>>
      tpu.enqueue_indirect_dma source(%arg13 : memref<128x32xf32, #tpu.memory_space<vmem>>) target(%dma_start3A_727 : memref<50176x32xf32, #tpu.memory_space<vmem_shared>>) offsets(%dma_start3A_724 : memref<128xi32, #tpu.memory_space<vmem>>) semaphore(%run_scoped3A_721 : memref<!tpu.dma_semaphore, #tpu.memory_space<semaphore_mem>>) {add = true}
      %dma_wait3A_728 = arith.constant 0 : i32
      %dma_wait3A_729 = tpu.memref_slice %arg8[%run_scoped3A_403, %run_scoped3A_404, %dma_wait3A_728] : memref<2x8x128xi32, #tpu.memory_space<vmem>> -> memref<1x1x128xi32, #tpu.memory_space<vmem>>
      %dma_wait3A_730 = tpu.memref_squeeze %dma_wait3A_729 : memref<1x1x128xi32, #tpu.memory_space<vmem>> -> memref<128xi32, #tpu.memory_space<vmem>>
      %dma_wait3A_731 = arith.constant 0 : i32
      %dma_wait3A_732 = arith.constant 0 : i32
      %dma_wait3A_733 = tpu.memref_slice %arg17[%dma_wait3A_731, %dma_wait3A_732] : memref<50176x32xf32, #tpu.memory_space<vmem_shared>> -> memref<50176x32xf32, #tpu.memory_space<vmem_shared>>
      tpu.wait_indirect_dma semaphore(%run_scoped3A_721 : memref<!tpu.dma_semaphore, #tpu.memory_space<semaphore_mem>>) src(%arg13 : memref<128x32xf32, #tpu.memory_space<vmem>>) dst(%dma_wait3A_733 : memref<50176x32xf32, #tpu.memory_space<vmem_shared>>)
      tpu.yield
    }) : () -> ()
    %run_scoped3A_405 = arith.constant 1 : i32
    %run_scoped3A_406 = arith.constant 7 : i32
    "tpu.region"() ({
      %run_scoped3A_721 = tpu.sem_alloc : memref<!tpu.dma_semaphore, #tpu.memory_space<semaphore_mem>>
      %dma_start3A_722 = arith.constant 0 : i32
      %dma_start3A_723 = tpu.memref_slice %arg8[%run_scoped3A_405, %run_scoped3A_406, %dma_start3A_722] : memref<2x8x128xi32, #tpu.memory_space<vmem>> -> memref<1x1x128xi32, #tpu.memory_space<vmem>>
      %dma_start3A_724 = tpu.memref_squeeze %dma_start3A_723 : memref<1x1x128xi32, #tpu.memory_space<vmem>> -> memref<128xi32, #tpu.memory_space<vmem>>
      %dma_start3A_725 = arith.constant 0 : i32
      %dma_start3A_726 = tpu.memref_slice %arg18[%dma_start3A_725] : memref<50176xf32, #tpu.memory_space<vmem_shared>> -> memref<50176xf32, #tpu.memory_space<vmem_shared>>
      tpu.enqueue_indirect_dma source(%arg14 : memref<128xf32, #tpu.memory_space<vmem>>) target(%dma_start3A_726 : memref<50176xf32, #tpu.memory_space<vmem_shared>>) offsets(%dma_start3A_724 : memref<128xi32, #tpu.memory_space<vmem>>) semaphore(%run_scoped3A_721 : memref<!tpu.dma_semaphore, #tpu.memory_space<semaphore_mem>>) {add = true}
      %dma_wait3A_727 = arith.constant 0 : i32
      %dma_wait3A_728 = tpu.memref_slice %arg8[%run_scoped3A_405, %run_scoped3A_406, %dma_wait3A_727] : memref<2x8x128xi32, #tpu.memory_space<vmem>> -> memref<1x1x128xi32, #tpu.memory_space<vmem>>
      %dma_wait3A_729 = tpu.memref_squeeze %dma_wait3A_728 : memref<1x1x128xi32, #tpu.memory_space<vmem>> -> memref<128xi32, #tpu.memory_space<vmem>>
      %dma_wait3A_730 = arith.constant 0 : i32
      %dma_wait3A_731 = tpu.memref_slice %arg18[%dma_wait3A_730] : memref<50176xf32, #tpu.memory_space<vmem_shared>> -> memref<50176xf32, #tpu.memory_space<vmem_shared>>
      tpu.wait_indirect_dma semaphore(%run_scoped3A_721 : memref<!tpu.dma_semaphore, #tpu.memory_space<semaphore_mem>>) src(%arg14 : memref<128xf32, #tpu.memory_space<vmem>>) dst(%dma_wait3A_731 : memref<50176xf32, #tpu.memory_space<vmem_shared>>)
      tpu.yield
    }) : () -> ()
    %scan3A_407 = arith.constant 0 : i32
    %scan3A_408 = arith.constant 0 : i32
    %scan3A_409 = arith.constant 24 : i32
    %scan3A_410 = arith.addi %scan3A_408, %scan3A_409 : i32
    %scan3A_411 = arith.constant 1 : i32
    %scan3A_412 = scf.for %scan3A_721 = %scan3A_408 to %scan3A_410 step %scan3A_411 iter_args(%scan3A_722 = %scan3A_407) -> (i32)  : i32 {
      %mul3A_723 = arith.constant 2 : i32
      %mul3A_724 = arith.muli %mul3A_723, %scan3A_721 : i32
      %add3A_725 = arith.constant 1 : i32
      %add3A_726 = arith.addi %add3A_725, %mul3A_724 : i32
      %add3A_727 = arith.constant 1 : i32
      %add3A_728 = arith.addi %add3A_726, %add3A_727 : i32
      %min3A_729 = arith.constant 49 : i32
      %min3A_730 = arith.minsi %add3A_728, %min3A_729 : i32
      %dma_start3A_731 = arith.constant 0 : i32
      %dma_start3A_732 = arith.constant 3 : i32
      %dma_start3A_733 = arith.constant 3 : i32
      %dma_start3A_734 = arith.constant 0 : i32
      %dma_start3A_735 = tpu.memref_slice %arg9[%dma_start3A_731, %dma_start3A_732, %dma_start3A_734] : memref<2x8x128xi32, #tpu.memory_space<vmem>> -> memref<1x1x128xi32, #tpu.memory_space<vmem>>
      %dma_start3A_736 = tpu.memref_squeeze %dma_start3A_735 : memref<1x1x128xi32, #tpu.memory_space<vmem>> -> memref<128xi32, #tpu.memory_space<vmem>>
      %dma_start3A_737 = arith.constant 0 : i32
      %dma_start3A_738 = arith.constant 0 : i32
      %dma_start3A_739 = tpu.memref_slice %arg3[%dma_start3A_737, %dma_start3A_738] : memref<100000x32xf32, #tpu.memory_space<hbm>> -> memref<100000x32xf32, #tpu.memory_space<hbm>>
      %dma_start3A_740 = tpu.memref_slice %arg21[%dma_start3A_733] : memref<4x!tpu.dma_semaphore, #tpu.memory_space<semaphore_mem>> -> memref<1x!tpu.dma_semaphore, #tpu.memory_space<semaphore_mem>>
      %dma_start3A_741 = tpu.memref_squeeze %dma_start3A_740 : memref<1x!tpu.dma_semaphore, #tpu.memory_space<semaphore_mem>> -> memref<!tpu.dma_semaphore, #tpu.memory_space<semaphore_mem>>
      tpu.enqueue_indirect_dma source(%dma_start3A_739 : memref<100000x32xf32, #tpu.memory_space<hbm>>) target(%arg13 : memref<128x32xf32, #tpu.memory_space<vmem>>) offsets(%dma_start3A_736 : memref<128xi32, #tpu.memory_space<vmem>>) semaphore(%dma_start3A_741 : memref<!tpu.dma_semaphore, #tpu.memory_space<semaphore_mem>>)
      %dma_wait3A_742 = arith.constant 0 : i32
      %dma_wait3A_743 = arith.constant 0 : i32
      %dma_wait3A_744 = arith.constant 0 : i32
      %dma_wait3A_745 = tpu.memref_slice %arg3[%dma_wait3A_743, %dma_wait3A_744] : memref<100000x32xf32, #tpu.memory_space<hbm>> -> memref<128x32xf32, #tpu.memory_space<hbm>>
      %dma_wait3A_746 = tpu.memref_slice %arg21[%dma_wait3A_742] : memref<4x!tpu.dma_semaphore, #tpu.memory_space<semaphore_mem>> -> memref<1x!tpu.dma_semaphore, #tpu.memory_space<semaphore_mem>>
      %dma_wait3A_747 = tpu.memref_squeeze %dma_wait3A_746 : memref<1x!tpu.dma_semaphore, #tpu.memory_space<semaphore_mem>> -> memref<!tpu.dma_semaphore, #tpu.memory_space<semaphore_mem>>
      %dma_wait3A_748 = arith.constant 0 : i32
      %dma_wait3A_749 = arith.constant 0 : i32
      %dma_wait3A_750 = tpu.memref_slice %arg3[%dma_wait3A_748, %dma_wait3A_749] : memref<100000x32xf32, #tpu.memory_space<hbm>> -> memref<128x32xf32, #tpu.memory_space<hbm>>
      tpu.wait_dma2 semaphore(%dma_wait3A_747 : memref<!tpu.dma_semaphore, #tpu.memory_space<semaphore_mem>>) src(%dma_wait3A_750 : memref<128x32xf32, #tpu.memory_space<hbm>>) dst(%arg10 : memref<128x32xf32, #tpu.memory_space<vmem>>)
      %run_scoped3A_751 = arith.constant 1 : i32
      %run_scoped3A_752 = arith.constant 0 : i32
      "tpu.region"() ({
        %run_scoped3A_1164 = tpu.sem_alloc : memref<!tpu.dma_semaphore, #tpu.memory_space<semaphore_mem>>
        %dma_start3A_1165 = arith.constant 0 : i32
        %dma_start3A_1166 = tpu.memref_slice %arg9[%run_scoped3A_751, %run_scoped3A_752, %dma_start3A_1165] : memref<2x8x128xi32, #tpu.memory_space<vmem>> -> memref<1x1x128xi32, #tpu.memory_space<vmem>>
        %dma_start3A_1167 = tpu.memref_squeeze %dma_start3A_1166 : memref<1x1x128xi32, #tpu.memory_space<vmem>> -> memref<128xi32, #tpu.memory_space<vmem>>
        %dma_start3A_1168 = arith.constant 0 : i32
        %dma_start3A_1169 = arith.constant 0 : i32
        %dma_start3A_1170 = tpu.memref_slice %arg17[%dma_start3A_1168, %dma_start3A_1169] : memref<50176x32xf32, #tpu.memory_space<vmem_shared>> -> memref<50176x32xf32, #tpu.memory_space<vmem_shared>>
        tpu.enqueue_indirect_dma source(%arg10 : memref<128x32xf32, #tpu.memory_space<vmem>>) target(%dma_start3A_1170 : memref<50176x32xf32, #tpu.memory_space<vmem_shared>>) offsets(%dma_start3A_1167 : memref<128xi32, #tpu.memory_space<vmem>>) semaphore(%run_scoped3A_1164 : memref<!tpu.dma_semaphore, #tpu.memory_space<semaphore_mem>>) {add = true}
        %dma_wait3A_1171 = arith.constant 0 : i32
        %dma_wait3A_1172 = tpu.memref_slice %arg9[%run_scoped3A_751, %run_scoped3A_752, %dma_wait3A_1171] : memref<2x8x128xi32, #tpu.memory_space<vmem>> -> memref<1x1x128xi32, #tpu.memory_space<vmem>>
        %dma_wait3A_1173 = tpu.memref_squeeze %dma_wait3A_1172 : memref<1x1x128xi32, #tpu.memory_space<vmem>> -> memref<128xi32, #tpu.memory_space<vmem>>
        %dma_wait3A_1174 = arith.constant 0 : i32
        %dma_wait3A_1175 = arith.constant 0 : i32
        %dma_wait3A_1176 = tpu.memref_slice %arg17[%dma_wait3A_1174, %dma_wait3A_1175] : memref<50176x32xf32, #tpu.memory_space<vmem_shared>> -> memref<50176x32xf32, #tpu.memory_space<vmem_shared>>
        tpu.wait_indirect_dma semaphore(%run_scoped3A_1164 : memref<!tpu.dma_semaphore, #tpu.memory_space<semaphore_mem>>) src(%arg10 : memref<128x32xf32, #tpu.memory_space<vmem>>) dst(%dma_wait3A_1176 : memref<50176x32xf32, #tpu.memory_space<vmem_shared>>)
        tpu.yield
      }) : () -> ()
      %run_scoped3A_753 = arith.constant 1 : i32
      %run_scoped3A_754 = arith.constant 0 : i32
      "tpu.region"() ({
        %run_scoped3A_1164 = tpu.sem_alloc : memref<!tpu.dma_semaphore, #tpu.memory_space<semaphore_mem>>
        %dma_start3A_1165 = arith.constant 0 : i32
        %dma_start3A_1166 = tpu.memref_slice %arg9[%run_scoped3A_753, %run_scoped3A_754, %dma_start3A_1165] : memref<2x8x128xi32, #tpu.memory_space<vmem>> -> memref<1x1x128xi32, #tpu.memory_space<vmem>>
        %dma_start3A_1167 = tpu.memref_squeeze %dma_start3A_1166 : memref<1x1x128xi32, #tpu.memory_space<vmem>> -> memref<128xi32, #tpu.memory_space<vmem>>
        %dma_start3A_1168 = arith.constant 0 : i32
        %dma_start3A_1169 = tpu.memref_slice %arg18[%dma_start3A_1168] : memref<50176xf32, #tpu.memory_space<vmem_shared>> -> memref<50176xf32, #tpu.memory_space<vmem_shared>>
        tpu.enqueue_indirect_dma source(%arg14 : memref<128xf32, #tpu.memory_space<vmem>>) target(%dma_start3A_1169 : memref<50176xf32, #tpu.memory_space<vmem_shared>>) offsets(%dma_start3A_1167 : memref<128xi32, #tpu.memory_space<vmem>>) semaphore(%run_scoped3A_1164 : memref<!tpu.dma_semaphore, #tpu.memory_space<semaphore_mem>>) {add = true}
        %dma_wait3A_1170 = arith.constant 0 : i32
        %dma_wait3A_1171 = tpu.memref_slice %arg9[%run_scoped3A_753, %run_scoped3A_754, %dma_wait3A_1170] : memref<2x8x128xi32, #tpu.memory_space<vmem>> -> memref<1x1x128xi32, #tpu.memory_space<vmem>>
        %dma_wait3A_1172 = tpu.memref_squeeze %dma_wait3A_1171 : memref<1x1x128xi32, #tpu.memory_space<vmem>> -> memref<128xi32, #tpu.memory_space<vmem>>
        %dma_wait3A_1173 = arith.constant 0 : i32
        %dma_wait3A_1174 = tpu.memref_slice %arg18[%dma_wait3A_1173] : memref<50176xf32, #tpu.memory_space<vmem_shared>> -> memref<50176xf32, #tpu.memory_space<vmem_shared>>
        tpu.wait_indirect_dma semaphore(%run_scoped3A_1164 : memref<!tpu.dma_semaphore, #tpu.memory_space<semaphore_mem>>) src(%arg14 : memref<128xf32, #tpu.memory_space<vmem>>) dst(%dma_wait3A_1174 : memref<50176xf32, #tpu.memory_space<vmem_shared>>)
        tpu.yield
      }) : () -> ()
      %dma_start3A_755 = arith.constant 0 : i32
      %dma_start3A_756 = arith.constant 4 : i32
      %dma_start3A_757 = arith.constant 0 : i32
      %dma_start3A_758 = arith.constant 0 : i32
      %dma_start3A_759 = tpu.memref_slice %arg9[%dma_start3A_755, %dma_start3A_756, %dma_start3A_758] : memref<2x8x128xi32, #tpu.memory_space<vmem>> -> memref<1x1x128xi32, #tpu.memory_space<vmem>>
      %dma_start3A_760 = tpu.memref_squeeze %dma_start3A_759 : memref<1x1x128xi32, #tpu.memory_space<vmem>> -> memref<128xi32, #tpu.memory_space<vmem>>
      %dma_start3A_761 = arith.constant 0 : i32
      %dma_start3A_762 = arith.constant 0 : i32
      %dma_start3A_763 = tpu.memref_slice %arg3[%dma_start3A_761, %dma_start3A_762] : memref<100000x32xf32, #tpu.memory_space<hbm>> -> memref<100000x32xf32, #tpu.memory_space<hbm>>
      %dma_start3A_764 = tpu.memref_slice %arg21[%dma_start3A_757] : memref<4x!tpu.dma_semaphore, #tpu.memory_space<semaphore_mem>> -> memref<1x!tpu.dma_semaphore, #tpu.memory_space<semaphore_mem>>
      %dma_start3A_765 = tpu.memref_squeeze %dma_start3A_764 : memref<1x!tpu.dma_semaphore, #tpu.memory_space<semaphore_mem>> -> memref<!tpu.dma_semaphore, #tpu.memory_space<semaphore_mem>>
      tpu.enqueue_indirect_dma source(%dma_start3A_763 : memref<100000x32xf32, #tpu.memory_space<hbm>>) target(%arg10 : memref<128x32xf32, #tpu.memory_space<vmem>>) offsets(%dma_start3A_760 : memref<128xi32, #tpu.memory_space<vmem>>) semaphore(%dma_start3A_765 : memref<!tpu.dma_semaphore, #tpu.memory_space<semaphore_mem>>)
      %dma_wait3A_766 = arith.constant 1 : i32
      %dma_wait3A_767 = arith.constant 0 : i32
      %dma_wait3A_768 = arith.constant 0 : i32
      %dma_wait3A_769 = tpu.memref_slice %arg3[%dma_wait3A_767, %dma_wait3A_768] : memref<100000x32xf32, #tpu.memory_space<hbm>> -> memref<128x32xf32, #tpu.memory_space<hbm>>
      %dma_wait3A_770 = tpu.memref_slice %arg21[%dma_wait3A_766] : memref<4x!tpu.dma_semaphore, #tpu.memory_space<semaphore_mem>> -> memref<1x!tpu.dma_semaphore, #tpu.memory_space<semaphore_mem>>
      %dma_wait3A_771 = tpu.memref_squeeze %dma_wait3A_770 : memref<1x!tpu.dma_semaphore, #tpu.memory_space<semaphore_mem>> -> memref<!tpu.dma_semaphore, #tpu.memory_space<semaphore_mem>>
      %dma_wait3A_772 = arith.constant 0 : i32
      %dma_wait3A_773 = arith.constant 0 : i32
      %dma_wait3A_774 = tpu.memref_slice %arg3[%dma_wait3A_772, %dma_wait3A_773] : memref<100000x32xf32, #tpu.memory_space<hbm>> -> memref<128x32xf32, #tpu.memory_space<hbm>>
      tpu.wait_dma2 semaphore(%dma_wait3A_771 : memref<!tpu.dma_semaphore, #tpu.memory_space<semaphore_mem>>) src(%dma_wait3A_774 : memref<128x32xf32, #tpu.memory_space<hbm>>) dst(%arg11 : memref<128x32xf32, #tpu.memory_space<vmem>>)
      %run_scoped3A_775 = arith.constant 1 : i32
      %run_scoped3A_776 = arith.constant 1 : i32
      "tpu.region"() ({
        %run_scoped3A_1164 = tpu.sem_alloc : memref<!tpu.dma_semaphore, #tpu.memory_space<semaphore_mem>>
        %dma_start3A_1165 = arith.constant 0 : i32
        %dma_start3A_1166 = tpu.memref_slice %arg9[%run_scoped3A_775, %run_scoped3A_776, %dma_start3A_1165] : memref<2x8x128xi32, #tpu.memory_space<vmem>> -> memref<1x1x128xi32, #tpu.memory_space<vmem>>
        %dma_start3A_1167 = tpu.memref_squeeze %dma_start3A_1166 : memref<1x1x128xi32, #tpu.memory_space<vmem>> -> memref<128xi32, #tpu.memory_space<vmem>>
        %dma_start3A_1168 = arith.constant 0 : i32
        %dma_start3A_1169 = arith.constant 0 : i32
        %dma_start3A_1170 = tpu.memref_slice %arg17[%dma_start3A_1168, %dma_start3A_1169] : memref<50176x32xf32, #tpu.memory_space<vmem_shared>> -> memref<50176x32xf32, #tpu.memory_space<vmem_shared>>
        tpu.enqueue_indirect_dma source(%arg11 : memref<128x32xf32, #tpu.memory_space<vmem>>) target(%dma_start3A_1170 : memref<50176x32xf32, #tpu.memory_space<vmem_shared>>) offsets(%dma_start3A_1167 : memref<128xi32, #tpu.memory_space<vmem>>) semaphore(%run_scoped3A_1164 : memref<!tpu.dma_semaphore, #tpu.memory_space<semaphore_mem>>) {add = true}
        %dma_wait3A_1171 = arith.constant 0 : i32
        %dma_wait3A_1172 = tpu.memref_slice %arg9[%run_scoped3A_775, %run_scoped3A_776, %dma_wait3A_1171] : memref<2x8x128xi32, #tpu.memory_space<vmem>> -> memref<1x1x128xi32, #tpu.memory_space<vmem>>
        %dma_wait3A_1173 = tpu.memref_squeeze %dma_wait3A_1172 : memref<1x1x128xi32, #tpu.memory_space<vmem>> -> memref<128xi32, #tpu.memory_space<vmem>>
        %dma_wait3A_1174 = arith.constant 0 : i32
        %dma_wait3A_1175 = arith.constant 0 : i32
        %dma_wait3A_1176 = tpu.memref_slice %arg17[%dma_wait3A_1174, %dma_wait3A_1175] : memref<50176x32xf32, #tpu.memory_space<vmem_shared>> -> memref<50176x32xf32, #tpu.memory_space<vmem_shared>>
        tpu.wait_indirect_dma semaphore(%run_scoped3A_1164 : memref<!tpu.dma_semaphore, #tpu.memory_space<semaphore_mem>>) src(%arg11 : memref<128x32xf32, #tpu.memory_space<vmem>>) dst(%dma_wait3A_1176 : memref<50176x32xf32, #tpu.memory_space<vmem_shared>>)
        tpu.yield
      }) : () -> ()
      %run_scoped3A_777 = arith.constant 1 : i32
      %run_scoped3A_778 = arith.constant 1 : i32
      "tpu.region"() ({
        %run_scoped3A_1164 = tpu.sem_alloc : memref<!tpu.dma_semaphore, #tpu.memory_space<semaphore_mem>>
        %dma_start3A_1165 = arith.constant 0 : i32
        %dma_start3A_1166 = tpu.memref_slice %arg9[%run_scoped3A_777, %run_scoped3A_778, %dma_start3A_1165] : memref<2x8x128xi32, #tpu.memory_space<vmem>> -> memref<1x1x128xi32, #tpu.memory_space<vmem>>
        %dma_start3A_1167 = tpu.memref_squeeze %dma_start3A_1166 : memref<1x1x128xi32, #tpu.memory_space<vmem>> -> memref<128xi32, #tpu.memory_space<vmem>>
        %dma_start3A_1168 = arith.constant 0 : i32
        %dma_start3A_1169 = tpu.memref_slice %arg18[%dma_start3A_1168] : memref<50176xf32, #tpu.memory_space<vmem_shared>> -> memref<50176xf32, #tpu.memory_space<vmem_shared>>
        tpu.enqueue_indirect_dma source(%arg14 : memref<128xf32, #tpu.memory_space<vmem>>) target(%dma_start3A_1169 : memref<50176xf32, #tpu.memory_space<vmem_shared>>) offsets(%dma_start3A_1167 : memref<128xi32, #tpu.memory_space<vmem>>) semaphore(%run_scoped3A_1164 : memref<!tpu.dma_semaphore, #tpu.memory_space<semaphore_mem>>) {add = true}
        %dma_wait3A_1170 = arith.constant 0 : i32
        %dma_wait3A_1171 = tpu.memref_slice %arg9[%run_scoped3A_777, %run_scoped3A_778, %dma_wait3A_1170] : memref<2x8x128xi32, #tpu.memory_space<vmem>> -> memref<1x1x128xi32, #tpu.memory_space<vmem>>
        %dma_wait3A_1172 = tpu.memref_squeeze %dma_wait3A_1171 : memref<1x1x128xi32, #tpu.memory_space<vmem>> -> memref<128xi32, #tpu.memory_space<vmem>>
        %dma_wait3A_1173 = arith.constant 0 : i32
        %dma_wait3A_1174 = tpu.memref_slice %arg18[%dma_wait3A_1173] : memref<50176xf32, #tpu.memory_space<vmem_shared>> -> memref<50176xf32, #tpu.memory_space<vmem_shared>>
        tpu.wait_indirect_dma semaphore(%run_scoped3A_1164 : memref<!tpu.dma_semaphore, #tpu.memory_space<semaphore_mem>>) src(%arg14 : memref<128xf32, #tpu.memory_space<vmem>>) dst(%dma_wait3A_1174 : memref<50176xf32, #tpu.memory_space<vmem_shared>>)
        tpu.yield
      }) : () -> ()
      %dma_start3A_779 = arith.constant 0 : i32
      %dma_start3A_780 = arith.constant 0 : i32
      %dma_start3A_781 = arith.constant 0 : i32
      %dma_start3A_782 = tpu.memref_slice %arg2[%arg0, %arg1, %min3A_730, %dma_start3A_779, %dma_start3A_780, %dma_start3A_781] : memref<2x16x50x2x8x128xi32, #tpu.memory_space<hbm>> -> memref<1x1x1x2x8x128xi32, #tpu.memory_space<hbm>>
      %dma_start3A_783 = tpu.memref_squeeze %dma_start3A_782 : memref<1x1x1x2x8x128xi32, #tpu.memory_space<hbm>> -> memref<2x8x128xi32, #tpu.memory_space<hbm>>
      %dma_start3A_784 = arith.constant 0 : i32
      %dma_start3A_785 = arith.constant 0 : i32
      %dma_start3A_786 = arith.constant 0 : i32
      %dma_start3A_787 = tpu.memref_slice %arg2[%arg0, %arg1, %min3A_730, %dma_start3A_784, %dma_start3A_785, %dma_start3A_786] : memref<2x16x50x2x8x128xi32, #tpu.memory_space<hbm>> -> memref<1x1x1x2x8x128xi32, #tpu.memory_space<hbm>>
      %dma_start3A_788 = tpu.memref_squeeze %dma_start3A_787 : memref<1x1x1x2x8x128xi32, #tpu.memory_space<hbm>> -> memref<2x8x128xi32, #tpu.memory_space<hbm>>
      tpu.enqueue_dma source(%dma_start3A_788 : memref<2x8x128xi32, #tpu.memory_space<hbm>>) target(%arg8 : memref<2x8x128xi32, #tpu.memory_space<vmem>>) target_semaphore(%arg19 : memref<!tpu.dma_semaphore, #tpu.memory_space<semaphore_mem>>)
      %dma_start3A_789 = arith.constant 0 : i32
      %dma_start3A_790 = arith.constant 5 : i32
      %dma_start3A_791 = arith.constant 1 : i32
      %dma_start3A_792 = arith.constant 0 : i32
      %dma_start3A_793 = tpu.memref_slice %arg9[%dma_start3A_789, %dma_start3A_790, %dma_start3A_792] : memref<2x8x128xi32, #tpu.memory_space<vmem>> -> memref<1x1x128xi32, #tpu.memory_space<vmem>>
      %dma_start3A_794 = tpu.memref_squeeze %dma_start3A_793 : memref<1x1x128xi32, #tpu.memory_space<vmem>> -> memref<128xi32, #tpu.memory_space<vmem>>
      %dma_start3A_795 = arith.constant 0 : i32
      %dma_start3A_796 = arith.constant 0 : i32
      %dma_start3A_797 = tpu.memref_slice %arg3[%dma_start3A_795, %dma_start3A_796] : memref<100000x32xf32, #tpu.memory_space<hbm>> -> memref<100000x32xf32, #tpu.memory_space<hbm>>
      %dma_start3A_798 = tpu.memref_slice %arg21[%dma_start3A_791] : memref<4x!tpu.dma_semaphore, #tpu.memory_space<semaphore_mem>> -> memref<1x!tpu.dma_semaphore, #tpu.memory_space<semaphore_mem>>
      %dma_start3A_799 = tpu.memref_squeeze %dma_start3A_798 : memref<1x!tpu.dma_semaphore, #tpu.memory_space<semaphore_mem>> -> memref<!tpu.dma_semaphore, #tpu.memory_space<semaphore_mem>>
      tpu.enqueue_indirect_dma source(%dma_start3A_797 : memref<100000x32xf32, #tpu.memory_space<hbm>>) target(%arg11 : memref<128x32xf32, #tpu.memory_space<vmem>>) offsets(%dma_start3A_794 : memref<128xi32, #tpu.memory_space<vmem>>) semaphore(%dma_start3A_799 : memref<!tpu.dma_semaphore, #tpu.memory_space<semaphore_mem>>)
      %dma_wait3A_800 = arith.constant 2 : i32
      %dma_wait3A_801 = arith.constant 0 : i32
      %dma_wait3A_802 = arith.constant 0 : i32
      %dma_wait3A_803 = tpu.memref_slice %arg3[%dma_wait3A_801, %dma_wait3A_802] : memref<100000x32xf32, #tpu.memory_space<hbm>> -> memref<128x32xf32, #tpu.memory_space<hbm>>
      %dma_wait3A_804 = tpu.memref_slice %arg21[%dma_wait3A_800] : memref<4x!tpu.dma_semaphore, #tpu.memory_space<semaphore_mem>> -> memref<1x!tpu.dma_semaphore, #tpu.memory_space<semaphore_mem>>
      %dma_wait3A_805 = tpu.memref_squeeze %dma_wait3A_804 : memref<1x!tpu.dma_semaphore, #tpu.memory_space<semaphore_mem>> -> memref<!tpu.dma_semaphore, #tpu.memory_space<semaphore_mem>>
      %dma_wait3A_806 = arith.constant 0 : i32
      %dma_wait3A_807 = arith.constant 0 : i32
      %dma_wait3A_808 = tpu.memref_slice %arg3[%dma_wait3A_806, %dma_wait3A_807] : memref<100000x32xf32, #tpu.memory_space<hbm>> -> memref<128x32xf32, #tpu.memory_space<hbm>>
      tpu.wait_dma2 semaphore(%dma_wait3A_805 : memref<!tpu.dma_semaphore, #tpu.memory_space<semaphore_mem>>) src(%dma_wait3A_808 : memref<128x32xf32, #tpu.memory_space<hbm>>) dst(%arg12 : memref<128x32xf32, #tpu.memory_space<vmem>>)
      %run_scoped3A_809 = arith.constant 1 : i32
      %run_scoped3A_810 = arith.constant 2 : i32
      "tpu.region"() ({
        %run_scoped3A_1164 = tpu.sem_alloc : memref<!tpu.dma_semaphore, #tpu.memory_space<semaphore_mem>>
        %dma_start3A_1165 = arith.constant 0 : i32
        %dma_start3A_1166 = tpu.memref_slice %arg9[%run_scoped3A_809, %run_scoped3A_810, %dma_start3A_1165] : memref<2x8x128xi32, #tpu.memory_space<vmem>> -> memref<1x1x128xi32, #tpu.memory_space<vmem>>
        %dma_start3A_1167 = tpu.memref_squeeze %dma_start3A_1166 : memref<1x1x128xi32, #tpu.memory_space<vmem>> -> memref<128xi32, #tpu.memory_space<vmem>>
        %dma_start3A_1168 = arith.constant 0 : i32
        %dma_start3A_1169 = arith.constant 0 : i32
        %dma_start3A_1170 = tpu.memref_slice %arg17[%dma_start3A_1168, %dma_start3A_1169] : memref<50176x32xf32, #tpu.memory_space<vmem_shared>> -> memref<50176x32xf32, #tpu.memory_space<vmem_shared>>
        tpu.enqueue_indirect_dma source(%arg12 : memref<128x32xf32, #tpu.memory_space<vmem>>) target(%dma_start3A_1170 : memref<50176x32xf32, #tpu.memory_space<vmem_shared>>) offsets(%dma_start3A_1167 : memref<128xi32, #tpu.memory_space<vmem>>) semaphore(%run_scoped3A_1164 : memref<!tpu.dma_semaphore, #tpu.memory_space<semaphore_mem>>) {add = true}
        %dma_wait3A_1171 = arith.constant 0 : i32
        %dma_wait3A_1172 = tpu.memref_slice %arg9[%run_scoped3A_809, %run_scoped3A_810, %dma_wait3A_1171] : memref<2x8x128xi32, #tpu.memory_space<vmem>> -> memref<1x1x128xi32, #tpu.memory_space<vmem>>
        %dma_wait3A_1173 = tpu.memref_squeeze %dma_wait3A_1172 : memref<1x1x128xi32, #tpu.memory_space<vmem>> -> memref<128xi32, #tpu.memory_space<vmem>>
        %dma_wait3A_1174 = arith.constant 0 : i32
        %dma_wait3A_1175 = arith.constant 0 : i32
        %dma_wait3A_1176 = tpu.memref_slice %arg17[%dma_wait3A_1174, %dma_wait3A_1175] : memref<50176x32xf32, #tpu.memory_space<vmem_shared>> -> memref<50176x32xf32, #tpu.memory_space<vmem_shared>>
        tpu.wait_indirect_dma semaphore(%run_scoped3A_1164 : memref<!tpu.dma_semaphore, #tpu.memory_space<semaphore_mem>>) src(%arg12 : memref<128x32xf32, #tpu.memory_space<vmem>>) dst(%dma_wait3A_1176 : memref<50176x32xf32, #tpu.memory_space<vmem_shared>>)
        tpu.yield
      }) : () -> ()
      %run_scoped3A_811 = arith.constant 1 : i32
      %run_scoped3A_812 = arith.constant 2 : i32
      "tpu.region"() ({
        %run_scoped3A_1164 = tpu.sem_alloc : memref<!tpu.dma_semaphore, #tpu.memory_space<semaphore_mem>>
        %dma_start3A_1165 = arith.constant 0 : i32
        %dma_start3A_1166 = tpu.memref_slice %arg9[%run_scoped3A_811, %run_scoped3A_812, %dma_start3A_1165] : memref<2x8x128xi32, #tpu.memory_space<vmem>> -> memref<1x1x128xi32, #tpu.memory_space<vmem>>
        %dma_start3A_1167 = tpu.memref_squeeze %dma_start3A_1166 : memref<1x1x128xi32, #tpu.memory_space<vmem>> -> memref<128xi32, #tpu.memory_space<vmem>>
        %dma_start3A_1168 = arith.constant 0 : i32
        %dma_start3A_1169 = tpu.memref_slice %arg18[%dma_start3A_1168] : memref<50176xf32, #tpu.memory_space<vmem_shared>> -> memref<50176xf32, #tpu.memory_space<vmem_shared>>
        tpu.enqueue_indirect_dma source(%arg14 : memref<128xf32, #tpu.memory_space<vmem>>) target(%dma_start3A_1169 : memref<50176xf32, #tpu.memory_space<vmem_shared>>) offsets(%dma_start3A_1167 : memref<128xi32, #tpu.memory_space<vmem>>) semaphore(%run_scoped3A_1164 : memref<!tpu.dma_semaphore, #tpu.memory_space<semaphore_mem>>) {add = true}
        %dma_wait3A_1170 = arith.constant 0 : i32
        %dma_wait3A_1171 = tpu.memref_slice %arg9[%run_scoped3A_811, %run_scoped3A_812, %dma_wait3A_1170] : memref<2x8x128xi32, #tpu.memory_space<vmem>> -> memref<1x1x128xi32, #tpu.memory_space<vmem>>
        %dma_wait3A_1172 = tpu.memref_squeeze %dma_wait3A_1171 : memref<1x1x128xi32, #tpu.memory_space<vmem>> -> memref<128xi32, #tpu.memory_space<vmem>>
        %dma_wait3A_1173 = arith.constant 0 : i32
        %dma_wait3A_1174 = tpu.memref_slice %arg18[%dma_wait3A_1173] : memref<50176xf32, #tpu.memory_space<vmem_shared>> -> memref<50176xf32, #tpu.memory_space<vmem_shared>>
        tpu.wait_indirect_dma semaphore(%run_scoped3A_1164 : memref<!tpu.dma_semaphore, #tpu.memory_space<semaphore_mem>>) src(%arg14 : memref<128xf32, #tpu.memory_space<vmem>>) dst(%dma_wait3A_1174 : memref<50176xf32, #tpu.memory_space<vmem_shared>>)
        tpu.yield
      }) : () -> ()
      %dma_start3A_813 = arith.constant 0 : i32
      %dma_start3A_814 = arith.constant 6 : i32
      %dma_start3A_815 = arith.constant 2 : i32
      %dma_start3A_816 = arith.constant 0 : i32
      %dma_start3A_817 = tpu.memref_slice %arg9[%dma_start3A_813, %dma_start3A_814, %dma_start3A_816] : memref<2x8x128xi32, #tpu.memory_space<vmem>> -> memref<1x1x128xi32, #tpu.memory_space<vmem>>
      %dma_start3A_818 = tpu.memref_squeeze %dma_start3A_817 : memref<1x1x128xi32, #tpu.memory_space<vmem>> -> memref<128xi32, #tpu.memory_space<vmem>>
      %dma_start3A_819 = arith.constant 0 : i32
      %dma_start3A_820 = arith.constant 0 : i32
      %dma_start3A_821 = tpu.memref_slice %arg3[%dma_start3A_819, %dma_start3A_820] : memref<100000x32xf32, #tpu.memory_space<hbm>> -> memref<100000x32xf32, #tpu.memory_space<hbm>>
      %dma_start3A_822 = tpu.memref_slice %arg21[%dma_start3A_815] : memref<4x!tpu.dma_semaphore, #tpu.memory_space<semaphore_mem>> -> memref<1x!tpu.dma_semaphore, #tpu.memory_space<semaphore_mem>>
      %dma_start3A_823 = tpu.memref_squeeze %dma_start3A_822 : memref<1x!tpu.dma_semaphore, #tpu.memory_space<semaphore_mem>> -> memref<!tpu.dma_semaphore, #tpu.memory_space<semaphore_mem>>
      tpu.enqueue_indirect_dma source(%dma_start3A_821 : memref<100000x32xf32, #tpu.memory_space<hbm>>) target(%arg12 : memref<128x32xf32, #tpu.memory_space<vmem>>) offsets(%dma_start3A_818 : memref<128xi32, #tpu.memory_space<vmem>>) semaphore(%dma_start3A_823 : memref<!tpu.dma_semaphore, #tpu.memory_space<semaphore_mem>>)
      %dma_wait3A_824 = arith.constant 3 : i32
      %dma_wait3A_825 = arith.constant 0 : i32
      %dma_wait3A_826 = arith.constant 0 : i32
      %dma_wait3A_827 = tpu.memref_slice %arg3[%dma_wait3A_825, %dma_wait3A_826] : memref<100000x32xf32, #tpu.memory_space<hbm>> -> memref<128x32xf32, #tpu.memory_space<hbm>>
      %dma_wait3A_828 = tpu.memref_slice %arg21[%dma_wait3A_824] : memref<4x!tpu.dma_semaphore, #tpu.memory_space<semaphore_mem>> -> memref<1x!tpu.dma_semaphore, #tpu.memory_space<semaphore_mem>>
      %dma_wait3A_829 = tpu.memref_squeeze %dma_wait3A_828 : memref<1x!tpu.dma_semaphore, #tpu.memory_space<semaphore_mem>> -> memref<!tpu.dma_semaphore, #tpu.memory_space<semaphore_mem>>
      %dma_wait3A_830 = arith.constant 0 : i32
      %dma_wait3A_831 = arith.constant 0 : i32
      %dma_wait3A_832 = tpu.memref_slice %arg3[%dma_wait3A_830, %dma_wait3A_831] : memref<100000x32xf32, #tpu.memory_space<hbm>> -> memref<128x32xf32, #tpu.memory_space<hbm>>
      tpu.wait_dma2 semaphore(%dma_wait3A_829 : memref<!tpu.dma_semaphore, #tpu.memory_space<semaphore_mem>>) src(%dma_wait3A_832 : memref<128x32xf32, #tpu.memory_space<hbm>>) dst(%arg13 : memref<128x32xf32, #tpu.memory_space<vmem>>)
      %run_scoped3A_833 = arith.constant 1 : i32
      %run_scoped3A_834 = arith.constant 3 : i32
      "tpu.region"() ({
        %run_scoped3A_1164 = tpu.sem_alloc : memref<!tpu.dma_semaphore, #tpu.memory_space<semaphore_mem>>
        %dma_start3A_1165 = arith.constant 0 : i32
        %dma_start3A_1166 = tpu.memref_slice %arg9[%run_scoped3A_833, %run_scoped3A_834, %dma_start3A_1165] : memref<2x8x128xi32, #tpu.memory_space<vmem>> -> memref<1x1x128xi32, #tpu.memory_space<vmem>>
        %dma_start3A_1167 = tpu.memref_squeeze %dma_start3A_1166 : memref<1x1x128xi32, #tpu.memory_space<vmem>> -> memref<128xi32, #tpu.memory_space<vmem>>
        %dma_start3A_1168 = arith.constant 0 : i32
        %dma_start3A_1169 = arith.constant 0 : i32
        %dma_start3A_1170 = tpu.memref_slice %arg17[%dma_start3A_1168, %dma_start3A_1169] : memref<50176x32xf32, #tpu.memory_space<vmem_shared>> -> memref<50176x32xf32, #tpu.memory_space<vmem_shared>>
        tpu.enqueue_indirect_dma source(%arg13 : memref<128x32xf32, #tpu.memory_space<vmem>>) target(%dma_start3A_1170 : memref<50176x32xf32, #tpu.memory_space<vmem_shared>>) offsets(%dma_start3A_1167 : memref<128xi32, #tpu.memory_space<vmem>>) semaphore(%run_scoped3A_1164 : memref<!tpu.dma_semaphore, #tpu.memory_space<semaphore_mem>>) {add = true}
        %dma_wait3A_1171 = arith.constant 0 : i32
        %dma_wait3A_1172 = tpu.memref_slice %arg9[%run_scoped3A_833, %run_scoped3A_834, %dma_wait3A_1171] : memref<2x8x128xi32, #tpu.memory_space<vmem>> -> memref<1x1x128xi32, #tpu.memory_space<vmem>>
        %dma_wait3A_1173 = tpu.memref_squeeze %dma_wait3A_1172 : memref<1x1x128xi32, #tpu.memory_space<vmem>> -> memref<128xi32, #tpu.memory_space<vmem>>
        %dma_wait3A_1174 = arith.constant 0 : i32
        %dma_wait3A_1175 = arith.constant 0 : i32
        %dma_wait3A_1176 = tpu.memref_slice %arg17[%dma_wait3A_1174, %dma_wait3A_1175] : memref<50176x32xf32, #tpu.memory_space<vmem_shared>> -> memref<50176x32xf32, #tpu.memory_space<vmem_shared>>
        tpu.wait_indirect_dma semaphore(%run_scoped3A_1164 : memref<!tpu.dma_semaphore, #tpu.memory_space<semaphore_mem>>) src(%arg13 : memref<128x32xf32, #tpu.memory_space<vmem>>) dst(%dma_wait3A_1176 : memref<50176x32xf32, #tpu.memory_space<vmem_shared>>)
        tpu.yield
      }) : () -> ()
      %run_scoped3A_835 = arith.constant 1 : i32
      %run_scoped3A_836 = arith.constant 3 : i32
      "tpu.region"() ({
        %run_scoped3A_1164 = tpu.sem_alloc : memref<!tpu.dma_semaphore, #tpu.memory_space<semaphore_mem>>
        %dma_start3A_1165 = arith.constant 0 : i32
        %dma_start3A_1166 = tpu.memref_slice %arg9[%run_scoped3A_835, %run_scoped3A_836, %dma_start3A_1165] : memref<2x8x128xi32, #tpu.memory_space<vmem>> -> memref<1x1x128xi32, #tpu.memory_space<vmem>>
        %dma_start3A_1167 = tpu.memref_squeeze %dma_start3A_1166 : memref<1x1x128xi32, #tpu.memory_space<vmem>> -> memref<128xi32, #tpu.memory_space<vmem>>
        %dma_start3A_1168 = arith.constant 0 : i32
        %dma_start3A_1169 = tpu.memref_slice %arg18[%dma_start3A_1168] : memref<50176xf32, #tpu.memory_space<vmem_shared>> -> memref<50176xf32, #tpu.memory_space<vmem_shared>>
        tpu.enqueue_indirect_dma source(%arg14 : memref<128xf32, #tpu.memory_space<vmem>>) target(%dma_start3A_1169 : memref<50176xf32, #tpu.memory_space<vmem_shared>>) offsets(%dma_start3A_1167 : memref<128xi32, #tpu.memory_space<vmem>>) semaphore(%run_scoped3A_1164 : memref<!tpu.dma_semaphore, #tpu.memory_space<semaphore_mem>>) {add = true}
        %dma_wait3A_1170 = arith.constant 0 : i32
        %dma_wait3A_1171 = tpu.memref_slice %arg9[%run_scoped3A_835, %run_scoped3A_836, %dma_wait3A_1170] : memref<2x8x128xi32, #tpu.memory_space<vmem>> -> memref<1x1x128xi32, #tpu.memory_space<vmem>>
        %dma_wait3A_1172 = tpu.memref_squeeze %dma_wait3A_1171 : memref<1x1x128xi32, #tpu.memory_space<vmem>> -> memref<128xi32, #tpu.memory_space<vmem>>
        %dma_wait3A_1173 = arith.constant 0 : i32
        %dma_wait3A_1174 = tpu.memref_slice %arg18[%dma_wait3A_1173] : memref<50176xf32, #tpu.memory_space<vmem_shared>> -> memref<50176xf32, #tpu.memory_space<vmem_shared>>
        tpu.wait_indirect_dma semaphore(%run_scoped3A_1164 : memref<!tpu.dma_semaphore, #tpu.memory_space<semaphore_mem>>) src(%arg14 : memref<128xf32, #tpu.memory_space<vmem>>) dst(%dma_wait3A_1174 : memref<50176xf32, #tpu.memory_space<vmem_shared>>)
        tpu.yield
      }) : () -> ()
      %dma_start3A_837 = arith.constant 0 : i32
      %dma_start3A_838 = arith.constant 7 : i32
      %dma_start3A_839 = arith.constant 3 : i32
      %dma_start3A_840 = arith.constant 0 : i32
      %dma_start3A_841 = tpu.memref_slice %arg9[%dma_start3A_837, %dma_start3A_838, %dma_start3A_840] : memref<2x8x128xi32, #tpu.memory_space<vmem>> -> memref<1x1x128xi32, #tpu.memory_space<vmem>>
      %dma_start3A_842 = tpu.memref_squeeze %dma_start3A_841 : memref<1x1x128xi32, #tpu.memory_space<vmem>> -> memref<128xi32, #tpu.memory_space<vmem>>
      %dma_start3A_843 = arith.constant 0 : i32
      %dma_start3A_844 = arith.constant 0 : i32
      %dma_start3A_845 = tpu.memref_slice %arg3[%dma_start3A_843, %dma_start3A_844] : memref<100000x32xf32, #tpu.memory_space<hbm>> -> memref<100000x32xf32, #tpu.memory_space<hbm>>
      %dma_start3A_846 = tpu.memref_slice %arg21[%dma_start3A_839] : memref<4x!tpu.dma_semaphore, #tpu.memory_space<semaphore_mem>> -> memref<1x!tpu.dma_semaphore, #tpu.memory_space<semaphore_mem>>
      %dma_start3A_847 = tpu.memref_squeeze %dma_start3A_846 : memref<1x!tpu.dma_semaphore, #tpu.memory_space<semaphore_mem>> -> memref<!tpu.dma_semaphore, #tpu.memory_space<semaphore_mem>>
      tpu.enqueue_indirect_dma source(%dma_start3A_845 : memref<100000x32xf32, #tpu.memory_space<hbm>>) target(%arg13 : memref<128x32xf32, #tpu.memory_space<vmem>>) offsets(%dma_start3A_842 : memref<128xi32, #tpu.memory_space<vmem>>) semaphore(%dma_start3A_847 : memref<!tpu.dma_semaphore, #tpu.memory_space<semaphore_mem>>)
      %dma_wait3A_848 = arith.constant 0 : i32
      %dma_wait3A_849 = arith.constant 0 : i32
      %dma_wait3A_850 = arith.constant 0 : i32
      %dma_wait3A_851 = tpu.memref_slice %arg3[%dma_wait3A_849, %dma_wait3A_850] : memref<100000x32xf32, #tpu.memory_space<hbm>> -> memref<128x32xf32, #tpu.memory_space<hbm>>
      %dma_wait3A_852 = tpu.memref_slice %arg21[%dma_wait3A_848] : memref<4x!tpu.dma_semaphore, #tpu.memory_space<semaphore_mem>> -> memref<1x!tpu.dma_semaphore, #tpu.memory_space<semaphore_mem>>
      %dma_wait3A_853 = tpu.memref_squeeze %dma_wait3A_852 : memref<1x!tpu.dma_semaphore, #tpu.memory_space<semaphore_mem>> -> memref<!tpu.dma_semaphore, #tpu.memory_space<semaphore_mem>>
      %dma_wait3A_854 = arith.constant 0 : i32
      %dma_wait3A_855 = arith.constant 0 : i32
      %dma_wait3A_856 = tpu.memref_slice %arg3[%dma_wait3A_854, %dma_wait3A_855] : memref<100000x32xf32, #tpu.memory_space<hbm>> -> memref<128x32xf32, #tpu.memory_space<hbm>>
      tpu.wait_dma2 semaphore(%dma_wait3A_853 : memref<!tpu.dma_semaphore, #tpu.memory_space<semaphore_mem>>) src(%dma_wait3A_856 : memref<128x32xf32, #tpu.memory_space<hbm>>) dst(%arg10 : memref<128x32xf32, #tpu.memory_space<vmem>>)
      %run_scoped3A_857 = arith.constant 1 : i32
      %run_scoped3A_858 = arith.constant 4 : i32
      "tpu.region"() ({
        %run_scoped3A_1164 = tpu.sem_alloc : memref<!tpu.dma_semaphore, #tpu.memory_space<semaphore_mem>>
        %dma_start3A_1165 = arith.constant 0 : i32
        %dma_start3A_1166 = tpu.memref_slice %arg9[%run_scoped3A_857, %run_scoped3A_858, %dma_start3A_1165] : memref<2x8x128xi32, #tpu.memory_space<vmem>> -> memref<1x1x128xi32, #tpu.memory_space<vmem>>
        %dma_start3A_1167 = tpu.memref_squeeze %dma_start3A_1166 : memref<1x1x128xi32, #tpu.memory_space<vmem>> -> memref<128xi32, #tpu.memory_space<vmem>>
        %dma_start3A_1168 = arith.constant 0 : i32
        %dma_start3A_1169 = arith.constant 0 : i32
        %dma_start3A_1170 = tpu.memref_slice %arg17[%dma_start3A_1168, %dma_start3A_1169] : memref<50176x32xf32, #tpu.memory_space<vmem_shared>> -> memref<50176x32xf32, #tpu.memory_space<vmem_shared>>
        tpu.enqueue_indirect_dma source(%arg10 : memref<128x32xf32, #tpu.memory_space<vmem>>) target(%dma_start3A_1170 : memref<50176x32xf32, #tpu.memory_space<vmem_shared>>) offsets(%dma_start3A_1167 : memref<128xi32, #tpu.memory_space<vmem>>) semaphore(%run_scoped3A_1164 : memref<!tpu.dma_semaphore, #tpu.memory_space<semaphore_mem>>) {add = true}
        %dma_wait3A_1171 = arith.constant 0 : i32
        %dma_wait3A_1172 = tpu.memref_slice %arg9[%run_scoped3A_857, %run_scoped3A_858, %dma_wait3A_1171] : memref<2x8x128xi32, #tpu.memory_space<vmem>> -> memref<1x1x128xi32, #tpu.memory_space<vmem>>
        %dma_wait3A_1173 = tpu.memref_squeeze %dma_wait3A_1172 : memref<1x1x128xi32, #tpu.memory_space<vmem>> -> memref<128xi32, #tpu.memory_space<vmem>>
        %dma_wait3A_1174 = arith.constant 0 : i32
        %dma_wait3A_1175 = arith.constant 0 : i32
        %dma_wait3A_1176 = tpu.memref_slice %arg17[%dma_wait3A_1174, %dma_wait3A_1175] : memref<50176x32xf32, #tpu.memory_space<vmem_shared>> -> memref<50176x32xf32, #tpu.memory_space<vmem_shared>>
        tpu.wait_indirect_dma semaphore(%run_scoped3A_1164 : memref<!tpu.dma_semaphore, #tpu.memory_space<semaphore_mem>>) src(%arg10 : memref<128x32xf32, #tpu.memory_space<vmem>>) dst(%dma_wait3A_1176 : memref<50176x32xf32, #tpu.memory_space<vmem_shared>>)
        tpu.yield
      }) : () -> ()
      %run_scoped3A_859 = arith.constant 1 : i32
      %run_scoped3A_860 = arith.constant 4 : i32
      "tpu.region"() ({
        %run_scoped3A_1164 = tpu.sem_alloc : memref<!tpu.dma_semaphore, #tpu.memory_space<semaphore_mem>>
        %dma_start3A_1165 = arith.constant 0 : i32
        %dma_start3A_1166 = tpu.memref_slice %arg9[%run_scoped3A_859, %run_scoped3A_860, %dma_start3A_1165] : memref<2x8x128xi32, #tpu.memory_space<vmem>> -> memref<1x1x128xi32, #tpu.memory_space<vmem>>
        %dma_start3A_1167 = tpu.memref_squeeze %dma_start3A_1166 : memref<1x1x128xi32, #tpu.memory_space<vmem>> -> memref<128xi32, #tpu.memory_space<vmem>>
        %dma_start3A_1168 = arith.constant 0 : i32
        %dma_start3A_1169 = tpu.memref_slice %arg18[%dma_start3A_1168] : memref<50176xf32, #tpu.memory_space<vmem_shared>> -> memref<50176xf32, #tpu.memory_space<vmem_shared>>
        tpu.enqueue_indirect_dma source(%arg14 : memref<128xf32, #tpu.memory_space<vmem>>) target(%dma_start3A_1169 : memref<50176xf32, #tpu.memory_space<vmem_shared>>) offsets(%dma_start3A_1167 : memref<128xi32, #tpu.memory_space<vmem>>) semaphore(%run_scoped3A_1164 : memref<!tpu.dma_semaphore, #tpu.memory_space<semaphore_mem>>) {add = true}
        %dma_wait3A_1170 = arith.constant 0 : i32
        %dma_wait3A_1171 = tpu.memref_slice %arg9[%run_scoped3A_859, %run_scoped3A_860, %dma_wait3A_1170] : memref<2x8x128xi32, #tpu.memory_space<vmem>> -> memref<1x1x128xi32, #tpu.memory_space<vmem>>
        %dma_wait3A_1172 = tpu.memref_squeeze %dma_wait3A_1171 : memref<1x1x128xi32, #tpu.memory_space<vmem>> -> memref<128xi32, #tpu.memory_space<vmem>>
        %dma_wait3A_1173 = arith.constant 0 : i32
        %dma_wait3A_1174 = tpu.memref_slice %arg18[%dma_wait3A_1173] : memref<50176xf32, #tpu.memory_space<vmem_shared>> -> memref<50176xf32, #tpu.memory_space<vmem_shared>>
        tpu.wait_indirect_dma semaphore(%run_scoped3A_1164 : memref<!tpu.dma_semaphore, #tpu.memory_space<semaphore_mem>>) src(%arg14 : memref<128xf32, #tpu.memory_space<vmem>>) dst(%dma_wait3A_1174 : memref<50176xf32, #tpu.memory_space<vmem_shared>>)
        tpu.yield
      }) : () -> ()
      %dma_wait3A_861 = arith.constant 0 : i32
      %dma_wait3A_862 = arith.constant 0 : i32
      %dma_wait3A_863 = arith.constant 0 : i32
      %dma_wait3A_864 = tpu.memref_slice %arg2[%arg0, %arg1, %min3A_730, %dma_wait3A_861, %dma_wait3A_862, %dma_wait3A_863] : memref<2x16x50x2x8x128xi32, #tpu.memory_space<hbm>> -> memref<1x1x1x2x8x128xi32, #tpu.memory_space<hbm>>
      %dma_wait3A_865 = tpu.memref_squeeze %dma_wait3A_864 : memref<1x1x1x2x8x128xi32, #tpu.memory_space<hbm>> -> memref<2x8x128xi32, #tpu.memory_space<hbm>>
      %dma_wait3A_866 = arith.constant 0 : i32
      %dma_wait3A_867 = arith.constant 0 : i32
      %dma_wait3A_868 = arith.constant 0 : i32
      %dma_wait3A_869 = tpu.memref_slice %arg2[%arg0, %arg1, %min3A_730, %dma_wait3A_866, %dma_wait3A_867, %dma_wait3A_868] : memref<2x16x50x2x8x128xi32, #tpu.memory_space<hbm>> -> memref<1x1x1x2x8x128xi32, #tpu.memory_space<hbm>>
      %dma_wait3A_870 = tpu.memref_squeeze %dma_wait3A_869 : memref<1x1x1x2x8x128xi32, #tpu.memory_space<hbm>> -> memref<2x8x128xi32, #tpu.memory_space<hbm>>
      tpu.wait_dma2 semaphore(%arg19 : memref<!tpu.dma_semaphore, #tpu.memory_space<semaphore_mem>>) src(%dma_wait3A_870 : memref<2x8x128xi32, #tpu.memory_space<hbm>>) dst(%arg8 : memref<2x8x128xi32, #tpu.memory_space<vmem>>)
      %dma_start3A_871 = arith.constant 0 : i32
      %dma_start3A_872 = arith.constant 0 : i32
      %dma_start3A_873 = arith.constant 0 : i32
      %dma_start3A_874 = arith.constant 0 : i32
      %dma_start3A_875 = tpu.memref_slice %arg8[%dma_start3A_871, %dma_start3A_872, %dma_start3A_874] : memref<2x8x128xi32, #tpu.memory_space<vmem>> -> memref<1x1x128xi32, #tpu.memory_space<vmem>>
      %dma_start3A_876 = tpu.memref_squeeze %dma_start3A_875 : memref<1x1x128xi32, #tpu.memory_space<vmem>> -> memref<128xi32, #tpu.memory_space<vmem>>
      %dma_start3A_877 = arith.constant 0 : i32
      %dma_start3A_878 = arith.constant 0 : i32
      %dma_start3A_879 = tpu.memref_slice %arg3[%dma_start3A_877, %dma_start3A_878] : memref<100000x32xf32, #tpu.memory_space<hbm>> -> memref<100000x32xf32, #tpu.memory_space<hbm>>
      %dma_start3A_880 = tpu.memref_slice %arg21[%dma_start3A_873] : memref<4x!tpu.dma_semaphore, #tpu.memory_space<semaphore_mem>> -> memref<1x!tpu.dma_semaphore, #tpu.memory_space<semaphore_mem>>
      %dma_start3A_881 = tpu.memref_squeeze %dma_start3A_880 : memref<1x!tpu.dma_semaphore, #tpu.memory_space<semaphore_mem>> -> memref<!tpu.dma_semaphore, #tpu.memory_space<semaphore_mem>>
      tpu.enqueue_indirect_dma source(%dma_start3A_879 : memref<100000x32xf32, #tpu.memory_space<hbm>>) target(%arg10 : memref<128x32xf32, #tpu.memory_space<vmem>>) offsets(%dma_start3A_876 : memref<128xi32, #tpu.memory_space<vmem>>) semaphore(%dma_start3A_881 : memref<!tpu.dma_semaphore, #tpu.memory_space<semaphore_mem>>)
      %dma_wait3A_882 = arith.constant 1 : i32
      %dma_wait3A_883 = arith.constant 0 : i32
      %dma_wait3A_884 = arith.constant 0 : i32
      %dma_wait3A_885 = tpu.memref_slice %arg3[%dma_wait3A_883, %dma_wait3A_884] : memref<100000x32xf32, #tpu.memory_space<hbm>> -> memref<128x32xf32, #tpu.memory_space<hbm>>
      %dma_wait3A_886 = tpu.memref_slice %arg21[%dma_wait3A_882] : memref<4x!tpu.dma_semaphore, #tpu.memory_space<semaphore_mem>> -> memref<1x!tpu.dma_semaphore, #tpu.memory_space<semaphore_mem>>
      %dma_wait3A_887 = tpu.memref_squeeze %dma_wait3A_886 : memref<1x!tpu.dma_semaphore, #tpu.memory_space<semaphore_mem>> -> memref<!tpu.dma_semaphore, #tpu.memory_space<semaphore_mem>>
      %dma_wait3A_888 = arith.constant 0 : i32
      %dma_wait3A_889 = arith.constant 0 : i32
      %dma_wait3A_890 = tpu.memref_slice %arg3[%dma_wait3A_888, %dma_wait3A_889] : memref<100000x32xf32, #tpu.memory_space<hbm>> -> memref<128x32xf32, #tpu.memory_space<hbm>>
      tpu.wait_dma2 semaphore(%dma_wait3A_887 : memref<!tpu.dma_semaphore, #tpu.memory_space<semaphore_mem>>) src(%dma_wait3A_890 : memref<128x32xf32, #tpu.memory_space<hbm>>) dst(%arg11 : memref<128x32xf32, #tpu.memory_space<vmem>>)
      %run_scoped3A_891 = arith.constant 1 : i32
      %run_scoped3A_892 = arith.constant 5 : i32
      "tpu.region"() ({
        %run_scoped3A_1164 = tpu.sem_alloc : memref<!tpu.dma_semaphore, #tpu.memory_space<semaphore_mem>>
        %dma_start3A_1165 = arith.constant 0 : i32
        %dma_start3A_1166 = tpu.memref_slice %arg9[%run_scoped3A_891, %run_scoped3A_892, %dma_start3A_1165] : memref<2x8x128xi32, #tpu.memory_space<vmem>> -> memref<1x1x128xi32, #tpu.memory_space<vmem>>
        %dma_start3A_1167 = tpu.memref_squeeze %dma_start3A_1166 : memref<1x1x128xi32, #tpu.memory_space<vmem>> -> memref<128xi32, #tpu.memory_space<vmem>>
        %dma_start3A_1168 = arith.constant 0 : i32
        %dma_start3A_1169 = arith.constant 0 : i32
        %dma_start3A_1170 = tpu.memref_slice %arg17[%dma_start3A_1168, %dma_start3A_1169] : memref<50176x32xf32, #tpu.memory_space<vmem_shared>> -> memref<50176x32xf32, #tpu.memory_space<vmem_shared>>
        tpu.enqueue_indirect_dma source(%arg11 : memref<128x32xf32, #tpu.memory_space<vmem>>) target(%dma_start3A_1170 : memref<50176x32xf32, #tpu.memory_space<vmem_shared>>) offsets(%dma_start3A_1167 : memref<128xi32, #tpu.memory_space<vmem>>) semaphore(%run_scoped3A_1164 : memref<!tpu.dma_semaphore, #tpu.memory_space<semaphore_mem>>) {add = true}
        %dma_wait3A_1171 = arith.constant 0 : i32
        %dma_wait3A_1172 = tpu.memref_slice %arg9[%run_scoped3A_891, %run_scoped3A_892, %dma_wait3A_1171] : memref<2x8x128xi32, #tpu.memory_space<vmem>> -> memref<1x1x128xi32, #tpu.memory_space<vmem>>
        %dma_wait3A_1173 = tpu.memref_squeeze %dma_wait3A_1172 : memref<1x1x128xi32, #tpu.memory_space<vmem>> -> memref<128xi32, #tpu.memory_space<vmem>>
        %dma_wait3A_1174 = arith.constant 0 : i32
        %dma_wait3A_1175 = arith.constant 0 : i32
        %dma_wait3A_1176 = tpu.memref_slice %arg17[%dma_wait3A_1174, %dma_wait3A_1175] : memref<50176x32xf32, #tpu.memory_space<vmem_shared>> -> memref<50176x32xf32, #tpu.memory_space<vmem_shared>>
        tpu.wait_indirect_dma semaphore(%run_scoped3A_1164 : memref<!tpu.dma_semaphore, #tpu.memory_space<semaphore_mem>>) src(%arg11 : memref<128x32xf32, #tpu.memory_space<vmem>>) dst(%dma_wait3A_1176 : memref<50176x32xf32, #tpu.memory_space<vmem_shared>>)
        tpu.yield
      }) : () -> ()
      %run_scoped3A_893 = arith.constant 1 : i32
      %run_scoped3A_894 = arith.constant 5 : i32
      "tpu.region"() ({
        %run_scoped3A_1164 = tpu.sem_alloc : memref<!tpu.dma_semaphore, #tpu.memory_space<semaphore_mem>>
        %dma_start3A_1165 = arith.constant 0 : i32
        %dma_start3A_1166 = tpu.memref_slice %arg9[%run_scoped3A_893, %run_scoped3A_894, %dma_start3A_1165] : memref<2x8x128xi32, #tpu.memory_space<vmem>> -> memref<1x1x128xi32, #tpu.memory_space<vmem>>
        %dma_start3A_1167 = tpu.memref_squeeze %dma_start3A_1166 : memref<1x1x128xi32, #tpu.memory_space<vmem>> -> memref<128xi32, #tpu.memory_space<vmem>>
        %dma_start3A_1168 = arith.constant 0 : i32
        %dma_start3A_1169 = tpu.memref_slice %arg18[%dma_start3A_1168] : memref<50176xf32, #tpu.memory_space<vmem_shared>> -> memref<50176xf32, #tpu.memory_space<vmem_shared>>
        tpu.enqueue_indirect_dma source(%arg14 : memref<128xf32, #tpu.memory_space<vmem>>) target(%dma_start3A_1169 : memref<50176xf32, #tpu.memory_space<vmem_shared>>) offsets(%dma_start3A_1167 : memref<128xi32, #tpu.memory_space<vmem>>) semaphore(%run_scoped3A_1164 : memref<!tpu.dma_semaphore, #tpu.memory_space<semaphore_mem>>) {add = true}
        %dma_wait3A_1170 = arith.constant 0 : i32
        %dma_wait3A_1171 = tpu.memref_slice %arg9[%run_scoped3A_893, %run_scoped3A_894, %dma_wait3A_1170] : memref<2x8x128xi32, #tpu.memory_space<vmem>> -> memref<1x1x128xi32, #tpu.memory_space<vmem>>
        %dma_wait3A_1172 = tpu.memref_squeeze %dma_wait3A_1171 : memref<1x1x128xi32, #tpu.memory_space<vmem>> -> memref<128xi32, #tpu.memory_space<vmem>>
        %dma_wait3A_1173 = arith.constant 0 : i32
        %dma_wait3A_1174 = tpu.memref_slice %arg18[%dma_wait3A_1173] : memref<50176xf32, #tpu.memory_space<vmem_shared>> -> memref<50176xf32, #tpu.memory_space<vmem_shared>>
        tpu.wait_indirect_dma semaphore(%run_scoped3A_1164 : memref<!tpu.dma_semaphore, #tpu.memory_space<semaphore_mem>>) src(%arg14 : memref<128xf32, #tpu.memory_space<vmem>>) dst(%dma_wait3A_1174 : memref<50176xf32, #tpu.memory_space<vmem_shared>>)
        tpu.yield
      }) : () -> ()
      %dma_start3A_895 = arith.constant 0 : i32
      %dma_start3A_896 = arith.constant 1 : i32
      %dma_start3A_897 = arith.constant 1 : i32
      %dma_start3A_898 = arith.constant 0 : i32
      %dma_start3A_899 = tpu.memref_slice %arg8[%dma_start3A_895, %dma_start3A_896, %dma_start3A_898] : memref<2x8x128xi32, #tpu.memory_space<vmem>> -> memref<1x1x128xi32, #tpu.memory_space<vmem>>
      %dma_start3A_900 = tpu.memref_squeeze %dma_start3A_899 : memref<1x1x128xi32, #tpu.memory_space<vmem>> -> memref<128xi32, #tpu.memory_space<vmem>>
      %dma_start3A_901 = arith.constant 0 : i32
      %dma_start3A_902 = arith.constant 0 : i32
      %dma_start3A_903 = tpu.memref_slice %arg3[%dma_start3A_901, %dma_start3A_902] : memref<100000x32xf32, #tpu.memory_space<hbm>> -> memref<100000x32xf32, #tpu.memory_space<hbm>>
      %dma_start3A_904 = tpu.memref_slice %arg21[%dma_start3A_897] : memref<4x!tpu.dma_semaphore, #tpu.memory_space<semaphore_mem>> -> memref<1x!tpu.dma_semaphore, #tpu.memory_space<semaphore_mem>>
      %dma_start3A_905 = tpu.memref_squeeze %dma_start3A_904 : memref<1x!tpu.dma_semaphore, #tpu.memory_space<semaphore_mem>> -> memref<!tpu.dma_semaphore, #tpu.memory_space<semaphore_mem>>
      tpu.enqueue_indirect_dma source(%dma_start3A_903 : memref<100000x32xf32, #tpu.memory_space<hbm>>) target(%arg11 : memref<128x32xf32, #tpu.memory_space<vmem>>) offsets(%dma_start3A_900 : memref<128xi32, #tpu.memory_space<vmem>>) semaphore(%dma_start3A_905 : memref<!tpu.dma_semaphore, #tpu.memory_space<semaphore_mem>>)
      %dma_wait3A_906 = arith.constant 2 : i32
      %dma_wait3A_907 = arith.constant 0 : i32
      %dma_wait3A_908 = arith.constant 0 : i32
      %dma_wait3A_909 = tpu.memref_slice %arg3[%dma_wait3A_907, %dma_wait3A_908] : memref<100000x32xf32, #tpu.memory_space<hbm>> -> memref<128x32xf32, #tpu.memory_space<hbm>>
      %dma_wait3A_910 = tpu.memref_slice %arg21[%dma_wait3A_906] : memref<4x!tpu.dma_semaphore, #tpu.memory_space<semaphore_mem>> -> memref<1x!tpu.dma_semaphore, #tpu.memory_space<semaphore_mem>>
      %dma_wait3A_911 = tpu.memref_squeeze %dma_wait3A_910 : memref<1x!tpu.dma_semaphore, #tpu.memory_space<semaphore_mem>> -> memref<!tpu.dma_semaphore, #tpu.memory_space<semaphore_mem>>
      %dma_wait3A_912 = arith.constant 0 : i32
      %dma_wait3A_913 = arith.constant 0 : i32
      %dma_wait3A_914 = tpu.memref_slice %arg3[%dma_wait3A_912, %dma_wait3A_913] : memref<100000x32xf32, #tpu.memory_space<hbm>> -> memref<128x32xf32, #tpu.memory_space<hbm>>
      tpu.wait_dma2 semaphore(%dma_wait3A_911 : memref<!tpu.dma_semaphore, #tpu.memory_space<semaphore_mem>>) src(%dma_wait3A_914 : memref<128x32xf32, #tpu.memory_space<hbm>>) dst(%arg12 : memref<128x32xf32, #tpu.memory_space<vmem>>)
      %run_scoped3A_915 = arith.constant 1 : i32
      %run_scoped3A_916 = arith.constant 6 : i32
      "tpu.region"() ({
        %run_scoped3A_1164 = tpu.sem_alloc : memref<!tpu.dma_semaphore, #tpu.memory_space<semaphore_mem>>
        %dma_start3A_1165 = arith.constant 0 : i32
        %dma_start3A_1166 = tpu.memref_slice %arg9[%run_scoped3A_915, %run_scoped3A_916, %dma_start3A_1165] : memref<2x8x128xi32, #tpu.memory_space<vmem>> -> memref<1x1x128xi32, #tpu.memory_space<vmem>>
        %dma_start3A_1167 = tpu.memref_squeeze %dma_start3A_1166 : memref<1x1x128xi32, #tpu.memory_space<vmem>> -> memref<128xi32, #tpu.memory_space<vmem>>
        %dma_start3A_1168 = arith.constant 0 : i32
        %dma_start3A_1169 = arith.constant 0 : i32
        %dma_start3A_1170 = tpu.memref_slice %arg17[%dma_start3A_1168, %dma_start3A_1169] : memref<50176x32xf32, #tpu.memory_space<vmem_shared>> -> memref<50176x32xf32, #tpu.memory_space<vmem_shared>>
        tpu.enqueue_indirect_dma source(%arg12 : memref<128x32xf32, #tpu.memory_space<vmem>>) target(%dma_start3A_1170 : memref<50176x32xf32, #tpu.memory_space<vmem_shared>>) offsets(%dma_start3A_1167 : memref<128xi32, #tpu.memory_space<vmem>>) semaphore(%run_scoped3A_1164 : memref<!tpu.dma_semaphore, #tpu.memory_space<semaphore_mem>>) {add = true}
        %dma_wait3A_1171 = arith.constant 0 : i32
        %dma_wait3A_1172 = tpu.memref_slice %arg9[%run_scoped3A_915, %run_scoped3A_916, %dma_wait3A_1171] : memref<2x8x128xi32, #tpu.memory_space<vmem>> -> memref<1x1x128xi32, #tpu.memory_space<vmem>>
        %dma_wait3A_1173 = tpu.memref_squeeze %dma_wait3A_1172 : memref<1x1x128xi32, #tpu.memory_space<vmem>> -> memref<128xi32, #tpu.memory_space<vmem>>
        %dma_wait3A_1174 = arith.constant 0 : i32
        %dma_wait3A_1175 = arith.constant 0 : i32
        %dma_wait3A_1176 = tpu.memref_slice %arg17[%dma_wait3A_1174, %dma_wait3A_1175] : memref<50176x32xf32, #tpu.memory_space<vmem_shared>> -> memref<50176x32xf32, #tpu.memory_space<vmem_shared>>
        tpu.wait_indirect_dma semaphore(%run_scoped3A_1164 : memref<!tpu.dma_semaphore, #tpu.memory_space<semaphore_mem>>) src(%arg12 : memref<128x32xf32, #tpu.memory_space<vmem>>) dst(%dma_wait3A_1176 : memref<50176x32xf32, #tpu.memory_space<vmem_shared>>)
        tpu.yield
      }) : () -> ()
      %run_scoped3A_917 = arith.constant 1 : i32
      %run_scoped3A_918 = arith.constant 6 : i32
      "tpu.region"() ({
        %run_scoped3A_1164 = tpu.sem_alloc : memref<!tpu.dma_semaphore, #tpu.memory_space<semaphore_mem>>
        %dma_start3A_1165 = arith.constant 0 : i32
        %dma_start3A_1166 = tpu.memref_slice %arg9[%run_scoped3A_917, %run_scoped3A_918, %dma_start3A_1165] : memref<2x8x128xi32, #tpu.memory_space<vmem>> -> memref<1x1x128xi32, #tpu.memory_space<vmem>>
        %dma_start3A_1167 = tpu.memref_squeeze %dma_start3A_1166 : memref<1x1x128xi32, #tpu.memory_space<vmem>> -> memref<128xi32, #tpu.memory_space<vmem>>
        %dma_start3A_1168 = arith.constant 0 : i32
        %dma_start3A_1169 = tpu.memref_slice %arg18[%dma_start3A_1168] : memref<50176xf32, #tpu.memory_space<vmem_shared>> -> memref<50176xf32, #tpu.memory_space<vmem_shared>>
        tpu.enqueue_indirect_dma source(%arg14 : memref<128xf32, #tpu.memory_space<vmem>>) target(%dma_start3A_1169 : memref<50176xf32, #tpu.memory_space<vmem_shared>>) offsets(%dma_start3A_1167 : memref<128xi32, #tpu.memory_space<vmem>>) semaphore(%run_scoped3A_1164 : memref<!tpu.dma_semaphore, #tpu.memory_space<semaphore_mem>>) {add = true}
        %dma_wait3A_1170 = arith.constant 0 : i32
        %dma_wait3A_1171 = tpu.memref_slice %arg9[%run_scoped3A_917, %run_scoped3A_918, %dma_wait3A_1170] : memref<2x8x128xi32, #tpu.memory_space<vmem>> -> memref<1x1x128xi32, #tpu.memory_space<vmem>>
        %dma_wait3A_1172 = tpu.memref_squeeze %dma_wait3A_1171 : memref<1x1x128xi32, #tpu.memory_space<vmem>> -> memref<128xi32, #tpu.memory_space<vmem>>
        %dma_wait3A_1173 = arith.constant 0 : i32
        %dma_wait3A_1174 = tpu.memref_slice %arg18[%dma_wait3A_1173] : memref<50176xf32, #tpu.memory_space<vmem_shared>> -> memref<50176xf32, #tpu.memory_space<vmem_shared>>
        tpu.wait_indirect_dma semaphore(%run_scoped3A_1164 : memref<!tpu.dma_semaphore, #tpu.memory_space<semaphore_mem>>) src(%arg14 : memref<128xf32, #tpu.memory_space<vmem>>) dst(%dma_wait3A_1174 : memref<50176xf32, #tpu.memory_space<vmem_shared>>)
        tpu.yield
      }) : () -> ()
      %dma_start3A_919 = arith.constant 0 : i32
      %dma_start3A_920 = arith.constant 2 : i32
      %dma_start3A_921 = arith.constant 2 : i32
      %dma_start3A_922 = arith.constant 0 : i32
      %dma_start3A_923 = tpu.memref_slice %arg8[%dma_start3A_919, %dma_start3A_920, %dma_start3A_922] : memref<2x8x128xi32, #tpu.memory_space<vmem>> -> memref<1x1x128xi32, #tpu.memory_space<vmem>>
      %dma_start3A_924 = tpu.memref_squeeze %dma_start3A_923 : memref<1x1x128xi32, #tpu.memory_space<vmem>> -> memref<128xi32, #tpu.memory_space<vmem>>
      %dma_start3A_925 = arith.constant 0 : i32
      %dma_start3A_926 = arith.constant 0 : i32
      %dma_start3A_927 = tpu.memref_slice %arg3[%dma_start3A_925, %dma_start3A_926] : memref<100000x32xf32, #tpu.memory_space<hbm>> -> memref<100000x32xf32, #tpu.memory_space<hbm>>
      %dma_start3A_928 = tpu.memref_slice %arg21[%dma_start3A_921] : memref<4x!tpu.dma_semaphore, #tpu.memory_space<semaphore_mem>> -> memref<1x!tpu.dma_semaphore, #tpu.memory_space<semaphore_mem>>
      %dma_start3A_929 = tpu.memref_squeeze %dma_start3A_928 : memref<1x!tpu.dma_semaphore, #tpu.memory_space<semaphore_mem>> -> memref<!tpu.dma_semaphore, #tpu.memory_space<semaphore_mem>>
      tpu.enqueue_indirect_dma source(%dma_start3A_927 : memref<100000x32xf32, #tpu.memory_space<hbm>>) target(%arg12 : memref<128x32xf32, #tpu.memory_space<vmem>>) offsets(%dma_start3A_924 : memref<128xi32, #tpu.memory_space<vmem>>) semaphore(%dma_start3A_929 : memref<!tpu.dma_semaphore, #tpu.memory_space<semaphore_mem>>)
      %dma_wait3A_930 = arith.constant 3 : i32
      %dma_wait3A_931 = arith.constant 0 : i32
      %dma_wait3A_932 = arith.constant 0 : i32
      %dma_wait3A_933 = tpu.memref_slice %arg3[%dma_wait3A_931, %dma_wait3A_932] : memref<100000x32xf32, #tpu.memory_space<hbm>> -> memref<128x32xf32, #tpu.memory_space<hbm>>
      %dma_wait3A_934 = tpu.memref_slice %arg21[%dma_wait3A_930] : memref<4x!tpu.dma_semaphore, #tpu.memory_space<semaphore_mem>> -> memref<1x!tpu.dma_semaphore, #tpu.memory_space<semaphore_mem>>
      %dma_wait3A_935 = tpu.memref_squeeze %dma_wait3A_934 : memref<1x!tpu.dma_semaphore, #tpu.memory_space<semaphore_mem>> -> memref<!tpu.dma_semaphore, #tpu.memory_space<semaphore_mem>>
      %dma_wait3A_936 = arith.constant 0 : i32
      %dma_wait3A_937 = arith.constant 0 : i32
      %dma_wait3A_938 = tpu.memref_slice %arg3[%dma_wait3A_936, %dma_wait3A_937] : memref<100000x32xf32, #tpu.memory_space<hbm>> -> memref<128x32xf32, #tpu.memory_space<hbm>>
      tpu.wait_dma2 semaphore(%dma_wait3A_935 : memref<!tpu.dma_semaphore, #tpu.memory_space<semaphore_mem>>) src(%dma_wait3A_938 : memref<128x32xf32, #tpu.memory_space<hbm>>) dst(%arg13 : memref<128x32xf32, #tpu.memory_space<vmem>>)
      %run_scoped3A_939 = arith.constant 1 : i32
      %run_scoped3A_940 = arith.constant 7 : i32
      "tpu.region"() ({
        %run_scoped3A_1164 = tpu.sem_alloc : memref<!tpu.dma_semaphore, #tpu.memory_space<semaphore_mem>>
        %dma_start3A_1165 = arith.constant 0 : i32
        %dma_start3A_1166 = tpu.memref_slice %arg9[%run_scoped3A_939, %run_scoped3A_940, %dma_start3A_1165] : memref<2x8x128xi32, #tpu.memory_space<vmem>> -> memref<1x1x128xi32, #tpu.memory_space<vmem>>
        %dma_start3A_1167 = tpu.memref_squeeze %dma_start3A_1166 : memref<1x1x128xi32, #tpu.memory_space<vmem>> -> memref<128xi32, #tpu.memory_space<vmem>>
        %dma_start3A_1168 = arith.constant 0 : i32
        %dma_start3A_1169 = arith.constant 0 : i32
        %dma_start3A_1170 = tpu.memref_slice %arg17[%dma_start3A_1168, %dma_start3A_1169] : memref<50176x32xf32, #tpu.memory_space<vmem_shared>> -> memref<50176x32xf32, #tpu.memory_space<vmem_shared>>
        tpu.enqueue_indirect_dma source(%arg13 : memref<128x32xf32, #tpu.memory_space<vmem>>) target(%dma_start3A_1170 : memref<50176x32xf32, #tpu.memory_space<vmem_shared>>) offsets(%dma_start3A_1167 : memref<128xi32, #tpu.memory_space<vmem>>) semaphore(%run_scoped3A_1164 : memref<!tpu.dma_semaphore, #tpu.memory_space<semaphore_mem>>) {add = true}
        %dma_wait3A_1171 = arith.constant 0 : i32
        %dma_wait3A_1172 = tpu.memref_slice %arg9[%run_scoped3A_939, %run_scoped3A_940, %dma_wait3A_1171] : memref<2x8x128xi32, #tpu.memory_space<vmem>> -> memref<1x1x128xi32, #tpu.memory_space<vmem>>
        %dma_wait3A_1173 = tpu.memref_squeeze %dma_wait3A_1172 : memref<1x1x128xi32, #tpu.memory_space<vmem>> -> memref<128xi32, #tpu.memory_space<vmem>>
        %dma_wait3A_1174 = arith.constant 0 : i32
        %dma_wait3A_1175 = arith.constant 0 : i32
        %dma_wait3A_1176 = tpu.memref_slice %arg17[%dma_wait3A_1174, %dma_wait3A_1175] : memref<50176x32xf32, #tpu.memory_space<vmem_shared>> -> memref<50176x32xf32, #tpu.memory_space<vmem_shared>>
        tpu.wait_indirect_dma semaphore(%run_scoped3A_1164 : memref<!tpu.dma_semaphore, #tpu.memory_space<semaphore_mem>>) src(%arg13 : memref<128x32xf32, #tpu.memory_space<vmem>>) dst(%dma_wait3A_1176 : memref<50176x32xf32, #tpu.memory_space<vmem_shared>>)
        tpu.yield
      }) : () -> ()
      %run_scoped3A_941 = arith.constant 1 : i32
      %run_scoped3A_942 = arith.constant 7 : i32
      "tpu.region"() ({
        %run_scoped3A_1164 = tpu.sem_alloc : memref<!tpu.dma_semaphore, #tpu.memory_space<semaphore_mem>>
        %dma_start3A_1165 = arith.constant 0 : i32
        %dma_start3A_1166 = tpu.memref_slice %arg9[%run_scoped3A_941, %run_scoped3A_942, %dma_start3A_1165] : memref<2x8x128xi32, #tpu.memory_space<vmem>> -> memref<1x1x128xi32, #tpu.memory_space<vmem>>
        %dma_start3A_1167 = tpu.memref_squeeze %dma_start3A_1166 : memref<1x1x128xi32, #tpu.memory_space<vmem>> -> memref<128xi32, #tpu.memory_space<vmem>>
        %dma_start3A_1168 = arith.constant 0 : i32
        %dma_start3A_1169 = tpu.memref_slice %arg18[%dma_start3A_1168] : memref<50176xf32, #tpu.memory_space<vmem_shared>> -> memref<50176xf32, #tpu.memory_space<vmem_shared>>
        tpu.enqueue_indirect_dma source(%arg14 : memref<128xf32, #tpu.memory_space<vmem>>) target(%dma_start3A_1169 : memref<50176xf32, #tpu.memory_space<vmem_shared>>) offsets(%dma_start3A_1167 : memref<128xi32, #tpu.memory_space<vmem>>) semaphore(%run_scoped3A_1164 : memref<!tpu.dma_semaphore, #tpu.memory_space<semaphore_mem>>) {add = true}
        %dma_wait3A_1170 = arith.constant 0 : i32
        %dma_wait3A_1171 = tpu.memref_slice %arg9[%run_scoped3A_941, %run_scoped3A_942, %dma_wait3A_1170] : memref<2x8x128xi32, #tpu.memory_space<vmem>> -> memref<1x1x128xi32, #tpu.memory_space<vmem>>
        %dma_wait3A_1172 = tpu.memref_squeeze %dma_wait3A_1171 : memref<1x1x128xi32, #tpu.memory_space<vmem>> -> memref<128xi32, #tpu.memory_space<vmem>>
        %dma_wait3A_1173 = arith.constant 0 : i32
        %dma_wait3A_1174 = tpu.memref_slice %arg18[%dma_wait3A_1173] : memref<50176xf32, #tpu.memory_space<vmem_shared>> -> memref<50176xf32, #tpu.memory_space<vmem_shared>>
        tpu.wait_indirect_dma semaphore(%run_scoped3A_1164 : memref<!tpu.dma_semaphore, #tpu.memory_space<semaphore_mem>>) src(%arg14 : memref<128xf32, #tpu.memory_space<vmem>>) dst(%dma_wait3A_1174 : memref<50176xf32, #tpu.memory_space<vmem_shared>>)
        tpu.yield
      }) : () -> ()
      %mul3A_943 = arith.constant 2 : i32
      %mul3A_944 = arith.muli %mul3A_943, %scan3A_721 : i32
      %add3A_945 = arith.constant 2 : i32
      %add3A_946 = arith.addi %add3A_945, %mul3A_944 : i32
      %add3A_947 = arith.constant 1 : i32
      %add3A_948 = arith.addi %add3A_946, %add3A_947 : i32
      %min3A_949 = arith.constant 49 : i32
      %min3A_950 = arith.minsi %add3A_948, %min3A_949 : i32
      %dma_start3A_951 = arith.constant 0 : i32
      %dma_start3A_952 = arith.constant 3 : i32
      %dma_start3A_953 = arith.constant 3 : i32
      %dma_start3A_954 = arith.constant 0 : i32
      %dma_start3A_955 = tpu.memref_slice %arg8[%dma_start3A_951, %dma_start3A_952, %dma_start3A_954] : memref<2x8x128xi32, #tpu.memory_space<vmem>> -> memref<1x1x128xi32, #tpu.memory_space<vmem>>
      %dma_start3A_956 = tpu.memref_squeeze %dma_start3A_955 : memref<1x1x128xi32, #tpu.memory_space<vmem>> -> memref<128xi32, #tpu.memory_space<vmem>>
      %dma_start3A_957 = arith.constant 0 : i32
      %dma_start3A_958 = arith.constant 0 : i32
      %dma_start3A_959 = tpu.memref_slice %arg3[%dma_start3A_957, %dma_start3A_958] : memref<100000x32xf32, #tpu.memory_space<hbm>> -> memref<100000x32xf32, #tpu.memory_space<hbm>>
      %dma_start3A_960 = tpu.memref_slice %arg21[%dma_start3A_953] : memref<4x!tpu.dma_semaphore, #tpu.memory_space<semaphore_mem>> -> memref<1x!tpu.dma_semaphore, #tpu.memory_space<semaphore_mem>>
      %dma_start3A_961 = tpu.memref_squeeze %dma_start3A_960 : memref<1x!tpu.dma_semaphore, #tpu.memory_space<semaphore_mem>> -> memref<!tpu.dma_semaphore, #tpu.memory_space<semaphore_mem>>
      tpu.enqueue_indirect_dma source(%dma_start3A_959 : memref<100000x32xf32, #tpu.memory_space<hbm>>) target(%arg13 : memref<128x32xf32, #tpu.memory_space<vmem>>) offsets(%dma_start3A_956 : memref<128xi32, #tpu.memory_space<vmem>>) semaphore(%dma_start3A_961 : memref<!tpu.dma_semaphore, #tpu.memory_space<semaphore_mem>>)
      %dma_wait3A_962 = arith.constant 0 : i32
      %dma_wait3A_963 = arith.constant 0 : i32
      %dma_wait3A_964 = arith.constant 0 : i32
      %dma_wait3A_965 = tpu.memref_slice %arg3[%dma_wait3A_963, %dma_wait3A_964] : memref<100000x32xf32, #tpu.memory_space<hbm>> -> memref<128x32xf32, #tpu.memory_space<hbm>>
      %dma_wait3A_966 = tpu.memref_slice %arg21[%dma_wait3A_962] : memref<4x!tpu.dma_semaphore, #tpu.memory_space<semaphore_mem>> -> memref<1x!tpu.dma_semaphore, #tpu.memory_space<semaphore_mem>>
      %dma_wait3A_967 = tpu.memref_squeeze %dma_wait3A_966 : memref<1x!tpu.dma_semaphore, #tpu.memory_space<semaphore_mem>> -> memref<!tpu.dma_semaphore, #tpu.memory_space<semaphore_mem>>
      %dma_wait3A_968 = arith.constant 0 : i32
      %dma_wait3A_969 = arith.constant 0 : i32
      %dma_wait3A_970 = tpu.memref_slice %arg3[%dma_wait3A_968, %dma_wait3A_969] : memref<100000x32xf32, #tpu.memory_space<hbm>> -> memref<128x32xf32, #tpu.memory_space<hbm>>
      tpu.wait_dma2 semaphore(%dma_wait3A_967 : memref<!tpu.dma_semaphore, #tpu.memory_space<semaphore_mem>>) src(%dma_wait3A_970 : memref<128x32xf32, #tpu.memory_space<hbm>>) dst(%arg10 : memref<128x32xf32, #tpu.memory_space<vmem>>)
      %run_scoped3A_971 = arith.constant 1 : i32
      %run_scoped3A_972 = arith.constant 0 : i32
      "tpu.region"() ({
        %run_scoped3A_1164 = tpu.sem_alloc : memref<!tpu.dma_semaphore, #tpu.memory_space<semaphore_mem>>
        %dma_start3A_1165 = arith.constant 0 : i32
        %dma_start3A_1166 = tpu.memref_slice %arg8[%run_scoped3A_971, %run_scoped3A_972, %dma_start3A_1165] : memref<2x8x128xi32, #tpu.memory_space<vmem>> -> memref<1x1x128xi32, #tpu.memory_space<vmem>>
        %dma_start3A_1167 = tpu.memref_squeeze %dma_start3A_1166 : memref<1x1x128xi32, #tpu.memory_space<vmem>> -> memref<128xi32, #tpu.memory_space<vmem>>
        %dma_start3A_1168 = arith.constant 0 : i32
        %dma_start3A_1169 = arith.constant 0 : i32
        %dma_start3A_1170 = tpu.memref_slice %arg17[%dma_start3A_1168, %dma_start3A_1169] : memref<50176x32xf32, #tpu.memory_space<vmem_shared>> -> memref<50176x32xf32, #tpu.memory_space<vmem_shared>>
        tpu.enqueue_indirect_dma source(%arg10 : memref<128x32xf32, #tpu.memory_space<vmem>>) target(%dma_start3A_1170 : memref<50176x32xf32, #tpu.memory_space<vmem_shared>>) offsets(%dma_start3A_1167 : memref<128xi32, #tpu.memory_space<vmem>>) semaphore(%run_scoped3A_1164 : memref<!tpu.dma_semaphore, #tpu.memory_space<semaphore_mem>>) {add = true}
        %dma_wait3A_1171 = arith.constant 0 : i32
        %dma_wait3A_1172 = tpu.memref_slice %arg8[%run_scoped3A_971, %run_scoped3A_972, %dma_wait3A_1171] : memref<2x8x128xi32, #tpu.memory_space<vmem>> -> memref<1x1x128xi32, #tpu.memory_space<vmem>>
        %dma_wait3A_1173 = tpu.memref_squeeze %dma_wait3A_1172 : memref<1x1x128xi32, #tpu.memory_space<vmem>> -> memref<128xi32, #tpu.memory_space<vmem>>
        %dma_wait3A_1174 = arith.constant 0 : i32
        %dma_wait3A_1175 = arith.constant 0 : i32
        %dma_wait3A_1176 = tpu.memref_slice %arg17[%dma_wait3A_1174, %dma_wait3A_1175] : memref<50176x32xf32, #tpu.memory_space<vmem_shared>> -> memref<50176x32xf32, #tpu.memory_space<vmem_shared>>
        tpu.wait_indirect_dma semaphore(%run_scoped3A_1164 : memref<!tpu.dma_semaphore, #tpu.memory_space<semaphore_mem>>) src(%arg10 : memref<128x32xf32, #tpu.memory_space<vmem>>) dst(%dma_wait3A_1176 : memref<50176x32xf32, #tpu.memory_space<vmem_shared>>)
        tpu.yield
      }) : () -> ()
      %run_scoped3A_973 = arith.constant 1 : i32
      %run_scoped3A_974 = arith.constant 0 : i32
      "tpu.region"() ({
        %run_scoped3A_1164 = tpu.sem_alloc : memref<!tpu.dma_semaphore, #tpu.memory_space<semaphore_mem>>
        %dma_start3A_1165 = arith.constant 0 : i32
        %dma_start3A_1166 = tpu.memref_slice %arg8[%run_scoped3A_973, %run_scoped3A_974, %dma_start3A_1165] : memref<2x8x128xi32, #tpu.memory_space<vmem>> -> memref<1x1x128xi32, #tpu.memory_space<vmem>>
        %dma_start3A_1167 = tpu.memref_squeeze %dma_start3A_1166 : memref<1x1x128xi32, #tpu.memory_space<vmem>> -> memref<128xi32, #tpu.memory_space<vmem>>
        %dma_start3A_1168 = arith.constant 0 : i32
        %dma_start3A_1169 = tpu.memref_slice %arg18[%dma_start3A_1168] : memref<50176xf32, #tpu.memory_space<vmem_shared>> -> memref<50176xf32, #tpu.memory_space<vmem_shared>>
        tpu.enqueue_indirect_dma source(%arg14 : memref<128xf32, #tpu.memory_space<vmem>>) target(%dma_start3A_1169 : memref<50176xf32, #tpu.memory_space<vmem_shared>>) offsets(%dma_start3A_1167 : memref<128xi32, #tpu.memory_space<vmem>>) semaphore(%run_scoped3A_1164 : memref<!tpu.dma_semaphore, #tpu.memory_space<semaphore_mem>>) {add = true}
        %dma_wait3A_1170 = arith.constant 0 : i32
        %dma_wait3A_1171 = tpu.memref_slice %arg8[%run_scoped3A_973, %run_scoped3A_974, %dma_wait3A_1170] : memref<2x8x128xi32, #tpu.memory_space<vmem>> -> memref<1x1x128xi32, #tpu.memory_space<vmem>>
        %dma_wait3A_1172 = tpu.memref_squeeze %dma_wait3A_1171 : memref<1x1x128xi32, #tpu.memory_space<vmem>> -> memref<128xi32, #tpu.memory_space<vmem>>
        %dma_wait3A_1173 = arith.constant 0 : i32
        %dma_wait3A_1174 = tpu.memref_slice %arg18[%dma_wait3A_1173] : memref<50176xf32, #tpu.memory_space<vmem_shared>> -> memref<50176xf32, #tpu.memory_space<vmem_shared>>
        tpu.wait_indirect_dma semaphore(%run_scoped3A_1164 : memref<!tpu.dma_semaphore, #tpu.memory_space<semaphore_mem>>) src(%arg14 : memref<128xf32, #tpu.memory_space<vmem>>) dst(%dma_wait3A_1174 : memref<50176xf32, #tpu.memory_space<vmem_shared>>)
        tpu.yield
      }) : () -> ()
      %dma_start3A_975 = arith.constant 0 : i32
      %dma_start3A_976 = arith.constant 4 : i32
      %dma_start3A_977 = arith.constant 0 : i32
      %dma_start3A_978 = arith.constant 0 : i32
      %dma_start3A_979 = tpu.memref_slice %arg8[%dma_start3A_975, %dma_start3A_976, %dma_start3A_978] : memref<2x8x128xi32, #tpu.memory_space<vmem>> -> memref<1x1x128xi32, #tpu.memory_space<vmem>>
      %dma_start3A_980 = tpu.memref_squeeze %dma_start3A_979 : memref<1x1x128xi32, #tpu.memory_space<vmem>> -> memref<128xi32, #tpu.memory_space<vmem>>
      %dma_start3A_981 = arith.constant 0 : i32
      %dma_start3A_982 = arith.constant 0 : i32
      %dma_start3A_983 = tpu.memref_slice %arg3[%dma_start3A_981, %dma_start3A_982] : memref<100000x32xf32, #tpu.memory_space<hbm>> -> memref<100000x32xf32, #tpu.memory_space<hbm>>
      %dma_start3A_984 = tpu.memref_slice %arg21[%dma_start3A_977] : memref<4x!tpu.dma_semaphore, #tpu.memory_space<semaphore_mem>> -> memref<1x!tpu.dma_semaphore, #tpu.memory_space<semaphore_mem>>
      %dma_start3A_985 = tpu.memref_squeeze %dma_start3A_984 : memref<1x!tpu.dma_semaphore, #tpu.memory_space<semaphore_mem>> -> memref<!tpu.dma_semaphore, #tpu.memory_space<semaphore_mem>>
      tpu.enqueue_indirect_dma source(%dma_start3A_983 : memref<100000x32xf32, #tpu.memory_space<hbm>>) target(%arg10 : memref<128x32xf32, #tpu.memory_space<vmem>>) offsets(%dma_start3A_980 : memref<128xi32, #tpu.memory_space<vmem>>) semaphore(%dma_start3A_985 : memref<!tpu.dma_semaphore, #tpu.memory_space<semaphore_mem>>)
      %dma_wait3A_986 = arith.constant 1 : i32
      %dma_wait3A_987 = arith.constant 0 : i32
      %dma_wait3A_988 = arith.constant 0 : i32
      %dma_wait3A_989 = tpu.memref_slice %arg3[%dma_wait3A_987, %dma_wait3A_988] : memref<100000x32xf32, #tpu.memory_space<hbm>> -> memref<128x32xf32, #tpu.memory_space<hbm>>
      %dma_wait3A_990 = tpu.memref_slice %arg21[%dma_wait3A_986] : memref<4x!tpu.dma_semaphore, #tpu.memory_space<semaphore_mem>> -> memref<1x!tpu.dma_semaphore, #tpu.memory_space<semaphore_mem>>
      %dma_wait3A_991 = tpu.memref_squeeze %dma_wait3A_990 : memref<1x!tpu.dma_semaphore, #tpu.memory_space<semaphore_mem>> -> memref<!tpu.dma_semaphore, #tpu.memory_space<semaphore_mem>>
      %dma_wait3A_992 = arith.constant 0 : i32
      %dma_wait3A_993 = arith.constant 0 : i32
      %dma_wait3A_994 = tpu.memref_slice %arg3[%dma_wait3A_992, %dma_wait3A_993] : memref<100000x32xf32, #tpu.memory_space<hbm>> -> memref<128x32xf32, #tpu.memory_space<hbm>>
      tpu.wait_dma2 semaphore(%dma_wait3A_991 : memref<!tpu.dma_semaphore, #tpu.memory_space<semaphore_mem>>) src(%dma_wait3A_994 : memref<128x32xf32, #tpu.memory_space<hbm>>) dst(%arg11 : memref<128x32xf32, #tpu.memory_space<vmem>>)
      %run_scoped3A_995 = arith.constant 1 : i32
      %run_scoped3A_996 = arith.constant 1 : i32
      "tpu.region"() ({
        %run_scoped3A_1164 = tpu.sem_alloc : memref<!tpu.dma_semaphore, #tpu.memory_space<semaphore_mem>>
        %dma_start3A_1165 = arith.constant 0 : i32
        %dma_start3A_1166 = tpu.memref_slice %arg8[%run_scoped3A_995, %run_scoped3A_996, %dma_start3A_1165] : memref<2x8x128xi32, #tpu.memory_space<vmem>> -> memref<1x1x128xi32, #tpu.memory_space<vmem>>
        %dma_start3A_1167 = tpu.memref_squeeze %dma_start3A_1166 : memref<1x1x128xi32, #tpu.memory_space<vmem>> -> memref<128xi32, #tpu.memory_space<vmem>>
        %dma_start3A_1168 = arith.constant 0 : i32
        %dma_start3A_1169 = arith.constant 0 : i32
        %dma_start3A_1170 = tpu.memref_slice %arg17[%dma_start3A_1168, %dma_start3A_1169] : memref<50176x32xf32, #tpu.memory_space<vmem_shared>> -> memref<50176x32xf32, #tpu.memory_space<vmem_shared>>
        tpu.enqueue_indirect_dma source(%arg11 : memref<128x32xf32, #tpu.memory_space<vmem>>) target(%dma_start3A_1170 : memref<50176x32xf32, #tpu.memory_space<vmem_shared>>) offsets(%dma_start3A_1167 : memref<128xi32, #tpu.memory_space<vmem>>) semaphore(%run_scoped3A_1164 : memref<!tpu.dma_semaphore, #tpu.memory_space<semaphore_mem>>) {add = true}
        %dma_wait3A_1171 = arith.constant 0 : i32
        %dma_wait3A_1172 = tpu.memref_slice %arg8[%run_scoped3A_995, %run_scoped3A_996, %dma_wait3A_1171] : memref<2x8x128xi32, #tpu.memory_space<vmem>> -> memref<1x1x128xi32, #tpu.memory_space<vmem>>
        %dma_wait3A_1173 = tpu.memref_squeeze %dma_wait3A_1172 : memref<1x1x128xi32, #tpu.memory_space<vmem>> -> memref<128xi32, #tpu.memory_space<vmem>>
        %dma_wait3A_1174 = arith.constant 0 : i32
        %dma_wait3A_1175 = arith.constant 0 : i32
        %dma_wait3A_1176 = tpu.memref_slice %arg17[%dma_wait3A_1174, %dma_wait3A_1175] : memref<50176x32xf32, #tpu.memory_space<vmem_shared>> -> memref<50176x32xf32, #tpu.memory_space<vmem_shared>>
        tpu.wait_indirect_dma semaphore(%run_scoped3A_1164 : memref<!tpu.dma_semaphore, #tpu.memory_space<semaphore_mem>>) src(%arg11 : memref<128x32xf32, #tpu.memory_space<vmem>>) dst(%dma_wait3A_1176 : memref<50176x32xf32, #tpu.memory_space<vmem_shared>>)
        tpu.yield
      }) : () -> ()
      %run_scoped3A_997 = arith.constant 1 : i32
      %run_scoped3A_998 = arith.constant 1 : i32
      "tpu.region"() ({
        %run_scoped3A_1164 = tpu.sem_alloc : memref<!tpu.dma_semaphore, #tpu.memory_space<semaphore_mem>>
        %dma_start3A_1165 = arith.constant 0 : i32
        %dma_start3A_1166 = tpu.memref_slice %arg8[%run_scoped3A_997, %run_scoped3A_998, %dma_start3A_1165] : memref<2x8x128xi32, #tpu.memory_space<vmem>> -> memref<1x1x128xi32, #tpu.memory_space<vmem>>
        %dma_start3A_1167 = tpu.memref_squeeze %dma_start3A_1166 : memref<1x1x128xi32, #tpu.memory_space<vmem>> -> memref<128xi32, #tpu.memory_space<vmem>>
        %dma_start3A_1168 = arith.constant 0 : i32
        %dma_start3A_1169 = tpu.memref_slice %arg18[%dma_start3A_1168] : memref<50176xf32, #tpu.memory_space<vmem_shared>> -> memref<50176xf32, #tpu.memory_space<vmem_shared>>
        tpu.enqueue_indirect_dma source(%arg14 : memref<128xf32, #tpu.memory_space<vmem>>) target(%dma_start3A_1169 : memref<50176xf32, #tpu.memory_space<vmem_shared>>) offsets(%dma_start3A_1167 : memref<128xi32, #tpu.memory_space<vmem>>) semaphore(%run_scoped3A_1164 : memref<!tpu.dma_semaphore, #tpu.memory_space<semaphore_mem>>) {add = true}
        %dma_wait3A_1170 = arith.constant 0 : i32
        %dma_wait3A_1171 = tpu.memref_slice %arg8[%run_scoped3A_997, %run_scoped3A_998, %dma_wait3A_1170] : memref<2x8x128xi32, #tpu.memory_space<vmem>> -> memref<1x1x128xi32, #tpu.memory_space<vmem>>
        %dma_wait3A_1172 = tpu.memref_squeeze %dma_wait3A_1171 : memref<1x1x128xi32, #tpu.memory_space<vmem>> -> memref<128xi32, #tpu.memory_space<vmem>>
        %dma_wait3A_1173 = arith.constant 0 : i32
        %dma_wait3A_1174 = tpu.memref_slice %arg18[%dma_wait3A_1173] : memref<50176xf32, #tpu.memory_space<vmem_shared>> -> memref<50176xf32, #tpu.memory_space<vmem_shared>>
        tpu.wait_indirect_dma semaphore(%run_scoped3A_1164 : memref<!tpu.dma_semaphore, #tpu.memory_space<semaphore_mem>>) src(%arg14 : memref<128xf32, #tpu.memory_space<vmem>>) dst(%dma_wait3A_1174 : memref<50176xf32, #tpu.memory_space<vmem_shared>>)
        tpu.yield
      }) : () -> ()
      %dma_start3A_999 = arith.constant 0 : i32
      %dma_start3A_1000 = arith.constant 0 : i32
      %dma_start3A_1001 = arith.constant 0 : i32
      %dma_start3A_1002 = tpu.memref_slice %arg2[%arg0, %arg1, %min3A_950, %dma_start3A_999, %dma_start3A_1000, %dma_start3A_1001] : memref<2x16x50x2x8x128xi32, #tpu.memory_space<hbm>> -> memref<1x1x1x2x8x128xi32, #tpu.memory_space<hbm>>
      %dma_start3A_1003 = tpu.memref_squeeze %dma_start3A_1002 : memref<1x1x1x2x8x128xi32, #tpu.memory_space<hbm>> -> memref<2x8x128xi32, #tpu.memory_space<hbm>>
      %dma_start3A_1004 = arith.constant 0 : i32
      %dma_start3A_1005 = arith.constant 0 : i32
      %dma_start3A_1006 = arith.constant 0 : i32
      %dma_start3A_1007 = tpu.memref_slice %arg2[%arg0, %arg1, %min3A_950, %dma_start3A_1004, %dma_start3A_1005, %dma_start3A_1006] : memref<2x16x50x2x8x128xi32, #tpu.memory_space<hbm>> -> memref<1x1x1x2x8x128xi32, #tpu.memory_space<hbm>>
      %dma_start3A_1008 = tpu.memref_squeeze %dma_start3A_1007 : memref<1x1x1x2x8x128xi32, #tpu.memory_space<hbm>> -> memref<2x8x128xi32, #tpu.memory_space<hbm>>
      tpu.enqueue_dma source(%dma_start3A_1008 : memref<2x8x128xi32, #tpu.memory_space<hbm>>) target(%arg9 : memref<2x8x128xi32, #tpu.memory_space<vmem>>) target_semaphore(%arg20 : memref<!tpu.dma_semaphore, #tpu.memory_space<semaphore_mem>>)
      %dma_start3A_1009 = arith.constant 0 : i32
      %dma_start3A_1010 = arith.constant 5 : i32
      %dma_start3A_1011 = arith.constant 1 : i32
      %dma_start3A_1012 = arith.constant 0 : i32
      %dma_start3A_1013 = tpu.memref_slice %arg8[%dma_start3A_1009, %dma_start3A_1010, %dma_start3A_1012] : memref<2x8x128xi32, #tpu.memory_space<vmem>> -> memref<1x1x128xi32, #tpu.memory_space<vmem>>
      %dma_start3A_1014 = tpu.memref_squeeze %dma_start3A_1013 : memref<1x1x128xi32, #tpu.memory_space<vmem>> -> memref<128xi32, #tpu.memory_space<vmem>>
      %dma_start3A_1015 = arith.constant 0 : i32
      %dma_start3A_1016 = arith.constant 0 : i32
      %dma_start3A_1017 = tpu.memref_slice %arg3[%dma_start3A_1015, %dma_start3A_1016] : memref<100000x32xf32, #tpu.memory_space<hbm>> -> memref<100000x32xf32, #tpu.memory_space<hbm>>
      %dma_start3A_1018 = tpu.memref_slice %arg21[%dma_start3A_1011] : memref<4x!tpu.dma_semaphore, #tpu.memory_space<semaphore_mem>> -> memref<1x!tpu.dma_semaphore, #tpu.memory_space<semaphore_mem>>
      %dma_start3A_1019 = tpu.memref_squeeze %dma_start3A_1018 : memref<1x!tpu.dma_semaphore, #tpu.memory_space<semaphore_mem>> -> memref<!tpu.dma_semaphore, #tpu.memory_space<semaphore_mem>>
      tpu.enqueue_indirect_dma source(%dma_start3A_1017 : memref<100000x32xf32, #tpu.memory_space<hbm>>) target(%arg11 : memref<128x32xf32, #tpu.memory_space<vmem>>) offsets(%dma_start3A_1014 : memref<128xi32, #tpu.memory_space<vmem>>) semaphore(%dma_start3A_1019 : memref<!tpu.dma_semaphore, #tpu.memory_space<semaphore_mem>>)
      %dma_wait3A_1020 = arith.constant 2 : i32
      %dma_wait3A_1021 = arith.constant 0 : i32
      %dma_wait3A_1022 = arith.constant 0 : i32
      %dma_wait3A_1023 = tpu.memref_slice %arg3[%dma_wait3A_1021, %dma_wait3A_1022] : memref<100000x32xf32, #tpu.memory_space<hbm>> -> memref<128x32xf32, #tpu.memory_space<hbm>>
      %dma_wait3A_1024 = tpu.memref_slice %arg21[%dma_wait3A_1020] : memref<4x!tpu.dma_semaphore, #tpu.memory_space<semaphore_mem>> -> memref<1x!tpu.dma_semaphore, #tpu.memory_space<semaphore_mem>>
      %dma_wait3A_1025 = tpu.memref_squeeze %dma_wait3A_1024 : memref<1x!tpu.dma_semaphore, #tpu.memory_space<semaphore_mem>> -> memref<!tpu.dma_semaphore, #tpu.memory_space<semaphore_mem>>
      %dma_wait3A_1026 = arith.constant 0 : i32
      %dma_wait3A_1027 = arith.constant 0 : i32
      %dma_wait3A_1028 = tpu.memref_slice %arg3[%dma_wait3A_1026, %dma_wait3A_1027] : memref<100000x32xf32, #tpu.memory_space<hbm>> -> memref<128x32xf32, #tpu.memory_space<hbm>>
      tpu.wait_dma2 semaphore(%dma_wait3A_1025 : memref<!tpu.dma_semaphore, #tpu.memory_space<semaphore_mem>>) src(%dma_wait3A_1028 : memref<128x32xf32, #tpu.memory_space<hbm>>) dst(%arg12 : memref<128x32xf32, #tpu.memory_space<vmem>>)
      %run_scoped3A_1029 = arith.constant 1 : i32
      %run_scoped3A_1030 = arith.constant 2 : i32
      "tpu.region"() ({
        %run_scoped3A_1164 = tpu.sem_alloc : memref<!tpu.dma_semaphore, #tpu.memory_space<semaphore_mem>>
        %dma_start3A_1165 = arith.constant 0 : i32
        %dma_start3A_1166 = tpu.memref_slice %arg8[%run_scoped3A_1029, %run_scoped3A_1030, %dma_start3A_1165] : memref<2x8x128xi32, #tpu.memory_space<vmem>> -> memref<1x1x128xi32, #tpu.memory_space<vmem>>
        %dma_start3A_1167 = tpu.memref_squeeze %dma_start3A_1166 : memref<1x1x128xi32, #tpu.memory_space<vmem>> -> memref<128xi32, #tpu.memory_space<vmem>>
        %dma_start3A_1168 = arith.constant 0 : i32
        %dma_start3A_1169 = arith.constant 0 : i32
        %dma_start3A_1170 = tpu.memref_slice %arg17[%dma_start3A_1168, %dma_start3A_1169] : memref<50176x32xf32, #tpu.memory_space<vmem_shared>> -> memref<50176x32xf32, #tpu.memory_space<vmem_shared>>
        tpu.enqueue_indirect_dma source(%arg12 : memref<128x32xf32, #tpu.memory_space<vmem>>) target(%dma_start3A_1170 : memref<50176x32xf32, #tpu.memory_space<vmem_shared>>) offsets(%dma_start3A_1167 : memref<128xi32, #tpu.memory_space<vmem>>) semaphore(%run_scoped3A_1164 : memref<!tpu.dma_semaphore, #tpu.memory_space<semaphore_mem>>) {add = true}
        %dma_wait3A_1171 = arith.constant 0 : i32
        %dma_wait3A_1172 = tpu.memref_slice %arg8[%run_scoped3A_1029, %run_scoped3A_1030, %dma_wait3A_1171] : memref<2x8x128xi32, #tpu.memory_space<vmem>> -> memref<1x1x128xi32, #tpu.memory_space<vmem>>
        %dma_wait3A_1173 = tpu.memref_squeeze %dma_wait3A_1172 : memref<1x1x128xi32, #tpu.memory_space<vmem>> -> memref<128xi32, #tpu.memory_space<vmem>>
        %dma_wait3A_1174 = arith.constant 0 : i32
        %dma_wait3A_1175 = arith.constant 0 : i32
        %dma_wait3A_1176 = tpu.memref_slice %arg17[%dma_wait3A_1174, %dma_wait3A_1175] : memref<50176x32xf32, #tpu.memory_space<vmem_shared>> -> memref<50176x32xf32, #tpu.memory_space<vmem_shared>>
        tpu.wait_indirect_dma semaphore(%run_scoped3A_1164 : memref<!tpu.dma_semaphore, #tpu.memory_space<semaphore_mem>>) src(%arg12 : memref<128x32xf32, #tpu.memory_space<vmem>>) dst(%dma_wait3A_1176 : memref<50176x32xf32, #tpu.memory_space<vmem_shared>>)
        tpu.yield
      }) : () -> ()
      %run_scoped3A_1031 = arith.constant 1 : i32
      %run_scoped3A_1032 = arith.constant 2 : i32
      "tpu.region"() ({
        %run_scoped3A_1164 = tpu.sem_alloc : memref<!tpu.dma_semaphore, #tpu.memory_space<semaphore_mem>>
        %dma_start3A_1165 = arith.constant 0 : i32
        %dma_start3A_1166 = tpu.memref_slice %arg8[%run_scoped3A_1031, %run_scoped3A_1032, %dma_start3A_1165] : memref<2x8x128xi32, #tpu.memory_space<vmem>> -> memref<1x1x128xi32, #tpu.memory_space<vmem>>
        %dma_start3A_1167 = tpu.memref_squeeze %dma_start3A_1166 : memref<1x1x128xi32, #tpu.memory_space<vmem>> -> memref<128xi32, #tpu.memory_space<vmem>>
        %dma_start3A_1168 = arith.constant 0 : i32
        %dma_start3A_1169 = tpu.memref_slice %arg18[%dma_start3A_1168] : memref<50176xf32, #tpu.memory_space<vmem_shared>> -> memref<50176xf32, #tpu.memory_space<vmem_shared>>
        tpu.enqueue_indirect_dma source(%arg14 : memref<128xf32, #tpu.memory_space<vmem>>) target(%dma_start3A_1169 : memref<50176xf32, #tpu.memory_space<vmem_shared>>) offsets(%dma_start3A_1167 : memref<128xi32, #tpu.memory_space<vmem>>) semaphore(%run_scoped3A_1164 : memref<!tpu.dma_semaphore, #tpu.memory_space<semaphore_mem>>) {add = true}
        %dma_wait3A_1170 = arith.constant 0 : i32
        %dma_wait3A_1171 = tpu.memref_slice %arg8[%run_scoped3A_1031, %run_scoped3A_1032, %dma_wait3A_1170] : memref<2x8x128xi32, #tpu.memory_space<vmem>> -> memref<1x1x128xi32, #tpu.memory_space<vmem>>
        %dma_wait3A_1172 = tpu.memref_squeeze %dma_wait3A_1171 : memref<1x1x128xi32, #tpu.memory_space<vmem>> -> memref<128xi32, #tpu.memory_space<vmem>>
        %dma_wait3A_1173 = arith.constant 0 : i32
        %dma_wait3A_1174 = tpu.memref_slice %arg18[%dma_wait3A_1173] : memref<50176xf32, #tpu.memory_space<vmem_shared>> -> memref<50176xf32, #tpu.memory_space<vmem_shared>>
        tpu.wait_indirect_dma semaphore(%run_scoped3A_1164 : memref<!tpu.dma_semaphore, #tpu.memory_space<semaphore_mem>>) src(%arg14 : memref<128xf32, #tpu.memory_space<vmem>>) dst(%dma_wait3A_1174 : memref<50176xf32, #tpu.memory_space<vmem_shared>>)
        tpu.yield
      }) : () -> ()
      %dma_start3A_1033 = arith.constant 0 : i32
      %dma_start3A_1034 = arith.constant 6 : i32
      %dma_start3A_1035 = arith.constant 2 : i32
      %dma_start3A_1036 = arith.constant 0 : i32
      %dma_start3A_1037 = tpu.memref_slice %arg8[%dma_start3A_1033, %dma_start3A_1034, %dma_start3A_1036] : memref<2x8x128xi32, #tpu.memory_space<vmem>> -> memref<1x1x128xi32, #tpu.memory_space<vmem>>
      %dma_start3A_1038 = tpu.memref_squeeze %dma_start3A_1037 : memref<1x1x128xi32, #tpu.memory_space<vmem>> -> memref<128xi32, #tpu.memory_space<vmem>>
      %dma_start3A_1039 = arith.constant 0 : i32
      %dma_start3A_1040 = arith.constant 0 : i32
      %dma_start3A_1041 = tpu.memref_slice %arg3[%dma_start3A_1039, %dma_start3A_1040] : memref<100000x32xf32, #tpu.memory_space<hbm>> -> memref<100000x32xf32, #tpu.memory_space<hbm>>
      %dma_start3A_1042 = tpu.memref_slice %arg21[%dma_start3A_1035] : memref<4x!tpu.dma_semaphore, #tpu.memory_space<semaphore_mem>> -> memref<1x!tpu.dma_semaphore, #tpu.memory_space<semaphore_mem>>
      %dma_start3A_1043 = tpu.memref_squeeze %dma_start3A_1042 : memref<1x!tpu.dma_semaphore, #tpu.memory_space<semaphore_mem>> -> memref<!tpu.dma_semaphore, #tpu.memory_space<semaphore_mem>>
      tpu.enqueue_indirect_dma source(%dma_start3A_1041 : memref<100000x32xf32, #tpu.memory_space<hbm>>) target(%arg12 : memref<128x32xf32, #tpu.memory_space<vmem>>) offsets(%dma_start3A_1038 : memref<128xi32, #tpu.memory_space<vmem>>) semaphore(%dma_start3A_1043 : memref<!tpu.dma_semaphore, #tpu.memory_space<semaphore_mem>>)
      %dma_wait3A_1044 = arith.constant 3 : i32
      %dma_wait3A_1045 = arith.constant 0 : i32
      %dma_wait3A_1046 = arith.constant 0 : i32
      %dma_wait3A_1047 = tpu.memref_slice %arg3[%dma_wait3A_1045, %dma_wait3A_1046] : memref<100000x32xf32, #tpu.memory_space<hbm>> -> memref<128x32xf32, #tpu.memory_space<hbm>>
      %dma_wait3A_1048 = tpu.memref_slice %arg21[%dma_wait3A_1044] : memref<4x!tpu.dma_semaphore, #tpu.memory_space<semaphore_mem>> -> memref<1x!tpu.dma_semaphore, #tpu.memory_space<semaphore_mem>>
      %dma_wait3A_1049 = tpu.memref_squeeze %dma_wait3A_1048 : memref<1x!tpu.dma_semaphore, #tpu.memory_space<semaphore_mem>> -> memref<!tpu.dma_semaphore, #tpu.memory_space<semaphore_mem>>
      %dma_wait3A_1050 = arith.constant 0 : i32
      %dma_wait3A_1051 = arith.constant 0 : i32
      %dma_wait3A_1052 = tpu.memref_slice %arg3[%dma_wait3A_1050, %dma_wait3A_1051] : memref<100000x32xf32, #tpu.memory_space<hbm>> -> memref<128x32xf32, #tpu.memory_space<hbm>>
      tpu.wait_dma2 semaphore(%dma_wait3A_1049 : memref<!tpu.dma_semaphore, #tpu.memory_space<semaphore_mem>>) src(%dma_wait3A_1052 : memref<128x32xf32, #tpu.memory_space<hbm>>) dst(%arg13 : memref<128x32xf32, #tpu.memory_space<vmem>>)
      %run_scoped3A_1053 = arith.constant 1 : i32
      %run_scoped3A_1054 = arith.constant 3 : i32
      "tpu.region"() ({
        %run_scoped3A_1164 = tpu.sem_alloc : memref<!tpu.dma_semaphore, #tpu.memory_space<semaphore_mem>>
        %dma_start3A_1165 = arith.constant 0 : i32
        %dma_start3A_1166 = tpu.memref_slice %arg8[%run_scoped3A_1053, %run_scoped3A_1054, %dma_start3A_1165] : memref<2x8x128xi32, #tpu.memory_space<vmem>> -> memref<1x1x128xi32, #tpu.memory_space<vmem>>
        %dma_start3A_1167 = tpu.memref_squeeze %dma_start3A_1166 : memref<1x1x128xi32, #tpu.memory_space<vmem>> -> memref<128xi32, #tpu.memory_space<vmem>>
        %dma_start3A_1168 = arith.constant 0 : i32
        %dma_start3A_1169 = arith.constant 0 : i32
        %dma_start3A_1170 = tpu.memref_slice %arg17[%dma_start3A_1168, %dma_start3A_1169] : memref<50176x32xf32, #tpu.memory_space<vmem_shared>> -> memref<50176x32xf32, #tpu.memory_space<vmem_shared>>
        tpu.enqueue_indirect_dma source(%arg13 : memref<128x32xf32, #tpu.memory_space<vmem>>) target(%dma_start3A_1170 : memref<50176x32xf32, #tpu.memory_space<vmem_shared>>) offsets(%dma_start3A_1167 : memref<128xi32, #tpu.memory_space<vmem>>) semaphore(%run_scoped3A_1164 : memref<!tpu.dma_semaphore, #tpu.memory_space<semaphore_mem>>) {add = true}
        %dma_wait3A_1171 = arith.constant 0 : i32
        %dma_wait3A_1172 = tpu.memref_slice %arg8[%run_scoped3A_1053, %run_scoped3A_1054, %dma_wait3A_1171] : memref<2x8x128xi32, #tpu.memory_space<vmem>> -> memref<1x1x128xi32, #tpu.memory_space<vmem>>
        %dma_wait3A_1173 = tpu.memref_squeeze %dma_wait3A_1172 : memref<1x1x128xi32, #tpu.memory_space<vmem>> -> memref<128xi32, #tpu.memory_space<vmem>>
        %dma_wait3A_1174 = arith.constant 0 : i32
        %dma_wait3A_1175 = arith.constant 0 : i32
        %dma_wait3A_1176 = tpu.memref_slice %arg17[%dma_wait3A_1174, %dma_wait3A_1175] : memref<50176x32xf32, #tpu.memory_space<vmem_shared>> -> memref<50176x32xf32, #tpu.memory_space<vmem_shared>>
        tpu.wait_indirect_dma semaphore(%run_scoped3A_1164 : memref<!tpu.dma_semaphore, #tpu.memory_space<semaphore_mem>>) src(%arg13 : memref<128x32xf32, #tpu.memory_space<vmem>>) dst(%dma_wait3A_1176 : memref<50176x32xf32, #tpu.memory_space<vmem_shared>>)
        tpu.yield
      }) : () -> ()
      %run_scoped3A_1055 = arith.constant 1 : i32
      %run_scoped3A_1056 = arith.constant 3 : i32
      "tpu.region"() ({
        %run_scoped3A_1164 = tpu.sem_alloc : memref<!tpu.dma_semaphore, #tpu.memory_space<semaphore_mem>>
        %dma_start3A_1165 = arith.constant 0 : i32
        %dma_start3A_1166 = tpu.memref_slice %arg8[%run_scoped3A_1055, %run_scoped3A_1056, %dma_start3A_1165] : memref<2x8x128xi32, #tpu.memory_space<vmem>> -> memref<1x1x128xi32, #tpu.memory_space<vmem>>
        %dma_start3A_1167 = tpu.memref_squeeze %dma_start3A_1166 : memref<1x1x128xi32, #tpu.memory_space<vmem>> -> memref<128xi32, #tpu.memory_space<vmem>>
        %dma_start3A_1168 = arith.constant 0 : i32
        %dma_start3A_1169 = tpu.memref_slice %arg18[%dma_start3A_1168] : memref<50176xf32, #tpu.memory_space<vmem_shared>> -> memref<50176xf32, #tpu.memory_space<vmem_shared>>
        tpu.enqueue_indirect_dma source(%arg14 : memref<128xf32, #tpu.memory_space<vmem>>) target(%dma_start3A_1169 : memref<50176xf32, #tpu.memory_space<vmem_shared>>) offsets(%dma_start3A_1167 : memref<128xi32, #tpu.memory_space<vmem>>) semaphore(%run_scoped3A_1164 : memref<!tpu.dma_semaphore, #tpu.memory_space<semaphore_mem>>) {add = true}
        %dma_wait3A_1170 = arith.constant 0 : i32
        %dma_wait3A_1171 = tpu.memref_slice %arg8[%run_scoped3A_1055, %run_scoped3A_1056, %dma_wait3A_1170] : memref<2x8x128xi32, #tpu.memory_space<vmem>> -> memref<1x1x128xi32, #tpu.memory_space<vmem>>
        %dma_wait3A_1172 = tpu.memref_squeeze %dma_wait3A_1171 : memref<1x1x128xi32, #tpu.memory_space<vmem>> -> memref<128xi32, #tpu.memory_space<vmem>>
        %dma_wait3A_1173 = arith.constant 0 : i32
        %dma_wait3A_1174 = tpu.memref_slice %arg18[%dma_wait3A_1173] : memref<50176xf32, #tpu.memory_space<vmem_shared>> -> memref<50176xf32, #tpu.memory_space<vmem_shared>>
        tpu.wait_indirect_dma semaphore(%run_scoped3A_1164 : memref<!tpu.dma_semaphore, #tpu.memory_space<semaphore_mem>>) src(%arg14 : memref<128xf32, #tpu.memory_space<vmem>>) dst(%dma_wait3A_1174 : memref<50176xf32, #tpu.memory_space<vmem_shared>>)
        tpu.yield
      }) : () -> ()
      %dma_start3A_1057 = arith.constant 0 : i32
      %dma_start3A_1058 = arith.constant 7 : i32
      %dma_start3A_1059 = arith.constant 3 : i32
      %dma_start3A_1060 = arith.constant 0 : i32
      %dma_start3A_1061 = tpu.memref_slice %arg8[%dma_start3A_1057, %dma_start3A_1058, %dma_start3A_1060] : memref<2x8x128xi32, #tpu.memory_space<vmem>> -> memref<1x1x128xi32, #tpu.memory_space<vmem>>
      %dma_start3A_1062 = tpu.memref_squeeze %dma_start3A_1061 : memref<1x1x128xi32, #tpu.memory_space<vmem>> -> memref<128xi32, #tpu.memory_space<vmem>>
      %dma_start3A_1063 = arith.constant 0 : i32
      %dma_start3A_1064 = arith.constant 0 : i32
      %dma_start3A_1065 = tpu.memref_slice %arg3[%dma_start3A_1063, %dma_start3A_1064] : memref<100000x32xf32, #tpu.memory_space<hbm>> -> memref<100000x32xf32, #tpu.memory_space<hbm>>
      %dma_start3A_1066 = tpu.memref_slice %arg21[%dma_start3A_1059] : memref<4x!tpu.dma_semaphore, #tpu.memory_space<semaphore_mem>> -> memref<1x!tpu.dma_semaphore, #tpu.memory_space<semaphore_mem>>
      %dma_start3A_1067 = tpu.memref_squeeze %dma_start3A_1066 : memref<1x!tpu.dma_semaphore, #tpu.memory_space<semaphore_mem>> -> memref<!tpu.dma_semaphore, #tpu.memory_space<semaphore_mem>>
      tpu.enqueue_indirect_dma source(%dma_start3A_1065 : memref<100000x32xf32, #tpu.memory_space<hbm>>) target(%arg13 : memref<128x32xf32, #tpu.memory_space<vmem>>) offsets(%dma_start3A_1062 : memref<128xi32, #tpu.memory_space<vmem>>) semaphore(%dma_start3A_1067 : memref<!tpu.dma_semaphore, #tpu.memory_space<semaphore_mem>>)
      %dma_wait3A_1068 = arith.constant 0 : i32
      %dma_wait3A_1069 = arith.constant 0 : i32
      %dma_wait3A_1070 = arith.constant 0 : i32
      %dma_wait3A_1071 = tpu.memref_slice %arg3[%dma_wait3A_1069, %dma_wait3A_1070] : memref<100000x32xf32, #tpu.memory_space<hbm>> -> memref<128x32xf32, #tpu.memory_space<hbm>>
      %dma_wait3A_1072 = tpu.memref_slice %arg21[%dma_wait3A_1068] : memref<4x!tpu.dma_semaphore, #tpu.memory_space<semaphore_mem>> -> memref<1x!tpu.dma_semaphore, #tpu.memory_space<semaphore_mem>>
      %dma_wait3A_1073 = tpu.memref_squeeze %dma_wait3A_1072 : memref<1x!tpu.dma_semaphore, #tpu.memory_space<semaphore_mem>> -> memref<!tpu.dma_semaphore, #tpu.memory_space<semaphore_mem>>
      %dma_wait3A_1074 = arith.constant 0 : i32
      %dma_wait3A_1075 = arith.constant 0 : i32
      %dma_wait3A_1076 = tpu.memref_slice %arg3[%dma_wait3A_1074, %dma_wait3A_1075] : memref<100000x32xf32, #tpu.memory_space<hbm>> -> memref<128x32xf32, #tpu.memory_space<hbm>>
      tpu.wait_dma2 semaphore(%dma_wait3A_1073 : memref<!tpu.dma_semaphore, #tpu.memory_space<semaphore_mem>>) src(%dma_wait3A_1076 : memref<128x32xf32, #tpu.memory_space<hbm>>) dst(%arg10 : memref<128x32xf32, #tpu.memory_space<vmem>>)
      %run_scoped3A_1077 = arith.constant 1 : i32
      %run_scoped3A_1078 = arith.constant 4 : i32
      "tpu.region"() ({
        %run_scoped3A_1164 = tpu.sem_alloc : memref<!tpu.dma_semaphore, #tpu.memory_space<semaphore_mem>>
        %dma_start3A_1165 = arith.constant 0 : i32
        %dma_start3A_1166 = tpu.memref_slice %arg8[%run_scoped3A_1077, %run_scoped3A_1078, %dma_start3A_1165] : memref<2x8x128xi32, #tpu.memory_space<vmem>> -> memref<1x1x128xi32, #tpu.memory_space<vmem>>
        %dma_start3A_1167 = tpu.memref_squeeze %dma_start3A_1166 : memref<1x1x128xi32, #tpu.memory_space<vmem>> -> memref<128xi32, #tpu.memory_space<vmem>>
        %dma_start3A_1168 = arith.constant 0 : i32
        %dma_start3A_1169 = arith.constant 0 : i32
        %dma_start3A_1170 = tpu.memref_slice %arg17[%dma_start3A_1168, %dma_start3A_1169] : memref<50176x32xf32, #tpu.memory_space<vmem_shared>> -> memref<50176x32xf32, #tpu.memory_space<vmem_shared>>
        tpu.enqueue_indirect_dma source(%arg10 : memref<128x32xf32, #tpu.memory_space<vmem>>) target(%dma_start3A_1170 : memref<50176x32xf32, #tpu.memory_space<vmem_shared>>) offsets(%dma_start3A_1167 : memref<128xi32, #tpu.memory_space<vmem>>) semaphore(%run_scoped3A_1164 : memref<!tpu.dma_semaphore, #tpu.memory_space<semaphore_mem>>) {add = true}
        %dma_wait3A_1171 = arith.constant 0 : i32
        %dma_wait3A_1172 = tpu.memref_slice %arg8[%run_scoped3A_1077, %run_scoped3A_1078, %dma_wait3A_1171] : memref<2x8x128xi32, #tpu.memory_space<vmem>> -> memref<1x1x128xi32, #tpu.memory_space<vmem>>
        %dma_wait3A_1173 = tpu.memref_squeeze %dma_wait3A_1172 : memref<1x1x128xi32, #tpu.memory_space<vmem>> -> memref<128xi32, #tpu.memory_space<vmem>>
        %dma_wait3A_1174 = arith.constant 0 : i32
        %dma_wait3A_1175 = arith.constant 0 : i32
        %dma_wait3A_1176 = tpu.memref_slice %arg17[%dma_wait3A_1174, %dma_wait3A_1175] : memref<50176x32xf32, #tpu.memory_space<vmem_shared>> -> memref<50176x32xf32, #tpu.memory_space<vmem_shared>>
        tpu.wait_indirect_dma semaphore(%run_scoped3A_1164 : memref<!tpu.dma_semaphore, #tpu.memory_space<semaphore_mem>>) src(%arg10 : memref<128x32xf32, #tpu.memory_space<vmem>>) dst(%dma_wait3A_1176 : memref<50176x32xf32, #tpu.memory_space<vmem_shared>>)
        tpu.yield
      }) : () -> ()
      %run_scoped3A_1079 = arith.constant 1 : i32
      %run_scoped3A_1080 = arith.constant 4 : i32
      "tpu.region"() ({
        %run_scoped3A_1164 = tpu.sem_alloc : memref<!tpu.dma_semaphore, #tpu.memory_space<semaphore_mem>>
        %dma_start3A_1165 = arith.constant 0 : i32
        %dma_start3A_1166 = tpu.memref_slice %arg8[%run_scoped3A_1079, %run_scoped3A_1080, %dma_start3A_1165] : memref<2x8x128xi32, #tpu.memory_space<vmem>> -> memref<1x1x128xi32, #tpu.memory_space<vmem>>
        %dma_start3A_1167 = tpu.memref_squeeze %dma_start3A_1166 : memref<1x1x128xi32, #tpu.memory_space<vmem>> -> memref<128xi32, #tpu.memory_space<vmem>>
        %dma_start3A_1168 = arith.constant 0 : i32
        %dma_start3A_1169 = tpu.memref_slice %arg18[%dma_start3A_1168] : memref<50176xf32, #tpu.memory_space<vmem_shared>> -> memref<50176xf32, #tpu.memory_space<vmem_shared>>
        tpu.enqueue_indirect_dma source(%arg14 : memref<128xf32, #tpu.memory_space<vmem>>) target(%dma_start3A_1169 : memref<50176xf32, #tpu.memory_space<vmem_shared>>) offsets(%dma_start3A_1167 : memref<128xi32, #tpu.memory_space<vmem>>) semaphore(%run_scoped3A_1164 : memref<!tpu.dma_semaphore, #tpu.memory_space<semaphore_mem>>) {add = true}
        %dma_wait3A_1170 = arith.constant 0 : i32
        %dma_wait3A_1171 = tpu.memref_slice %arg8[%run_scoped3A_1079, %run_scoped3A_1080, %dma_wait3A_1170] : memref<2x8x128xi32, #tpu.memory_space<vmem>> -> memref<1x1x128xi32, #tpu.memory_space<vmem>>
        %dma_wait3A_1172 = tpu.memref_squeeze %dma_wait3A_1171 : memref<1x1x128xi32, #tpu.memory_space<vmem>> -> memref<128xi32, #tpu.memory_space<vmem>>
        %dma_wait3A_1173 = arith.constant 0 : i32
        %dma_wait3A_1174 = tpu.memref_slice %arg18[%dma_wait3A_1173] : memref<50176xf32, #tpu.memory_space<vmem_shared>> -> memref<50176xf32, #tpu.memory_space<vmem_shared>>
        tpu.wait_indirect_dma semaphore(%run_scoped3A_1164 : memref<!tpu.dma_semaphore, #tpu.memory_space<semaphore_mem>>) src(%arg14 : memref<128xf32, #tpu.memory_space<vmem>>) dst(%dma_wait3A_1174 : memref<50176xf32, #tpu.memory_space<vmem_shared>>)
        tpu.yield
      }) : () -> ()
      %dma_wait3A_1081 = arith.constant 0 : i32
      %dma_wait3A_1082 = arith.constant 0 : i32
      %dma_wait3A_1083 = arith.constant 0 : i32
      %dma_wait3A_1084 = tpu.memref_slice %arg2[%arg0, %arg1, %min3A_950, %dma_wait3A_1081, %dma_wait3A_1082, %dma_wait3A_1083] : memref<2x16x50x2x8x128xi32, #tpu.memory_space<hbm>> -> memref<1x1x1x2x8x128xi32, #tpu.memory_space<hbm>>
      %dma_wait3A_1085 = tpu.memref_squeeze %dma_wait3A_1084 : memref<1x1x1x2x8x128xi32, #tpu.memory_space<hbm>> -> memref<2x8x128xi32, #tpu.memory_space<hbm>>
      %dma_wait3A_1086 = arith.constant 0 : i32
      %dma_wait3A_1087 = arith.constant 0 : i32
      %dma_wait3A_1088 = arith.constant 0 : i32
      %dma_wait3A_1089 = tpu.memref_slice %arg2[%arg0, %arg1, %min3A_950, %dma_wait3A_1086, %dma_wait3A_1087, %dma_wait3A_1088] : memref<2x16x50x2x8x128xi32, #tpu.memory_space<hbm>> -> memref<1x1x1x2x8x128xi32, #tpu.memory_space<hbm>>
      %dma_wait3A_1090 = tpu.memref_squeeze %dma_wait3A_1089 : memref<1x1x1x2x8x128xi32, #tpu.memory_space<hbm>> -> memref<2x8x128xi32, #tpu.memory_space<hbm>>
      tpu.wait_dma2 semaphore(%arg20 : memref<!tpu.dma_semaphore, #tpu.memory_space<semaphore_mem>>) src(%dma_wait3A_1090 : memref<2x8x128xi32, #tpu.memory_space<hbm>>) dst(%arg9 : memref<2x8x128xi32, #tpu.memory_space<vmem>>)
      %dma_start3A_1091 = arith.constant 0 : i32
      %dma_start3A_1092 = arith.constant 0 : i32
      %dma_start3A_1093 = arith.constant 0 : i32
      %dma_start3A_1094 = arith.constant 0 : i32
      %dma_start3A_1095 = tpu.memref_slice %arg9[%dma_start3A_1091, %dma_start3A_1092, %dma_start3A_1094] : memref<2x8x128xi32, #tpu.memory_space<vmem>> -> memref<1x1x128xi32, #tpu.memory_space<vmem>>
      %dma_start3A_1096 = tpu.memref_squeeze %dma_start3A_1095 : memref<1x1x128xi32, #tpu.memory_space<vmem>> -> memref<128xi32, #tpu.memory_space<vmem>>
      %dma_start3A_1097 = arith.constant 0 : i32
      %dma_start3A_1098 = arith.constant 0 : i32
      %dma_start3A_1099 = tpu.memref_slice %arg3[%dma_start3A_1097, %dma_start3A_1098] : memref<100000x32xf32, #tpu.memory_space<hbm>> -> memref<100000x32xf32, #tpu.memory_space<hbm>>
      %dma_start3A_1100 = tpu.memref_slice %arg21[%dma_start3A_1093] : memref<4x!tpu.dma_semaphore, #tpu.memory_space<semaphore_mem>> -> memref<1x!tpu.dma_semaphore, #tpu.memory_space<semaphore_mem>>
      %dma_start3A_1101 = tpu.memref_squeeze %dma_start3A_1100 : memref<1x!tpu.dma_semaphore, #tpu.memory_space<semaphore_mem>> -> memref<!tpu.dma_semaphore, #tpu.memory_space<semaphore_mem>>
      tpu.enqueue_indirect_dma source(%dma_start3A_1099 : memref<100000x32xf32, #tpu.memory_space<hbm>>) target(%arg10 : memref<128x32xf32, #tpu.memory_space<vmem>>) offsets(%dma_start3A_1096 : memref<128xi32, #tpu.memory_space<vmem>>) semaphore(%dma_start3A_1101 : memref<!tpu.dma_semaphore, #tpu.memory_space<semaphore_mem>>)
      %dma_wait3A_1102 = arith.constant 1 : i32
      %dma_wait3A_1103 = arith.constant 0 : i32
      %dma_wait3A_1104 = arith.constant 0 : i32
      %dma_wait3A_1105 = tpu.memref_slice %arg3[%dma_wait3A_1103, %dma_wait3A_1104] : memref<100000x32xf32, #tpu.memory_space<hbm>> -> memref<128x32xf32, #tpu.memory_space<hbm>>
      %dma_wait3A_1106 = tpu.memref_slice %arg21[%dma_wait3A_1102] : memref<4x!tpu.dma_semaphore, #tpu.memory_space<semaphore_mem>> -> memref<1x!tpu.dma_semaphore, #tpu.memory_space<semaphore_mem>>
      %dma_wait3A_1107 = tpu.memref_squeeze %dma_wait3A_1106 : memref<1x!tpu.dma_semaphore, #tpu.memory_space<semaphore_mem>> -> memref<!tpu.dma_semaphore, #tpu.memory_space<semaphore_mem>>
      %dma_wait3A_1108 = arith.constant 0 : i32
      %dma_wait3A_1109 = arith.constant 0 : i32
      %dma_wait3A_1110 = tpu.memref_slice %arg3[%dma_wait3A_1108, %dma_wait3A_1109] : memref<100000x32xf32, #tpu.memory_space<hbm>> -> memref<128x32xf32, #tpu.memory_space<hbm>>
      tpu.wait_dma2 semaphore(%dma_wait3A_1107 : memref<!tpu.dma_semaphore, #tpu.memory_space<semaphore_mem>>) src(%dma_wait3A_1110 : memref<128x32xf32, #tpu.memory_space<hbm>>) dst(%arg11 : memref<128x32xf32, #tpu.memory_space<vmem>>)
      %run_scoped3A_1111 = arith.constant 1 : i32
      %run_scoped3A_1112 = arith.constant 5 : i32
      "tpu.region"() ({
        %run_scoped3A_1164 = tpu.sem_alloc : memref<!tpu.dma_semaphore, #tpu.memory_space<semaphore_mem>>
        %dma_start3A_1165 = arith.constant 0 : i32
        %dma_start3A_1166 = tpu.memref_slice %arg8[%run_scoped3A_1111, %run_scoped3A_1112, %dma_start3A_1165] : memref<2x8x128xi32, #tpu.memory_space<vmem>> -> memref<1x1x128xi32, #tpu.memory_space<vmem>>
        %dma_start3A_1167 = tpu.memref_squeeze %dma_start3A_1166 : memref<1x1x128xi32, #tpu.memory_space<vmem>> -> memref<128xi32, #tpu.memory_space<vmem>>
        %dma_start3A_1168 = arith.constant 0 : i32
        %dma_start3A_1169 = arith.constant 0 : i32
        %dma_start3A_1170 = tpu.memref_slice %arg17[%dma_start3A_1168, %dma_start3A_1169] : memref<50176x32xf32, #tpu.memory_space<vmem_shared>> -> memref<50176x32xf32, #tpu.memory_space<vmem_shared>>
        tpu.enqueue_indirect_dma source(%arg11 : memref<128x32xf32, #tpu.memory_space<vmem>>) target(%dma_start3A_1170 : memref<50176x32xf32, #tpu.memory_space<vmem_shared>>) offsets(%dma_start3A_1167 : memref<128xi32, #tpu.memory_space<vmem>>) semaphore(%run_scoped3A_1164 : memref<!tpu.dma_semaphore, #tpu.memory_space<semaphore_mem>>) {add = true}
        %dma_wait3A_1171 = arith.constant 0 : i32
        %dma_wait3A_1172 = tpu.memref_slice %arg8[%run_scoped3A_1111, %run_scoped3A_1112, %dma_wait3A_1171] : memref<2x8x128xi32, #tpu.memory_space<vmem>> -> memref<1x1x128xi32, #tpu.memory_space<vmem>>
        %dma_wait3A_1173 = tpu.memref_squeeze %dma_wait3A_1172 : memref<1x1x128xi32, #tpu.memory_space<vmem>> -> memref<128xi32, #tpu.memory_space<vmem>>
        %dma_wait3A_1174 = arith.constant 0 : i32
        %dma_wait3A_1175 = arith.constant 0 : i32
        %dma_wait3A_1176 = tpu.memref_slice %arg17[%dma_wait3A_1174, %dma_wait3A_1175] : memref<50176x32xf32, #tpu.memory_space<vmem_shared>> -> memref<50176x32xf32, #tpu.memory_space<vmem_shared>>
        tpu.wait_indirect_dma semaphore(%run_scoped3A_1164 : memref<!tpu.dma_semaphore, #tpu.memory_space<semaphore_mem>>) src(%arg11 : memref<128x32xf32, #tpu.memory_space<vmem>>) dst(%dma_wait3A_1176 : memref<50176x32xf32, #tpu.memory_space<vmem_shared>>)
        tpu.yield
      }) : () -> ()
      %run_scoped3A_1113 = arith.constant 1 : i32
      %run_scoped3A_1114 = arith.constant 5 : i32
      "tpu.region"() ({
        %run_scoped3A_1164 = tpu.sem_alloc : memref<!tpu.dma_semaphore, #tpu.memory_space<semaphore_mem>>
        %dma_start3A_1165 = arith.constant 0 : i32
        %dma_start3A_1166 = tpu.memref_slice %arg8[%run_scoped3A_1113, %run_scoped3A_1114, %dma_start3A_1165] : memref<2x8x128xi32, #tpu.memory_space<vmem>> -> memref<1x1x128xi32, #tpu.memory_space<vmem>>
        %dma_start3A_1167 = tpu.memref_squeeze %dma_start3A_1166 : memref<1x1x128xi32, #tpu.memory_space<vmem>> -> memref<128xi32, #tpu.memory_space<vmem>>
        %dma_start3A_1168 = arith.constant 0 : i32
        %dma_start3A_1169 = tpu.memref_slice %arg18[%dma_start3A_1168] : memref<50176xf32, #tpu.memory_space<vmem_shared>> -> memref<50176xf32, #tpu.memory_space<vmem_shared>>
        tpu.enqueue_indirect_dma source(%arg14 : memref<128xf32, #tpu.memory_space<vmem>>) target(%dma_start3A_1169 : memref<50176xf32, #tpu.memory_space<vmem_shared>>) offsets(%dma_start3A_1167 : memref<128xi32, #tpu.memory_space<vmem>>) semaphore(%run_scoped3A_1164 : memref<!tpu.dma_semaphore, #tpu.memory_space<semaphore_mem>>) {add = true}
        %dma_wait3A_1170 = arith.constant 0 : i32
        %dma_wait3A_1171 = tpu.memref_slice %arg8[%run_scoped3A_1113, %run_scoped3A_1114, %dma_wait3A_1170] : memref<2x8x128xi32, #tpu.memory_space<vmem>> -> memref<1x1x128xi32, #tpu.memory_space<vmem>>
        %dma_wait3A_1172 = tpu.memref_squeeze %dma_wait3A_1171 : memref<1x1x128xi32, #tpu.memory_space<vmem>> -> memref<128xi32, #tpu.memory_space<vmem>>
        %dma_wait3A_1173 = arith.constant 0 : i32
        %dma_wait3A_1174 = tpu.memref_slice %arg18[%dma_wait3A_1173] : memref<50176xf32, #tpu.memory_space<vmem_shared>> -> memref<50176xf32, #tpu.memory_space<vmem_shared>>
        tpu.wait_indirect_dma semaphore(%run_scoped3A_1164 : memref<!tpu.dma_semaphore, #tpu.memory_space<semaphore_mem>>) src(%arg14 : memref<128xf32, #tpu.memory_space<vmem>>) dst(%dma_wait3A_1174 : memref<50176xf32, #tpu.memory_space<vmem_shared>>)
        tpu.yield
      }) : () -> ()
      %dma_start3A_1115 = arith.constant 0 : i32
      %dma_start3A_1116 = arith.constant 1 : i32
      %dma_start3A_1117 = arith.constant 1 : i32
      %dma_start3A_1118 = arith.constant 0 : i32
      %dma_start3A_1119 = tpu.memref_slice %arg9[%dma_start3A_1115, %dma_start3A_1116, %dma_start3A_1118] : memref<2x8x128xi32, #tpu.memory_space<vmem>> -> memref<1x1x128xi32, #tpu.memory_space<vmem>>
      %dma_start3A_1120 = tpu.memref_squeeze %dma_start3A_1119 : memref<1x1x128xi32, #tpu.memory_space<vmem>> -> memref<128xi32, #tpu.memory_space<vmem>>
      %dma_start3A_1121 = arith.constant 0 : i32
      %dma_start3A_1122 = arith.constant 0 : i32
      %dma_start3A_1123 = tpu.memref_slice %arg3[%dma_start3A_1121, %dma_start3A_1122] : memref<100000x32xf32, #tpu.memory_space<hbm>> -> memref<100000x32xf32, #tpu.memory_space<hbm>>
      %dma_start3A_1124 = tpu.memref_slice %arg21[%dma_start3A_1117] : memref<4x!tpu.dma_semaphore, #tpu.memory_space<semaphore_mem>> -> memref<1x!tpu.dma_semaphore, #tpu.memory_space<semaphore_mem>>
      %dma_start3A_1125 = tpu.memref_squeeze %dma_start3A_1124 : memref<1x!tpu.dma_semaphore, #tpu.memory_space<semaphore_mem>> -> memref<!tpu.dma_semaphore, #tpu.memory_space<semaphore_mem>>
      tpu.enqueue_indirect_dma source(%dma_start3A_1123 : memref<100000x32xf32, #tpu.memory_space<hbm>>) target(%arg11 : memref<128x32xf32, #tpu.memory_space<vmem>>) offsets(%dma_start3A_1120 : memref<128xi32, #tpu.memory_space<vmem>>) semaphore(%dma_start3A_1125 : memref<!tpu.dma_semaphore, #tpu.memory_space<semaphore_mem>>)
      %dma_wait3A_1126 = arith.constant 2 : i32
      %dma_wait3A_1127 = arith.constant 0 : i32
      %dma_wait3A_1128 = arith.constant 0 : i32
      %dma_wait3A_1129 = tpu.memref_slice %arg3[%dma_wait3A_1127, %dma_wait3A_1128] : memref<100000x32xf32, #tpu.memory_space<hbm>> -> memref<128x32xf32, #tpu.memory_space<hbm>>
      %dma_wait3A_1130 = tpu.memref_slice %arg21[%dma_wait3A_1126] : memref<4x!tpu.dma_semaphore, #tpu.memory_space<semaphore_mem>> -> memref<1x!tpu.dma_semaphore, #tpu.memory_space<semaphore_mem>>
      %dma_wait3A_1131 = tpu.memref_squeeze %dma_wait3A_1130 : memref<1x!tpu.dma_semaphore, #tpu.memory_space<semaphore_mem>> -> memref<!tpu.dma_semaphore, #tpu.memory_space<semaphore_mem>>
      %dma_wait3A_1132 = arith.constant 0 : i32
      %dma_wait3A_1133 = arith.constant 0 : i32
      %dma_wait3A_1134 = tpu.memref_slice %arg3[%dma_wait3A_1132, %dma_wait3A_1133] : memref<100000x32xf32, #tpu.memory_space<hbm>> -> memref<128x32xf32, #tpu.memory_space<hbm>>
      tpu.wait_dma2 semaphore(%dma_wait3A_1131 : memref<!tpu.dma_semaphore, #tpu.memory_space<semaphore_mem>>) src(%dma_wait3A_1134 : memref<128x32xf32, #tpu.memory_space<hbm>>) dst(%arg12 : memref<128x32xf32, #tpu.memory_space<vmem>>)
      %run_scoped3A_1135 = arith.constant 1 : i32
      %run_scoped3A_1136 = arith.constant 6 : i32
      "tpu.region"() ({
        %run_scoped3A_1164 = tpu.sem_alloc : memref<!tpu.dma_semaphore, #tpu.memory_space<semaphore_mem>>
        %dma_start3A_1165 = arith.constant 0 : i32
        %dma_start3A_1166 = tpu.memref_slice %arg8[%run_scoped3A_1135, %run_scoped3A_1136, %dma_start3A_1165] : memref<2x8x128xi32, #tpu.memory_space<vmem>> -> memref<1x1x128xi32, #tpu.memory_space<vmem>>
        %dma_start3A_1167 = tpu.memref_squeeze %dma_start3A_1166 : memref<1x1x128xi32, #tpu.memory_space<vmem>> -> memref<128xi32, #tpu.memory_space<vmem>>
        %dma_start3A_1168 = arith.constant 0 : i32
        %dma_start3A_1169 = arith.constant 0 : i32
        %dma_start3A_1170 = tpu.memref_slice %arg17[%dma_start3A_1168, %dma_start3A_1169] : memref<50176x32xf32, #tpu.memory_space<vmem_shared>> -> memref<50176x32xf32, #tpu.memory_space<vmem_shared>>
        tpu.enqueue_indirect_dma source(%arg12 : memref<128x32xf32, #tpu.memory_space<vmem>>) target(%dma_start3A_1170 : memref<50176x32xf32, #tpu.memory_space<vmem_shared>>) offsets(%dma_start3A_1167 : memref<128xi32, #tpu.memory_space<vmem>>) semaphore(%run_scoped3A_1164 : memref<!tpu.dma_semaphore, #tpu.memory_space<semaphore_mem>>) {add = true}
        %dma_wait3A_1171 = arith.constant 0 : i32
        %dma_wait3A_1172 = tpu.memref_slice %arg8[%run_scoped3A_1135, %run_scoped3A_1136, %dma_wait3A_1171] : memref<2x8x128xi32, #tpu.memory_space<vmem>> -> memref<1x1x128xi32, #tpu.memory_space<vmem>>
        %dma_wait3A_1173 = tpu.memref_squeeze %dma_wait3A_1172 : memref<1x1x128xi32, #tpu.memory_space<vmem>> -> memref<128xi32, #tpu.memory_space<vmem>>
        %dma_wait3A_1174 = arith.constant 0 : i32
        %dma_wait3A_1175 = arith.constant 0 : i32
        %dma_wait3A_1176 = tpu.memref_slice %arg17[%dma_wait3A_1174, %dma_wait3A_1175] : memref<50176x32xf32, #tpu.memory_space<vmem_shared>> -> memref<50176x32xf32, #tpu.memory_space<vmem_shared>>
        tpu.wait_indirect_dma semaphore(%run_scoped3A_1164 : memref<!tpu.dma_semaphore, #tpu.memory_space<semaphore_mem>>) src(%arg12 : memref<128x32xf32, #tpu.memory_space<vmem>>) dst(%dma_wait3A_1176 : memref<50176x32xf32, #tpu.memory_space<vmem_shared>>)
        tpu.yield
      }) : () -> ()
      %run_scoped3A_1137 = arith.constant 1 : i32
      %run_scoped3A_1138 = arith.constant 6 : i32
      "tpu.region"() ({
        %run_scoped3A_1164 = tpu.sem_alloc : memref<!tpu.dma_semaphore, #tpu.memory_space<semaphore_mem>>
        %dma_start3A_1165 = arith.constant 0 : i32
        %dma_start3A_1166 = tpu.memref_slice %arg8[%run_scoped3A_1137, %run_scoped3A_1138, %dma_start3A_1165] : memref<2x8x128xi32, #tpu.memory_space<vmem>> -> memref<1x1x128xi32, #tpu.memory_space<vmem>>
        %dma_start3A_1167 = tpu.memref_squeeze %dma_start3A_1166 : memref<1x1x128xi32, #tpu.memory_space<vmem>> -> memref<128xi32, #tpu.memory_space<vmem>>
        %dma_start3A_1168 = arith.constant 0 : i32
        %dma_start3A_1169 = tpu.memref_slice %arg18[%dma_start3A_1168] : memref<50176xf32, #tpu.memory_space<vmem_shared>> -> memref<50176xf32, #tpu.memory_space<vmem_shared>>
        tpu.enqueue_indirect_dma source(%arg14 : memref<128xf32, #tpu.memory_space<vmem>>) target(%dma_start3A_1169 : memref<50176xf32, #tpu.memory_space<vmem_shared>>) offsets(%dma_start3A_1167 : memref<128xi32, #tpu.memory_space<vmem>>) semaphore(%run_scoped3A_1164 : memref<!tpu.dma_semaphore, #tpu.memory_space<semaphore_mem>>) {add = true}
        %dma_wait3A_1170 = arith.constant 0 : i32
        %dma_wait3A_1171 = tpu.memref_slice %arg8[%run_scoped3A_1137, %run_scoped3A_1138, %dma_wait3A_1170] : memref<2x8x128xi32, #tpu.memory_space<vmem>> -> memref<1x1x128xi32, #tpu.memory_space<vmem>>
        %dma_wait3A_1172 = tpu.memref_squeeze %dma_wait3A_1171 : memref<1x1x128xi32, #tpu.memory_space<vmem>> -> memref<128xi32, #tpu.memory_space<vmem>>
        %dma_wait3A_1173 = arith.constant 0 : i32
        %dma_wait3A_1174 = tpu.memref_slice %arg18[%dma_wait3A_1173] : memref<50176xf32, #tpu.memory_space<vmem_shared>> -> memref<50176xf32, #tpu.memory_space<vmem_shared>>
        tpu.wait_indirect_dma semaphore(%run_scoped3A_1164 : memref<!tpu.dma_semaphore, #tpu.memory_space<semaphore_mem>>) src(%arg14 : memref<128xf32, #tpu.memory_space<vmem>>) dst(%dma_wait3A_1174 : memref<50176xf32, #tpu.memory_space<vmem_shared>>)
        tpu.yield
      }) : () -> ()
      %dma_start3A_1139 = arith.constant 0 : i32
      %dma_start3A_1140 = arith.constant 2 : i32
      %dma_start3A_1141 = arith.constant 2 : i32
      %dma_start3A_1142 = arith.constant 0 : i32
      %dma_start3A_1143 = tpu.memref_slice %arg9[%dma_start3A_1139, %dma_start3A_1140, %dma_start3A_1142] : memref<2x8x128xi32, #tpu.memory_space<vmem>> -> memref<1x1x128xi32, #tpu.memory_space<vmem>>
      %dma_start3A_1144 = tpu.memref_squeeze %dma_start3A_1143 : memref<1x1x128xi32, #tpu.memory_space<vmem>> -> memref<128xi32, #tpu.memory_space<vmem>>
      %dma_start3A_1145 = arith.constant 0 : i32
      %dma_start3A_1146 = arith.constant 0 : i32
      %dma_start3A_1147 = tpu.memref_slice %arg3[%dma_start3A_1145, %dma_start3A_1146] : memref<100000x32xf32, #tpu.memory_space<hbm>> -> memref<100000x32xf32, #tpu.memory_space<hbm>>
      %dma_start3A_1148 = tpu.memref_slice %arg21[%dma_start3A_1141] : memref<4x!tpu.dma_semaphore, #tpu.memory_space<semaphore_mem>> -> memref<1x!tpu.dma_semaphore, #tpu.memory_space<semaphore_mem>>
      %dma_start3A_1149 = tpu.memref_squeeze %dma_start3A_1148 : memref<1x!tpu.dma_semaphore, #tpu.memory_space<semaphore_mem>> -> memref<!tpu.dma_semaphore, #tpu.memory_space<semaphore_mem>>
      tpu.enqueue_indirect_dma source(%dma_start3A_1147 : memref<100000x32xf32, #tpu.memory_space<hbm>>) target(%arg12 : memref<128x32xf32, #tpu.memory_space<vmem>>) offsets(%dma_start3A_1144 : memref<128xi32, #tpu.memory_space<vmem>>) semaphore(%dma_start3A_1149 : memref<!tpu.dma_semaphore, #tpu.memory_space<semaphore_mem>>)
      %dma_wait3A_1150 = arith.constant 3 : i32
      %dma_wait3A_1151 = arith.constant 0 : i32
      %dma_wait3A_1152 = arith.constant 0 : i32
      %dma_wait3A_1153 = tpu.memref_slice %arg3[%dma_wait3A_1151, %dma_wait3A_1152] : memref<100000x32xf32, #tpu.memory_space<hbm>> -> memref<128x32xf32, #tpu.memory_space<hbm>>
      %dma_wait3A_1154 = tpu.memref_slice %arg21[%dma_wait3A_1150] : memref<4x!tpu.dma_semaphore, #tpu.memory_space<semaphore_mem>> -> memref<1x!tpu.dma_semaphore, #tpu.memory_space<semaphore_mem>>
      %dma_wait3A_1155 = tpu.memref_squeeze %dma_wait3A_1154 : memref<1x!tpu.dma_semaphore, #tpu.memory_space<semaphore_mem>> -> memref<!tpu.dma_semaphore, #tpu.memory_space<semaphore_mem>>
      %dma_wait3A_1156 = arith.constant 0 : i32
      %dma_wait3A_1157 = arith.constant 0 : i32
      %dma_wait3A_1158 = tpu.memref_slice %arg3[%dma_wait3A_1156, %dma_wait3A_1157] : memref<100000x32xf32, #tpu.memory_space<hbm>> -> memref<128x32xf32, #tpu.memory_space<hbm>>
      tpu.wait_dma2 semaphore(%dma_wait3A_1155 : memref<!tpu.dma_semaphore, #tpu.memory_space<semaphore_mem>>) src(%dma_wait3A_1158 : memref<128x32xf32, #tpu.memory_space<hbm>>) dst(%arg13 : memref<128x32xf32, #tpu.memory_space<vmem>>)
      %run_scoped3A_1159 = arith.constant 1 : i32
      %run_scoped3A_1160 = arith.constant 7 : i32
      "tpu.region"() ({
        %run_scoped3A_1164 = tpu.sem_alloc : memref<!tpu.dma_semaphore, #tpu.memory_space<semaphore_mem>>
        %dma_start3A_1165 = arith.constant 0 : i32
        %dma_start3A_1166 = tpu.memref_slice %arg8[%run_scoped3A_1159, %run_scoped3A_1160, %dma_start3A_1165] : memref<2x8x128xi32, #tpu.memory_space<vmem>> -> memref<1x1x128xi32, #tpu.memory_space<vmem>>
        %dma_start3A_1167 = tpu.memref_squeeze %dma_start3A_1166 : memref<1x1x128xi32, #tpu.memory_space<vmem>> -> memref<128xi32, #tpu.memory_space<vmem>>
        %dma_start3A_1168 = arith.constant 0 : i32
        %dma_start3A_1169 = arith.constant 0 : i32
        %dma_start3A_1170 = tpu.memref_slice %arg17[%dma_start3A_1168, %dma_start3A_1169] : memref<50176x32xf32, #tpu.memory_space<vmem_shared>> -> memref<50176x32xf32, #tpu.memory_space<vmem_shared>>
        tpu.enqueue_indirect_dma source(%arg13 : memref<128x32xf32, #tpu.memory_space<vmem>>) target(%dma_start3A_1170 : memref<50176x32xf32, #tpu.memory_space<vmem_shared>>) offsets(%dma_start3A_1167 : memref<128xi32, #tpu.memory_space<vmem>>) semaphore(%run_scoped3A_1164 : memref<!tpu.dma_semaphore, #tpu.memory_space<semaphore_mem>>) {add = true}
        %dma_wait3A_1171 = arith.constant 0 : i32
        %dma_wait3A_1172 = tpu.memref_slice %arg8[%run_scoped3A_1159, %run_scoped3A_1160, %dma_wait3A_1171] : memref<2x8x128xi32, #tpu.memory_space<vmem>> -> memref<1x1x128xi32, #tpu.memory_space<vmem>>
        %dma_wait3A_1173 = tpu.memref_squeeze %dma_wait3A_1172 : memref<1x1x128xi32, #tpu.memory_space<vmem>> -> memref<128xi32, #tpu.memory_space<vmem>>
        %dma_wait3A_1174 = arith.constant 0 : i32
        %dma_wait3A_1175 = arith.constant 0 : i32
        %dma_wait3A_1176 = tpu.memref_slice %arg17[%dma_wait3A_1174, %dma_wait3A_1175] : memref<50176x32xf32, #tpu.memory_space<vmem_shared>> -> memref<50176x32xf32, #tpu.memory_space<vmem_shared>>
        tpu.wait_indirect_dma semaphore(%run_scoped3A_1164 : memref<!tpu.dma_semaphore, #tpu.memory_space<semaphore_mem>>) src(%arg13 : memref<128x32xf32, #tpu.memory_space<vmem>>) dst(%dma_wait3A_1176 : memref<50176x32xf32, #tpu.memory_space<vmem_shared>>)
        tpu.yield
      }) : () -> ()
      %run_scoped3A_1161 = arith.constant 1 : i32
      %run_scoped3A_1162 = arith.constant 7 : i32
      "tpu.region"() ({
        %run_scoped3A_1164 = tpu.sem_alloc : memref<!tpu.dma_semaphore, #tpu.memory_space<semaphore_mem>>
        %dma_start3A_1165 = arith.constant 0 : i32
        %dma_start3A_1166 = tpu.memref_slice %arg8[%run_scoped3A_1161, %run_scoped3A_1162, %dma_start3A_1165] : memref<2x8x128xi32, #tpu.memory_space<vmem>> -> memref<1x1x128xi32, #tpu.memory_space<vmem>>
        %dma_start3A_1167 = tpu.memref_squeeze %dma_start3A_1166 : memref<1x1x128xi32, #tpu.memory_space<vmem>> -> memref<128xi32, #tpu.memory_space<vmem>>
        %dma_start3A_1168 = arith.constant 0 : i32
        %dma_start3A_1169 = tpu.memref_slice %arg18[%dma_start3A_1168] : memref<50176xf32, #tpu.memory_space<vmem_shared>> -> memref<50176xf32, #tpu.memory_space<vmem_shared>>
        tpu.enqueue_indirect_dma source(%arg14 : memref<128xf32, #tpu.memory_space<vmem>>) target(%dma_start3A_1169 : memref<50176xf32, #tpu.memory_space<vmem_shared>>) offsets(%dma_start3A_1167 : memref<128xi32, #tpu.memory_space<vmem>>) semaphore(%run_scoped3A_1164 : memref<!tpu.dma_semaphore, #tpu.memory_space<semaphore_mem>>) {add = true}
        %dma_wait3A_1170 = arith.constant 0 : i32
        %dma_wait3A_1171 = tpu.memref_slice %arg8[%run_scoped3A_1161, %run_scoped3A_1162, %dma_wait3A_1170] : memref<2x8x128xi32, #tpu.memory_space<vmem>> -> memref<1x1x128xi32, #tpu.memory_space<vmem>>
        %dma_wait3A_1172 = tpu.memref_squeeze %dma_wait3A_1171 : memref<1x1x128xi32, #tpu.memory_space<vmem>> -> memref<128xi32, #tpu.memory_space<vmem>>
        %dma_wait3A_1173 = arith.constant 0 : i32
        %dma_wait3A_1174 = tpu.memref_slice %arg18[%dma_wait3A_1173] : memref<50176xf32, #tpu.memory_space<vmem_shared>> -> memref<50176xf32, #tpu.memory_space<vmem_shared>>
        tpu.wait_indirect_dma semaphore(%run_scoped3A_1164 : memref<!tpu.dma_semaphore, #tpu.memory_space<semaphore_mem>>) src(%arg14 : memref<128xf32, #tpu.memory_space<vmem>>) dst(%dma_wait3A_1174 : memref<50176xf32, #tpu.memory_space<vmem_shared>>)
        tpu.yield
      }) : () -> ()
      %scan3A_1163 = arith.constant 0 : i32
      scf.yield %scan3A_1163 : i32
    }
    %scan3A_413 = arith.constant 24 : i32
    %min3A_414 = arith.constant 50 : i32
    %min3A_415 = arith.constant 49 : i32
    %min3A_416 = arith.minsi %min3A_414, %min3A_415 : i32
    %dma_start3A_417 = arith.constant 0 : i32
    %dma_start3A_418 = arith.constant 3 : i32
    %dma_start3A_419 = arith.constant 3 : i32
    %dma_start3A_420 = arith.constant 0 : i32
    %dma_start3A_421 = tpu.memref_slice %arg9[%dma_start3A_417, %dma_start3A_418, %dma_start3A_420] : memref<2x8x128xi32, #tpu.memory_space<vmem>> -> memref<1x1x128xi32, #tpu.memory_space<vmem>>
    %dma_start3A_422 = tpu.memref_squeeze %dma_start3A_421 : memref<1x1x128xi32, #tpu.memory_space<vmem>> -> memref<128xi32, #tpu.memory_space<vmem>>
    %dma_start3A_423 = arith.constant 0 : i32
    %dma_start3A_424 = arith.constant 0 : i32
    %dma_start3A_425 = tpu.memref_slice %arg3[%dma_start3A_423, %dma_start3A_424] : memref<100000x32xf32, #tpu.memory_space<hbm>> -> memref<100000x32xf32, #tpu.memory_space<hbm>>
    %dma_start3A_426 = tpu.memref_slice %arg21[%dma_start3A_419] : memref<4x!tpu.dma_semaphore, #tpu.memory_space<semaphore_mem>> -> memref<1x!tpu.dma_semaphore, #tpu.memory_space<semaphore_mem>>
    %dma_start3A_427 = tpu.memref_squeeze %dma_start3A_426 : memref<1x!tpu.dma_semaphore, #tpu.memory_space<semaphore_mem>> -> memref<!tpu.dma_semaphore, #tpu.memory_space<semaphore_mem>>
    tpu.enqueue_indirect_dma source(%dma_start3A_425 : memref<100000x32xf32, #tpu.memory_space<hbm>>) target(%arg13 : memref<128x32xf32, #tpu.memory_space<vmem>>) offsets(%dma_start3A_422 : memref<128xi32, #tpu.memory_space<vmem>>) semaphore(%dma_start3A_427 : memref<!tpu.dma_semaphore, #tpu.memory_space<semaphore_mem>>)
    %dma_wait3A_428 = arith.constant 0 : i32
    %dma_wait3A_429 = arith.constant 0 : i32
    %dma_wait3A_430 = arith.constant 0 : i32
    %dma_wait3A_431 = tpu.memref_slice %arg3[%dma_wait3A_429, %dma_wait3A_430] : memref<100000x32xf32, #tpu.memory_space<hbm>> -> memref<128x32xf32, #tpu.memory_space<hbm>>
    %dma_wait3A_432 = tpu.memref_slice %arg21[%dma_wait3A_428] : memref<4x!tpu.dma_semaphore, #tpu.memory_space<semaphore_mem>> -> memref<1x!tpu.dma_semaphore, #tpu.memory_space<semaphore_mem>>
    %dma_wait3A_433 = tpu.memref_squeeze %dma_wait3A_432 : memref<1x!tpu.dma_semaphore, #tpu.memory_space<semaphore_mem>> -> memref<!tpu.dma_semaphore, #tpu.memory_space<semaphore_mem>>
    %dma_wait3A_434 = arith.constant 0 : i32
    %dma_wait3A_435 = arith.constant 0 : i32
    %dma_wait3A_436 = tpu.memref_slice %arg3[%dma_wait3A_434, %dma_wait3A_435] : memref<100000x32xf32, #tpu.memory_space<hbm>> -> memref<128x32xf32, #tpu.memory_space<hbm>>
    tpu.wait_dma2 semaphore(%dma_wait3A_433 : memref<!tpu.dma_semaphore, #tpu.memory_space<semaphore_mem>>) src(%dma_wait3A_436 : memref<128x32xf32, #tpu.memory_space<hbm>>) dst(%arg10 : memref<128x32xf32, #tpu.memory_space<vmem>>)
    %run_scoped3A_437 = arith.constant 1 : i32
    %run_scoped3A_438 = arith.constant 0 : i32
    "tpu.region"() ({
      %run_scoped3A_721 = tpu.sem_alloc : memref<!tpu.dma_semaphore, #tpu.memory_space<semaphore_mem>>
      %dma_start3A_722 = arith.constant 0 : i32
      %dma_start3A_723 = tpu.memref_slice %arg9[%run_scoped3A_437, %run_scoped3A_438, %dma_start3A_722] : memref<2x8x128xi32, #tpu.memory_space<vmem>> -> memref<1x1x128xi32, #tpu.memory_space<vmem>>
      %dma_start3A_724 = tpu.memref_squeeze %dma_start3A_723 : memref<1x1x128xi32, #tpu.memory_space<vmem>> -> memref<128xi32, #tpu.memory_space<vmem>>
      %dma_start3A_725 = arith.constant 0 : i32
      %dma_start3A_726 = arith.constant 0 : i32
      %dma_start3A_727 = tpu.memref_slice %arg17[%dma_start3A_725, %dma_start3A_726] : memref<50176x32xf32, #tpu.memory_space<vmem_shared>> -> memref<50176x32xf32, #tpu.memory_space<vmem_shared>>
      tpu.enqueue_indirect_dma source(%arg10 : memref<128x32xf32, #tpu.memory_space<vmem>>) target(%dma_start3A_727 : memref<50176x32xf32, #tpu.memory_space<vmem_shared>>) offsets(%dma_start3A_724 : memref<128xi32, #tpu.memory_space<vmem>>) semaphore(%run_scoped3A_721 : memref<!tpu.dma_semaphore, #tpu.memory_space<semaphore_mem>>) {add = true}
      %dma_wait3A_728 = arith.constant 0 : i32
      %dma_wait3A_729 = tpu.memref_slice %arg9[%run_scoped3A_437, %run_scoped3A_438, %dma_wait3A_728] : memref<2x8x128xi32, #tpu.memory_space<vmem>> -> memref<1x1x128xi32, #tpu.memory_space<vmem>>
      %dma_wait3A_730 = tpu.memref_squeeze %dma_wait3A_729 : memref<1x1x128xi32, #tpu.memory_space<vmem>> -> memref<128xi32, #tpu.memory_space<vmem>>
      %dma_wait3A_731 = arith.constant 0 : i32
      %dma_wait3A_732 = arith.constant 0 : i32
      %dma_wait3A_733 = tpu.memref_slice %arg17[%dma_wait3A_731, %dma_wait3A_732] : memref<50176x32xf32, #tpu.memory_space<vmem_shared>> -> memref<50176x32xf32, #tpu.memory_space<vmem_shared>>
      tpu.wait_indirect_dma semaphore(%run_scoped3A_721 : memref<!tpu.dma_semaphore, #tpu.memory_space<semaphore_mem>>) src(%arg10 : memref<128x32xf32, #tpu.memory_space<vmem>>) dst(%dma_wait3A_733 : memref<50176x32xf32, #tpu.memory_space<vmem_shared>>)
      tpu.yield
    }) : () -> ()
    %run_scoped3A_439 = arith.constant 1 : i32
    %run_scoped3A_440 = arith.constant 0 : i32
    "tpu.region"() ({
      %run_scoped3A_721 = tpu.sem_alloc : memref<!tpu.dma_semaphore, #tpu.memory_space<semaphore_mem>>
      %dma_start3A_722 = arith.constant 0 : i32
      %dma_start3A_723 = tpu.memref_slice %arg9[%run_scoped3A_439, %run_scoped3A_440, %dma_start3A_722] : memref<2x8x128xi32, #tpu.memory_space<vmem>> -> memref<1x1x128xi32, #tpu.memory_space<vmem>>
      %dma_start3A_724 = tpu.memref_squeeze %dma_start3A_723 : memref<1x1x128xi32, #tpu.memory_space<vmem>> -> memref<128xi32, #tpu.memory_space<vmem>>
      %dma_start3A_725 = arith.constant 0 : i32
      %dma_start3A_726 = tpu.memref_slice %arg18[%dma_start3A_725] : memref<50176xf32, #tpu.memory_space<vmem_shared>> -> memref<50176xf32, #tpu.memory_space<vmem_shared>>
      tpu.enqueue_indirect_dma source(%arg14 : memref<128xf32, #tpu.memory_space<vmem>>) target(%dma_start3A_726 : memref<50176xf32, #tpu.memory_space<vmem_shared>>) offsets(%dma_start3A_724 : memref<128xi32, #tpu.memory_space<vmem>>) semaphore(%run_scoped3A_721 : memref<!tpu.dma_semaphore, #tpu.memory_space<semaphore_mem>>) {add = true}
      %dma_wait3A_727 = arith.constant 0 : i32
      %dma_wait3A_728 = tpu.memref_slice %arg9[%run_scoped3A_439, %run_scoped3A_440, %dma_wait3A_727] : memref<2x8x128xi32, #tpu.memory_space<vmem>> -> memref<1x1x128xi32, #tpu.memory_space<vmem>>
      %dma_wait3A_729 = tpu.memref_squeeze %dma_wait3A_728 : memref<1x1x128xi32, #tpu.memory_space<vmem>> -> memref<128xi32, #tpu.memory_space<vmem>>
      %dma_wait3A_730 = arith.constant 0 : i32
      %dma_wait3A_731 = tpu.memref_slice %arg18[%dma_wait3A_730] : memref<50176xf32, #tpu.memory_space<vmem_shared>> -> memref<50176xf32, #tpu.memory_space<vmem_shared>>
      tpu.wait_indirect_dma semaphore(%run_scoped3A_721 : memref<!tpu.dma_semaphore, #tpu.memory_space<semaphore_mem>>) src(%arg14 : memref<128xf32, #tpu.memory_space<vmem>>) dst(%dma_wait3A_731 : memref<50176xf32, #tpu.memory_space<vmem_shared>>)
      tpu.yield
    }) : () -> ()
    %dma_start3A_441 = arith.constant 0 : i32
    %dma_start3A_442 = arith.constant 4 : i32
    %dma_start3A_443 = arith.constant 0 : i32
    %dma_start3A_444 = arith.constant 0 : i32
    %dma_start3A_445 = tpu.memref_slice %arg9[%dma_start3A_441, %dma_start3A_442, %dma_start3A_444] : memref<2x8x128xi32, #tpu.memory_space<vmem>> -> memref<1x1x128xi32, #tpu.memory_space<vmem>>
    %dma_start3A_446 = tpu.memref_squeeze %dma_start3A_445 : memref<1x1x128xi32, #tpu.memory_space<vmem>> -> memref<128xi32, #tpu.memory_space<vmem>>
    %dma_start3A_447 = arith.constant 0 : i32
    %dma_start3A_448 = arith.constant 0 : i32
    %dma_start3A_449 = tpu.memref_slice %arg3[%dma_start3A_447, %dma_start3A_448] : memref<100000x32xf32, #tpu.memory_space<hbm>> -> memref<100000x32xf32, #tpu.memory_space<hbm>>
    %dma_start3A_450 = tpu.memref_slice %arg21[%dma_start3A_443] : memref<4x!tpu.dma_semaphore, #tpu.memory_space<semaphore_mem>> -> memref<1x!tpu.dma_semaphore, #tpu.memory_space<semaphore_mem>>
    %dma_start3A_451 = tpu.memref_squeeze %dma_start3A_450 : memref<1x!tpu.dma_semaphore, #tpu.memory_space<semaphore_mem>> -> memref<!tpu.dma_semaphore, #tpu.memory_space<semaphore_mem>>
    tpu.enqueue_indirect_dma source(%dma_start3A_449 : memref<100000x32xf32, #tpu.memory_space<hbm>>) target(%arg10 : memref<128x32xf32, #tpu.memory_space<vmem>>) offsets(%dma_start3A_446 : memref<128xi32, #tpu.memory_space<vmem>>) semaphore(%dma_start3A_451 : memref<!tpu.dma_semaphore, #tpu.memory_space<semaphore_mem>>)
    %dma_wait3A_452 = arith.constant 1 : i32
    %dma_wait3A_453 = arith.constant 0 : i32
    %dma_wait3A_454 = arith.constant 0 : i32
    %dma_wait3A_455 = tpu.memref_slice %arg3[%dma_wait3A_453, %dma_wait3A_454] : memref<100000x32xf32, #tpu.memory_space<hbm>> -> memref<128x32xf32, #tpu.memory_space<hbm>>
    %dma_wait3A_456 = tpu.memref_slice %arg21[%dma_wait3A_452] : memref<4x!tpu.dma_semaphore, #tpu.memory_space<semaphore_mem>> -> memref<1x!tpu.dma_semaphore, #tpu.memory_space<semaphore_mem>>
    %dma_wait3A_457 = tpu.memref_squeeze %dma_wait3A_456 : memref<1x!tpu.dma_semaphore, #tpu.memory_space<semaphore_mem>> -> memref<!tpu.dma_semaphore, #tpu.memory_space<semaphore_mem>>
    %dma_wait3A_458 = arith.constant 0 : i32
    %dma_wait3A_459 = arith.constant 0 : i32
    %dma_wait3A_460 = tpu.memref_slice %arg3[%dma_wait3A_458, %dma_wait3A_459] : memref<100000x32xf32, #tpu.memory_space<hbm>> -> memref<128x32xf32, #tpu.memory_space<hbm>>
    tpu.wait_dma2 semaphore(%dma_wait3A_457 : memref<!tpu.dma_semaphore, #tpu.memory_space<semaphore_mem>>) src(%dma_wait3A_460 : memref<128x32xf32, #tpu.memory_space<hbm>>) dst(%arg11 : memref<128x32xf32, #tpu.memory_space<vmem>>)
    %run_scoped3A_461 = arith.constant 1 : i32
    %run_scoped3A_462 = arith.constant 1 : i32
    "tpu.region"() ({
      %run_scoped3A_721 = tpu.sem_alloc : memref<!tpu.dma_semaphore, #tpu.memory_space<semaphore_mem>>
      %dma_start3A_722 = arith.constant 0 : i32
      %dma_start3A_723 = tpu.memref_slice %arg9[%run_scoped3A_461, %run_scoped3A_462, %dma_start3A_722] : memref<2x8x128xi32, #tpu.memory_space<vmem>> -> memref<1x1x128xi32, #tpu.memory_space<vmem>>
      %dma_start3A_724 = tpu.memref_squeeze %dma_start3A_723 : memref<1x1x128xi32, #tpu.memory_space<vmem>> -> memref<128xi32, #tpu.memory_space<vmem>>
      %dma_start3A_725 = arith.constant 0 : i32
      %dma_start3A_726 = arith.constant 0 : i32
      %dma_start3A_727 = tpu.memref_slice %arg17[%dma_start3A_725, %dma_start3A_726] : memref<50176x32xf32, #tpu.memory_space<vmem_shared>> -> memref<50176x32xf32, #tpu.memory_space<vmem_shared>>
      tpu.enqueue_indirect_dma source(%arg11 : memref<128x32xf32, #tpu.memory_space<vmem>>) target(%dma_start3A_727 : memref<50176x32xf32, #tpu.memory_space<vmem_shared>>) offsets(%dma_start3A_724 : memref<128xi32, #tpu.memory_space<vmem>>) semaphore(%run_scoped3A_721 : memref<!tpu.dma_semaphore, #tpu.memory_space<semaphore_mem>>) {add = true}
      %dma_wait3A_728 = arith.constant 0 : i32
      %dma_wait3A_729 = tpu.memref_slice %arg9[%run_scoped3A_461, %run_scoped3A_462, %dma_wait3A_728] : memref<2x8x128xi32, #tpu.memory_space<vmem>> -> memref<1x1x128xi32, #tpu.memory_space<vmem>>
      %dma_wait3A_730 = tpu.memref_squeeze %dma_wait3A_729 : memref<1x1x128xi32, #tpu.memory_space<vmem>> -> memref<128xi32, #tpu.memory_space<vmem>>
      %dma_wait3A_731 = arith.constant 0 : i32
      %dma_wait3A_732 = arith.constant 0 : i32
      %dma_wait3A_733 = tpu.memref_slice %arg17[%dma_wait3A_731, %dma_wait3A_732] : memref<50176x32xf32, #tpu.memory_space<vmem_shared>> -> memref<50176x32xf32, #tpu.memory_space<vmem_shared>>
      tpu.wait_indirect_dma semaphore(%run_scoped3A_721 : memref<!tpu.dma_semaphore, #tpu.memory_space<semaphore_mem>>) src(%arg11 : memref<128x32xf32, #tpu.memory_space<vmem>>) dst(%dma_wait3A_733 : memref<50176x32xf32, #tpu.memory_space<vmem_shared>>)
      tpu.yield
    }) : () -> ()
    %run_scoped3A_463 = arith.constant 1 : i32
    %run_scoped3A_464 = arith.constant 1 : i32
    "tpu.region"() ({
      %run_scoped3A_721 = tpu.sem_alloc : memref<!tpu.dma_semaphore, #tpu.memory_space<semaphore_mem>>
      %dma_start3A_722 = arith.constant 0 : i32
      %dma_start3A_723 = tpu.memref_slice %arg9[%run_scoped3A_463, %run_scoped3A_464, %dma_start3A_722] : memref<2x8x128xi32, #tpu.memory_space<vmem>> -> memref<1x1x128xi32, #tpu.memory_space<vmem>>
      %dma_start3A_724 = tpu.memref_squeeze %dma_start3A_723 : memref<1x1x128xi32, #tpu.memory_space<vmem>> -> memref<128xi32, #tpu.memory_space<vmem>>
      %dma_start3A_725 = arith.constant 0 : i32
      %dma_start3A_726 = tpu.memref_slice %arg18[%dma_start3A_725] : memref<50176xf32, #tpu.memory_space<vmem_shared>> -> memref<50176xf32, #tpu.memory_space<vmem_shared>>
      tpu.enqueue_indirect_dma source(%arg14 : memref<128xf32, #tpu.memory_space<vmem>>) target(%dma_start3A_726 : memref<50176xf32, #tpu.memory_space<vmem_shared>>) offsets(%dma_start3A_724 : memref<128xi32, #tpu.memory_space<vmem>>) semaphore(%run_scoped3A_721 : memref<!tpu.dma_semaphore, #tpu.memory_space<semaphore_mem>>) {add = true}
      %dma_wait3A_727 = arith.constant 0 : i32
      %dma_wait3A_728 = tpu.memref_slice %arg9[%run_scoped3A_463, %run_scoped3A_464, %dma_wait3A_727] : memref<2x8x128xi32, #tpu.memory_space<vmem>> -> memref<1x1x128xi32, #tpu.memory_space<vmem>>
      %dma_wait3A_729 = tpu.memref_squeeze %dma_wait3A_728 : memref<1x1x128xi32, #tpu.memory_space<vmem>> -> memref<128xi32, #tpu.memory_space<vmem>>
      %dma_wait3A_730 = arith.constant 0 : i32
      %dma_wait3A_731 = tpu.memref_slice %arg18[%dma_wait3A_730] : memref<50176xf32, #tpu.memory_space<vmem_shared>> -> memref<50176xf32, #tpu.memory_space<vmem_shared>>
      tpu.wait_indirect_dma semaphore(%run_scoped3A_721 : memref<!tpu.dma_semaphore, #tpu.memory_space<semaphore_mem>>) src(%arg14 : memref<128xf32, #tpu.memory_space<vmem>>) dst(%dma_wait3A_731 : memref<50176xf32, #tpu.memory_space<vmem_shared>>)
      tpu.yield
    }) : () -> ()
    %dma_start3A_465 = arith.constant 0 : i32
    %dma_start3A_466 = arith.constant 5 : i32
    %dma_start3A_467 = arith.constant 1 : i32
    %dma_start3A_468 = arith.constant 0 : i32
    %dma_start3A_469 = tpu.memref_slice %arg9[%dma_start3A_465, %dma_start3A_466, %dma_start3A_468] : memref<2x8x128xi32, #tpu.memory_space<vmem>> -> memref<1x1x128xi32, #tpu.memory_space<vmem>>
    %dma_start3A_470 = tpu.memref_squeeze %dma_start3A_469 : memref<1x1x128xi32, #tpu.memory_space<vmem>> -> memref<128xi32, #tpu.memory_space<vmem>>
    %dma_start3A_471 = arith.constant 0 : i32
    %dma_start3A_472 = arith.constant 0 : i32
    %dma_start3A_473 = tpu.memref_slice %arg3[%dma_start3A_471, %dma_start3A_472] : memref<100000x32xf32, #tpu.memory_space<hbm>> -> memref<100000x32xf32, #tpu.memory_space<hbm>>
    %dma_start3A_474 = tpu.memref_slice %arg21[%dma_start3A_467] : memref<4x!tpu.dma_semaphore, #tpu.memory_space<semaphore_mem>> -> memref<1x!tpu.dma_semaphore, #tpu.memory_space<semaphore_mem>>
    %dma_start3A_475 = tpu.memref_squeeze %dma_start3A_474 : memref<1x!tpu.dma_semaphore, #tpu.memory_space<semaphore_mem>> -> memref<!tpu.dma_semaphore, #tpu.memory_space<semaphore_mem>>
    tpu.enqueue_indirect_dma source(%dma_start3A_473 : memref<100000x32xf32, #tpu.memory_space<hbm>>) target(%arg11 : memref<128x32xf32, #tpu.memory_space<vmem>>) offsets(%dma_start3A_470 : memref<128xi32, #tpu.memory_space<vmem>>) semaphore(%dma_start3A_475 : memref<!tpu.dma_semaphore, #tpu.memory_space<semaphore_mem>>)
    %dma_wait3A_476 = arith.constant 2 : i32
    %dma_wait3A_477 = arith.constant 0 : i32
    %dma_wait3A_478 = arith.constant 0 : i32
    %dma_wait3A_479 = tpu.memref_slice %arg3[%dma_wait3A_477, %dma_wait3A_478] : memref<100000x32xf32, #tpu.memory_space<hbm>> -> memref<128x32xf32, #tpu.memory_space<hbm>>
    %dma_wait3A_480 = tpu.memref_slice %arg21[%dma_wait3A_476] : memref<4x!tpu.dma_semaphore, #tpu.memory_space<semaphore_mem>> -> memref<1x!tpu.dma_semaphore, #tpu.memory_space<semaphore_mem>>
    %dma_wait3A_481 = tpu.memref_squeeze %dma_wait3A_480 : memref<1x!tpu.dma_semaphore, #tpu.memory_space<semaphore_mem>> -> memref<!tpu.dma_semaphore, #tpu.memory_space<semaphore_mem>>
    %dma_wait3A_482 = arith.constant 0 : i32
    %dma_wait3A_483 = arith.constant 0 : i32
    %dma_wait3A_484 = tpu.memref_slice %arg3[%dma_wait3A_482, %dma_wait3A_483] : memref<100000x32xf32, #tpu.memory_space<hbm>> -> memref<128x32xf32, #tpu.memory_space<hbm>>
    tpu.wait_dma2 semaphore(%dma_wait3A_481 : memref<!tpu.dma_semaphore, #tpu.memory_space<semaphore_mem>>) src(%dma_wait3A_484 : memref<128x32xf32, #tpu.memory_space<hbm>>) dst(%arg12 : memref<128x32xf32, #tpu.memory_space<vmem>>)
    %run_scoped3A_485 = arith.constant 1 : i32
    %run_scoped3A_486 = arith.constant 2 : i32
    "tpu.region"() ({
      %run_scoped3A_721 = tpu.sem_alloc : memref<!tpu.dma_semaphore, #tpu.memory_space<semaphore_mem>>
      %dma_start3A_722 = arith.constant 0 : i32
      %dma_start3A_723 = tpu.memref_slice %arg9[%run_scoped3A_485, %run_scoped3A_486, %dma_start3A_722] : memref<2x8x128xi32, #tpu.memory_space<vmem>> -> memref<1x1x128xi32, #tpu.memory_space<vmem>>
      %dma_start3A_724 = tpu.memref_squeeze %dma_start3A_723 : memref<1x1x128xi32, #tpu.memory_space<vmem>> -> memref<128xi32, #tpu.memory_space<vmem>>
      %dma_start3A_725 = arith.constant 0 : i32
      %dma_start3A_726 = arith.constant 0 : i32
      %dma_start3A_727 = tpu.memref_slice %arg17[%dma_start3A_725, %dma_start3A_726] : memref<50176x32xf32, #tpu.memory_space<vmem_shared>> -> memref<50176x32xf32, #tpu.memory_space<vmem_shared>>
      tpu.enqueue_indirect_dma source(%arg12 : memref<128x32xf32, #tpu.memory_space<vmem>>) target(%dma_start3A_727 : memref<50176x32xf32, #tpu.memory_space<vmem_shared>>) offsets(%dma_start3A_724 : memref<128xi32, #tpu.memory_space<vmem>>) semaphore(%run_scoped3A_721 : memref<!tpu.dma_semaphore, #tpu.memory_space<semaphore_mem>>) {add = true}
      %dma_wait3A_728 = arith.constant 0 : i32
      %dma_wait3A_729 = tpu.memref_slice %arg9[%run_scoped3A_485, %run_scoped3A_486, %dma_wait3A_728] : memref<2x8x128xi32, #tpu.memory_space<vmem>> -> memref<1x1x128xi32, #tpu.memory_space<vmem>>
      %dma_wait3A_730 = tpu.memref_squeeze %dma_wait3A_729 : memref<1x1x128xi32, #tpu.memory_space<vmem>> -> memref<128xi32, #tpu.memory_space<vmem>>
      %dma_wait3A_731 = arith.constant 0 : i32
      %dma_wait3A_732 = arith.constant 0 : i32
      %dma_wait3A_733 = tpu.memref_slice %arg17[%dma_wait3A_731, %dma_wait3A_732] : memref<50176x32xf32, #tpu.memory_space<vmem_shared>> -> memref<50176x32xf32, #tpu.memory_space<vmem_shared>>
      tpu.wait_indirect_dma semaphore(%run_scoped3A_721 : memref<!tpu.dma_semaphore, #tpu.memory_space<semaphore_mem>>) src(%arg12 : memref<128x32xf32, #tpu.memory_space<vmem>>) dst(%dma_wait3A_733 : memref<50176x32xf32, #tpu.memory_space<vmem_shared>>)
      tpu.yield
    }) : () -> ()
    %run_scoped3A_487 = arith.constant 1 : i32
    %run_scoped3A_488 = arith.constant 2 : i32
    "tpu.region"() ({
      %run_scoped3A_721 = tpu.sem_alloc : memref<!tpu.dma_semaphore, #tpu.memory_space<semaphore_mem>>
      %dma_start3A_722 = arith.constant 0 : i32
      %dma_start3A_723 = tpu.memref_slice %arg9[%run_scoped3A_487, %run_scoped3A_488, %dma_start3A_722] : memref<2x8x128xi32, #tpu.memory_space<vmem>> -> memref<1x1x128xi32, #tpu.memory_space<vmem>>
      %dma_start3A_724 = tpu.memref_squeeze %dma_start3A_723 : memref<1x1x128xi32, #tpu.memory_space<vmem>> -> memref<128xi32, #tpu.memory_space<vmem>>
      %dma_start3A_725 = arith.constant 0 : i32
      %dma_start3A_726 = tpu.memref_slice %arg18[%dma_start3A_725] : memref<50176xf32, #tpu.memory_space<vmem_shared>> -> memref<50176xf32, #tpu.memory_space<vmem_shared>>
      tpu.enqueue_indirect_dma source(%arg14 : memref<128xf32, #tpu.memory_space<vmem>>) target(%dma_start3A_726 : memref<50176xf32, #tpu.memory_space<vmem_shared>>) offsets(%dma_start3A_724 : memref<128xi32, #tpu.memory_space<vmem>>) semaphore(%run_scoped3A_721 : memref<!tpu.dma_semaphore, #tpu.memory_space<semaphore_mem>>) {add = true}
      %dma_wait3A_727 = arith.constant 0 : i32
      %dma_wait3A_728 = tpu.memref_slice %arg9[%run_scoped3A_487, %run_scoped3A_488, %dma_wait3A_727] : memref<2x8x128xi32, #tpu.memory_space<vmem>> -> memref<1x1x128xi32, #tpu.memory_space<vmem>>
      %dma_wait3A_729 = tpu.memref_squeeze %dma_wait3A_728 : memref<1x1x128xi32, #tpu.memory_space<vmem>> -> memref<128xi32, #tpu.memory_space<vmem>>
      %dma_wait3A_730 = arith.constant 0 : i32
      %dma_wait3A_731 = tpu.memref_slice %arg18[%dma_wait3A_730] : memref<50176xf32, #tpu.memory_space<vmem_shared>> -> memref<50176xf32, #tpu.memory_space<vmem_shared>>
      tpu.wait_indirect_dma semaphore(%run_scoped3A_721 : memref<!tpu.dma_semaphore, #tpu.memory_space<semaphore_mem>>) src(%arg14 : memref<128xf32, #tpu.memory_space<vmem>>) dst(%dma_wait3A_731 : memref<50176xf32, #tpu.memory_space<vmem_shared>>)
      tpu.yield
    }) : () -> ()
    %dma_start3A_489 = arith.constant 0 : i32
    %dma_start3A_490 = arith.constant 6 : i32
    %dma_start3A_491 = arith.constant 2 : i32
    %dma_start3A_492 = arith.constant 0 : i32
    %dma_start3A_493 = tpu.memref_slice %arg9[%dma_start3A_489, %dma_start3A_490, %dma_start3A_492] : memref<2x8x128xi32, #tpu.memory_space<vmem>> -> memref<1x1x128xi32, #tpu.memory_space<vmem>>
    %dma_start3A_494 = tpu.memref_squeeze %dma_start3A_493 : memref<1x1x128xi32, #tpu.memory_space<vmem>> -> memref<128xi32, #tpu.memory_space<vmem>>
    %dma_start3A_495 = arith.constant 0 : i32
    %dma_start3A_496 = arith.constant 0 : i32
    %dma_start3A_497 = tpu.memref_slice %arg3[%dma_start3A_495, %dma_start3A_496] : memref<100000x32xf32, #tpu.memory_space<hbm>> -> memref<100000x32xf32, #tpu.memory_space<hbm>>
    %dma_start3A_498 = tpu.memref_slice %arg21[%dma_start3A_491] : memref<4x!tpu.dma_semaphore, #tpu.memory_space<semaphore_mem>> -> memref<1x!tpu.dma_semaphore, #tpu.memory_space<semaphore_mem>>
    %dma_start3A_499 = tpu.memref_squeeze %dma_start3A_498 : memref<1x!tpu.dma_semaphore, #tpu.memory_space<semaphore_mem>> -> memref<!tpu.dma_semaphore, #tpu.memory_space<semaphore_mem>>
    tpu.enqueue_indirect_dma source(%dma_start3A_497 : memref<100000x32xf32, #tpu.memory_space<hbm>>) target(%arg12 : memref<128x32xf32, #tpu.memory_space<vmem>>) offsets(%dma_start3A_494 : memref<128xi32, #tpu.memory_space<vmem>>) semaphore(%dma_start3A_499 : memref<!tpu.dma_semaphore, #tpu.memory_space<semaphore_mem>>)
    %dma_wait3A_500 = arith.constant 3 : i32
    %dma_wait3A_501 = arith.constant 0 : i32
    %dma_wait3A_502 = arith.constant 0 : i32
    %dma_wait3A_503 = tpu.memref_slice %arg3[%dma_wait3A_501, %dma_wait3A_502] : memref<100000x32xf32, #tpu.memory_space<hbm>> -> memref<128x32xf32, #tpu.memory_space<hbm>>
    %dma_wait3A_504 = tpu.memref_slice %arg21[%dma_wait3A_500] : memref<4x!tpu.dma_semaphore, #tpu.memory_space<semaphore_mem>> -> memref<1x!tpu.dma_semaphore, #tpu.memory_space<semaphore_mem>>
    %dma_wait3A_505 = tpu.memref_squeeze %dma_wait3A_504 : memref<1x!tpu.dma_semaphore, #tpu.memory_space<semaphore_mem>> -> memref<!tpu.dma_semaphore, #tpu.memory_space<semaphore_mem>>
    %dma_wait3A_506 = arith.constant 0 : i32
    %dma_wait3A_507 = arith.constant 0 : i32
    %dma_wait3A_508 = tpu.memref_slice %arg3[%dma_wait3A_506, %dma_wait3A_507] : memref<100000x32xf32, #tpu.memory_space<hbm>> -> memref<128x32xf32, #tpu.memory_space<hbm>>
    tpu.wait_dma2 semaphore(%dma_wait3A_505 : memref<!tpu.dma_semaphore, #tpu.memory_space<semaphore_mem>>) src(%dma_wait3A_508 : memref<128x32xf32, #tpu.memory_space<hbm>>) dst(%arg13 : memref<128x32xf32, #tpu.memory_space<vmem>>)
    %run_scoped3A_509 = arith.constant 1 : i32
    %run_scoped3A_510 = arith.constant 3 : i32
    "tpu.region"() ({
      %run_scoped3A_721 = tpu.sem_alloc : memref<!tpu.dma_semaphore, #tpu.memory_space<semaphore_mem>>
      %dma_start3A_722 = arith.constant 0 : i32
      %dma_start3A_723 = tpu.memref_slice %arg9[%run_scoped3A_509, %run_scoped3A_510, %dma_start3A_722] : memref<2x8x128xi32, #tpu.memory_space<vmem>> -> memref<1x1x128xi32, #tpu.memory_space<vmem>>
      %dma_start3A_724 = tpu.memref_squeeze %dma_start3A_723 : memref<1x1x128xi32, #tpu.memory_space<vmem>> -> memref<128xi32, #tpu.memory_space<vmem>>
      %dma_start3A_725 = arith.constant 0 : i32
      %dma_start3A_726 = arith.constant 0 : i32
      %dma_start3A_727 = tpu.memref_slice %arg17[%dma_start3A_725, %dma_start3A_726] : memref<50176x32xf32, #tpu.memory_space<vmem_shared>> -> memref<50176x32xf32, #tpu.memory_space<vmem_shared>>
      tpu.enqueue_indirect_dma source(%arg13 : memref<128x32xf32, #tpu.memory_space<vmem>>) target(%dma_start3A_727 : memref<50176x32xf32, #tpu.memory_space<vmem_shared>>) offsets(%dma_start3A_724 : memref<128xi32, #tpu.memory_space<vmem>>) semaphore(%run_scoped3A_721 : memref<!tpu.dma_semaphore, #tpu.memory_space<semaphore_mem>>) {add = true}
      %dma_wait3A_728 = arith.constant 0 : i32
      %dma_wait3A_729 = tpu.memref_slice %arg9[%run_scoped3A_509, %run_scoped3A_510, %dma_wait3A_728] : memref<2x8x128xi32, #tpu.memory_space<vmem>> -> memref<1x1x128xi32, #tpu.memory_space<vmem>>
      %dma_wait3A_730 = tpu.memref_squeeze %dma_wait3A_729 : memref<1x1x128xi32, #tpu.memory_space<vmem>> -> memref<128xi32, #tpu.memory_space<vmem>>
      %dma_wait3A_731 = arith.constant 0 : i32
      %dma_wait3A_732 = arith.constant 0 : i32
      %dma_wait3A_733 = tpu.memref_slice %arg17[%dma_wait3A_731, %dma_wait3A_732] : memref<50176x32xf32, #tpu.memory_space<vmem_shared>> -> memref<50176x32xf32, #tpu.memory_space<vmem_shared>>
      tpu.wait_indirect_dma semaphore(%run_scoped3A_721 : memref<!tpu.dma_semaphore, #tpu.memory_space<semaphore_mem>>) src(%arg13 : memref<128x32xf32, #tpu.memory_space<vmem>>) dst(%dma_wait3A_733 : memref<50176x32xf32, #tpu.memory_space<vmem_shared>>)
      tpu.yield
    }) : () -> ()
    %run_scoped3A_511 = arith.constant 1 : i32
    %run_scoped3A_512 = arith.constant 3 : i32
    "tpu.region"() ({
      %run_scoped3A_721 = tpu.sem_alloc : memref<!tpu.dma_semaphore, #tpu.memory_space<semaphore_mem>>
      %dma_start3A_722 = arith.constant 0 : i32
      %dma_start3A_723 = tpu.memref_slice %arg9[%run_scoped3A_511, %run_scoped3A_512, %dma_start3A_722] : memref<2x8x128xi32, #tpu.memory_space<vmem>> -> memref<1x1x128xi32, #tpu.memory_space<vmem>>
      %dma_start3A_724 = tpu.memref_squeeze %dma_start3A_723 : memref<1x1x128xi32, #tpu.memory_space<vmem>> -> memref<128xi32, #tpu.memory_space<vmem>>
      %dma_start3A_725 = arith.constant 0 : i32
      %dma_start3A_726 = tpu.memref_slice %arg18[%dma_start3A_725] : memref<50176xf32, #tpu.memory_space<vmem_shared>> -> memref<50176xf32, #tpu.memory_space<vmem_shared>>
      tpu.enqueue_indirect_dma source(%arg14 : memref<128xf32, #tpu.memory_space<vmem>>) target(%dma_start3A_726 : memref<50176xf32, #tpu.memory_space<vmem_shared>>) offsets(%dma_start3A_724 : memref<128xi32, #tpu.memory_space<vmem>>) semaphore(%run_scoped3A_721 : memref<!tpu.dma_semaphore, #tpu.memory_space<semaphore_mem>>) {add = true}
      %dma_wait3A_727 = arith.constant 0 : i32
      %dma_wait3A_728 = tpu.memref_slice %arg9[%run_scoped3A_511, %run_scoped3A_512, %dma_wait3A_727] : memref<2x8x128xi32, #tpu.memory_space<vmem>> -> memref<1x1x128xi32, #tpu.memory_space<vmem>>
      %dma_wait3A_729 = tpu.memref_squeeze %dma_wait3A_728 : memref<1x1x128xi32, #tpu.memory_space<vmem>> -> memref<128xi32, #tpu.memory_space<vmem>>
      %dma_wait3A_730 = arith.constant 0 : i32
      %dma_wait3A_731 = tpu.memref_slice %arg18[%dma_wait3A_730] : memref<50176xf32, #tpu.memory_space<vmem_shared>> -> memref<50176xf32, #tpu.memory_space<vmem_shared>>
      tpu.wait_indirect_dma semaphore(%run_scoped3A_721 : memref<!tpu.dma_semaphore, #tpu.memory_space<semaphore_mem>>) src(%arg14 : memref<128xf32, #tpu.memory_space<vmem>>) dst(%dma_wait3A_731 : memref<50176xf32, #tpu.memory_space<vmem_shared>>)
      tpu.yield
    }) : () -> ()
    %dma_start3A_513 = arith.constant 0 : i32
    %dma_start3A_514 = arith.constant 7 : i32
    %dma_start3A_515 = arith.constant 3 : i32
    %dma_start3A_516 = arith.constant 0 : i32
    %dma_start3A_517 = tpu.memref_slice %arg9[%dma_start3A_513, %dma_start3A_514, %dma_start3A_516] : memref<2x8x128xi32, #tpu.memory_space<vmem>> -> memref<1x1x128xi32, #tpu.memory_space<vmem>>
    %dma_start3A_518 = tpu.memref_squeeze %dma_start3A_517 : memref<1x1x128xi32, #tpu.memory_space<vmem>> -> memref<128xi32, #tpu.memory_space<vmem>>
    %dma_start3A_519 = arith.constant 0 : i32
    %dma_start3A_520 = arith.constant 0 : i32
    %dma_start3A_521 = tpu.memref_slice %arg3[%dma_start3A_519, %dma_start3A_520] : memref<100000x32xf32, #tpu.memory_space<hbm>> -> memref<100000x32xf32, #tpu.memory_space<hbm>>
    %dma_start3A_522 = tpu.memref_slice %arg21[%dma_start3A_515] : memref<4x!tpu.dma_semaphore, #tpu.memory_space<semaphore_mem>> -> memref<1x!tpu.dma_semaphore, #tpu.memory_space<semaphore_mem>>
    %dma_start3A_523 = tpu.memref_squeeze %dma_start3A_522 : memref<1x!tpu.dma_semaphore, #tpu.memory_space<semaphore_mem>> -> memref<!tpu.dma_semaphore, #tpu.memory_space<semaphore_mem>>
    tpu.enqueue_indirect_dma source(%dma_start3A_521 : memref<100000x32xf32, #tpu.memory_space<hbm>>) target(%arg13 : memref<128x32xf32, #tpu.memory_space<vmem>>) offsets(%dma_start3A_518 : memref<128xi32, #tpu.memory_space<vmem>>) semaphore(%dma_start3A_523 : memref<!tpu.dma_semaphore, #tpu.memory_space<semaphore_mem>>)
    %dma_wait3A_524 = arith.constant 0 : i32
    %dma_wait3A_525 = arith.constant 0 : i32
    %dma_wait3A_526 = arith.constant 0 : i32
    %dma_wait3A_527 = tpu.memref_slice %arg3[%dma_wait3A_525, %dma_wait3A_526] : memref<100000x32xf32, #tpu.memory_space<hbm>> -> memref<128x32xf32, #tpu.memory_space<hbm>>
    %dma_wait3A_528 = tpu.memref_slice %arg21[%dma_wait3A_524] : memref<4x!tpu.dma_semaphore, #tpu.memory_space<semaphore_mem>> -> memref<1x!tpu.dma_semaphore, #tpu.memory_space<semaphore_mem>>
    %dma_wait3A_529 = tpu.memref_squeeze %dma_wait3A_528 : memref<1x!tpu.dma_semaphore, #tpu.memory_space<semaphore_mem>> -> memref<!tpu.dma_semaphore, #tpu.memory_space<semaphore_mem>>
    %dma_wait3A_530 = arith.constant 0 : i32
    %dma_wait3A_531 = arith.constant 0 : i32
    %dma_wait3A_532 = tpu.memref_slice %arg3[%dma_wait3A_530, %dma_wait3A_531] : memref<100000x32xf32, #tpu.memory_space<hbm>> -> memref<128x32xf32, #tpu.memory_space<hbm>>
    tpu.wait_dma2 semaphore(%dma_wait3A_529 : memref<!tpu.dma_semaphore, #tpu.memory_space<semaphore_mem>>) src(%dma_wait3A_532 : memref<128x32xf32, #tpu.memory_space<hbm>>) dst(%arg10 : memref<128x32xf32, #tpu.memory_space<vmem>>)
    %run_scoped3A_533 = arith.constant 1 : i32
    %run_scoped3A_534 = arith.constant 4 : i32
    "tpu.region"() ({
      %run_scoped3A_721 = tpu.sem_alloc : memref<!tpu.dma_semaphore, #tpu.memory_space<semaphore_mem>>
      %dma_start3A_722 = arith.constant 0 : i32
      %dma_start3A_723 = tpu.memref_slice %arg9[%run_scoped3A_533, %run_scoped3A_534, %dma_start3A_722] : memref<2x8x128xi32, #tpu.memory_space<vmem>> -> memref<1x1x128xi32, #tpu.memory_space<vmem>>
      %dma_start3A_724 = tpu.memref_squeeze %dma_start3A_723 : memref<1x1x128xi32, #tpu.memory_space<vmem>> -> memref<128xi32, #tpu.memory_space<vmem>>
      %dma_start3A_725 = arith.constant 0 : i32
      %dma_start3A_726 = arith.constant 0 : i32
      %dma_start3A_727 = tpu.memref_slice %arg17[%dma_start3A_725, %dma_start3A_726] : memref<50176x32xf32, #tpu.memory_space<vmem_shared>> -> memref<50176x32xf32, #tpu.memory_space<vmem_shared>>
      tpu.enqueue_indirect_dma source(%arg10 : memref<128x32xf32, #tpu.memory_space<vmem>>) target(%dma_start3A_727 : memref<50176x32xf32, #tpu.memory_space<vmem_shared>>) offsets(%dma_start3A_724 : memref<128xi32, #tpu.memory_space<vmem>>) semaphore(%run_scoped3A_721 : memref<!tpu.dma_semaphore, #tpu.memory_space<semaphore_mem>>) {add = true}
      %dma_wait3A_728 = arith.constant 0 : i32
      %dma_wait3A_729 = tpu.memref_slice %arg9[%run_scoped3A_533, %run_scoped3A_534, %dma_wait3A_728] : memref<2x8x128xi32, #tpu.memory_space<vmem>> -> memref<1x1x128xi32, #tpu.memory_space<vmem>>
      %dma_wait3A_730 = tpu.memref_squeeze %dma_wait3A_729 : memref<1x1x128xi32, #tpu.memory_space<vmem>> -> memref<128xi32, #tpu.memory_space<vmem>>
      %dma_wait3A_731 = arith.constant 0 : i32
      %dma_wait3A_732 = arith.constant 0 : i32
      %dma_wait3A_733 = tpu.memref_slice %arg17[%dma_wait3A_731, %dma_wait3A_732] : memref<50176x32xf32, #tpu.memory_space<vmem_shared>> -> memref<50176x32xf32, #tpu.memory_space<vmem_shared>>
      tpu.wait_indirect_dma semaphore(%run_scoped3A_721 : memref<!tpu.dma_semaphore, #tpu.memory_space<semaphore_mem>>) src(%arg10 : memref<128x32xf32, #tpu.memory_space<vmem>>) dst(%dma_wait3A_733 : memref<50176x32xf32, #tpu.memory_space<vmem_shared>>)
      tpu.yield
    }) : () -> ()
    %run_scoped3A_535 = arith.constant 1 : i32
    %run_scoped3A_536 = arith.constant 4 : i32
    "tpu.region"() ({
      %run_scoped3A_721 = tpu.sem_alloc : memref<!tpu.dma_semaphore, #tpu.memory_space<semaphore_mem>>
      %dma_start3A_722 = arith.constant 0 : i32
      %dma_start3A_723 = tpu.memref_slice %arg9[%run_scoped3A_535, %run_scoped3A_536, %dma_start3A_722] : memref<2x8x128xi32, #tpu.memory_space<vmem>> -> memref<1x1x128xi32, #tpu.memory_space<vmem>>
      %dma_start3A_724 = tpu.memref_squeeze %dma_start3A_723 : memref<1x1x128xi32, #tpu.memory_space<vmem>> -> memref<128xi32, #tpu.memory_space<vmem>>
      %dma_start3A_725 = arith.constant 0 : i32
      %dma_start3A_726 = tpu.memref_slice %arg18[%dma_start3A_725] : memref<50176xf32, #tpu.memory_space<vmem_shared>> -> memref<50176xf32, #tpu.memory_space<vmem_shared>>
      tpu.enqueue_indirect_dma source(%arg14 : memref<128xf32, #tpu.memory_space<vmem>>) target(%dma_start3A_726 : memref<50176xf32, #tpu.memory_space<vmem_shared>>) offsets(%dma_start3A_724 : memref<128xi32, #tpu.memory_space<vmem>>) semaphore(%run_scoped3A_721 : memref<!tpu.dma_semaphore, #tpu.memory_space<semaphore_mem>>) {add = true}
      %dma_wait3A_727 = arith.constant 0 : i32
      %dma_wait3A_728 = tpu.memref_slice %arg9[%run_scoped3A_535, %run_scoped3A_536, %dma_wait3A_727] : memref<2x8x128xi32, #tpu.memory_space<vmem>> -> memref<1x1x128xi32, #tpu.memory_space<vmem>>
      %dma_wait3A_729 = tpu.memref_squeeze %dma_wait3A_728 : memref<1x1x128xi32, #tpu.memory_space<vmem>> -> memref<128xi32, #tpu.memory_space<vmem>>
      %dma_wait3A_730 = arith.constant 0 : i32
      %dma_wait3A_731 = tpu.memref_slice %arg18[%dma_wait3A_730] : memref<50176xf32, #tpu.memory_space<vmem_shared>> -> memref<50176xf32, #tpu.memory_space<vmem_shared>>
      tpu.wait_indirect_dma semaphore(%run_scoped3A_721 : memref<!tpu.dma_semaphore, #tpu.memory_space<semaphore_mem>>) src(%arg14 : memref<128xf32, #tpu.memory_space<vmem>>) dst(%dma_wait3A_731 : memref<50176xf32, #tpu.memory_space<vmem_shared>>)
      tpu.yield
    }) : () -> ()
    %dma_wait3A_537 = arith.constant 1 : i32
    %dma_wait3A_538 = arith.constant 0 : i32
    %dma_wait3A_539 = arith.constant 0 : i32
    %dma_wait3A_540 = tpu.memref_slice %arg3[%dma_wait3A_538, %dma_wait3A_539] : memref<100000x32xf32, #tpu.memory_space<hbm>> -> memref<128x32xf32, #tpu.memory_space<hbm>>
    %dma_wait3A_541 = tpu.memref_slice %arg21[%dma_wait3A_537] : memref<4x!tpu.dma_semaphore, #tpu.memory_space<semaphore_mem>> -> memref<1x!tpu.dma_semaphore, #tpu.memory_space<semaphore_mem>>
    %dma_wait3A_542 = tpu.memref_squeeze %dma_wait3A_541 : memref<1x!tpu.dma_semaphore, #tpu.memory_space<semaphore_mem>> -> memref<!tpu.dma_semaphore, #tpu.memory_space<semaphore_mem>>
    %dma_wait3A_543 = arith.constant 0 : i32
    %dma_wait3A_544 = arith.constant 0 : i32
    %dma_wait3A_545 = tpu.memref_slice %arg3[%dma_wait3A_543, %dma_wait3A_544] : memref<100000x32xf32, #tpu.memory_space<hbm>> -> memref<128x32xf32, #tpu.memory_space<hbm>>
    tpu.wait_dma2 semaphore(%dma_wait3A_542 : memref<!tpu.dma_semaphore, #tpu.memory_space<semaphore_mem>>) src(%dma_wait3A_545 : memref<128x32xf32, #tpu.memory_space<hbm>>) dst(%arg11 : memref<128x32xf32, #tpu.memory_space<vmem>>)
    %run_scoped3A_546 = arith.constant 1 : i32
    %run_scoped3A_547 = arith.constant 5 : i32
    "tpu.region"() ({
      %run_scoped3A_721 = tpu.sem_alloc : memref<!tpu.dma_semaphore, #tpu.memory_space<semaphore_mem>>
      %dma_start3A_722 = arith.constant 0 : i32
      %dma_start3A_723 = tpu.memref_slice %arg9[%run_scoped3A_546, %run_scoped3A_547, %dma_start3A_722] : memref<2x8x128xi32, #tpu.memory_space<vmem>> -> memref<1x1x128xi32, #tpu.memory_space<vmem>>
      %dma_start3A_724 = tpu.memref_squeeze %dma_start3A_723 : memref<1x1x128xi32, #tpu.memory_space<vmem>> -> memref<128xi32, #tpu.memory_space<vmem>>
      %dma_start3A_725 = arith.constant 0 : i32
      %dma_start3A_726 = arith.constant 0 : i32
      %dma_start3A_727 = tpu.memref_slice %arg17[%dma_start3A_725, %dma_start3A_726] : memref<50176x32xf32, #tpu.memory_space<vmem_shared>> -> memref<50176x32xf32, #tpu.memory_space<vmem_shared>>
      tpu.enqueue_indirect_dma source(%arg11 : memref<128x32xf32, #tpu.memory_space<vmem>>) target(%dma_start3A_727 : memref<50176x32xf32, #tpu.memory_space<vmem_shared>>) offsets(%dma_start3A_724 : memref<128xi32, #tpu.memory_space<vmem>>) semaphore(%run_scoped3A_721 : memref<!tpu.dma_semaphore, #tpu.memory_space<semaphore_mem>>) {add = true}
      %dma_wait3A_728 = arith.constant 0 : i32
      %dma_wait3A_729 = tpu.memref_slice %arg9[%run_scoped3A_546, %run_scoped3A_547, %dma_wait3A_728] : memref<2x8x128xi32, #tpu.memory_space<vmem>> -> memref<1x1x128xi32, #tpu.memory_space<vmem>>
      %dma_wait3A_730 = tpu.memref_squeeze %dma_wait3A_729 : memref<1x1x128xi32, #tpu.memory_space<vmem>> -> memref<128xi32, #tpu.memory_space<vmem>>
      %dma_wait3A_731 = arith.constant 0 : i32
      %dma_wait3A_732 = arith.constant 0 : i32
      %dma_wait3A_733 = tpu.memref_slice %arg17[%dma_wait3A_731, %dma_wait3A_732] : memref<50176x32xf32, #tpu.memory_space<vmem_shared>> -> memref<50176x32xf32, #tpu.memory_space<vmem_shared>>
      tpu.wait_indirect_dma semaphore(%run_scoped3A_721 : memref<!tpu.dma_semaphore, #tpu.memory_space<semaphore_mem>>) src(%arg11 : memref<128x32xf32, #tpu.memory_space<vmem>>) dst(%dma_wait3A_733 : memref<50176x32xf32, #tpu.memory_space<vmem_shared>>)
      tpu.yield
    }) : () -> ()
    %run_scoped3A_548 = arith.constant 1 : i32
    %run_scoped3A_549 = arith.constant 5 : i32
    "tpu.region"() ({
      %run_scoped3A_721 = tpu.sem_alloc : memref<!tpu.dma_semaphore, #tpu.memory_space<semaphore_mem>>
      %dma_start3A_722 = arith.constant 0 : i32
      %dma_start3A_723 = tpu.memref_slice %arg9[%run_scoped3A_548, %run_scoped3A_549, %dma_start3A_722] : memref<2x8x128xi32, #tpu.memory_space<vmem>> -> memref<1x1x128xi32, #tpu.memory_space<vmem>>
      %dma_start3A_724 = tpu.memref_squeeze %dma_start3A_723 : memref<1x1x128xi32, #tpu.memory_space<vmem>> -> memref<128xi32, #tpu.memory_space<vmem>>
      %dma_start3A_725 = arith.constant 0 : i32
      %dma_start3A_726 = tpu.memref_slice %arg18[%dma_start3A_725] : memref<50176xf32, #tpu.memory_space<vmem_shared>> -> memref<50176xf32, #tpu.memory_space<vmem_shared>>
      tpu.enqueue_indirect_dma source(%arg14 : memref<128xf32, #tpu.memory_space<vmem>>) target(%dma_start3A_726 : memref<50176xf32, #tpu.memory_space<vmem_shared>>) offsets(%dma_start3A_724 : memref<128xi32, #tpu.memory_space<vmem>>) semaphore(%run_scoped3A_721 : memref<!tpu.dma_semaphore, #tpu.memory_space<semaphore_mem>>) {add = true}
      %dma_wait3A_727 = arith.constant 0 : i32
      %dma_wait3A_728 = tpu.memref_slice %arg9[%run_scoped3A_548, %run_scoped3A_549, %dma_wait3A_727] : memref<2x8x128xi32, #tpu.memory_space<vmem>> -> memref<1x1x128xi32, #tpu.memory_space<vmem>>
      %dma_wait3A_729 = tpu.memref_squeeze %dma_wait3A_728 : memref<1x1x128xi32, #tpu.memory_space<vmem>> -> memref<128xi32, #tpu.memory_space<vmem>>
      %dma_wait3A_730 = arith.constant 0 : i32
      %dma_wait3A_731 = tpu.memref_slice %arg18[%dma_wait3A_730] : memref<50176xf32, #tpu.memory_space<vmem_shared>> -> memref<50176xf32, #tpu.memory_space<vmem_shared>>
      tpu.wait_indirect_dma semaphore(%run_scoped3A_721 : memref<!tpu.dma_semaphore, #tpu.memory_space<semaphore_mem>>) src(%arg14 : memref<128xf32, #tpu.memory_space<vmem>>) dst(%dma_wait3A_731 : memref<50176xf32, #tpu.memory_space<vmem_shared>>)
      tpu.yield
    }) : () -> ()
    %dma_wait3A_550 = arith.constant 2 : i32
    %dma_wait3A_551 = arith.constant 0 : i32
    %dma_wait3A_552 = arith.constant 0 : i32
    %dma_wait3A_553 = tpu.memref_slice %arg3[%dma_wait3A_551, %dma_wait3A_552] : memref<100000x32xf32, #tpu.memory_space<hbm>> -> memref<128x32xf32, #tpu.memory_space<hbm>>
    %dma_wait3A_554 = tpu.memref_slice %arg21[%dma_wait3A_550] : memref<4x!tpu.dma_semaphore, #tpu.memory_space<semaphore_mem>> -> memref<1x!tpu.dma_semaphore, #tpu.memory_space<semaphore_mem>>
    %dma_wait3A_555 = tpu.memref_squeeze %dma_wait3A_554 : memref<1x!tpu.dma_semaphore, #tpu.memory_space<semaphore_mem>> -> memref<!tpu.dma_semaphore, #tpu.memory_space<semaphore_mem>>
    %dma_wait3A_556 = arith.constant 0 : i32
    %dma_wait3A_557 = arith.constant 0 : i32
    %dma_wait3A_558 = tpu.memref_slice %arg3[%dma_wait3A_556, %dma_wait3A_557] : memref<100000x32xf32, #tpu.memory_space<hbm>> -> memref<128x32xf32, #tpu.memory_space<hbm>>
    tpu.wait_dma2 semaphore(%dma_wait3A_555 : memref<!tpu.dma_semaphore, #tpu.memory_space<semaphore_mem>>) src(%dma_wait3A_558 : memref<128x32xf32, #tpu.memory_space<hbm>>) dst(%arg12 : memref<128x32xf32, #tpu.memory_space<vmem>>)
    %run_scoped3A_559 = arith.constant 1 : i32
    %run_scoped3A_560 = arith.constant 6 : i32
    "tpu.region"() ({
      %run_scoped3A_721 = tpu.sem_alloc : memref<!tpu.dma_semaphore, #tpu.memory_space<semaphore_mem>>
      %dma_start3A_722 = arith.constant 0 : i32
      %dma_start3A_723 = tpu.memref_slice %arg9[%run_scoped3A_559, %run_scoped3A_560, %dma_start3A_722] : memref<2x8x128xi32, #tpu.memory_space<vmem>> -> memref<1x1x128xi32, #tpu.memory_space<vmem>>
      %dma_start3A_724 = tpu.memref_squeeze %dma_start3A_723 : memref<1x1x128xi32, #tpu.memory_space<vmem>> -> memref<128xi32, #tpu.memory_space<vmem>>
      %dma_start3A_725 = arith.constant 0 : i32
      %dma_start3A_726 = arith.constant 0 : i32
      %dma_start3A_727 = tpu.memref_slice %arg17[%dma_start3A_725, %dma_start3A_726] : memref<50176x32xf32, #tpu.memory_space<vmem_shared>> -> memref<50176x32xf32, #tpu.memory_space<vmem_shared>>
      tpu.enqueue_indirect_dma source(%arg12 : memref<128x32xf32, #tpu.memory_space<vmem>>) target(%dma_start3A_727 : memref<50176x32xf32, #tpu.memory_space<vmem_shared>>) offsets(%dma_start3A_724 : memref<128xi32, #tpu.memory_space<vmem>>) semaphore(%run_scoped3A_721 : memref<!tpu.dma_semaphore, #tpu.memory_space<semaphore_mem>>) {add = true}
      %dma_wait3A_728 = arith.constant 0 : i32
      %dma_wait3A_729 = tpu.memref_slice %arg9[%run_scoped3A_559, %run_scoped3A_560, %dma_wait3A_728] : memref<2x8x128xi32, #tpu.memory_space<vmem>> -> memref<1x1x128xi32, #tpu.memory_space<vmem>>
      %dma_wait3A_730 = tpu.memref_squeeze %dma_wait3A_729 : memref<1x1x128xi32, #tpu.memory_space<vmem>> -> memref<128xi32, #tpu.memory_space<vmem>>
      %dma_wait3A_731 = arith.constant 0 : i32
      %dma_wait3A_732 = arith.constant 0 : i32
      %dma_wait3A_733 = tpu.memref_slice %arg17[%dma_wait3A_731, %dma_wait3A_732] : memref<50176x32xf32, #tpu.memory_space<vmem_shared>> -> memref<50176x32xf32, #tpu.memory_space<vmem_shared>>
      tpu.wait_indirect_dma semaphore(%run_scoped3A_721 : memref<!tpu.dma_semaphore, #tpu.memory_space<semaphore_mem>>) src(%arg12 : memref<128x32xf32, #tpu.memory_space<vmem>>) dst(%dma_wait3A_733 : memref<50176x32xf32, #tpu.memory_space<vmem_shared>>)
      tpu.yield
    }) : () -> ()
    %run_scoped3A_561 = arith.constant 1 : i32
    %run_scoped3A_562 = arith.constant 6 : i32
    "tpu.region"() ({
      %run_scoped3A_721 = tpu.sem_alloc : memref<!tpu.dma_semaphore, #tpu.memory_space<semaphore_mem>>
      %dma_start3A_722 = arith.constant 0 : i32
      %dma_start3A_723 = tpu.memref_slice %arg9[%run_scoped3A_561, %run_scoped3A_562, %dma_start3A_722] : memref<2x8x128xi32, #tpu.memory_space<vmem>> -> memref<1x1x128xi32, #tpu.memory_space<vmem>>
      %dma_start3A_724 = tpu.memref_squeeze %dma_start3A_723 : memref<1x1x128xi32, #tpu.memory_space<vmem>> -> memref<128xi32, #tpu.memory_space<vmem>>
      %dma_start3A_725 = arith.constant 0 : i32
      %dma_start3A_726 = tpu.memref_slice %arg18[%dma_start3A_725] : memref<50176xf32, #tpu.memory_space<vmem_shared>> -> memref<50176xf32, #tpu.memory_space<vmem_shared>>
      tpu.enqueue_indirect_dma source(%arg14 : memref<128xf32, #tpu.memory_space<vmem>>) target(%dma_start3A_726 : memref<50176xf32, #tpu.memory_space<vmem_shared>>) offsets(%dma_start3A_724 : memref<128xi32, #tpu.memory_space<vmem>>) semaphore(%run_scoped3A_721 : memref<!tpu.dma_semaphore, #tpu.memory_space<semaphore_mem>>) {add = true}
      %dma_wait3A_727 = arith.constant 0 : i32
      %dma_wait3A_728 = tpu.memref_slice %arg9[%run_scoped3A_561, %run_scoped3A_562, %dma_wait3A_727] : memref<2x8x128xi32, #tpu.memory_space<vmem>> -> memref<1x1x128xi32, #tpu.memory_space<vmem>>
      %dma_wait3A_729 = tpu.memref_squeeze %dma_wait3A_728 : memref<1x1x128xi32, #tpu.memory_space<vmem>> -> memref<128xi32, #tpu.memory_space<vmem>>
      %dma_wait3A_730 = arith.constant 0 : i32
      %dma_wait3A_731 = tpu.memref_slice %arg18[%dma_wait3A_730] : memref<50176xf32, #tpu.memory_space<vmem_shared>> -> memref<50176xf32, #tpu.memory_space<vmem_shared>>
      tpu.wait_indirect_dma semaphore(%run_scoped3A_721 : memref<!tpu.dma_semaphore, #tpu.memory_space<semaphore_mem>>) src(%arg14 : memref<128xf32, #tpu.memory_space<vmem>>) dst(%dma_wait3A_731 : memref<50176xf32, #tpu.memory_space<vmem_shared>>)
      tpu.yield
    }) : () -> ()
    %dma_wait3A_563 = arith.constant 3 : i32
    %dma_wait3A_564 = arith.constant 0 : i32
    %dma_wait3A_565 = arith.constant 0 : i32
    %dma_wait3A_566 = tpu.memref_slice %arg3[%dma_wait3A_564, %dma_wait3A_565] : memref<100000x32xf32, #tpu.memory_space<hbm>> -> memref<128x32xf32, #tpu.memory_space<hbm>>
    %dma_wait3A_567 = tpu.memref_slice %arg21[%dma_wait3A_563] : memref<4x!tpu.dma_semaphore, #tpu.memory_space<semaphore_mem>> -> memref<1x!tpu.dma_semaphore, #tpu.memory_space<semaphore_mem>>
    %dma_wait3A_568 = tpu.memref_squeeze %dma_wait3A_567 : memref<1x!tpu.dma_semaphore, #tpu.memory_space<semaphore_mem>> -> memref<!tpu.dma_semaphore, #tpu.memory_space<semaphore_mem>>
    %dma_wait3A_569 = arith.constant 0 : i32
    %dma_wait3A_570 = arith.constant 0 : i32
    %dma_wait3A_571 = tpu.memref_slice %arg3[%dma_wait3A_569, %dma_wait3A_570] : memref<100000x32xf32, #tpu.memory_space<hbm>> -> memref<128x32xf32, #tpu.memory_space<hbm>>
    tpu.wait_dma2 semaphore(%dma_wait3A_568 : memref<!tpu.dma_semaphore, #tpu.memory_space<semaphore_mem>>) src(%dma_wait3A_571 : memref<128x32xf32, #tpu.memory_space<hbm>>) dst(%arg13 : memref<128x32xf32, #tpu.memory_space<vmem>>)
    %run_scoped3A_572 = arith.constant 1 : i32
    %run_scoped3A_573 = arith.constant 7 : i32
    "tpu.region"() ({
      %run_scoped3A_721 = tpu.sem_alloc : memref<!tpu.dma_semaphore, #tpu.memory_space<semaphore_mem>>
      %dma_start3A_722 = arith.constant 0 : i32
      %dma_start3A_723 = tpu.memref_slice %arg9[%run_scoped3A_572, %run_scoped3A_573, %dma_start3A_722] : memref<2x8x128xi32, #tpu.memory_space<vmem>> -> memref<1x1x128xi32, #tpu.memory_space<vmem>>
      %dma_start3A_724 = tpu.memref_squeeze %dma_start3A_723 : memref<1x1x128xi32, #tpu.memory_space<vmem>> -> memref<128xi32, #tpu.memory_space<vmem>>
      %dma_start3A_725 = arith.constant 0 : i32
      %dma_start3A_726 = arith.constant 0 : i32
      %dma_start3A_727 = tpu.memref_slice %arg17[%dma_start3A_725, %dma_start3A_726] : memref<50176x32xf32, #tpu.memory_space<vmem_shared>> -> memref<50176x32xf32, #tpu.memory_space<vmem_shared>>
      tpu.enqueue_indirect_dma source(%arg13 : memref<128x32xf32, #tpu.memory_space<vmem>>) target(%dma_start3A_727 : memref<50176x32xf32, #tpu.memory_space<vmem_shared>>) offsets(%dma_start3A_724 : memref<128xi32, #tpu.memory_space<vmem>>) semaphore(%run_scoped3A_721 : memref<!tpu.dma_semaphore, #tpu.memory_space<semaphore_mem>>) {add = true}
      %dma_wait3A_728 = arith.constant 0 : i32
      %dma_wait3A_729 = tpu.memref_slice %arg9[%run_scoped3A_572, %run_scoped3A_573, %dma_wait3A_728] : memref<2x8x128xi32, #tpu.memory_space<vmem>> -> memref<1x1x128xi32, #tpu.memory_space<vmem>>
      %dma_wait3A_730 = tpu.memref_squeeze %dma_wait3A_729 : memref<1x1x128xi32, #tpu.memory_space<vmem>> -> memref<128xi32, #tpu.memory_space<vmem>>
      %dma_wait3A_731 = arith.constant 0 : i32
      %dma_wait3A_732 = arith.constant 0 : i32
      %dma_wait3A_733 = tpu.memref_slice %arg17[%dma_wait3A_731, %dma_wait3A_732] : memref<50176x32xf32, #tpu.memory_space<vmem_shared>> -> memref<50176x32xf32, #tpu.memory_space<vmem_shared>>
      tpu.wait_indirect_dma semaphore(%run_scoped3A_721 : memref<!tpu.dma_semaphore, #tpu.memory_space<semaphore_mem>>) src(%arg13 : memref<128x32xf32, #tpu.memory_space<vmem>>) dst(%dma_wait3A_733 : memref<50176x32xf32, #tpu.memory_space<vmem_shared>>)
      tpu.yield
    }) : () -> ()
    %run_scoped3A_574 = arith.constant 1 : i32
    %run_scoped3A_575 = arith.constant 7 : i32
    "tpu.region"() ({
      %run_scoped3A_721 = tpu.sem_alloc : memref<!tpu.dma_semaphore, #tpu.memory_space<semaphore_mem>>
      %dma_start3A_722 = arith.constant 0 : i32
      %dma_start3A_723 = tpu.memref_slice %arg9[%run_scoped3A_574, %run_scoped3A_575, %dma_start3A_722] : memref<2x8x128xi32, #tpu.memory_space<vmem>> -> memref<1x1x128xi32, #tpu.memory_space<vmem>>
      %dma_start3A_724 = tpu.memref_squeeze %dma_start3A_723 : memref<1x1x128xi32, #tpu.memory_space<vmem>> -> memref<128xi32, #tpu.memory_space<vmem>>
      %dma_start3A_725 = arith.constant 0 : i32
      %dma_start3A_726 = tpu.memref_slice %arg18[%dma_start3A_725] : memref<50176xf32, #tpu.memory_space<vmem_shared>> -> memref<50176xf32, #tpu.memory_space<vmem_shared>>
      tpu.enqueue_indirect_dma source(%arg14 : memref<128xf32, #tpu.memory_space<vmem>>) target(%dma_start3A_726 : memref<50176xf32, #tpu.memory_space<vmem_shared>>) offsets(%dma_start3A_724 : memref<128xi32, #tpu.memory_space<vmem>>) semaphore(%run_scoped3A_721 : memref<!tpu.dma_semaphore, #tpu.memory_space<semaphore_mem>>) {add = true}
      %dma_wait3A_727 = arith.constant 0 : i32
      %dma_wait3A_728 = tpu.memref_slice %arg9[%run_scoped3A_574, %run_scoped3A_575, %dma_wait3A_727] : memref<2x8x128xi32, #tpu.memory_space<vmem>> -> memref<1x1x128xi32, #tpu.memory_space<vmem>>
      %dma_wait3A_729 = tpu.memref_squeeze %dma_wait3A_728 : memref<1x1x128xi32, #tpu.memory_space<vmem>> -> memref<128xi32, #tpu.memory_space<vmem>>
      %dma_wait3A_730 = arith.constant 0 : i32
      %dma_wait3A_731 = tpu.memref_slice %arg18[%dma_wait3A_730] : memref<50176xf32, #tpu.memory_space<vmem_shared>> -> memref<50176xf32, #tpu.memory_space<vmem_shared>>
      tpu.wait_indirect_dma semaphore(%run_scoped3A_721 : memref<!tpu.dma_semaphore, #tpu.memory_space<semaphore_mem>>) src(%arg14 : memref<128xf32, #tpu.memory_space<vmem>>) dst(%dma_wait3A_731 : memref<50176xf32, #tpu.memory_space<vmem_shared>>)
      tpu.yield
    }) : () -> ()
    %barrier3A_576 = arith.constant 0 : index
    tpu.barrier barrier_id(%barrier3A_576)
    %mul3A_577 = arith.constant 3200 : i32
    %mul3A_578 = arith.muli %arg1, %mul3A_577 : i32
    %add3A_579 = arith.constant 0 : i32
    %add3A_580 = arith.addi %mul3A_578, %add3A_579 : i32
    %lt3A_581 = arith.constant 50000 : i32
    %lt3A_582 = arith.cmpi slt, %add3A_580, %lt3A_581 : i32
    %convert_element_type3A_583 = arith.extui %lt3A_582 : i1 to i32
    %cond3A_584 = arith.constant 0 : i32
    %cond3A_585 = arith.cmpi ne, %convert_element_type3A_583, %cond3A_584 : i32
    scf.if %cond3A_585 {
      %eq3A = arith.constant 0 : i32
      %eq3A_721 = arith.cmpi eq, %arg0, %eq3A : i32
      %convert_element_type3A_722 = arith.extui %eq3A_721 : i1 to i32
      %cond3A_723 = arith.constant 0 : i32
      %cond3A_724 = arith.cmpi ne, %convert_element_type3A_722, %cond3A_723 : i32
      scf.if %cond3A_724 {
        "tpu.region"() ({
          %run_scoped3A_730 = tpu.sem_alloc : memref<!tpu.dma_semaphore, #tpu.memory_space<semaphore_mem>>
          %dma_start3A_731 = arith.constant 0 : i32
          %dma_start3A_732 = tpu.memref_slice %arg4[%add3A_580, %dma_start3A_731] : memref<50000x32xf32, #tpu.memory_space<hbm>> -> memref<200x32xf32, #tpu.memory_space<hbm>>
          %dma_start3A_733 = arith.constant 0 : i32
          %dma_start3A_734 = tpu.memref_slice %arg17[%add3A_580, %dma_start3A_733] : memref<50176x32xf32, #tpu.memory_space<vmem_shared>> -> memref<200x32xf32, #tpu.memory_space<vmem_shared>>
          tpu.enqueue_dma source(%dma_start3A_734 : memref<200x32xf32, #tpu.memory_space<vmem_shared>>) target(%dma_start3A_732 : memref<200x32xf32, #tpu.memory_space<hbm>>) target_semaphore(%run_scoped3A_730 : memref<!tpu.dma_semaphore, #tpu.memory_space<semaphore_mem>>)
          %dma_wait3A_735 = arith.constant 0 : i32
          %dma_wait3A_736 = tpu.memref_slice %arg4[%add3A_580, %dma_wait3A_735] : memref<50000x32xf32, #tpu.memory_space<hbm>> -> memref<200x32xf32, #tpu.memory_space<hbm>>
          %dma_wait3A_737 = arith.constant 0 : i32
          %dma_wait3A_738 = tpu.memref_slice %arg17[%add3A_580, %dma_wait3A_737] : memref<50176x32xf32, #tpu.memory_space<vmem_shared>> -> memref<200x32xf32, #tpu.memory_space<vmem_shared>>
          tpu.wait_dma2 semaphore(%run_scoped3A_730 : memref<!tpu.dma_semaphore, #tpu.memory_space<semaphore_mem>>) src(%dma_wait3A_738 : memref<200x32xf32, #tpu.memory_space<vmem_shared>>) dst(%dma_wait3A_736 : memref<200x32xf32, #tpu.memory_space<hbm>>)
          tpu.yield
        }) : () -> ()
        "tpu.region"() ({
          %run_scoped3A_730 = tpu.sem_alloc : memref<!tpu.dma_semaphore, #tpu.memory_space<semaphore_mem>>
          %dma_start3A_731 = tpu.memref_slice %arg5[%add3A_580] : memref<50000xf32, #tpu.memory_space<hbm>> -> memref<200xf32, #tpu.memory_space<hbm>>
          %dma_start3A_732 = tpu.memref_slice %arg18[%add3A_580] : memref<50176xf32, #tpu.memory_space<vmem_shared>> -> memref<200xf32, #tpu.memory_space<vmem_shared>>
          tpu.enqueue_dma source(%dma_start3A_732 : memref<200xf32, #tpu.memory_space<vmem_shared>>) target(%dma_start3A_731 : memref<200xf32, #tpu.memory_space<hbm>>) target_semaphore(%run_scoped3A_730 : memref<!tpu.dma_semaphore, #tpu.memory_space<semaphore_mem>>)
          %dma_wait3A_733 = tpu.memref_slice %arg5[%add3A_580] : memref<50000xf32, #tpu.memory_space<hbm>> -> memref<200xf32, #tpu.memory_space<hbm>>
          %dma_wait3A_734 = tpu.memref_slice %arg18[%add3A_580] : memref<50176xf32, #tpu.memory_space<vmem_shared>> -> memref<200xf32, #tpu.memory_space<vmem_shared>>
          tpu.wait_dma2 semaphore(%run_scoped3A_730 : memref<!tpu.dma_semaphore, #tpu.memory_space<semaphore_mem>>) src(%dma_wait3A_734 : memref<200xf32, #tpu.memory_space<vmem_shared>>) dst(%dma_wait3A_733 : memref<200xf32, #tpu.memory_space<hbm>>)
          tpu.yield
        }) : () -> ()
      } else {
      }
      %eq3A_725 = arith.constant 1 : i32
      %eq3A_726 = arith.cmpi eq, %arg0, %eq3A_725 : i32
      %convert_element_type3A_727 = arith.extui %eq3A_726 : i1 to i32
      %cond3A_728 = arith.constant 0 : i32
      %cond3A_729 = arith.cmpi ne, %convert_element_type3A_727, %cond3A_728 : i32
      scf.if %cond3A_729 {
        "tpu.region"() ({
          %run_scoped3A_730 = tpu.sem_alloc : memref<!tpu.dma_semaphore, #tpu.memory_space<semaphore_mem>>
          %dma_start3A_731 = arith.constant 0 : i32
          %dma_start3A_732 = tpu.memref_slice %arg6[%add3A_580, %dma_start3A_731] : memref<50000x32xf32, #tpu.memory_space<hbm>> -> memref<200x32xf32, #tpu.memory_space<hbm>>
          %dma_start3A_733 = arith.constant 0 : i32
          %dma_start3A_734 = tpu.memref_slice %arg17[%add3A_580, %dma_start3A_733] : memref<50176x32xf32, #tpu.memory_space<vmem_shared>> -> memref<200x32xf32, #tpu.memory_space<vmem_shared>>
          tpu.enqueue_dma source(%dma_start3A_734 : memref<200x32xf32, #tpu.memory_space<vmem_shared>>) target(%dma_start3A_732 : memref<200x32xf32, #tpu.memory_space<hbm>>) target_semaphore(%run_scoped3A_730 : memref<!tpu.dma_semaphore, #tpu.memory_space<semaphore_mem>>)
          %dma_wait3A_735 = arith.constant 0 : i32
          %dma_wait3A_736 = tpu.memref_slice %arg6[%add3A_580, %dma_wait3A_735] : memref<50000x32xf32, #tpu.memory_space<hbm>> -> memref<200x32xf32, #tpu.memory_space<hbm>>
          %dma_wait3A_737 = arith.constant 0 : i32
          %dma_wait3A_738 = tpu.memref_slice %arg17[%add3A_580, %dma_wait3A_737] : memref<50176x32xf32, #tpu.memory_space<vmem_shared>> -> memref<200x32xf32, #tpu.memory_space<vmem_shared>>
          tpu.wait_dma2 semaphore(%run_scoped3A_730 : memref<!tpu.dma_semaphore, #tpu.memory_space<semaphore_mem>>) src(%dma_wait3A_738 : memref<200x32xf32, #tpu.memory_space<vmem_shared>>) dst(%dma_wait3A_736 : memref<200x32xf32, #tpu.memory_space<hbm>>)
          tpu.yield
        }) : () -> ()
        "tpu.region"() ({
          %run_scoped3A_730 = tpu.sem_alloc : memref<!tpu.dma_semaphore, #tpu.memory_space<semaphore_mem>>
          %dma_start3A_731 = tpu.memref_slice %arg7[%add3A_580] : memref<50000xf32, #tpu.memory_space<hbm>> -> memref<200xf32, #tpu.memory_space<hbm>>
          %dma_start3A_732 = tpu.memref_slice %arg18[%add3A_580] : memref<50176xf32, #tpu.memory_space<vmem_shared>> -> memref<200xf32, #tpu.memory_space<vmem_shared>>
          tpu.enqueue_dma source(%dma_start3A_732 : memref<200xf32, #tpu.memory_space<vmem_shared>>) target(%dma_start3A_731 : memref<200xf32, #tpu.memory_space<hbm>>) target_semaphore(%run_scoped3A_730 : memref<!tpu.dma_semaphore, #tpu.memory_space<semaphore_mem>>)
          %dma_wait3A_733 = tpu.memref_slice %arg7[%add3A_580] : memref<50000xf32, #tpu.memory_space<hbm>> -> memref<200xf32, #tpu.memory_space<hbm>>
          %dma_wait3A_734 = tpu.memref_slice %arg18[%add3A_580] : memref<50176xf32, #tpu.memory_space<vmem_shared>> -> memref<200xf32, #tpu.memory_space<vmem_shared>>
          tpu.wait_dma2 semaphore(%run_scoped3A_730 : memref<!tpu.dma_semaphore, #tpu.memory_space<semaphore_mem>>) src(%dma_wait3A_734 : memref<200xf32, #tpu.memory_space<vmem_shared>>) dst(%dma_wait3A_733 : memref<200xf32, #tpu.memory_space<hbm>>)
          tpu.yield
        }) : () -> ()
      } else {
      }
    } else {
    }
    %mul3A_586 = arith.constant 3200 : i32
    %mul3A_587 = arith.muli %arg1, %mul3A_586 : i32
    %add3A_588 = arith.constant 200 : i32
    %add3A_589 = arith.addi %mul3A_587, %add3A_588 : i32
    %lt3A_590 = arith.constant 50000 : i32
    %lt3A_591 = arith.cmpi slt, %add3A_589, %lt3A_590 : i32
    %convert_element_type3A_592 = arith.extui %lt3A_591 : i1 to i32
    %cond3A_593 = arith.constant 0 : i32
    %cond3A_594 = arith.cmpi ne, %convert_element_type3A_592, %cond3A_593 : i32
    scf.if %cond3A_594 {
      %eq3A = arith.constant 0 : i32
      %eq3A_721 = arith.cmpi eq, %arg0, %eq3A : i32
      %convert_element_type3A_722 = arith.extui %eq3A_721 : i1 to i32
      %cond3A_723 = arith.constant 0 : i32
      %cond3A_724 = arith.cmpi ne, %convert_element_type3A_722, %cond3A_723 : i32
      scf.if %cond3A_724 {
        "tpu.region"() ({
          %run_scoped3A_730 = tpu.sem_alloc : memref<!tpu.dma_semaphore, #tpu.memory_space<semaphore_mem>>
          %dma_start3A_731 = arith.constant 0 : i32
          %dma_start3A_732 = tpu.memref_slice %arg4[%add3A_589, %dma_start3A_731] : memref<50000x32xf32, #tpu.memory_space<hbm>> -> memref<200x32xf32, #tpu.memory_space<hbm>>
          %dma_start3A_733 = arith.constant 0 : i32
          %dma_start3A_734 = tpu.memref_slice %arg17[%add3A_589, %dma_start3A_733] : memref<50176x32xf32, #tpu.memory_space<vmem_shared>> -> memref<200x32xf32, #tpu.memory_space<vmem_shared>>
          tpu.enqueue_dma source(%dma_start3A_734 : memref<200x32xf32, #tpu.memory_space<vmem_shared>>) target(%dma_start3A_732 : memref<200x32xf32, #tpu.memory_space<hbm>>) target_semaphore(%run_scoped3A_730 : memref<!tpu.dma_semaphore, #tpu.memory_space<semaphore_mem>>)
          %dma_wait3A_735 = arith.constant 0 : i32
          %dma_wait3A_736 = tpu.memref_slice %arg4[%add3A_589, %dma_wait3A_735] : memref<50000x32xf32, #tpu.memory_space<hbm>> -> memref<200x32xf32, #tpu.memory_space<hbm>>
          %dma_wait3A_737 = arith.constant 0 : i32
          %dma_wait3A_738 = tpu.memref_slice %arg17[%add3A_589, %dma_wait3A_737] : memref<50176x32xf32, #tpu.memory_space<vmem_shared>> -> memref<200x32xf32, #tpu.memory_space<vmem_shared>>
          tpu.wait_dma2 semaphore(%run_scoped3A_730 : memref<!tpu.dma_semaphore, #tpu.memory_space<semaphore_mem>>) src(%dma_wait3A_738 : memref<200x32xf32, #tpu.memory_space<vmem_shared>>) dst(%dma_wait3A_736 : memref<200x32xf32, #tpu.memory_space<hbm>>)
          tpu.yield
        }) : () -> ()
        "tpu.region"() ({
          %run_scoped3A_730 = tpu.sem_alloc : memref<!tpu.dma_semaphore, #tpu.memory_space<semaphore_mem>>
          %dma_start3A_731 = tpu.memref_slice %arg5[%add3A_589] : memref<50000xf32, #tpu.memory_space<hbm>> -> memref<200xf32, #tpu.memory_space<hbm>>
          %dma_start3A_732 = tpu.memref_slice %arg18[%add3A_589] : memref<50176xf32, #tpu.memory_space<vmem_shared>> -> memref<200xf32, #tpu.memory_space<vmem_shared>>
          tpu.enqueue_dma source(%dma_start3A_732 : memref<200xf32, #tpu.memory_space<vmem_shared>>) target(%dma_start3A_731 : memref<200xf32, #tpu.memory_space<hbm>>) target_semaphore(%run_scoped3A_730 : memref<!tpu.dma_semaphore, #tpu.memory_space<semaphore_mem>>)
          %dma_wait3A_733 = tpu.memref_slice %arg5[%add3A_589] : memref<50000xf32, #tpu.memory_space<hbm>> -> memref<200xf32, #tpu.memory_space<hbm>>
          %dma_wait3A_734 = tpu.memref_slice %arg18[%add3A_589] : memref<50176xf32, #tpu.memory_space<vmem_shared>> -> memref<200xf32, #tpu.memory_space<vmem_shared>>
          tpu.wait_dma2 semaphore(%run_scoped3A_730 : memref<!tpu.dma_semaphore, #tpu.memory_space<semaphore_mem>>) src(%dma_wait3A_734 : memref<200xf32, #tpu.memory_space<vmem_shared>>) dst(%dma_wait3A_733 : memref<200xf32, #tpu.memory_space<hbm>>)
          tpu.yield
        }) : () -> ()
      } else {
      }
      %eq3A_725 = arith.constant 1 : i32
      %eq3A_726 = arith.cmpi eq, %arg0, %eq3A_725 : i32
      %convert_element_type3A_727 = arith.extui %eq3A_726 : i1 to i32
      %cond3A_728 = arith.constant 0 : i32
      %cond3A_729 = arith.cmpi ne, %convert_element_type3A_727, %cond3A_728 : i32
      scf.if %cond3A_729 {
        "tpu.region"() ({
          %run_scoped3A_730 = tpu.sem_alloc : memref<!tpu.dma_semaphore, #tpu.memory_space<semaphore_mem>>
          %dma_start3A_731 = arith.constant 0 : i32
          %dma_start3A_732 = tpu.memref_slice %arg6[%add3A_589, %dma_start3A_731] : memref<50000x32xf32, #tpu.memory_space<hbm>> -> memref<200x32xf32, #tpu.memory_space<hbm>>
          %dma_start3A_733 = arith.constant 0 : i32
          %dma_start3A_734 = tpu.memref_slice %arg17[%add3A_589, %dma_start3A_733] : memref<50176x32xf32, #tpu.memory_space<vmem_shared>> -> memref<200x32xf32, #tpu.memory_space<vmem_shared>>
          tpu.enqueue_dma source(%dma_start3A_734 : memref<200x32xf32, #tpu.memory_space<vmem_shared>>) target(%dma_start3A_732 : memref<200x32xf32, #tpu.memory_space<hbm>>) target_semaphore(%run_scoped3A_730 : memref<!tpu.dma_semaphore, #tpu.memory_space<semaphore_mem>>)
          %dma_wait3A_735 = arith.constant 0 : i32
          %dma_wait3A_736 = tpu.memref_slice %arg6[%add3A_589, %dma_wait3A_735] : memref<50000x32xf32, #tpu.memory_space<hbm>> -> memref<200x32xf32, #tpu.memory_space<hbm>>
          %dma_wait3A_737 = arith.constant 0 : i32
          %dma_wait3A_738 = tpu.memref_slice %arg17[%add3A_589, %dma_wait3A_737] : memref<50176x32xf32, #tpu.memory_space<vmem_shared>> -> memref<200x32xf32, #tpu.memory_space<vmem_shared>>
          tpu.wait_dma2 semaphore(%run_scoped3A_730 : memref<!tpu.dma_semaphore, #tpu.memory_space<semaphore_mem>>) src(%dma_wait3A_738 : memref<200x32xf32, #tpu.memory_space<vmem_shared>>) dst(%dma_wait3A_736 : memref<200x32xf32, #tpu.memory_space<hbm>>)
          tpu.yield
        }) : () -> ()
        "tpu.region"() ({
          %run_scoped3A_730 = tpu.sem_alloc : memref<!tpu.dma_semaphore, #tpu.memory_space<semaphore_mem>>
          %dma_start3A_731 = tpu.memref_slice %arg7[%add3A_589] : memref<50000xf32, #tpu.memory_space<hbm>> -> memref<200xf32, #tpu.memory_space<hbm>>
          %dma_start3A_732 = tpu.memref_slice %arg18[%add3A_589] : memref<50176xf32, #tpu.memory_space<vmem_shared>> -> memref<200xf32, #tpu.memory_space<vmem_shared>>
          tpu.enqueue_dma source(%dma_start3A_732 : memref<200xf32, #tpu.memory_space<vmem_shared>>) target(%dma_start3A_731 : memref<200xf32, #tpu.memory_space<hbm>>) target_semaphore(%run_scoped3A_730 : memref<!tpu.dma_semaphore, #tpu.memory_space<semaphore_mem>>)
          %dma_wait3A_733 = tpu.memref_slice %arg7[%add3A_589] : memref<50000xf32, #tpu.memory_space<hbm>> -> memref<200xf32, #tpu.memory_space<hbm>>
          %dma_wait3A_734 = tpu.memref_slice %arg18[%add3A_589] : memref<50176xf32, #tpu.memory_space<vmem_shared>> -> memref<200xf32, #tpu.memory_space<vmem_shared>>
          tpu.wait_dma2 semaphore(%run_scoped3A_730 : memref<!tpu.dma_semaphore, #tpu.memory_space<semaphore_mem>>) src(%dma_wait3A_734 : memref<200xf32, #tpu.memory_space<vmem_shared>>) dst(%dma_wait3A_733 : memref<200xf32, #tpu.memory_space<hbm>>)
          tpu.yield
        }) : () -> ()
      } else {
      }
    } else {
    }
    %mul3A_595 = arith.constant 3200 : i32
    %mul3A_596 = arith.muli %arg1, %mul3A_595 : i32
    %add3A_597 = arith.constant 400 : i32
    %add3A_598 = arith.addi %mul3A_596, %add3A_597 : i32
    %lt3A_599 = arith.constant 50000 : i32
    %lt3A_600 = arith.cmpi slt, %add3A_598, %lt3A_599 : i32
    %convert_element_type3A_601 = arith.extui %lt3A_600 : i1 to i32
    %cond3A_602 = arith.constant 0 : i32
    %cond3A_603 = arith.cmpi ne, %convert_element_type3A_601, %cond3A_602 : i32
    scf.if %cond3A_603 {
      %eq3A = arith.constant 0 : i32
      %eq3A_721 = arith.cmpi eq, %arg0, %eq3A : i32
      %convert_element_type3A_722 = arith.extui %eq3A_721 : i1 to i32
      %cond3A_723 = arith.constant 0 : i32
      %cond3A_724 = arith.cmpi ne, %convert_element_type3A_722, %cond3A_723 : i32
      scf.if %cond3A_724 {
        "tpu.region"() ({
          %run_scoped3A_730 = tpu.sem_alloc : memref<!tpu.dma_semaphore, #tpu.memory_space<semaphore_mem>>
          %dma_start3A_731 = arith.constant 0 : i32
          %dma_start3A_732 = tpu.memref_slice %arg4[%add3A_598, %dma_start3A_731] : memref<50000x32xf32, #tpu.memory_space<hbm>> -> memref<200x32xf32, #tpu.memory_space<hbm>>
          %dma_start3A_733 = arith.constant 0 : i32
          %dma_start3A_734 = tpu.memref_slice %arg17[%add3A_598, %dma_start3A_733] : memref<50176x32xf32, #tpu.memory_space<vmem_shared>> -> memref<200x32xf32, #tpu.memory_space<vmem_shared>>
          tpu.enqueue_dma source(%dma_start3A_734 : memref<200x32xf32, #tpu.memory_space<vmem_shared>>) target(%dma_start3A_732 : memref<200x32xf32, #tpu.memory_space<hbm>>) target_semaphore(%run_scoped3A_730 : memref<!tpu.dma_semaphore, #tpu.memory_space<semaphore_mem>>)
          %dma_wait3A_735 = arith.constant 0 : i32
          %dma_wait3A_736 = tpu.memref_slice %arg4[%add3A_598, %dma_wait3A_735] : memref<50000x32xf32, #tpu.memory_space<hbm>> -> memref<200x32xf32, #tpu.memory_space<hbm>>
          %dma_wait3A_737 = arith.constant 0 : i32
          %dma_wait3A_738 = tpu.memref_slice %arg17[%add3A_598, %dma_wait3A_737] : memref<50176x32xf32, #tpu.memory_space<vmem_shared>> -> memref<200x32xf32, #tpu.memory_space<vmem_shared>>
          tpu.wait_dma2 semaphore(%run_scoped3A_730 : memref<!tpu.dma_semaphore, #tpu.memory_space<semaphore_mem>>) src(%dma_wait3A_738 : memref<200x32xf32, #tpu.memory_space<vmem_shared>>) dst(%dma_wait3A_736 : memref<200x32xf32, #tpu.memory_space<hbm>>)
          tpu.yield
        }) : () -> ()
        "tpu.region"() ({
          %run_scoped3A_730 = tpu.sem_alloc : memref<!tpu.dma_semaphore, #tpu.memory_space<semaphore_mem>>
          %dma_start3A_731 = tpu.memref_slice %arg5[%add3A_598] : memref<50000xf32, #tpu.memory_space<hbm>> -> memref<200xf32, #tpu.memory_space<hbm>>
          %dma_start3A_732 = tpu.memref_slice %arg18[%add3A_598] : memref<50176xf32, #tpu.memory_space<vmem_shared>> -> memref<200xf32, #tpu.memory_space<vmem_shared>>
          tpu.enqueue_dma source(%dma_start3A_732 : memref<200xf32, #tpu.memory_space<vmem_shared>>) target(%dma_start3A_731 : memref<200xf32, #tpu.memory_space<hbm>>) target_semaphore(%run_scoped3A_730 : memref<!tpu.dma_semaphore, #tpu.memory_space<semaphore_mem>>)
          %dma_wait3A_733 = tpu.memref_slice %arg5[%add3A_598] : memref<50000xf32, #tpu.memory_space<hbm>> -> memref<200xf32, #tpu.memory_space<hbm>>
          %dma_wait3A_734 = tpu.memref_slice %arg18[%add3A_598] : memref<50176xf32, #tpu.memory_space<vmem_shared>> -> memref<200xf32, #tpu.memory_space<vmem_shared>>
          tpu.wait_dma2 semaphore(%run_scoped3A_730 : memref<!tpu.dma_semaphore, #tpu.memory_space<semaphore_mem>>) src(%dma_wait3A_734 : memref<200xf32, #tpu.memory_space<vmem_shared>>) dst(%dma_wait3A_733 : memref<200xf32, #tpu.memory_space<hbm>>)
          tpu.yield
        }) : () -> ()
      } else {
      }
      %eq3A_725 = arith.constant 1 : i32
      %eq3A_726 = arith.cmpi eq, %arg0, %eq3A_725 : i32
      %convert_element_type3A_727 = arith.extui %eq3A_726 : i1 to i32
      %cond3A_728 = arith.constant 0 : i32
      %cond3A_729 = arith.cmpi ne, %convert_element_type3A_727, %cond3A_728 : i32
      scf.if %cond3A_729 {
        "tpu.region"() ({
          %run_scoped3A_730 = tpu.sem_alloc : memref<!tpu.dma_semaphore, #tpu.memory_space<semaphore_mem>>
          %dma_start3A_731 = arith.constant 0 : i32
          %dma_start3A_732 = tpu.memref_slice %arg6[%add3A_598, %dma_start3A_731] : memref<50000x32xf32, #tpu.memory_space<hbm>> -> memref<200x32xf32, #tpu.memory_space<hbm>>
          %dma_start3A_733 = arith.constant 0 : i32
          %dma_start3A_734 = tpu.memref_slice %arg17[%add3A_598, %dma_start3A_733] : memref<50176x32xf32, #tpu.memory_space<vmem_shared>> -> memref<200x32xf32, #tpu.memory_space<vmem_shared>>
          tpu.enqueue_dma source(%dma_start3A_734 : memref<200x32xf32, #tpu.memory_space<vmem_shared>>) target(%dma_start3A_732 : memref<200x32xf32, #tpu.memory_space<hbm>>) target_semaphore(%run_scoped3A_730 : memref<!tpu.dma_semaphore, #tpu.memory_space<semaphore_mem>>)
          %dma_wait3A_735 = arith.constant 0 : i32
          %dma_wait3A_736 = tpu.memref_slice %arg6[%add3A_598, %dma_wait3A_735] : memref<50000x32xf32, #tpu.memory_space<hbm>> -> memref<200x32xf32, #tpu.memory_space<hbm>>
          %dma_wait3A_737 = arith.constant 0 : i32
          %dma_wait3A_738 = tpu.memref_slice %arg17[%add3A_598, %dma_wait3A_737] : memref<50176x32xf32, #tpu.memory_space<vmem_shared>> -> memref<200x32xf32, #tpu.memory_space<vmem_shared>>
          tpu.wait_dma2 semaphore(%run_scoped3A_730 : memref<!tpu.dma_semaphore, #tpu.memory_space<semaphore_mem>>) src(%dma_wait3A_738 : memref<200x32xf32, #tpu.memory_space<vmem_shared>>) dst(%dma_wait3A_736 : memref<200x32xf32, #tpu.memory_space<hbm>>)
          tpu.yield
        }) : () -> ()
        "tpu.region"() ({
          %run_scoped3A_730 = tpu.sem_alloc : memref<!tpu.dma_semaphore, #tpu.memory_space<semaphore_mem>>
          %dma_start3A_731 = tpu.memref_slice %arg7[%add3A_598] : memref<50000xf32, #tpu.memory_space<hbm>> -> memref<200xf32, #tpu.memory_space<hbm>>
          %dma_start3A_732 = tpu.memref_slice %arg18[%add3A_598] : memref<50176xf32, #tpu.memory_space<vmem_shared>> -> memref<200xf32, #tpu.memory_space<vmem_shared>>
          tpu.enqueue_dma source(%dma_start3A_732 : memref<200xf32, #tpu.memory_space<vmem_shared>>) target(%dma_start3A_731 : memref<200xf32, #tpu.memory_space<hbm>>) target_semaphore(%run_scoped3A_730 : memref<!tpu.dma_semaphore, #tpu.memory_space<semaphore_mem>>)
          %dma_wait3A_733 = tpu.memref_slice %arg7[%add3A_598] : memref<50000xf32, #tpu.memory_space<hbm>> -> memref<200xf32, #tpu.memory_space<hbm>>
          %dma_wait3A_734 = tpu.memref_slice %arg18[%add3A_598] : memref<50176xf32, #tpu.memory_space<vmem_shared>> -> memref<200xf32, #tpu.memory_space<vmem_shared>>
          tpu.wait_dma2 semaphore(%run_scoped3A_730 : memref<!tpu.dma_semaphore, #tpu.memory_space<semaphore_mem>>) src(%dma_wait3A_734 : memref<200xf32, #tpu.memory_space<vmem_shared>>) dst(%dma_wait3A_733 : memref<200xf32, #tpu.memory_space<hbm>>)
          tpu.yield
        }) : () -> ()
      } else {
      }
    } else {
    }
    %mul3A_604 = arith.constant 3200 : i32
    %mul3A_605 = arith.muli %arg1, %mul3A_604 : i32
    %add3A_606 = arith.constant 600 : i32
    %add3A_607 = arith.addi %mul3A_605, %add3A_606 : i32
    %lt3A_608 = arith.constant 50000 : i32
    %lt3A_609 = arith.cmpi slt, %add3A_607, %lt3A_608 : i32
    %convert_element_type3A_610 = arith.extui %lt3A_609 : i1 to i32
    %cond3A_611 = arith.constant 0 : i32
    %cond3A_612 = arith.cmpi ne, %convert_element_type3A_610, %cond3A_611 : i32
    scf.if %cond3A_612 {
      %eq3A = arith.constant 0 : i32
      %eq3A_721 = arith.cmpi eq, %arg0, %eq3A : i32
      %convert_element_type3A_722 = arith.extui %eq3A_721 : i1 to i32
      %cond3A_723 = arith.constant 0 : i32
      %cond3A_724 = arith.cmpi ne, %convert_element_type3A_722, %cond3A_723 : i32
      scf.if %cond3A_724 {
        "tpu.region"() ({
          %run_scoped3A_730 = tpu.sem_alloc : memref<!tpu.dma_semaphore, #tpu.memory_space<semaphore_mem>>
          %dma_start3A_731 = arith.constant 0 : i32
          %dma_start3A_732 = tpu.memref_slice %arg4[%add3A_607, %dma_start3A_731] : memref<50000x32xf32, #tpu.memory_space<hbm>> -> memref<200x32xf32, #tpu.memory_space<hbm>>
          %dma_start3A_733 = arith.constant 0 : i32
          %dma_start3A_734 = tpu.memref_slice %arg17[%add3A_607, %dma_start3A_733] : memref<50176x32xf32, #tpu.memory_space<vmem_shared>> -> memref<200x32xf32, #tpu.memory_space<vmem_shared>>
          tpu.enqueue_dma source(%dma_start3A_734 : memref<200x32xf32, #tpu.memory_space<vmem_shared>>) target(%dma_start3A_732 : memref<200x32xf32, #tpu.memory_space<hbm>>) target_semaphore(%run_scoped3A_730 : memref<!tpu.dma_semaphore, #tpu.memory_space<semaphore_mem>>)
          %dma_wait3A_735 = arith.constant 0 : i32
          %dma_wait3A_736 = tpu.memref_slice %arg4[%add3A_607, %dma_wait3A_735] : memref<50000x32xf32, #tpu.memory_space<hbm>> -> memref<200x32xf32, #tpu.memory_space<hbm>>
          %dma_wait3A_737 = arith.constant 0 : i32
          %dma_wait3A_738 = tpu.memref_slice %arg17[%add3A_607, %dma_wait3A_737] : memref<50176x32xf32, #tpu.memory_space<vmem_shared>> -> memref<200x32xf32, #tpu.memory_space<vmem_shared>>
          tpu.wait_dma2 semaphore(%run_scoped3A_730 : memref<!tpu.dma_semaphore, #tpu.memory_space<semaphore_mem>>) src(%dma_wait3A_738 : memref<200x32xf32, #tpu.memory_space<vmem_shared>>) dst(%dma_wait3A_736 : memref<200x32xf32, #tpu.memory_space<hbm>>)
          tpu.yield
        }) : () -> ()
        "tpu.region"() ({
          %run_scoped3A_730 = tpu.sem_alloc : memref<!tpu.dma_semaphore, #tpu.memory_space<semaphore_mem>>
          %dma_start3A_731 = tpu.memref_slice %arg5[%add3A_607] : memref<50000xf32, #tpu.memory_space<hbm>> -> memref<200xf32, #tpu.memory_space<hbm>>
          %dma_start3A_732 = tpu.memref_slice %arg18[%add3A_607] : memref<50176xf32, #tpu.memory_space<vmem_shared>> -> memref<200xf32, #tpu.memory_space<vmem_shared>>
          tpu.enqueue_dma source(%dma_start3A_732 : memref<200xf32, #tpu.memory_space<vmem_shared>>) target(%dma_start3A_731 : memref<200xf32, #tpu.memory_space<hbm>>) target_semaphore(%run_scoped3A_730 : memref<!tpu.dma_semaphore, #tpu.memory_space<semaphore_mem>>)
          %dma_wait3A_733 = tpu.memref_slice %arg5[%add3A_607] : memref<50000xf32, #tpu.memory_space<hbm>> -> memref<200xf32, #tpu.memory_space<hbm>>
          %dma_wait3A_734 = tpu.memref_slice %arg18[%add3A_607] : memref<50176xf32, #tpu.memory_space<vmem_shared>> -> memref<200xf32, #tpu.memory_space<vmem_shared>>
          tpu.wait_dma2 semaphore(%run_scoped3A_730 : memref<!tpu.dma_semaphore, #tpu.memory_space<semaphore_mem>>) src(%dma_wait3A_734 : memref<200xf32, #tpu.memory_space<vmem_shared>>) dst(%dma_wait3A_733 : memref<200xf32, #tpu.memory_space<hbm>>)
          tpu.yield
        }) : () -> ()
      } else {
      }
      %eq3A_725 = arith.constant 1 : i32
      %eq3A_726 = arith.cmpi eq, %arg0, %eq3A_725 : i32
      %convert_element_type3A_727 = arith.extui %eq3A_726 : i1 to i32
      %cond3A_728 = arith.constant 0 : i32
      %cond3A_729 = arith.cmpi ne, %convert_element_type3A_727, %cond3A_728 : i32
      scf.if %cond3A_729 {
        "tpu.region"() ({
          %run_scoped3A_730 = tpu.sem_alloc : memref<!tpu.dma_semaphore, #tpu.memory_space<semaphore_mem>>
          %dma_start3A_731 = arith.constant 0 : i32
          %dma_start3A_732 = tpu.memref_slice %arg6[%add3A_607, %dma_start3A_731] : memref<50000x32xf32, #tpu.memory_space<hbm>> -> memref<200x32xf32, #tpu.memory_space<hbm>>
          %dma_start3A_733 = arith.constant 0 : i32
          %dma_start3A_734 = tpu.memref_slice %arg17[%add3A_607, %dma_start3A_733] : memref<50176x32xf32, #tpu.memory_space<vmem_shared>> -> memref<200x32xf32, #tpu.memory_space<vmem_shared>>
          tpu.enqueue_dma source(%dma_start3A_734 : memref<200x32xf32, #tpu.memory_space<vmem_shared>>) target(%dma_start3A_732 : memref<200x32xf32, #tpu.memory_space<hbm>>) target_semaphore(%run_scoped3A_730 : memref<!tpu.dma_semaphore, #tpu.memory_space<semaphore_mem>>)
          %dma_wait3A_735 = arith.constant 0 : i32
          %dma_wait3A_736 = tpu.memref_slice %arg6[%add3A_607, %dma_wait3A_735] : memref<50000x32xf32, #tpu.memory_space<hbm>> -> memref<200x32xf32, #tpu.memory_space<hbm>>
          %dma_wait3A_737 = arith.constant 0 : i32
          %dma_wait3A_738 = tpu.memref_slice %arg17[%add3A_607, %dma_wait3A_737] : memref<50176x32xf32, #tpu.memory_space<vmem_shared>> -> memref<200x32xf32, #tpu.memory_space<vmem_shared>>
          tpu.wait_dma2 semaphore(%run_scoped3A_730 : memref<!tpu.dma_semaphore, #tpu.memory_space<semaphore_mem>>) src(%dma_wait3A_738 : memref<200x32xf32, #tpu.memory_space<vmem_shared>>) dst(%dma_wait3A_736 : memref<200x32xf32, #tpu.memory_space<hbm>>)
          tpu.yield
        }) : () -> ()
        "tpu.region"() ({
          %run_scoped3A_730 = tpu.sem_alloc : memref<!tpu.dma_semaphore, #tpu.memory_space<semaphore_mem>>
          %dma_start3A_731 = tpu.memref_slice %arg7[%add3A_607] : memref<50000xf32, #tpu.memory_space<hbm>> -> memref<200xf32, #tpu.memory_space<hbm>>
          %dma_start3A_732 = tpu.memref_slice %arg18[%add3A_607] : memref<50176xf32, #tpu.memory_space<vmem_shared>> -> memref<200xf32, #tpu.memory_space<vmem_shared>>
          tpu.enqueue_dma source(%dma_start3A_732 : memref<200xf32, #tpu.memory_space<vmem_shared>>) target(%dma_start3A_731 : memref<200xf32, #tpu.memory_space<hbm>>) target_semaphore(%run_scoped3A_730 : memref<!tpu.dma_semaphore, #tpu.memory_space<semaphore_mem>>)
          %dma_wait3A_733 = tpu.memref_slice %arg7[%add3A_607] : memref<50000xf32, #tpu.memory_space<hbm>> -> memref<200xf32, #tpu.memory_space<hbm>>
          %dma_wait3A_734 = tpu.memref_slice %arg18[%add3A_607] : memref<50176xf32, #tpu.memory_space<vmem_shared>> -> memref<200xf32, #tpu.memory_space<vmem_shared>>
          tpu.wait_dma2 semaphore(%run_scoped3A_730 : memref<!tpu.dma_semaphore, #tpu.memory_space<semaphore_mem>>) src(%dma_wait3A_734 : memref<200xf32, #tpu.memory_space<vmem_shared>>) dst(%dma_wait3A_733 : memref<200xf32, #tpu.memory_space<hbm>>)
          tpu.yield
        }) : () -> ()
      } else {
      }
    } else {
    }
    %mul3A_613 = arith.constant 3200 : i32
    %mul3A_614 = arith.muli %arg1, %mul3A_613 : i32
    %add3A_615 = arith.constant 800 : i32
    %add3A_616 = arith.addi %mul3A_614, %add3A_615 : i32
    %lt3A_617 = arith.constant 50000 : i32
    %lt3A_618 = arith.cmpi slt, %add3A_616, %lt3A_617 : i32
    %convert_element_type3A_619 = arith.extui %lt3A_618 : i1 to i32
    %cond3A_620 = arith.constant 0 : i32
    %cond3A_621 = arith.cmpi ne, %convert_element_type3A_619, %cond3A_620 : i32
    scf.if %cond3A_621 {
      %eq3A = arith.constant 0 : i32
      %eq3A_721 = arith.cmpi eq, %arg0, %eq3A : i32
      %convert_element_type3A_722 = arith.extui %eq3A_721 : i1 to i32
      %cond3A_723 = arith.constant 0 : i32
      %cond3A_724 = arith.cmpi ne, %convert_element_type3A_722, %cond3A_723 : i32
      scf.if %cond3A_724 {
        "tpu.region"() ({
          %run_scoped3A_730 = tpu.sem_alloc : memref<!tpu.dma_semaphore, #tpu.memory_space<semaphore_mem>>
          %dma_start3A_731 = arith.constant 0 : i32
          %dma_start3A_732 = tpu.memref_slice %arg4[%add3A_616, %dma_start3A_731] : memref<50000x32xf32, #tpu.memory_space<hbm>> -> memref<200x32xf32, #tpu.memory_space<hbm>>
          %dma_start3A_733 = arith.constant 0 : i32
          %dma_start3A_734 = tpu.memref_slice %arg17[%add3A_616, %dma_start3A_733] : memref<50176x32xf32, #tpu.memory_space<vmem_shared>> -> memref<200x32xf32, #tpu.memory_space<vmem_shared>>
          tpu.enqueue_dma source(%dma_start3A_734 : memref<200x32xf32, #tpu.memory_space<vmem_shared>>) target(%dma_start3A_732 : memref<200x32xf32, #tpu.memory_space<hbm>>) target_semaphore(%run_scoped3A_730 : memref<!tpu.dma_semaphore, #tpu.memory_space<semaphore_mem>>)
          %dma_wait3A_735 = arith.constant 0 : i32
          %dma_wait3A_736 = tpu.memref_slice %arg4[%add3A_616, %dma_wait3A_735] : memref<50000x32xf32, #tpu.memory_space<hbm>> -> memref<200x32xf32, #tpu.memory_space<hbm>>
          %dma_wait3A_737 = arith.constant 0 : i32
          %dma_wait3A_738 = tpu.memref_slice %arg17[%add3A_616, %dma_wait3A_737] : memref<50176x32xf32, #tpu.memory_space<vmem_shared>> -> memref<200x32xf32, #tpu.memory_space<vmem_shared>>
          tpu.wait_dma2 semaphore(%run_scoped3A_730 : memref<!tpu.dma_semaphore, #tpu.memory_space<semaphore_mem>>) src(%dma_wait3A_738 : memref<200x32xf32, #tpu.memory_space<vmem_shared>>) dst(%dma_wait3A_736 : memref<200x32xf32, #tpu.memory_space<hbm>>)
          tpu.yield
        }) : () -> ()
        "tpu.region"() ({
          %run_scoped3A_730 = tpu.sem_alloc : memref<!tpu.dma_semaphore, #tpu.memory_space<semaphore_mem>>
          %dma_start3A_731 = tpu.memref_slice %arg5[%add3A_616] : memref<50000xf32, #tpu.memory_space<hbm>> -> memref<200xf32, #tpu.memory_space<hbm>>
          %dma_start3A_732 = tpu.memref_slice %arg18[%add3A_616] : memref<50176xf32, #tpu.memory_space<vmem_shared>> -> memref<200xf32, #tpu.memory_space<vmem_shared>>
          tpu.enqueue_dma source(%dma_start3A_732 : memref<200xf32, #tpu.memory_space<vmem_shared>>) target(%dma_start3A_731 : memref<200xf32, #tpu.memory_space<hbm>>) target_semaphore(%run_scoped3A_730 : memref<!tpu.dma_semaphore, #tpu.memory_space<semaphore_mem>>)
          %dma_wait3A_733 = tpu.memref_slice %arg5[%add3A_616] : memref<50000xf32, #tpu.memory_space<hbm>> -> memref<200xf32, #tpu.memory_space<hbm>>
          %dma_wait3A_734 = tpu.memref_slice %arg18[%add3A_616] : memref<50176xf32, #tpu.memory_space<vmem_shared>> -> memref<200xf32, #tpu.memory_space<vmem_shared>>
          tpu.wait_dma2 semaphore(%run_scoped3A_730 : memref<!tpu.dma_semaphore, #tpu.memory_space<semaphore_mem>>) src(%dma_wait3A_734 : memref<200xf32, #tpu.memory_space<vmem_shared>>) dst(%dma_wait3A_733 : memref<200xf32, #tpu.memory_space<hbm>>)
          tpu.yield
        }) : () -> ()
      } else {
      }
      %eq3A_725 = arith.constant 1 : i32
      %eq3A_726 = arith.cmpi eq, %arg0, %eq3A_725 : i32
      %convert_element_type3A_727 = arith.extui %eq3A_726 : i1 to i32
      %cond3A_728 = arith.constant 0 : i32
      %cond3A_729 = arith.cmpi ne, %convert_element_type3A_727, %cond3A_728 : i32
      scf.if %cond3A_729 {
        "tpu.region"() ({
          %run_scoped3A_730 = tpu.sem_alloc : memref<!tpu.dma_semaphore, #tpu.memory_space<semaphore_mem>>
          %dma_start3A_731 = arith.constant 0 : i32
          %dma_start3A_732 = tpu.memref_slice %arg6[%add3A_616, %dma_start3A_731] : memref<50000x32xf32, #tpu.memory_space<hbm>> -> memref<200x32xf32, #tpu.memory_space<hbm>>
          %dma_start3A_733 = arith.constant 0 : i32
          %dma_start3A_734 = tpu.memref_slice %arg17[%add3A_616, %dma_start3A_733] : memref<50176x32xf32, #tpu.memory_space<vmem_shared>> -> memref<200x32xf32, #tpu.memory_space<vmem_shared>>
          tpu.enqueue_dma source(%dma_start3A_734 : memref<200x32xf32, #tpu.memory_space<vmem_shared>>) target(%dma_start3A_732 : memref<200x32xf32, #tpu.memory_space<hbm>>) target_semaphore(%run_scoped3A_730 : memref<!tpu.dma_semaphore, #tpu.memory_space<semaphore_mem>>)
          %dma_wait3A_735 = arith.constant 0 : i32
          %dma_wait3A_736 = tpu.memref_slice %arg6[%add3A_616, %dma_wait3A_735] : memref<50000x32xf32, #tpu.memory_space<hbm>> -> memref<200x32xf32, #tpu.memory_space<hbm>>
          %dma_wait3A_737 = arith.constant 0 : i32
          %dma_wait3A_738 = tpu.memref_slice %arg17[%add3A_616, %dma_wait3A_737] : memref<50176x32xf32, #tpu.memory_space<vmem_shared>> -> memref<200x32xf32, #tpu.memory_space<vmem_shared>>
          tpu.wait_dma2 semaphore(%run_scoped3A_730 : memref<!tpu.dma_semaphore, #tpu.memory_space<semaphore_mem>>) src(%dma_wait3A_738 : memref<200x32xf32, #tpu.memory_space<vmem_shared>>) dst(%dma_wait3A_736 : memref<200x32xf32, #tpu.memory_space<hbm>>)
          tpu.yield
        }) : () -> ()
        "tpu.region"() ({
          %run_scoped3A_730 = tpu.sem_alloc : memref<!tpu.dma_semaphore, #tpu.memory_space<semaphore_mem>>
          %dma_start3A_731 = tpu.memref_slice %arg7[%add3A_616] : memref<50000xf32, #tpu.memory_space<hbm>> -> memref<200xf32, #tpu.memory_space<hbm>>
          %dma_start3A_732 = tpu.memref_slice %arg18[%add3A_616] : memref<50176xf32, #tpu.memory_space<vmem_shared>> -> memref<200xf32, #tpu.memory_space<vmem_shared>>
          tpu.enqueue_dma source(%dma_start3A_732 : memref<200xf32, #tpu.memory_space<vmem_shared>>) target(%dma_start3A_731 : memref<200xf32, #tpu.memory_space<hbm>>) target_semaphore(%run_scoped3A_730 : memref<!tpu.dma_semaphore, #tpu.memory_space<semaphore_mem>>)
          %dma_wait3A_733 = tpu.memref_slice %arg7[%add3A_616] : memref<50000xf32, #tpu.memory_space<hbm>> -> memref<200xf32, #tpu.memory_space<hbm>>
          %dma_wait3A_734 = tpu.memref_slice %arg18[%add3A_616] : memref<50176xf32, #tpu.memory_space<vmem_shared>> -> memref<200xf32, #tpu.memory_space<vmem_shared>>
          tpu.wait_dma2 semaphore(%run_scoped3A_730 : memref<!tpu.dma_semaphore, #tpu.memory_space<semaphore_mem>>) src(%dma_wait3A_734 : memref<200xf32, #tpu.memory_space<vmem_shared>>) dst(%dma_wait3A_733 : memref<200xf32, #tpu.memory_space<hbm>>)
          tpu.yield
        }) : () -> ()
      } else {
      }
    } else {
    }
    %mul3A_622 = arith.constant 3200 : i32
    %mul3A_623 = arith.muli %arg1, %mul3A_622 : i32
    %add3A_624 = arith.constant 1000 : i32
    %add3A_625 = arith.addi %mul3A_623, %add3A_624 : i32
    %lt3A_626 = arith.constant 50000 : i32
    %lt3A_627 = arith.cmpi slt, %add3A_625, %lt3A_626 : i32
    %convert_element_type3A_628 = arith.extui %lt3A_627 : i1 to i32
    %cond3A_629 = arith.constant 0 : i32
    %cond3A_630 = arith.cmpi ne, %convert_element_type3A_628, %cond3A_629 : i32
    scf.if %cond3A_630 {
      %eq3A = arith.constant 0 : i32
      %eq3A_721 = arith.cmpi eq, %arg0, %eq3A : i32
      %convert_element_type3A_722 = arith.extui %eq3A_721 : i1 to i32
      %cond3A_723 = arith.constant 0 : i32
      %cond3A_724 = arith.cmpi ne, %convert_element_type3A_722, %cond3A_723 : i32
      scf.if %cond3A_724 {
        "tpu.region"() ({
          %run_scoped3A_730 = tpu.sem_alloc : memref<!tpu.dma_semaphore, #tpu.memory_space<semaphore_mem>>
          %dma_start3A_731 = arith.constant 0 : i32
          %dma_start3A_732 = tpu.memref_slice %arg4[%add3A_625, %dma_start3A_731] : memref<50000x32xf32, #tpu.memory_space<hbm>> -> memref<200x32xf32, #tpu.memory_space<hbm>>
          %dma_start3A_733 = arith.constant 0 : i32
          %dma_start3A_734 = tpu.memref_slice %arg17[%add3A_625, %dma_start3A_733] : memref<50176x32xf32, #tpu.memory_space<vmem_shared>> -> memref<200x32xf32, #tpu.memory_space<vmem_shared>>
          tpu.enqueue_dma source(%dma_start3A_734 : memref<200x32xf32, #tpu.memory_space<vmem_shared>>) target(%dma_start3A_732 : memref<200x32xf32, #tpu.memory_space<hbm>>) target_semaphore(%run_scoped3A_730 : memref<!tpu.dma_semaphore, #tpu.memory_space<semaphore_mem>>)
          %dma_wait3A_735 = arith.constant 0 : i32
          %dma_wait3A_736 = tpu.memref_slice %arg4[%add3A_625, %dma_wait3A_735] : memref<50000x32xf32, #tpu.memory_space<hbm>> -> memref<200x32xf32, #tpu.memory_space<hbm>>
          %dma_wait3A_737 = arith.constant 0 : i32
          %dma_wait3A_738 = tpu.memref_slice %arg17[%add3A_625, %dma_wait3A_737] : memref<50176x32xf32, #tpu.memory_space<vmem_shared>> -> memref<200x32xf32, #tpu.memory_space<vmem_shared>>
          tpu.wait_dma2 semaphore(%run_scoped3A_730 : memref<!tpu.dma_semaphore, #tpu.memory_space<semaphore_mem>>) src(%dma_wait3A_738 : memref<200x32xf32, #tpu.memory_space<vmem_shared>>) dst(%dma_wait3A_736 : memref<200x32xf32, #tpu.memory_space<hbm>>)
          tpu.yield
        }) : () -> ()
        "tpu.region"() ({
          %run_scoped3A_730 = tpu.sem_alloc : memref<!tpu.dma_semaphore, #tpu.memory_space<semaphore_mem>>
          %dma_start3A_731 = tpu.memref_slice %arg5[%add3A_625] : memref<50000xf32, #tpu.memory_space<hbm>> -> memref<200xf32, #tpu.memory_space<hbm>>
          %dma_start3A_732 = tpu.memref_slice %arg18[%add3A_625] : memref<50176xf32, #tpu.memory_space<vmem_shared>> -> memref<200xf32, #tpu.memory_space<vmem_shared>>
          tpu.enqueue_dma source(%dma_start3A_732 : memref<200xf32, #tpu.memory_space<vmem_shared>>) target(%dma_start3A_731 : memref<200xf32, #tpu.memory_space<hbm>>) target_semaphore(%run_scoped3A_730 : memref<!tpu.dma_semaphore, #tpu.memory_space<semaphore_mem>>)
          %dma_wait3A_733 = tpu.memref_slice %arg5[%add3A_625] : memref<50000xf32, #tpu.memory_space<hbm>> -> memref<200xf32, #tpu.memory_space<hbm>>
          %dma_wait3A_734 = tpu.memref_slice %arg18[%add3A_625] : memref<50176xf32, #tpu.memory_space<vmem_shared>> -> memref<200xf32, #tpu.memory_space<vmem_shared>>
          tpu.wait_dma2 semaphore(%run_scoped3A_730 : memref<!tpu.dma_semaphore, #tpu.memory_space<semaphore_mem>>) src(%dma_wait3A_734 : memref<200xf32, #tpu.memory_space<vmem_shared>>) dst(%dma_wait3A_733 : memref<200xf32, #tpu.memory_space<hbm>>)
          tpu.yield
        }) : () -> ()
      } else {
      }
      %eq3A_725 = arith.constant 1 : i32
      %eq3A_726 = arith.cmpi eq, %arg0, %eq3A_725 : i32
      %convert_element_type3A_727 = arith.extui %eq3A_726 : i1 to i32
      %cond3A_728 = arith.constant 0 : i32
      %cond3A_729 = arith.cmpi ne, %convert_element_type3A_727, %cond3A_728 : i32
      scf.if %cond3A_729 {
        "tpu.region"() ({
          %run_scoped3A_730 = tpu.sem_alloc : memref<!tpu.dma_semaphore, #tpu.memory_space<semaphore_mem>>
          %dma_start3A_731 = arith.constant 0 : i32
          %dma_start3A_732 = tpu.memref_slice %arg6[%add3A_625, %dma_start3A_731] : memref<50000x32xf32, #tpu.memory_space<hbm>> -> memref<200x32xf32, #tpu.memory_space<hbm>>
          %dma_start3A_733 = arith.constant 0 : i32
          %dma_start3A_734 = tpu.memref_slice %arg17[%add3A_625, %dma_start3A_733] : memref<50176x32xf32, #tpu.memory_space<vmem_shared>> -> memref<200x32xf32, #tpu.memory_space<vmem_shared>>
          tpu.enqueue_dma source(%dma_start3A_734 : memref<200x32xf32, #tpu.memory_space<vmem_shared>>) target(%dma_start3A_732 : memref<200x32xf32, #tpu.memory_space<hbm>>) target_semaphore(%run_scoped3A_730 : memref<!tpu.dma_semaphore, #tpu.memory_space<semaphore_mem>>)
          %dma_wait3A_735 = arith.constant 0 : i32
          %dma_wait3A_736 = tpu.memref_slice %arg6[%add3A_625, %dma_wait3A_735] : memref<50000x32xf32, #tpu.memory_space<hbm>> -> memref<200x32xf32, #tpu.memory_space<hbm>>
          %dma_wait3A_737 = arith.constant 0 : i32
          %dma_wait3A_738 = tpu.memref_slice %arg17[%add3A_625, %dma_wait3A_737] : memref<50176x32xf32, #tpu.memory_space<vmem_shared>> -> memref<200x32xf32, #tpu.memory_space<vmem_shared>>
          tpu.wait_dma2 semaphore(%run_scoped3A_730 : memref<!tpu.dma_semaphore, #tpu.memory_space<semaphore_mem>>) src(%dma_wait3A_738 : memref<200x32xf32, #tpu.memory_space<vmem_shared>>) dst(%dma_wait3A_736 : memref<200x32xf32, #tpu.memory_space<hbm>>)
          tpu.yield
        }) : () -> ()
        "tpu.region"() ({
          %run_scoped3A_730 = tpu.sem_alloc : memref<!tpu.dma_semaphore, #tpu.memory_space<semaphore_mem>>
          %dma_start3A_731 = tpu.memref_slice %arg7[%add3A_625] : memref<50000xf32, #tpu.memory_space<hbm>> -> memref<200xf32, #tpu.memory_space<hbm>>
          %dma_start3A_732 = tpu.memref_slice %arg18[%add3A_625] : memref<50176xf32, #tpu.memory_space<vmem_shared>> -> memref<200xf32, #tpu.memory_space<vmem_shared>>
          tpu.enqueue_dma source(%dma_start3A_732 : memref<200xf32, #tpu.memory_space<vmem_shared>>) target(%dma_start3A_731 : memref<200xf32, #tpu.memory_space<hbm>>) target_semaphore(%run_scoped3A_730 : memref<!tpu.dma_semaphore, #tpu.memory_space<semaphore_mem>>)
          %dma_wait3A_733 = tpu.memref_slice %arg7[%add3A_625] : memref<50000xf32, #tpu.memory_space<hbm>> -> memref<200xf32, #tpu.memory_space<hbm>>
          %dma_wait3A_734 = tpu.memref_slice %arg18[%add3A_625] : memref<50176xf32, #tpu.memory_space<vmem_shared>> -> memref<200xf32, #tpu.memory_space<vmem_shared>>
          tpu.wait_dma2 semaphore(%run_scoped3A_730 : memref<!tpu.dma_semaphore, #tpu.memory_space<semaphore_mem>>) src(%dma_wait3A_734 : memref<200xf32, #tpu.memory_space<vmem_shared>>) dst(%dma_wait3A_733 : memref<200xf32, #tpu.memory_space<hbm>>)
          tpu.yield
        }) : () -> ()
      } else {
      }
    } else {
    }
    %mul3A_631 = arith.constant 3200 : i32
    %mul3A_632 = arith.muli %arg1, %mul3A_631 : i32
    %add3A_633 = arith.constant 1200 : i32
    %add3A_634 = arith.addi %mul3A_632, %add3A_633 : i32
    %lt3A_635 = arith.constant 50000 : i32
    %lt3A_636 = arith.cmpi slt, %add3A_634, %lt3A_635 : i32
    %convert_element_type3A_637 = arith.extui %lt3A_636 : i1 to i32
    %cond3A_638 = arith.constant 0 : i32
    %cond3A_639 = arith.cmpi ne, %convert_element_type3A_637, %cond3A_638 : i32
    scf.if %cond3A_639 {
      %eq3A = arith.constant 0 : i32
      %eq3A_721 = arith.cmpi eq, %arg0, %eq3A : i32
      %convert_element_type3A_722 = arith.extui %eq3A_721 : i1 to i32
      %cond3A_723 = arith.constant 0 : i32
      %cond3A_724 = arith.cmpi ne, %convert_element_type3A_722, %cond3A_723 : i32
      scf.if %cond3A_724 {
        "tpu.region"() ({
          %run_scoped3A_730 = tpu.sem_alloc : memref<!tpu.dma_semaphore, #tpu.memory_space<semaphore_mem>>
          %dma_start3A_731 = arith.constant 0 : i32
          %dma_start3A_732 = tpu.memref_slice %arg4[%add3A_634, %dma_start3A_731] : memref<50000x32xf32, #tpu.memory_space<hbm>> -> memref<200x32xf32, #tpu.memory_space<hbm>>
          %dma_start3A_733 = arith.constant 0 : i32
          %dma_start3A_734 = tpu.memref_slice %arg17[%add3A_634, %dma_start3A_733] : memref<50176x32xf32, #tpu.memory_space<vmem_shared>> -> memref<200x32xf32, #tpu.memory_space<vmem_shared>>
          tpu.enqueue_dma source(%dma_start3A_734 : memref<200x32xf32, #tpu.memory_space<vmem_shared>>) target(%dma_start3A_732 : memref<200x32xf32, #tpu.memory_space<hbm>>) target_semaphore(%run_scoped3A_730 : memref<!tpu.dma_semaphore, #tpu.memory_space<semaphore_mem>>)
          %dma_wait3A_735 = arith.constant 0 : i32
          %dma_wait3A_736 = tpu.memref_slice %arg4[%add3A_634, %dma_wait3A_735] : memref<50000x32xf32, #tpu.memory_space<hbm>> -> memref<200x32xf32, #tpu.memory_space<hbm>>
          %dma_wait3A_737 = arith.constant 0 : i32
          %dma_wait3A_738 = tpu.memref_slice %arg17[%add3A_634, %dma_wait3A_737] : memref<50176x32xf32, #tpu.memory_space<vmem_shared>> -> memref<200x32xf32, #tpu.memory_space<vmem_shared>>
          tpu.wait_dma2 semaphore(%run_scoped3A_730 : memref<!tpu.dma_semaphore, #tpu.memory_space<semaphore_mem>>) src(%dma_wait3A_738 : memref<200x32xf32, #tpu.memory_space<vmem_shared>>) dst(%dma_wait3A_736 : memref<200x32xf32, #tpu.memory_space<hbm>>)
          tpu.yield
        }) : () -> ()
        "tpu.region"() ({
          %run_scoped3A_730 = tpu.sem_alloc : memref<!tpu.dma_semaphore, #tpu.memory_space<semaphore_mem>>
          %dma_start3A_731 = tpu.memref_slice %arg5[%add3A_634] : memref<50000xf32, #tpu.memory_space<hbm>> -> memref<200xf32, #tpu.memory_space<hbm>>
          %dma_start3A_732 = tpu.memref_slice %arg18[%add3A_634] : memref<50176xf32, #tpu.memory_space<vmem_shared>> -> memref<200xf32, #tpu.memory_space<vmem_shared>>
          tpu.enqueue_dma source(%dma_start3A_732 : memref<200xf32, #tpu.memory_space<vmem_shared>>) target(%dma_start3A_731 : memref<200xf32, #tpu.memory_space<hbm>>) target_semaphore(%run_scoped3A_730 : memref<!tpu.dma_semaphore, #tpu.memory_space<semaphore_mem>>)
          %dma_wait3A_733 = tpu.memref_slice %arg5[%add3A_634] : memref<50000xf32, #tpu.memory_space<hbm>> -> memref<200xf32, #tpu.memory_space<hbm>>
          %dma_wait3A_734 = tpu.memref_slice %arg18[%add3A_634] : memref<50176xf32, #tpu.memory_space<vmem_shared>> -> memref<200xf32, #tpu.memory_space<vmem_shared>>
          tpu.wait_dma2 semaphore(%run_scoped3A_730 : memref<!tpu.dma_semaphore, #tpu.memory_space<semaphore_mem>>) src(%dma_wait3A_734 : memref<200xf32, #tpu.memory_space<vmem_shared>>) dst(%dma_wait3A_733 : memref<200xf32, #tpu.memory_space<hbm>>)
          tpu.yield
        }) : () -> ()
      } else {
      }
      %eq3A_725 = arith.constant 1 : i32
      %eq3A_726 = arith.cmpi eq, %arg0, %eq3A_725 : i32
      %convert_element_type3A_727 = arith.extui %eq3A_726 : i1 to i32
      %cond3A_728 = arith.constant 0 : i32
      %cond3A_729 = arith.cmpi ne, %convert_element_type3A_727, %cond3A_728 : i32
      scf.if %cond3A_729 {
        "tpu.region"() ({
          %run_scoped3A_730 = tpu.sem_alloc : memref<!tpu.dma_semaphore, #tpu.memory_space<semaphore_mem>>
          %dma_start3A_731 = arith.constant 0 : i32
          %dma_start3A_732 = tpu.memref_slice %arg6[%add3A_634, %dma_start3A_731] : memref<50000x32xf32, #tpu.memory_space<hbm>> -> memref<200x32xf32, #tpu.memory_space<hbm>>
          %dma_start3A_733 = arith.constant 0 : i32
          %dma_start3A_734 = tpu.memref_slice %arg17[%add3A_634, %dma_start3A_733] : memref<50176x32xf32, #tpu.memory_space<vmem_shared>> -> memref<200x32xf32, #tpu.memory_space<vmem_shared>>
          tpu.enqueue_dma source(%dma_start3A_734 : memref<200x32xf32, #tpu.memory_space<vmem_shared>>) target(%dma_start3A_732 : memref<200x32xf32, #tpu.memory_space<hbm>>) target_semaphore(%run_scoped3A_730 : memref<!tpu.dma_semaphore, #tpu.memory_space<semaphore_mem>>)
          %dma_wait3A_735 = arith.constant 0 : i32
          %dma_wait3A_736 = tpu.memref_slice %arg6[%add3A_634, %dma_wait3A_735] : memref<50000x32xf32, #tpu.memory_space<hbm>> -> memref<200x32xf32, #tpu.memory_space<hbm>>
          %dma_wait3A_737 = arith.constant 0 : i32
          %dma_wait3A_738 = tpu.memref_slice %arg17[%add3A_634, %dma_wait3A_737] : memref<50176x32xf32, #tpu.memory_space<vmem_shared>> -> memref<200x32xf32, #tpu.memory_space<vmem_shared>>
          tpu.wait_dma2 semaphore(%run_scoped3A_730 : memref<!tpu.dma_semaphore, #tpu.memory_space<semaphore_mem>>) src(%dma_wait3A_738 : memref<200x32xf32, #tpu.memory_space<vmem_shared>>) dst(%dma_wait3A_736 : memref<200x32xf32, #tpu.memory_space<hbm>>)
          tpu.yield
        }) : () -> ()
        "tpu.region"() ({
          %run_scoped3A_730 = tpu.sem_alloc : memref<!tpu.dma_semaphore, #tpu.memory_space<semaphore_mem>>
          %dma_start3A_731 = tpu.memref_slice %arg7[%add3A_634] : memref<50000xf32, #tpu.memory_space<hbm>> -> memref<200xf32, #tpu.memory_space<hbm>>
          %dma_start3A_732 = tpu.memref_slice %arg18[%add3A_634] : memref<50176xf32, #tpu.memory_space<vmem_shared>> -> memref<200xf32, #tpu.memory_space<vmem_shared>>
          tpu.enqueue_dma source(%dma_start3A_732 : memref<200xf32, #tpu.memory_space<vmem_shared>>) target(%dma_start3A_731 : memref<200xf32, #tpu.memory_space<hbm>>) target_semaphore(%run_scoped3A_730 : memref<!tpu.dma_semaphore, #tpu.memory_space<semaphore_mem>>)
          %dma_wait3A_733 = tpu.memref_slice %arg7[%add3A_634] : memref<50000xf32, #tpu.memory_space<hbm>> -> memref<200xf32, #tpu.memory_space<hbm>>
          %dma_wait3A_734 = tpu.memref_slice %arg18[%add3A_634] : memref<50176xf32, #tpu.memory_space<vmem_shared>> -> memref<200xf32, #tpu.memory_space<vmem_shared>>
          tpu.wait_dma2 semaphore(%run_scoped3A_730 : memref<!tpu.dma_semaphore, #tpu.memory_space<semaphore_mem>>) src(%dma_wait3A_734 : memref<200xf32, #tpu.memory_space<vmem_shared>>) dst(%dma_wait3A_733 : memref<200xf32, #tpu.memory_space<hbm>>)
          tpu.yield
        }) : () -> ()
      } else {
      }
    } else {
    }
    %mul3A_640 = arith.constant 3200 : i32
    %mul3A_641 = arith.muli %arg1, %mul3A_640 : i32
    %add3A_642 = arith.constant 1400 : i32
    %add3A_643 = arith.addi %mul3A_641, %add3A_642 : i32
    %lt3A_644 = arith.constant 50000 : i32
    %lt3A_645 = arith.cmpi slt, %add3A_643, %lt3A_644 : i32
    %convert_element_type3A_646 = arith.extui %lt3A_645 : i1 to i32
    %cond3A_647 = arith.constant 0 : i32
    %cond3A_648 = arith.cmpi ne, %convert_element_type3A_646, %cond3A_647 : i32
    scf.if %cond3A_648 {
      %eq3A = arith.constant 0 : i32
      %eq3A_721 = arith.cmpi eq, %arg0, %eq3A : i32
      %convert_element_type3A_722 = arith.extui %eq3A_721 : i1 to i32
      %cond3A_723 = arith.constant 0 : i32
      %cond3A_724 = arith.cmpi ne, %convert_element_type3A_722, %cond3A_723 : i32
      scf.if %cond3A_724 {
        "tpu.region"() ({
          %run_scoped3A_730 = tpu.sem_alloc : memref<!tpu.dma_semaphore, #tpu.memory_space<semaphore_mem>>
          %dma_start3A_731 = arith.constant 0 : i32
          %dma_start3A_732 = tpu.memref_slice %arg4[%add3A_643, %dma_start3A_731] : memref<50000x32xf32, #tpu.memory_space<hbm>> -> memref<200x32xf32, #tpu.memory_space<hbm>>
          %dma_start3A_733 = arith.constant 0 : i32
          %dma_start3A_734 = tpu.memref_slice %arg17[%add3A_643, %dma_start3A_733] : memref<50176x32xf32, #tpu.memory_space<vmem_shared>> -> memref<200x32xf32, #tpu.memory_space<vmem_shared>>
          tpu.enqueue_dma source(%dma_start3A_734 : memref<200x32xf32, #tpu.memory_space<vmem_shared>>) target(%dma_start3A_732 : memref<200x32xf32, #tpu.memory_space<hbm>>) target_semaphore(%run_scoped3A_730 : memref<!tpu.dma_semaphore, #tpu.memory_space<semaphore_mem>>)
          %dma_wait3A_735 = arith.constant 0 : i32
          %dma_wait3A_736 = tpu.memref_slice %arg4[%add3A_643, %dma_wait3A_735] : memref<50000x32xf32, #tpu.memory_space<hbm>> -> memref<200x32xf32, #tpu.memory_space<hbm>>
          %dma_wait3A_737 = arith.constant 0 : i32
          %dma_wait3A_738 = tpu.memref_slice %arg17[%add3A_643, %dma_wait3A_737] : memref<50176x32xf32, #tpu.memory_space<vmem_shared>> -> memref<200x32xf32, #tpu.memory_space<vmem_shared>>
          tpu.wait_dma2 semaphore(%run_scoped3A_730 : memref<!tpu.dma_semaphore, #tpu.memory_space<semaphore_mem>>) src(%dma_wait3A_738 : memref<200x32xf32, #tpu.memory_space<vmem_shared>>) dst(%dma_wait3A_736 : memref<200x32xf32, #tpu.memory_space<hbm>>)
          tpu.yield
        }) : () -> ()
        "tpu.region"() ({
          %run_scoped3A_730 = tpu.sem_alloc : memref<!tpu.dma_semaphore, #tpu.memory_space<semaphore_mem>>
          %dma_start3A_731 = tpu.memref_slice %arg5[%add3A_643] : memref<50000xf32, #tpu.memory_space<hbm>> -> memref<200xf32, #tpu.memory_space<hbm>>
          %dma_start3A_732 = tpu.memref_slice %arg18[%add3A_643] : memref<50176xf32, #tpu.memory_space<vmem_shared>> -> memref<200xf32, #tpu.memory_space<vmem_shared>>
          tpu.enqueue_dma source(%dma_start3A_732 : memref<200xf32, #tpu.memory_space<vmem_shared>>) target(%dma_start3A_731 : memref<200xf32, #tpu.memory_space<hbm>>) target_semaphore(%run_scoped3A_730 : memref<!tpu.dma_semaphore, #tpu.memory_space<semaphore_mem>>)
          %dma_wait3A_733 = tpu.memref_slice %arg5[%add3A_643] : memref<50000xf32, #tpu.memory_space<hbm>> -> memref<200xf32, #tpu.memory_space<hbm>>
          %dma_wait3A_734 = tpu.memref_slice %arg18[%add3A_643] : memref<50176xf32, #tpu.memory_space<vmem_shared>> -> memref<200xf32, #tpu.memory_space<vmem_shared>>
          tpu.wait_dma2 semaphore(%run_scoped3A_730 : memref<!tpu.dma_semaphore, #tpu.memory_space<semaphore_mem>>) src(%dma_wait3A_734 : memref<200xf32, #tpu.memory_space<vmem_shared>>) dst(%dma_wait3A_733 : memref<200xf32, #tpu.memory_space<hbm>>)
          tpu.yield
        }) : () -> ()
      } else {
      }
      %eq3A_725 = arith.constant 1 : i32
      %eq3A_726 = arith.cmpi eq, %arg0, %eq3A_725 : i32
      %convert_element_type3A_727 = arith.extui %eq3A_726 : i1 to i32
      %cond3A_728 = arith.constant 0 : i32
      %cond3A_729 = arith.cmpi ne, %convert_element_type3A_727, %cond3A_728 : i32
      scf.if %cond3A_729 {
        "tpu.region"() ({
          %run_scoped3A_730 = tpu.sem_alloc : memref<!tpu.dma_semaphore, #tpu.memory_space<semaphore_mem>>
          %dma_start3A_731 = arith.constant 0 : i32
          %dma_start3A_732 = tpu.memref_slice %arg6[%add3A_643, %dma_start3A_731] : memref<50000x32xf32, #tpu.memory_space<hbm>> -> memref<200x32xf32, #tpu.memory_space<hbm>>
          %dma_start3A_733 = arith.constant 0 : i32
          %dma_start3A_734 = tpu.memref_slice %arg17[%add3A_643, %dma_start3A_733] : memref<50176x32xf32, #tpu.memory_space<vmem_shared>> -> memref<200x32xf32, #tpu.memory_space<vmem_shared>>
          tpu.enqueue_dma source(%dma_start3A_734 : memref<200x32xf32, #tpu.memory_space<vmem_shared>>) target(%dma_start3A_732 : memref<200x32xf32, #tpu.memory_space<hbm>>) target_semaphore(%run_scoped3A_730 : memref<!tpu.dma_semaphore, #tpu.memory_space<semaphore_mem>>)
          %dma_wait3A_735 = arith.constant 0 : i32
          %dma_wait3A_736 = tpu.memref_slice %arg6[%add3A_643, %dma_wait3A_735] : memref<50000x32xf32, #tpu.memory_space<hbm>> -> memref<200x32xf32, #tpu.memory_space<hbm>>
          %dma_wait3A_737 = arith.constant 0 : i32
          %dma_wait3A_738 = tpu.memref_slice %arg17[%add3A_643, %dma_wait3A_737] : memref<50176x32xf32, #tpu.memory_space<vmem_shared>> -> memref<200x32xf32, #tpu.memory_space<vmem_shared>>
          tpu.wait_dma2 semaphore(%run_scoped3A_730 : memref<!tpu.dma_semaphore, #tpu.memory_space<semaphore_mem>>) src(%dma_wait3A_738 : memref<200x32xf32, #tpu.memory_space<vmem_shared>>) dst(%dma_wait3A_736 : memref<200x32xf32, #tpu.memory_space<hbm>>)
          tpu.yield
        }) : () -> ()
        "tpu.region"() ({
          %run_scoped3A_730 = tpu.sem_alloc : memref<!tpu.dma_semaphore, #tpu.memory_space<semaphore_mem>>
          %dma_start3A_731 = tpu.memref_slice %arg7[%add3A_643] : memref<50000xf32, #tpu.memory_space<hbm>> -> memref<200xf32, #tpu.memory_space<hbm>>
          %dma_start3A_732 = tpu.memref_slice %arg18[%add3A_643] : memref<50176xf32, #tpu.memory_space<vmem_shared>> -> memref<200xf32, #tpu.memory_space<vmem_shared>>
          tpu.enqueue_dma source(%dma_start3A_732 : memref<200xf32, #tpu.memory_space<vmem_shared>>) target(%dma_start3A_731 : memref<200xf32, #tpu.memory_space<hbm>>) target_semaphore(%run_scoped3A_730 : memref<!tpu.dma_semaphore, #tpu.memory_space<semaphore_mem>>)
          %dma_wait3A_733 = tpu.memref_slice %arg7[%add3A_643] : memref<50000xf32, #tpu.memory_space<hbm>> -> memref<200xf32, #tpu.memory_space<hbm>>
          %dma_wait3A_734 = tpu.memref_slice %arg18[%add3A_643] : memref<50176xf32, #tpu.memory_space<vmem_shared>> -> memref<200xf32, #tpu.memory_space<vmem_shared>>
          tpu.wait_dma2 semaphore(%run_scoped3A_730 : memref<!tpu.dma_semaphore, #tpu.memory_space<semaphore_mem>>) src(%dma_wait3A_734 : memref<200xf32, #tpu.memory_space<vmem_shared>>) dst(%dma_wait3A_733 : memref<200xf32, #tpu.memory_space<hbm>>)
          tpu.yield
        }) : () -> ()
      } else {
      }
    } else {
    }
    %mul3A_649 = arith.constant 3200 : i32
    %mul3A_650 = arith.muli %arg1, %mul3A_649 : i32
    %add3A_651 = arith.constant 1600 : i32
    %add3A_652 = arith.addi %mul3A_650, %add3A_651 : i32
    %lt3A_653 = arith.constant 50000 : i32
    %lt3A_654 = arith.cmpi slt, %add3A_652, %lt3A_653 : i32
    %convert_element_type3A_655 = arith.extui %lt3A_654 : i1 to i32
    %cond3A_656 = arith.constant 0 : i32
    %cond3A_657 = arith.cmpi ne, %convert_element_type3A_655, %cond3A_656 : i32
    scf.if %cond3A_657 {
      %eq3A = arith.constant 0 : i32
      %eq3A_721 = arith.cmpi eq, %arg0, %eq3A : i32
      %convert_element_type3A_722 = arith.extui %eq3A_721 : i1 to i32
      %cond3A_723 = arith.constant 0 : i32
      %cond3A_724 = arith.cmpi ne, %convert_element_type3A_722, %cond3A_723 : i32
      scf.if %cond3A_724 {
        "tpu.region"() ({
          %run_scoped3A_730 = tpu.sem_alloc : memref<!tpu.dma_semaphore, #tpu.memory_space<semaphore_mem>>
          %dma_start3A_731 = arith.constant 0 : i32
          %dma_start3A_732 = tpu.memref_slice %arg4[%add3A_652, %dma_start3A_731] : memref<50000x32xf32, #tpu.memory_space<hbm>> -> memref<200x32xf32, #tpu.memory_space<hbm>>
          %dma_start3A_733 = arith.constant 0 : i32
          %dma_start3A_734 = tpu.memref_slice %arg17[%add3A_652, %dma_start3A_733] : memref<50176x32xf32, #tpu.memory_space<vmem_shared>> -> memref<200x32xf32, #tpu.memory_space<vmem_shared>>
          tpu.enqueue_dma source(%dma_start3A_734 : memref<200x32xf32, #tpu.memory_space<vmem_shared>>) target(%dma_start3A_732 : memref<200x32xf32, #tpu.memory_space<hbm>>) target_semaphore(%run_scoped3A_730 : memref<!tpu.dma_semaphore, #tpu.memory_space<semaphore_mem>>)
          %dma_wait3A_735 = arith.constant 0 : i32
          %dma_wait3A_736 = tpu.memref_slice %arg4[%add3A_652, %dma_wait3A_735] : memref<50000x32xf32, #tpu.memory_space<hbm>> -> memref<200x32xf32, #tpu.memory_space<hbm>>
          %dma_wait3A_737 = arith.constant 0 : i32
          %dma_wait3A_738 = tpu.memref_slice %arg17[%add3A_652, %dma_wait3A_737] : memref<50176x32xf32, #tpu.memory_space<vmem_shared>> -> memref<200x32xf32, #tpu.memory_space<vmem_shared>>
          tpu.wait_dma2 semaphore(%run_scoped3A_730 : memref<!tpu.dma_semaphore, #tpu.memory_space<semaphore_mem>>) src(%dma_wait3A_738 : memref<200x32xf32, #tpu.memory_space<vmem_shared>>) dst(%dma_wait3A_736 : memref<200x32xf32, #tpu.memory_space<hbm>>)
          tpu.yield
        }) : () -> ()
        "tpu.region"() ({
          %run_scoped3A_730 = tpu.sem_alloc : memref<!tpu.dma_semaphore, #tpu.memory_space<semaphore_mem>>
          %dma_start3A_731 = tpu.memref_slice %arg5[%add3A_652] : memref<50000xf32, #tpu.memory_space<hbm>> -> memref<200xf32, #tpu.memory_space<hbm>>
          %dma_start3A_732 = tpu.memref_slice %arg18[%add3A_652] : memref<50176xf32, #tpu.memory_space<vmem_shared>> -> memref<200xf32, #tpu.memory_space<vmem_shared>>
          tpu.enqueue_dma source(%dma_start3A_732 : memref<200xf32, #tpu.memory_space<vmem_shared>>) target(%dma_start3A_731 : memref<200xf32, #tpu.memory_space<hbm>>) target_semaphore(%run_scoped3A_730 : memref<!tpu.dma_semaphore, #tpu.memory_space<semaphore_mem>>)
          %dma_wait3A_733 = tpu.memref_slice %arg5[%add3A_652] : memref<50000xf32, #tpu.memory_space<hbm>> -> memref<200xf32, #tpu.memory_space<hbm>>
          %dma_wait3A_734 = tpu.memref_slice %arg18[%add3A_652] : memref<50176xf32, #tpu.memory_space<vmem_shared>> -> memref<200xf32, #tpu.memory_space<vmem_shared>>
          tpu.wait_dma2 semaphore(%run_scoped3A_730 : memref<!tpu.dma_semaphore, #tpu.memory_space<semaphore_mem>>) src(%dma_wait3A_734 : memref<200xf32, #tpu.memory_space<vmem_shared>>) dst(%dma_wait3A_733 : memref<200xf32, #tpu.memory_space<hbm>>)
          tpu.yield
        }) : () -> ()
      } else {
      }
      %eq3A_725 = arith.constant 1 : i32
      %eq3A_726 = arith.cmpi eq, %arg0, %eq3A_725 : i32
      %convert_element_type3A_727 = arith.extui %eq3A_726 : i1 to i32
      %cond3A_728 = arith.constant 0 : i32
      %cond3A_729 = arith.cmpi ne, %convert_element_type3A_727, %cond3A_728 : i32
      scf.if %cond3A_729 {
        "tpu.region"() ({
          %run_scoped3A_730 = tpu.sem_alloc : memref<!tpu.dma_semaphore, #tpu.memory_space<semaphore_mem>>
          %dma_start3A_731 = arith.constant 0 : i32
          %dma_start3A_732 = tpu.memref_slice %arg6[%add3A_652, %dma_start3A_731] : memref<50000x32xf32, #tpu.memory_space<hbm>> -> memref<200x32xf32, #tpu.memory_space<hbm>>
          %dma_start3A_733 = arith.constant 0 : i32
          %dma_start3A_734 = tpu.memref_slice %arg17[%add3A_652, %dma_start3A_733] : memref<50176x32xf32, #tpu.memory_space<vmem_shared>> -> memref<200x32xf32, #tpu.memory_space<vmem_shared>>
          tpu.enqueue_dma source(%dma_start3A_734 : memref<200x32xf32, #tpu.memory_space<vmem_shared>>) target(%dma_start3A_732 : memref<200x32xf32, #tpu.memory_space<hbm>>) target_semaphore(%run_scoped3A_730 : memref<!tpu.dma_semaphore, #tpu.memory_space<semaphore_mem>>)
          %dma_wait3A_735 = arith.constant 0 : i32
          %dma_wait3A_736 = tpu.memref_slice %arg6[%add3A_652, %dma_wait3A_735] : memref<50000x32xf32, #tpu.memory_space<hbm>> -> memref<200x32xf32, #tpu.memory_space<hbm>>
          %dma_wait3A_737 = arith.constant 0 : i32
          %dma_wait3A_738 = tpu.memref_slice %arg17[%add3A_652, %dma_wait3A_737] : memref<50176x32xf32, #tpu.memory_space<vmem_shared>> -> memref<200x32xf32, #tpu.memory_space<vmem_shared>>
          tpu.wait_dma2 semaphore(%run_scoped3A_730 : memref<!tpu.dma_semaphore, #tpu.memory_space<semaphore_mem>>) src(%dma_wait3A_738 : memref<200x32xf32, #tpu.memory_space<vmem_shared>>) dst(%dma_wait3A_736 : memref<200x32xf32, #tpu.memory_space<hbm>>)
          tpu.yield
        }) : () -> ()
        "tpu.region"() ({
          %run_scoped3A_730 = tpu.sem_alloc : memref<!tpu.dma_semaphore, #tpu.memory_space<semaphore_mem>>
          %dma_start3A_731 = tpu.memref_slice %arg7[%add3A_652] : memref<50000xf32, #tpu.memory_space<hbm>> -> memref<200xf32, #tpu.memory_space<hbm>>
          %dma_start3A_732 = tpu.memref_slice %arg18[%add3A_652] : memref<50176xf32, #tpu.memory_space<vmem_shared>> -> memref<200xf32, #tpu.memory_space<vmem_shared>>
          tpu.enqueue_dma source(%dma_start3A_732 : memref<200xf32, #tpu.memory_space<vmem_shared>>) target(%dma_start3A_731 : memref<200xf32, #tpu.memory_space<hbm>>) target_semaphore(%run_scoped3A_730 : memref<!tpu.dma_semaphore, #tpu.memory_space<semaphore_mem>>)
          %dma_wait3A_733 = tpu.memref_slice %arg7[%add3A_652] : memref<50000xf32, #tpu.memory_space<hbm>> -> memref<200xf32, #tpu.memory_space<hbm>>
          %dma_wait3A_734 = tpu.memref_slice %arg18[%add3A_652] : memref<50176xf32, #tpu.memory_space<vmem_shared>> -> memref<200xf32, #tpu.memory_space<vmem_shared>>
          tpu.wait_dma2 semaphore(%run_scoped3A_730 : memref<!tpu.dma_semaphore, #tpu.memory_space<semaphore_mem>>) src(%dma_wait3A_734 : memref<200xf32, #tpu.memory_space<vmem_shared>>) dst(%dma_wait3A_733 : memref<200xf32, #tpu.memory_space<hbm>>)
          tpu.yield
        }) : () -> ()
      } else {
      }
    } else {
    }
    %mul3A_658 = arith.constant 3200 : i32
    %mul3A_659 = arith.muli %arg1, %mul3A_658 : i32
    %add3A_660 = arith.constant 1800 : i32
    %add3A_661 = arith.addi %mul3A_659, %add3A_660 : i32
    %lt3A_662 = arith.constant 50000 : i32
    %lt3A_663 = arith.cmpi slt, %add3A_661, %lt3A_662 : i32
    %convert_element_type3A_664 = arith.extui %lt3A_663 : i1 to i32
    %cond3A_665 = arith.constant 0 : i32
    %cond3A_666 = arith.cmpi ne, %convert_element_type3A_664, %cond3A_665 : i32
    scf.if %cond3A_666 {
      %eq3A = arith.constant 0 : i32
      %eq3A_721 = arith.cmpi eq, %arg0, %eq3A : i32
      %convert_element_type3A_722 = arith.extui %eq3A_721 : i1 to i32
      %cond3A_723 = arith.constant 0 : i32
      %cond3A_724 = arith.cmpi ne, %convert_element_type3A_722, %cond3A_723 : i32
      scf.if %cond3A_724 {
        "tpu.region"() ({
          %run_scoped3A_730 = tpu.sem_alloc : memref<!tpu.dma_semaphore, #tpu.memory_space<semaphore_mem>>
          %dma_start3A_731 = arith.constant 0 : i32
          %dma_start3A_732 = tpu.memref_slice %arg4[%add3A_661, %dma_start3A_731] : memref<50000x32xf32, #tpu.memory_space<hbm>> -> memref<200x32xf32, #tpu.memory_space<hbm>>
          %dma_start3A_733 = arith.constant 0 : i32
          %dma_start3A_734 = tpu.memref_slice %arg17[%add3A_661, %dma_start3A_733] : memref<50176x32xf32, #tpu.memory_space<vmem_shared>> -> memref<200x32xf32, #tpu.memory_space<vmem_shared>>
          tpu.enqueue_dma source(%dma_start3A_734 : memref<200x32xf32, #tpu.memory_space<vmem_shared>>) target(%dma_start3A_732 : memref<200x32xf32, #tpu.memory_space<hbm>>) target_semaphore(%run_scoped3A_730 : memref<!tpu.dma_semaphore, #tpu.memory_space<semaphore_mem>>)
          %dma_wait3A_735 = arith.constant 0 : i32
          %dma_wait3A_736 = tpu.memref_slice %arg4[%add3A_661, %dma_wait3A_735] : memref<50000x32xf32, #tpu.memory_space<hbm>> -> memref<200x32xf32, #tpu.memory_space<hbm>>
          %dma_wait3A_737 = arith.constant 0 : i32
          %dma_wait3A_738 = tpu.memref_slice %arg17[%add3A_661, %dma_wait3A_737] : memref<50176x32xf32, #tpu.memory_space<vmem_shared>> -> memref<200x32xf32, #tpu.memory_space<vmem_shared>>
          tpu.wait_dma2 semaphore(%run_scoped3A_730 : memref<!tpu.dma_semaphore, #tpu.memory_space<semaphore_mem>>) src(%dma_wait3A_738 : memref<200x32xf32, #tpu.memory_space<vmem_shared>>) dst(%dma_wait3A_736 : memref<200x32xf32, #tpu.memory_space<hbm>>)
          tpu.yield
        }) : () -> ()
        "tpu.region"() ({
          %run_scoped3A_730 = tpu.sem_alloc : memref<!tpu.dma_semaphore, #tpu.memory_space<semaphore_mem>>
          %dma_start3A_731 = tpu.memref_slice %arg5[%add3A_661] : memref<50000xf32, #tpu.memory_space<hbm>> -> memref<200xf32, #tpu.memory_space<hbm>>
          %dma_start3A_732 = tpu.memref_slice %arg18[%add3A_661] : memref<50176xf32, #tpu.memory_space<vmem_shared>> -> memref<200xf32, #tpu.memory_space<vmem_shared>>
          tpu.enqueue_dma source(%dma_start3A_732 : memref<200xf32, #tpu.memory_space<vmem_shared>>) target(%dma_start3A_731 : memref<200xf32, #tpu.memory_space<hbm>>) target_semaphore(%run_scoped3A_730 : memref<!tpu.dma_semaphore, #tpu.memory_space<semaphore_mem>>)
          %dma_wait3A_733 = tpu.memref_slice %arg5[%add3A_661] : memref<50000xf32, #tpu.memory_space<hbm>> -> memref<200xf32, #tpu.memory_space<hbm>>
          %dma_wait3A_734 = tpu.memref_slice %arg18[%add3A_661] : memref<50176xf32, #tpu.memory_space<vmem_shared>> -> memref<200xf32, #tpu.memory_space<vmem_shared>>
          tpu.wait_dma2 semaphore(%run_scoped3A_730 : memref<!tpu.dma_semaphore, #tpu.memory_space<semaphore_mem>>) src(%dma_wait3A_734 : memref<200xf32, #tpu.memory_space<vmem_shared>>) dst(%dma_wait3A_733 : memref<200xf32, #tpu.memory_space<hbm>>)
          tpu.yield
        }) : () -> ()
      } else {
      }
      %eq3A_725 = arith.constant 1 : i32
      %eq3A_726 = arith.cmpi eq, %arg0, %eq3A_725 : i32
      %convert_element_type3A_727 = arith.extui %eq3A_726 : i1 to i32
      %cond3A_728 = arith.constant 0 : i32
      %cond3A_729 = arith.cmpi ne, %convert_element_type3A_727, %cond3A_728 : i32
      scf.if %cond3A_729 {
        "tpu.region"() ({
          %run_scoped3A_730 = tpu.sem_alloc : memref<!tpu.dma_semaphore, #tpu.memory_space<semaphore_mem>>
          %dma_start3A_731 = arith.constant 0 : i32
          %dma_start3A_732 = tpu.memref_slice %arg6[%add3A_661, %dma_start3A_731] : memref<50000x32xf32, #tpu.memory_space<hbm>> -> memref<200x32xf32, #tpu.memory_space<hbm>>
          %dma_start3A_733 = arith.constant 0 : i32
          %dma_start3A_734 = tpu.memref_slice %arg17[%add3A_661, %dma_start3A_733] : memref<50176x32xf32, #tpu.memory_space<vmem_shared>> -> memref<200x32xf32, #tpu.memory_space<vmem_shared>>
          tpu.enqueue_dma source(%dma_start3A_734 : memref<200x32xf32, #tpu.memory_space<vmem_shared>>) target(%dma_start3A_732 : memref<200x32xf32, #tpu.memory_space<hbm>>) target_semaphore(%run_scoped3A_730 : memref<!tpu.dma_semaphore, #tpu.memory_space<semaphore_mem>>)
          %dma_wait3A_735 = arith.constant 0 : i32
          %dma_wait3A_736 = tpu.memref_slice %arg6[%add3A_661, %dma_wait3A_735] : memref<50000x32xf32, #tpu.memory_space<hbm>> -> memref<200x32xf32, #tpu.memory_space<hbm>>
          %dma_wait3A_737 = arith.constant 0 : i32
          %dma_wait3A_738 = tpu.memref_slice %arg17[%add3A_661, %dma_wait3A_737] : memref<50176x32xf32, #tpu.memory_space<vmem_shared>> -> memref<200x32xf32, #tpu.memory_space<vmem_shared>>
          tpu.wait_dma2 semaphore(%run_scoped3A_730 : memref<!tpu.dma_semaphore, #tpu.memory_space<semaphore_mem>>) src(%dma_wait3A_738 : memref<200x32xf32, #tpu.memory_space<vmem_shared>>) dst(%dma_wait3A_736 : memref<200x32xf32, #tpu.memory_space<hbm>>)
          tpu.yield
        }) : () -> ()
        "tpu.region"() ({
          %run_scoped3A_730 = tpu.sem_alloc : memref<!tpu.dma_semaphore, #tpu.memory_space<semaphore_mem>>
          %dma_start3A_731 = tpu.memref_slice %arg7[%add3A_661] : memref<50000xf32, #tpu.memory_space<hbm>> -> memref<200xf32, #tpu.memory_space<hbm>>
          %dma_start3A_732 = tpu.memref_slice %arg18[%add3A_661] : memref<50176xf32, #tpu.memory_space<vmem_shared>> -> memref<200xf32, #tpu.memory_space<vmem_shared>>
          tpu.enqueue_dma source(%dma_start3A_732 : memref<200xf32, #tpu.memory_space<vmem_shared>>) target(%dma_start3A_731 : memref<200xf32, #tpu.memory_space<hbm>>) target_semaphore(%run_scoped3A_730 : memref<!tpu.dma_semaphore, #tpu.memory_space<semaphore_mem>>)
          %dma_wait3A_733 = tpu.memref_slice %arg7[%add3A_661] : memref<50000xf32, #tpu.memory_space<hbm>> -> memref<200xf32, #tpu.memory_space<hbm>>
          %dma_wait3A_734 = tpu.memref_slice %arg18[%add3A_661] : memref<50176xf32, #tpu.memory_space<vmem_shared>> -> memref<200xf32, #tpu.memory_space<vmem_shared>>
          tpu.wait_dma2 semaphore(%run_scoped3A_730 : memref<!tpu.dma_semaphore, #tpu.memory_space<semaphore_mem>>) src(%dma_wait3A_734 : memref<200xf32, #tpu.memory_space<vmem_shared>>) dst(%dma_wait3A_733 : memref<200xf32, #tpu.memory_space<hbm>>)
          tpu.yield
        }) : () -> ()
      } else {
      }
    } else {
    }
    %mul3A_667 = arith.constant 3200 : i32
    %mul3A_668 = arith.muli %arg1, %mul3A_667 : i32
    %add3A_669 = arith.constant 2000 : i32
    %add3A_670 = arith.addi %mul3A_668, %add3A_669 : i32
    %lt3A_671 = arith.constant 50000 : i32
    %lt3A_672 = arith.cmpi slt, %add3A_670, %lt3A_671 : i32
    %convert_element_type3A_673 = arith.extui %lt3A_672 : i1 to i32
    %cond3A_674 = arith.constant 0 : i32
    %cond3A_675 = arith.cmpi ne, %convert_element_type3A_673, %cond3A_674 : i32
    scf.if %cond3A_675 {
      %eq3A = arith.constant 0 : i32
      %eq3A_721 = arith.cmpi eq, %arg0, %eq3A : i32
      %convert_element_type3A_722 = arith.extui %eq3A_721 : i1 to i32
      %cond3A_723 = arith.constant 0 : i32
      %cond3A_724 = arith.cmpi ne, %convert_element_type3A_722, %cond3A_723 : i32
      scf.if %cond3A_724 {
        "tpu.region"() ({
          %run_scoped3A_730 = tpu.sem_alloc : memref<!tpu.dma_semaphore, #tpu.memory_space<semaphore_mem>>
          %dma_start3A_731 = arith.constant 0 : i32
          %dma_start3A_732 = tpu.memref_slice %arg4[%add3A_670, %dma_start3A_731] : memref<50000x32xf32, #tpu.memory_space<hbm>> -> memref<200x32xf32, #tpu.memory_space<hbm>>
          %dma_start3A_733 = arith.constant 0 : i32
          %dma_start3A_734 = tpu.memref_slice %arg17[%add3A_670, %dma_start3A_733] : memref<50176x32xf32, #tpu.memory_space<vmem_shared>> -> memref<200x32xf32, #tpu.memory_space<vmem_shared>>
          tpu.enqueue_dma source(%dma_start3A_734 : memref<200x32xf32, #tpu.memory_space<vmem_shared>>) target(%dma_start3A_732 : memref<200x32xf32, #tpu.memory_space<hbm>>) target_semaphore(%run_scoped3A_730 : memref<!tpu.dma_semaphore, #tpu.memory_space<semaphore_mem>>)
          %dma_wait3A_735 = arith.constant 0 : i32
          %dma_wait3A_736 = tpu.memref_slice %arg4[%add3A_670, %dma_wait3A_735] : memref<50000x32xf32, #tpu.memory_space<hbm>> -> memref<200x32xf32, #tpu.memory_space<hbm>>
          %dma_wait3A_737 = arith.constant 0 : i32
          %dma_wait3A_738 = tpu.memref_slice %arg17[%add3A_670, %dma_wait3A_737] : memref<50176x32xf32, #tpu.memory_space<vmem_shared>> -> memref<200x32xf32, #tpu.memory_space<vmem_shared>>
          tpu.wait_dma2 semaphore(%run_scoped3A_730 : memref<!tpu.dma_semaphore, #tpu.memory_space<semaphore_mem>>) src(%dma_wait3A_738 : memref<200x32xf32, #tpu.memory_space<vmem_shared>>) dst(%dma_wait3A_736 : memref<200x32xf32, #tpu.memory_space<hbm>>)
          tpu.yield
        }) : () -> ()
        "tpu.region"() ({
          %run_scoped3A_730 = tpu.sem_alloc : memref<!tpu.dma_semaphore, #tpu.memory_space<semaphore_mem>>
          %dma_start3A_731 = tpu.memref_slice %arg5[%add3A_670] : memref<50000xf32, #tpu.memory_space<hbm>> -> memref<200xf32, #tpu.memory_space<hbm>>
          %dma_start3A_732 = tpu.memref_slice %arg18[%add3A_670] : memref<50176xf32, #tpu.memory_space<vmem_shared>> -> memref<200xf32, #tpu.memory_space<vmem_shared>>
          tpu.enqueue_dma source(%dma_start3A_732 : memref<200xf32, #tpu.memory_space<vmem_shared>>) target(%dma_start3A_731 : memref<200xf32, #tpu.memory_space<hbm>>) target_semaphore(%run_scoped3A_730 : memref<!tpu.dma_semaphore, #tpu.memory_space<semaphore_mem>>)
          %dma_wait3A_733 = tpu.memref_slice %arg5[%add3A_670] : memref<50000xf32, #tpu.memory_space<hbm>> -> memref<200xf32, #tpu.memory_space<hbm>>
          %dma_wait3A_734 = tpu.memref_slice %arg18[%add3A_670] : memref<50176xf32, #tpu.memory_space<vmem_shared>> -> memref<200xf32, #tpu.memory_space<vmem_shared>>
          tpu.wait_dma2 semaphore(%run_scoped3A_730 : memref<!tpu.dma_semaphore, #tpu.memory_space<semaphore_mem>>) src(%dma_wait3A_734 : memref<200xf32, #tpu.memory_space<vmem_shared>>) dst(%dma_wait3A_733 : memref<200xf32, #tpu.memory_space<hbm>>)
          tpu.yield
        }) : () -> ()
      } else {
      }
      %eq3A_725 = arith.constant 1 : i32
      %eq3A_726 = arith.cmpi eq, %arg0, %eq3A_725 : i32
      %convert_element_type3A_727 = arith.extui %eq3A_726 : i1 to i32
      %cond3A_728 = arith.constant 0 : i32
      %cond3A_729 = arith.cmpi ne, %convert_element_type3A_727, %cond3A_728 : i32
      scf.if %cond3A_729 {
        "tpu.region"() ({
          %run_scoped3A_730 = tpu.sem_alloc : memref<!tpu.dma_semaphore, #tpu.memory_space<semaphore_mem>>
          %dma_start3A_731 = arith.constant 0 : i32
          %dma_start3A_732 = tpu.memref_slice %arg6[%add3A_670, %dma_start3A_731] : memref<50000x32xf32, #tpu.memory_space<hbm>> -> memref<200x32xf32, #tpu.memory_space<hbm>>
          %dma_start3A_733 = arith.constant 0 : i32
          %dma_start3A_734 = tpu.memref_slice %arg17[%add3A_670, %dma_start3A_733] : memref<50176x32xf32, #tpu.memory_space<vmem_shared>> -> memref<200x32xf32, #tpu.memory_space<vmem_shared>>
          tpu.enqueue_dma source(%dma_start3A_734 : memref<200x32xf32, #tpu.memory_space<vmem_shared>>) target(%dma_start3A_732 : memref<200x32xf32, #tpu.memory_space<hbm>>) target_semaphore(%run_scoped3A_730 : memref<!tpu.dma_semaphore, #tpu.memory_space<semaphore_mem>>)
          %dma_wait3A_735 = arith.constant 0 : i32
          %dma_wait3A_736 = tpu.memref_slice %arg6[%add3A_670, %dma_wait3A_735] : memref<50000x32xf32, #tpu.memory_space<hbm>> -> memref<200x32xf32, #tpu.memory_space<hbm>>
          %dma_wait3A_737 = arith.constant 0 : i32
          %dma_wait3A_738 = tpu.memref_slice %arg17[%add3A_670, %dma_wait3A_737] : memref<50176x32xf32, #tpu.memory_space<vmem_shared>> -> memref<200x32xf32, #tpu.memory_space<vmem_shared>>
          tpu.wait_dma2 semaphore(%run_scoped3A_730 : memref<!tpu.dma_semaphore, #tpu.memory_space<semaphore_mem>>) src(%dma_wait3A_738 : memref<200x32xf32, #tpu.memory_space<vmem_shared>>) dst(%dma_wait3A_736 : memref<200x32xf32, #tpu.memory_space<hbm>>)
          tpu.yield
        }) : () -> ()
        "tpu.region"() ({
          %run_scoped3A_730 = tpu.sem_alloc : memref<!tpu.dma_semaphore, #tpu.memory_space<semaphore_mem>>
          %dma_start3A_731 = tpu.memref_slice %arg7[%add3A_670] : memref<50000xf32, #tpu.memory_space<hbm>> -> memref<200xf32, #tpu.memory_space<hbm>>
          %dma_start3A_732 = tpu.memref_slice %arg18[%add3A_670] : memref<50176xf32, #tpu.memory_space<vmem_shared>> -> memref<200xf32, #tpu.memory_space<vmem_shared>>
          tpu.enqueue_dma source(%dma_start3A_732 : memref<200xf32, #tpu.memory_space<vmem_shared>>) target(%dma_start3A_731 : memref<200xf32, #tpu.memory_space<hbm>>) target_semaphore(%run_scoped3A_730 : memref<!tpu.dma_semaphore, #tpu.memory_space<semaphore_mem>>)
          %dma_wait3A_733 = tpu.memref_slice %arg7[%add3A_670] : memref<50000xf32, #tpu.memory_space<hbm>> -> memref<200xf32, #tpu.memory_space<hbm>>
          %dma_wait3A_734 = tpu.memref_slice %arg18[%add3A_670] : memref<50176xf32, #tpu.memory_space<vmem_shared>> -> memref<200xf32, #tpu.memory_space<vmem_shared>>
          tpu.wait_dma2 semaphore(%run_scoped3A_730 : memref<!tpu.dma_semaphore, #tpu.memory_space<semaphore_mem>>) src(%dma_wait3A_734 : memref<200xf32, #tpu.memory_space<vmem_shared>>) dst(%dma_wait3A_733 : memref<200xf32, #tpu.memory_space<hbm>>)
          tpu.yield
        }) : () -> ()
      } else {
      }
    } else {
    }
    %mul3A_676 = arith.constant 3200 : i32
    %mul3A_677 = arith.muli %arg1, %mul3A_676 : i32
    %add3A_678 = arith.constant 2200 : i32
    %add3A_679 = arith.addi %mul3A_677, %add3A_678 : i32
    %lt3A_680 = arith.constant 50000 : i32
    %lt3A_681 = arith.cmpi slt, %add3A_679, %lt3A_680 : i32
    %convert_element_type3A_682 = arith.extui %lt3A_681 : i1 to i32
    %cond3A_683 = arith.constant 0 : i32
    %cond3A_684 = arith.cmpi ne, %convert_element_type3A_682, %cond3A_683 : i32
    scf.if %cond3A_684 {
      %eq3A = arith.constant 0 : i32
      %eq3A_721 = arith.cmpi eq, %arg0, %eq3A : i32
      %convert_element_type3A_722 = arith.extui %eq3A_721 : i1 to i32
      %cond3A_723 = arith.constant 0 : i32
      %cond3A_724 = arith.cmpi ne, %convert_element_type3A_722, %cond3A_723 : i32
      scf.if %cond3A_724 {
        "tpu.region"() ({
          %run_scoped3A_730 = tpu.sem_alloc : memref<!tpu.dma_semaphore, #tpu.memory_space<semaphore_mem>>
          %dma_start3A_731 = arith.constant 0 : i32
          %dma_start3A_732 = tpu.memref_slice %arg4[%add3A_679, %dma_start3A_731] : memref<50000x32xf32, #tpu.memory_space<hbm>> -> memref<200x32xf32, #tpu.memory_space<hbm>>
          %dma_start3A_733 = arith.constant 0 : i32
          %dma_start3A_734 = tpu.memref_slice %arg17[%add3A_679, %dma_start3A_733] : memref<50176x32xf32, #tpu.memory_space<vmem_shared>> -> memref<200x32xf32, #tpu.memory_space<vmem_shared>>
          tpu.enqueue_dma source(%dma_start3A_734 : memref<200x32xf32, #tpu.memory_space<vmem_shared>>) target(%dma_start3A_732 : memref<200x32xf32, #tpu.memory_space<hbm>>) target_semaphore(%run_scoped3A_730 : memref<!tpu.dma_semaphore, #tpu.memory_space<semaphore_mem>>)
          %dma_wait3A_735 = arith.constant 0 : i32
          %dma_wait3A_736 = tpu.memref_slice %arg4[%add3A_679, %dma_wait3A_735] : memref<50000x32xf32, #tpu.memory_space<hbm>> -> memref<200x32xf32, #tpu.memory_space<hbm>>
          %dma_wait3A_737 = arith.constant 0 : i32
          %dma_wait3A_738 = tpu.memref_slice %arg17[%add3A_679, %dma_wait3A_737] : memref<50176x32xf32, #tpu.memory_space<vmem_shared>> -> memref<200x32xf32, #tpu.memory_space<vmem_shared>>
          tpu.wait_dma2 semaphore(%run_scoped3A_730 : memref<!tpu.dma_semaphore, #tpu.memory_space<semaphore_mem>>) src(%dma_wait3A_738 : memref<200x32xf32, #tpu.memory_space<vmem_shared>>) dst(%dma_wait3A_736 : memref<200x32xf32, #tpu.memory_space<hbm>>)
          tpu.yield
        }) : () -> ()
        "tpu.region"() ({
          %run_scoped3A_730 = tpu.sem_alloc : memref<!tpu.dma_semaphore, #tpu.memory_space<semaphore_mem>>
          %dma_start3A_731 = tpu.memref_slice %arg5[%add3A_679] : memref<50000xf32, #tpu.memory_space<hbm>> -> memref<200xf32, #tpu.memory_space<hbm>>
          %dma_start3A_732 = tpu.memref_slice %arg18[%add3A_679] : memref<50176xf32, #tpu.memory_space<vmem_shared>> -> memref<200xf32, #tpu.memory_space<vmem_shared>>
          tpu.enqueue_dma source(%dma_start3A_732 : memref<200xf32, #tpu.memory_space<vmem_shared>>) target(%dma_start3A_731 : memref<200xf32, #tpu.memory_space<hbm>>) target_semaphore(%run_scoped3A_730 : memref<!tpu.dma_semaphore, #tpu.memory_space<semaphore_mem>>)
          %dma_wait3A_733 = tpu.memref_slice %arg5[%add3A_679] : memref<50000xf32, #tpu.memory_space<hbm>> -> memref<200xf32, #tpu.memory_space<hbm>>
          %dma_wait3A_734 = tpu.memref_slice %arg18[%add3A_679] : memref<50176xf32, #tpu.memory_space<vmem_shared>> -> memref<200xf32, #tpu.memory_space<vmem_shared>>
          tpu.wait_dma2 semaphore(%run_scoped3A_730 : memref<!tpu.dma_semaphore, #tpu.memory_space<semaphore_mem>>) src(%dma_wait3A_734 : memref<200xf32, #tpu.memory_space<vmem_shared>>) dst(%dma_wait3A_733 : memref<200xf32, #tpu.memory_space<hbm>>)
          tpu.yield
        }) : () -> ()
      } else {
      }
      %eq3A_725 = arith.constant 1 : i32
      %eq3A_726 = arith.cmpi eq, %arg0, %eq3A_725 : i32
      %convert_element_type3A_727 = arith.extui %eq3A_726 : i1 to i32
      %cond3A_728 = arith.constant 0 : i32
      %cond3A_729 = arith.cmpi ne, %convert_element_type3A_727, %cond3A_728 : i32
      scf.if %cond3A_729 {
        "tpu.region"() ({
          %run_scoped3A_730 = tpu.sem_alloc : memref<!tpu.dma_semaphore, #tpu.memory_space<semaphore_mem>>
          %dma_start3A_731 = arith.constant 0 : i32
          %dma_start3A_732 = tpu.memref_slice %arg6[%add3A_679, %dma_start3A_731] : memref<50000x32xf32, #tpu.memory_space<hbm>> -> memref<200x32xf32, #tpu.memory_space<hbm>>
          %dma_start3A_733 = arith.constant 0 : i32
          %dma_start3A_734 = tpu.memref_slice %arg17[%add3A_679, %dma_start3A_733] : memref<50176x32xf32, #tpu.memory_space<vmem_shared>> -> memref<200x32xf32, #tpu.memory_space<vmem_shared>>
          tpu.enqueue_dma source(%dma_start3A_734 : memref<200x32xf32, #tpu.memory_space<vmem_shared>>) target(%dma_start3A_732 : memref<200x32xf32, #tpu.memory_space<hbm>>) target_semaphore(%run_scoped3A_730 : memref<!tpu.dma_semaphore, #tpu.memory_space<semaphore_mem>>)
          %dma_wait3A_735 = arith.constant 0 : i32
          %dma_wait3A_736 = tpu.memref_slice %arg6[%add3A_679, %dma_wait3A_735] : memref<50000x32xf32, #tpu.memory_space<hbm>> -> memref<200x32xf32, #tpu.memory_space<hbm>>
          %dma_wait3A_737 = arith.constant 0 : i32
          %dma_wait3A_738 = tpu.memref_slice %arg17[%add3A_679, %dma_wait3A_737] : memref<50176x32xf32, #tpu.memory_space<vmem_shared>> -> memref<200x32xf32, #tpu.memory_space<vmem_shared>>
          tpu.wait_dma2 semaphore(%run_scoped3A_730 : memref<!tpu.dma_semaphore, #tpu.memory_space<semaphore_mem>>) src(%dma_wait3A_738 : memref<200x32xf32, #tpu.memory_space<vmem_shared>>) dst(%dma_wait3A_736 : memref<200x32xf32, #tpu.memory_space<hbm>>)
          tpu.yield
        }) : () -> ()
        "tpu.region"() ({
          %run_scoped3A_730 = tpu.sem_alloc : memref<!tpu.dma_semaphore, #tpu.memory_space<semaphore_mem>>
          %dma_start3A_731 = tpu.memref_slice %arg7[%add3A_679] : memref<50000xf32, #tpu.memory_space<hbm>> -> memref<200xf32, #tpu.memory_space<hbm>>
          %dma_start3A_732 = tpu.memref_slice %arg18[%add3A_679] : memref<50176xf32, #tpu.memory_space<vmem_shared>> -> memref<200xf32, #tpu.memory_space<vmem_shared>>
          tpu.enqueue_dma source(%dma_start3A_732 : memref<200xf32, #tpu.memory_space<vmem_shared>>) target(%dma_start3A_731 : memref<200xf32, #tpu.memory_space<hbm>>) target_semaphore(%run_scoped3A_730 : memref<!tpu.dma_semaphore, #tpu.memory_space<semaphore_mem>>)
          %dma_wait3A_733 = tpu.memref_slice %arg7[%add3A_679] : memref<50000xf32, #tpu.memory_space<hbm>> -> memref<200xf32, #tpu.memory_space<hbm>>
          %dma_wait3A_734 = tpu.memref_slice %arg18[%add3A_679] : memref<50176xf32, #tpu.memory_space<vmem_shared>> -> memref<200xf32, #tpu.memory_space<vmem_shared>>
          tpu.wait_dma2 semaphore(%run_scoped3A_730 : memref<!tpu.dma_semaphore, #tpu.memory_space<semaphore_mem>>) src(%dma_wait3A_734 : memref<200xf32, #tpu.memory_space<vmem_shared>>) dst(%dma_wait3A_733 : memref<200xf32, #tpu.memory_space<hbm>>)
          tpu.yield
        }) : () -> ()
      } else {
      }
    } else {
    }
    %mul3A_685 = arith.constant 3200 : i32
    %mul3A_686 = arith.muli %arg1, %mul3A_685 : i32
    %add3A_687 = arith.constant 2400 : i32
    %add3A_688 = arith.addi %mul3A_686, %add3A_687 : i32
    %lt3A_689 = arith.constant 50000 : i32
    %lt3A_690 = arith.cmpi slt, %add3A_688, %lt3A_689 : i32
    %convert_element_type3A_691 = arith.extui %lt3A_690 : i1 to i32
    %cond3A_692 = arith.constant 0 : i32
    %cond3A_693 = arith.cmpi ne, %convert_element_type3A_691, %cond3A_692 : i32
    scf.if %cond3A_693 {
      %eq3A = arith.constant 0 : i32
      %eq3A_721 = arith.cmpi eq, %arg0, %eq3A : i32
      %convert_element_type3A_722 = arith.extui %eq3A_721 : i1 to i32
      %cond3A_723 = arith.constant 0 : i32
      %cond3A_724 = arith.cmpi ne, %convert_element_type3A_722, %cond3A_723 : i32
      scf.if %cond3A_724 {
        "tpu.region"() ({
          %run_scoped3A_730 = tpu.sem_alloc : memref<!tpu.dma_semaphore, #tpu.memory_space<semaphore_mem>>
          %dma_start3A_731 = arith.constant 0 : i32
          %dma_start3A_732 = tpu.memref_slice %arg4[%add3A_688, %dma_start3A_731] : memref<50000x32xf32, #tpu.memory_space<hbm>> -> memref<200x32xf32, #tpu.memory_space<hbm>>
          %dma_start3A_733 = arith.constant 0 : i32
          %dma_start3A_734 = tpu.memref_slice %arg17[%add3A_688, %dma_start3A_733] : memref<50176x32xf32, #tpu.memory_space<vmem_shared>> -> memref<200x32xf32, #tpu.memory_space<vmem_shared>>
          tpu.enqueue_dma source(%dma_start3A_734 : memref<200x32xf32, #tpu.memory_space<vmem_shared>>) target(%dma_start3A_732 : memref<200x32xf32, #tpu.memory_space<hbm>>) target_semaphore(%run_scoped3A_730 : memref<!tpu.dma_semaphore, #tpu.memory_space<semaphore_mem>>)
          %dma_wait3A_735 = arith.constant 0 : i32
          %dma_wait3A_736 = tpu.memref_slice %arg4[%add3A_688, %dma_wait3A_735] : memref<50000x32xf32, #tpu.memory_space<hbm>> -> memref<200x32xf32, #tpu.memory_space<hbm>>
          %dma_wait3A_737 = arith.constant 0 : i32
          %dma_wait3A_738 = tpu.memref_slice %arg17[%add3A_688, %dma_wait3A_737] : memref<50176x32xf32, #tpu.memory_space<vmem_shared>> -> memref<200x32xf32, #tpu.memory_space<vmem_shared>>
          tpu.wait_dma2 semaphore(%run_scoped3A_730 : memref<!tpu.dma_semaphore, #tpu.memory_space<semaphore_mem>>) src(%dma_wait3A_738 : memref<200x32xf32, #tpu.memory_space<vmem_shared>>) dst(%dma_wait3A_736 : memref<200x32xf32, #tpu.memory_space<hbm>>)
          tpu.yield
        }) : () -> ()
        "tpu.region"() ({
          %run_scoped3A_730 = tpu.sem_alloc : memref<!tpu.dma_semaphore, #tpu.memory_space<semaphore_mem>>
          %dma_start3A_731 = tpu.memref_slice %arg5[%add3A_688] : memref<50000xf32, #tpu.memory_space<hbm>> -> memref<200xf32, #tpu.memory_space<hbm>>
          %dma_start3A_732 = tpu.memref_slice %arg18[%add3A_688] : memref<50176xf32, #tpu.memory_space<vmem_shared>> -> memref<200xf32, #tpu.memory_space<vmem_shared>>
          tpu.enqueue_dma source(%dma_start3A_732 : memref<200xf32, #tpu.memory_space<vmem_shared>>) target(%dma_start3A_731 : memref<200xf32, #tpu.memory_space<hbm>>) target_semaphore(%run_scoped3A_730 : memref<!tpu.dma_semaphore, #tpu.memory_space<semaphore_mem>>)
          %dma_wait3A_733 = tpu.memref_slice %arg5[%add3A_688] : memref<50000xf32, #tpu.memory_space<hbm>> -> memref<200xf32, #tpu.memory_space<hbm>>
          %dma_wait3A_734 = tpu.memref_slice %arg18[%add3A_688] : memref<50176xf32, #tpu.memory_space<vmem_shared>> -> memref<200xf32, #tpu.memory_space<vmem_shared>>
          tpu.wait_dma2 semaphore(%run_scoped3A_730 : memref<!tpu.dma_semaphore, #tpu.memory_space<semaphore_mem>>) src(%dma_wait3A_734 : memref<200xf32, #tpu.memory_space<vmem_shared>>) dst(%dma_wait3A_733 : memref<200xf32, #tpu.memory_space<hbm>>)
          tpu.yield
        }) : () -> ()
      } else {
      }
      %eq3A_725 = arith.constant 1 : i32
      %eq3A_726 = arith.cmpi eq, %arg0, %eq3A_725 : i32
      %convert_element_type3A_727 = arith.extui %eq3A_726 : i1 to i32
      %cond3A_728 = arith.constant 0 : i32
      %cond3A_729 = arith.cmpi ne, %convert_element_type3A_727, %cond3A_728 : i32
      scf.if %cond3A_729 {
        "tpu.region"() ({
          %run_scoped3A_730 = tpu.sem_alloc : memref<!tpu.dma_semaphore, #tpu.memory_space<semaphore_mem>>
          %dma_start3A_731 = arith.constant 0 : i32
          %dma_start3A_732 = tpu.memref_slice %arg6[%add3A_688, %dma_start3A_731] : memref<50000x32xf32, #tpu.memory_space<hbm>> -> memref<200x32xf32, #tpu.memory_space<hbm>>
          %dma_start3A_733 = arith.constant 0 : i32
          %dma_start3A_734 = tpu.memref_slice %arg17[%add3A_688, %dma_start3A_733] : memref<50176x32xf32, #tpu.memory_space<vmem_shared>> -> memref<200x32xf32, #tpu.memory_space<vmem_shared>>
          tpu.enqueue_dma source(%dma_start3A_734 : memref<200x32xf32, #tpu.memory_space<vmem_shared>>) target(%dma_start3A_732 : memref<200x32xf32, #tpu.memory_space<hbm>>) target_semaphore(%run_scoped3A_730 : memref<!tpu.dma_semaphore, #tpu.memory_space<semaphore_mem>>)
          %dma_wait3A_735 = arith.constant 0 : i32
          %dma_wait3A_736 = tpu.memref_slice %arg6[%add3A_688, %dma_wait3A_735] : memref<50000x32xf32, #tpu.memory_space<hbm>> -> memref<200x32xf32, #tpu.memory_space<hbm>>
          %dma_wait3A_737 = arith.constant 0 : i32
          %dma_wait3A_738 = tpu.memref_slice %arg17[%add3A_688, %dma_wait3A_737] : memref<50176x32xf32, #tpu.memory_space<vmem_shared>> -> memref<200x32xf32, #tpu.memory_space<vmem_shared>>
          tpu.wait_dma2 semaphore(%run_scoped3A_730 : memref<!tpu.dma_semaphore, #tpu.memory_space<semaphore_mem>>) src(%dma_wait3A_738 : memref<200x32xf32, #tpu.memory_space<vmem_shared>>) dst(%dma_wait3A_736 : memref<200x32xf32, #tpu.memory_space<hbm>>)
          tpu.yield
        }) : () -> ()
        "tpu.region"() ({
          %run_scoped3A_730 = tpu.sem_alloc : memref<!tpu.dma_semaphore, #tpu.memory_space<semaphore_mem>>
          %dma_start3A_731 = tpu.memref_slice %arg7[%add3A_688] : memref<50000xf32, #tpu.memory_space<hbm>> -> memref<200xf32, #tpu.memory_space<hbm>>
          %dma_start3A_732 = tpu.memref_slice %arg18[%add3A_688] : memref<50176xf32, #tpu.memory_space<vmem_shared>> -> memref<200xf32, #tpu.memory_space<vmem_shared>>
          tpu.enqueue_dma source(%dma_start3A_732 : memref<200xf32, #tpu.memory_space<vmem_shared>>) target(%dma_start3A_731 : memref<200xf32, #tpu.memory_space<hbm>>) target_semaphore(%run_scoped3A_730 : memref<!tpu.dma_semaphore, #tpu.memory_space<semaphore_mem>>)
          %dma_wait3A_733 = tpu.memref_slice %arg7[%add3A_688] : memref<50000xf32, #tpu.memory_space<hbm>> -> memref<200xf32, #tpu.memory_space<hbm>>
          %dma_wait3A_734 = tpu.memref_slice %arg18[%add3A_688] : memref<50176xf32, #tpu.memory_space<vmem_shared>> -> memref<200xf32, #tpu.memory_space<vmem_shared>>
          tpu.wait_dma2 semaphore(%run_scoped3A_730 : memref<!tpu.dma_semaphore, #tpu.memory_space<semaphore_mem>>) src(%dma_wait3A_734 : memref<200xf32, #tpu.memory_space<vmem_shared>>) dst(%dma_wait3A_733 : memref<200xf32, #tpu.memory_space<hbm>>)
          tpu.yield
        }) : () -> ()
      } else {
      }
    } else {
    }
    %mul3A_694 = arith.constant 3200 : i32
    %mul3A_695 = arith.muli %arg1, %mul3A_694 : i32
    %add3A_696 = arith.constant 2600 : i32
    %add3A_697 = arith.addi %mul3A_695, %add3A_696 : i32
    %lt3A_698 = arith.constant 50000 : i32
    %lt3A_699 = arith.cmpi slt, %add3A_697, %lt3A_698 : i32
    %convert_element_type3A_700 = arith.extui %lt3A_699 : i1 to i32
    %cond3A_701 = arith.constant 0 : i32
    %cond3A_702 = arith.cmpi ne, %convert_element_type3A_700, %cond3A_701 : i32
    scf.if %cond3A_702 {
      %eq3A = arith.constant 0 : i32
      %eq3A_721 = arith.cmpi eq, %arg0, %eq3A : i32
      %convert_element_type3A_722 = arith.extui %eq3A_721 : i1 to i32
      %cond3A_723 = arith.constant 0 : i32
      %cond3A_724 = arith.cmpi ne, %convert_element_type3A_722, %cond3A_723 : i32
      scf.if %cond3A_724 {
        "tpu.region"() ({
          %run_scoped3A_730 = tpu.sem_alloc : memref<!tpu.dma_semaphore, #tpu.memory_space<semaphore_mem>>
          %dma_start3A_731 = arith.constant 0 : i32
          %dma_start3A_732 = tpu.memref_slice %arg4[%add3A_697, %dma_start3A_731] : memref<50000x32xf32, #tpu.memory_space<hbm>> -> memref<200x32xf32, #tpu.memory_space<hbm>>
          %dma_start3A_733 = arith.constant 0 : i32
          %dma_start3A_734 = tpu.memref_slice %arg17[%add3A_697, %dma_start3A_733] : memref<50176x32xf32, #tpu.memory_space<vmem_shared>> -> memref<200x32xf32, #tpu.memory_space<vmem_shared>>
          tpu.enqueue_dma source(%dma_start3A_734 : memref<200x32xf32, #tpu.memory_space<vmem_shared>>) target(%dma_start3A_732 : memref<200x32xf32, #tpu.memory_space<hbm>>) target_semaphore(%run_scoped3A_730 : memref<!tpu.dma_semaphore, #tpu.memory_space<semaphore_mem>>)
          %dma_wait3A_735 = arith.constant 0 : i32
          %dma_wait3A_736 = tpu.memref_slice %arg4[%add3A_697, %dma_wait3A_735] : memref<50000x32xf32, #tpu.memory_space<hbm>> -> memref<200x32xf32, #tpu.memory_space<hbm>>
          %dma_wait3A_737 = arith.constant 0 : i32
          %dma_wait3A_738 = tpu.memref_slice %arg17[%add3A_697, %dma_wait3A_737] : memref<50176x32xf32, #tpu.memory_space<vmem_shared>> -> memref<200x32xf32, #tpu.memory_space<vmem_shared>>
          tpu.wait_dma2 semaphore(%run_scoped3A_730 : memref<!tpu.dma_semaphore, #tpu.memory_space<semaphore_mem>>) src(%dma_wait3A_738 : memref<200x32xf32, #tpu.memory_space<vmem_shared>>) dst(%dma_wait3A_736 : memref<200x32xf32, #tpu.memory_space<hbm>>)
          tpu.yield
        }) : () -> ()
        "tpu.region"() ({
          %run_scoped3A_730 = tpu.sem_alloc : memref<!tpu.dma_semaphore, #tpu.memory_space<semaphore_mem>>
          %dma_start3A_731 = tpu.memref_slice %arg5[%add3A_697] : memref<50000xf32, #tpu.memory_space<hbm>> -> memref<200xf32, #tpu.memory_space<hbm>>
          %dma_start3A_732 = tpu.memref_slice %arg18[%add3A_697] : memref<50176xf32, #tpu.memory_space<vmem_shared>> -> memref<200xf32, #tpu.memory_space<vmem_shared>>
          tpu.enqueue_dma source(%dma_start3A_732 : memref<200xf32, #tpu.memory_space<vmem_shared>>) target(%dma_start3A_731 : memref<200xf32, #tpu.memory_space<hbm>>) target_semaphore(%run_scoped3A_730 : memref<!tpu.dma_semaphore, #tpu.memory_space<semaphore_mem>>)
          %dma_wait3A_733 = tpu.memref_slice %arg5[%add3A_697] : memref<50000xf32, #tpu.memory_space<hbm>> -> memref<200xf32, #tpu.memory_space<hbm>>
          %dma_wait3A_734 = tpu.memref_slice %arg18[%add3A_697] : memref<50176xf32, #tpu.memory_space<vmem_shared>> -> memref<200xf32, #tpu.memory_space<vmem_shared>>
          tpu.wait_dma2 semaphore(%run_scoped3A_730 : memref<!tpu.dma_semaphore, #tpu.memory_space<semaphore_mem>>) src(%dma_wait3A_734 : memref<200xf32, #tpu.memory_space<vmem_shared>>) dst(%dma_wait3A_733 : memref<200xf32, #tpu.memory_space<hbm>>)
          tpu.yield
        }) : () -> ()
      } else {
      }
      %eq3A_725 = arith.constant 1 : i32
      %eq3A_726 = arith.cmpi eq, %arg0, %eq3A_725 : i32
      %convert_element_type3A_727 = arith.extui %eq3A_726 : i1 to i32
      %cond3A_728 = arith.constant 0 : i32
      %cond3A_729 = arith.cmpi ne, %convert_element_type3A_727, %cond3A_728 : i32
      scf.if %cond3A_729 {
        "tpu.region"() ({
          %run_scoped3A_730 = tpu.sem_alloc : memref<!tpu.dma_semaphore, #tpu.memory_space<semaphore_mem>>
          %dma_start3A_731 = arith.constant 0 : i32
          %dma_start3A_732 = tpu.memref_slice %arg6[%add3A_697, %dma_start3A_731] : memref<50000x32xf32, #tpu.memory_space<hbm>> -> memref<200x32xf32, #tpu.memory_space<hbm>>
          %dma_start3A_733 = arith.constant 0 : i32
          %dma_start3A_734 = tpu.memref_slice %arg17[%add3A_697, %dma_start3A_733] : memref<50176x32xf32, #tpu.memory_space<vmem_shared>> -> memref<200x32xf32, #tpu.memory_space<vmem_shared>>
          tpu.enqueue_dma source(%dma_start3A_734 : memref<200x32xf32, #tpu.memory_space<vmem_shared>>) target(%dma_start3A_732 : memref<200x32xf32, #tpu.memory_space<hbm>>) target_semaphore(%run_scoped3A_730 : memref<!tpu.dma_semaphore, #tpu.memory_space<semaphore_mem>>)
          %dma_wait3A_735 = arith.constant 0 : i32
          %dma_wait3A_736 = tpu.memref_slice %arg6[%add3A_697, %dma_wait3A_735] : memref<50000x32xf32, #tpu.memory_space<hbm>> -> memref<200x32xf32, #tpu.memory_space<hbm>>
          %dma_wait3A_737 = arith.constant 0 : i32
          %dma_wait3A_738 = tpu.memref_slice %arg17[%add3A_697, %dma_wait3A_737] : memref<50176x32xf32, #tpu.memory_space<vmem_shared>> -> memref<200x32xf32, #tpu.memory_space<vmem_shared>>
          tpu.wait_dma2 semaphore(%run_scoped3A_730 : memref<!tpu.dma_semaphore, #tpu.memory_space<semaphore_mem>>) src(%dma_wait3A_738 : memref<200x32xf32, #tpu.memory_space<vmem_shared>>) dst(%dma_wait3A_736 : memref<200x32xf32, #tpu.memory_space<hbm>>)
          tpu.yield
        }) : () -> ()
        "tpu.region"() ({
          %run_scoped3A_730 = tpu.sem_alloc : memref<!tpu.dma_semaphore, #tpu.memory_space<semaphore_mem>>
          %dma_start3A_731 = tpu.memref_slice %arg7[%add3A_697] : memref<50000xf32, #tpu.memory_space<hbm>> -> memref<200xf32, #tpu.memory_space<hbm>>
          %dma_start3A_732 = tpu.memref_slice %arg18[%add3A_697] : memref<50176xf32, #tpu.memory_space<vmem_shared>> -> memref<200xf32, #tpu.memory_space<vmem_shared>>
          tpu.enqueue_dma source(%dma_start3A_732 : memref<200xf32, #tpu.memory_space<vmem_shared>>) target(%dma_start3A_731 : memref<200xf32, #tpu.memory_space<hbm>>) target_semaphore(%run_scoped3A_730 : memref<!tpu.dma_semaphore, #tpu.memory_space<semaphore_mem>>)
          %dma_wait3A_733 = tpu.memref_slice %arg7[%add3A_697] : memref<50000xf32, #tpu.memory_space<hbm>> -> memref<200xf32, #tpu.memory_space<hbm>>
          %dma_wait3A_734 = tpu.memref_slice %arg18[%add3A_697] : memref<50176xf32, #tpu.memory_space<vmem_shared>> -> memref<200xf32, #tpu.memory_space<vmem_shared>>
          tpu.wait_dma2 semaphore(%run_scoped3A_730 : memref<!tpu.dma_semaphore, #tpu.memory_space<semaphore_mem>>) src(%dma_wait3A_734 : memref<200xf32, #tpu.memory_space<vmem_shared>>) dst(%dma_wait3A_733 : memref<200xf32, #tpu.memory_space<hbm>>)
          tpu.yield
        }) : () -> ()
      } else {
      }
    } else {
    }
    %mul3A_703 = arith.constant 3200 : i32
    %mul3A_704 = arith.muli %arg1, %mul3A_703 : i32
    %add3A_705 = arith.constant 2800 : i32
    %add3A_706 = arith.addi %mul3A_704, %add3A_705 : i32
    %lt3A_707 = arith.constant 50000 : i32
    %lt3A_708 = arith.cmpi slt, %add3A_706, %lt3A_707 : i32
    %convert_element_type3A_709 = arith.extui %lt3A_708 : i1 to i32
    %cond3A_710 = arith.constant 0 : i32
    %cond3A_711 = arith.cmpi ne, %convert_element_type3A_709, %cond3A_710 : i32
    scf.if %cond3A_711 {
      %eq3A = arith.constant 0 : i32
      %eq3A_721 = arith.cmpi eq, %arg0, %eq3A : i32
      %convert_element_type3A_722 = arith.extui %eq3A_721 : i1 to i32
      %cond3A_723 = arith.constant 0 : i32
      %cond3A_724 = arith.cmpi ne, %convert_element_type3A_722, %cond3A_723 : i32
      scf.if %cond3A_724 {
        "tpu.region"() ({
          %run_scoped3A_730 = tpu.sem_alloc : memref<!tpu.dma_semaphore, #tpu.memory_space<semaphore_mem>>
          %dma_start3A_731 = arith.constant 0 : i32
          %dma_start3A_732 = tpu.memref_slice %arg4[%add3A_706, %dma_start3A_731] : memref<50000x32xf32, #tpu.memory_space<hbm>> -> memref<200x32xf32, #tpu.memory_space<hbm>>
          %dma_start3A_733 = arith.constant 0 : i32
          %dma_start3A_734 = tpu.memref_slice %arg17[%add3A_706, %dma_start3A_733] : memref<50176x32xf32, #tpu.memory_space<vmem_shared>> -> memref<200x32xf32, #tpu.memory_space<vmem_shared>>
          tpu.enqueue_dma source(%dma_start3A_734 : memref<200x32xf32, #tpu.memory_space<vmem_shared>>) target(%dma_start3A_732 : memref<200x32xf32, #tpu.memory_space<hbm>>) target_semaphore(%run_scoped3A_730 : memref<!tpu.dma_semaphore, #tpu.memory_space<semaphore_mem>>)
          %dma_wait3A_735 = arith.constant 0 : i32
          %dma_wait3A_736 = tpu.memref_slice %arg4[%add3A_706, %dma_wait3A_735] : memref<50000x32xf32, #tpu.memory_space<hbm>> -> memref<200x32xf32, #tpu.memory_space<hbm>>
          %dma_wait3A_737 = arith.constant 0 : i32
          %dma_wait3A_738 = tpu.memref_slice %arg17[%add3A_706, %dma_wait3A_737] : memref<50176x32xf32, #tpu.memory_space<vmem_shared>> -> memref<200x32xf32, #tpu.memory_space<vmem_shared>>
          tpu.wait_dma2 semaphore(%run_scoped3A_730 : memref<!tpu.dma_semaphore, #tpu.memory_space<semaphore_mem>>) src(%dma_wait3A_738 : memref<200x32xf32, #tpu.memory_space<vmem_shared>>) dst(%dma_wait3A_736 : memref<200x32xf32, #tpu.memory_space<hbm>>)
          tpu.yield
        }) : () -> ()
        "tpu.region"() ({
          %run_scoped3A_730 = tpu.sem_alloc : memref<!tpu.dma_semaphore, #tpu.memory_space<semaphore_mem>>
          %dma_start3A_731 = tpu.memref_slice %arg5[%add3A_706] : memref<50000xf32, #tpu.memory_space<hbm>> -> memref<200xf32, #tpu.memory_space<hbm>>
          %dma_start3A_732 = tpu.memref_slice %arg18[%add3A_706] : memref<50176xf32, #tpu.memory_space<vmem_shared>> -> memref<200xf32, #tpu.memory_space<vmem_shared>>
          tpu.enqueue_dma source(%dma_start3A_732 : memref<200xf32, #tpu.memory_space<vmem_shared>>) target(%dma_start3A_731 : memref<200xf32, #tpu.memory_space<hbm>>) target_semaphore(%run_scoped3A_730 : memref<!tpu.dma_semaphore, #tpu.memory_space<semaphore_mem>>)
          %dma_wait3A_733 = tpu.memref_slice %arg5[%add3A_706] : memref<50000xf32, #tpu.memory_space<hbm>> -> memref<200xf32, #tpu.memory_space<hbm>>
          %dma_wait3A_734 = tpu.memref_slice %arg18[%add3A_706] : memref<50176xf32, #tpu.memory_space<vmem_shared>> -> memref<200xf32, #tpu.memory_space<vmem_shared>>
          tpu.wait_dma2 semaphore(%run_scoped3A_730 : memref<!tpu.dma_semaphore, #tpu.memory_space<semaphore_mem>>) src(%dma_wait3A_734 : memref<200xf32, #tpu.memory_space<vmem_shared>>) dst(%dma_wait3A_733 : memref<200xf32, #tpu.memory_space<hbm>>)
          tpu.yield
        }) : () -> ()
      } else {
      }
      %eq3A_725 = arith.constant 1 : i32
      %eq3A_726 = arith.cmpi eq, %arg0, %eq3A_725 : i32
      %convert_element_type3A_727 = arith.extui %eq3A_726 : i1 to i32
      %cond3A_728 = arith.constant 0 : i32
      %cond3A_729 = arith.cmpi ne, %convert_element_type3A_727, %cond3A_728 : i32
      scf.if %cond3A_729 {
        "tpu.region"() ({
          %run_scoped3A_730 = tpu.sem_alloc : memref<!tpu.dma_semaphore, #tpu.memory_space<semaphore_mem>>
          %dma_start3A_731 = arith.constant 0 : i32
          %dma_start3A_732 = tpu.memref_slice %arg6[%add3A_706, %dma_start3A_731] : memref<50000x32xf32, #tpu.memory_space<hbm>> -> memref<200x32xf32, #tpu.memory_space<hbm>>
          %dma_start3A_733 = arith.constant 0 : i32
          %dma_start3A_734 = tpu.memref_slice %arg17[%add3A_706, %dma_start3A_733] : memref<50176x32xf32, #tpu.memory_space<vmem_shared>> -> memref<200x32xf32, #tpu.memory_space<vmem_shared>>
          tpu.enqueue_dma source(%dma_start3A_734 : memref<200x32xf32, #tpu.memory_space<vmem_shared>>) target(%dma_start3A_732 : memref<200x32xf32, #tpu.memory_space<hbm>>) target_semaphore(%run_scoped3A_730 : memref<!tpu.dma_semaphore, #tpu.memory_space<semaphore_mem>>)
          %dma_wait3A_735 = arith.constant 0 : i32
          %dma_wait3A_736 = tpu.memref_slice %arg6[%add3A_706, %dma_wait3A_735] : memref<50000x32xf32, #tpu.memory_space<hbm>> -> memref<200x32xf32, #tpu.memory_space<hbm>>
          %dma_wait3A_737 = arith.constant 0 : i32
          %dma_wait3A_738 = tpu.memref_slice %arg17[%add3A_706, %dma_wait3A_737] : memref<50176x32xf32, #tpu.memory_space<vmem_shared>> -> memref<200x32xf32, #tpu.memory_space<vmem_shared>>
          tpu.wait_dma2 semaphore(%run_scoped3A_730 : memref<!tpu.dma_semaphore, #tpu.memory_space<semaphore_mem>>) src(%dma_wait3A_738 : memref<200x32xf32, #tpu.memory_space<vmem_shared>>) dst(%dma_wait3A_736 : memref<200x32xf32, #tpu.memory_space<hbm>>)
          tpu.yield
        }) : () -> ()
        "tpu.region"() ({
          %run_scoped3A_730 = tpu.sem_alloc : memref<!tpu.dma_semaphore, #tpu.memory_space<semaphore_mem>>
          %dma_start3A_731 = tpu.memref_slice %arg7[%add3A_706] : memref<50000xf32, #tpu.memory_space<hbm>> -> memref<200xf32, #tpu.memory_space<hbm>>
          %dma_start3A_732 = tpu.memref_slice %arg18[%add3A_706] : memref<50176xf32, #tpu.memory_space<vmem_shared>> -> memref<200xf32, #tpu.memory_space<vmem_shared>>
          tpu.enqueue_dma source(%dma_start3A_732 : memref<200xf32, #tpu.memory_space<vmem_shared>>) target(%dma_start3A_731 : memref<200xf32, #tpu.memory_space<hbm>>) target_semaphore(%run_scoped3A_730 : memref<!tpu.dma_semaphore, #tpu.memory_space<semaphore_mem>>)
          %dma_wait3A_733 = tpu.memref_slice %arg7[%add3A_706] : memref<50000xf32, #tpu.memory_space<hbm>> -> memref<200xf32, #tpu.memory_space<hbm>>
          %dma_wait3A_734 = tpu.memref_slice %arg18[%add3A_706] : memref<50176xf32, #tpu.memory_space<vmem_shared>> -> memref<200xf32, #tpu.memory_space<vmem_shared>>
          tpu.wait_dma2 semaphore(%run_scoped3A_730 : memref<!tpu.dma_semaphore, #tpu.memory_space<semaphore_mem>>) src(%dma_wait3A_734 : memref<200xf32, #tpu.memory_space<vmem_shared>>) dst(%dma_wait3A_733 : memref<200xf32, #tpu.memory_space<hbm>>)
          tpu.yield
        }) : () -> ()
      } else {
      }
    } else {
    }
    %mul3A_712 = arith.constant 3200 : i32
    %mul3A_713 = arith.muli %arg1, %mul3A_712 : i32
    %add3A_714 = arith.constant 3000 : i32
    %add3A_715 = arith.addi %mul3A_713, %add3A_714 : i32
    %lt3A_716 = arith.constant 50000 : i32
    %lt3A_717 = arith.cmpi slt, %add3A_715, %lt3A_716 : i32
    %convert_element_type3A_718 = arith.extui %lt3A_717 : i1 to i32
    %cond3A_719 = arith.constant 0 : i32
    %cond3A_720 = arith.cmpi ne, %convert_element_type3A_718, %cond3A_719 : i32
    scf.if %cond3A_720 {
      %eq3A = arith.constant 0 : i32
      %eq3A_721 = arith.cmpi eq, %arg0, %eq3A : i32
      %convert_element_type3A_722 = arith.extui %eq3A_721 : i1 to i32
      %cond3A_723 = arith.constant 0 : i32
      %cond3A_724 = arith.cmpi ne, %convert_element_type3A_722, %cond3A_723 : i32
      scf.if %cond3A_724 {
        "tpu.region"() ({
          %run_scoped3A_730 = tpu.sem_alloc : memref<!tpu.dma_semaphore, #tpu.memory_space<semaphore_mem>>
          %dma_start3A_731 = arith.constant 0 : i32
          %dma_start3A_732 = tpu.memref_slice %arg4[%add3A_715, %dma_start3A_731] : memref<50000x32xf32, #tpu.memory_space<hbm>> -> memref<200x32xf32, #tpu.memory_space<hbm>>
          %dma_start3A_733 = arith.constant 0 : i32
          %dma_start3A_734 = tpu.memref_slice %arg17[%add3A_715, %dma_start3A_733] : memref<50176x32xf32, #tpu.memory_space<vmem_shared>> -> memref<200x32xf32, #tpu.memory_space<vmem_shared>>
          tpu.enqueue_dma source(%dma_start3A_734 : memref<200x32xf32, #tpu.memory_space<vmem_shared>>) target(%dma_start3A_732 : memref<200x32xf32, #tpu.memory_space<hbm>>) target_semaphore(%run_scoped3A_730 : memref<!tpu.dma_semaphore, #tpu.memory_space<semaphore_mem>>)
          %dma_wait3A_735 = arith.constant 0 : i32
          %dma_wait3A_736 = tpu.memref_slice %arg4[%add3A_715, %dma_wait3A_735] : memref<50000x32xf32, #tpu.memory_space<hbm>> -> memref<200x32xf32, #tpu.memory_space<hbm>>
          %dma_wait3A_737 = arith.constant 0 : i32
          %dma_wait3A_738 = tpu.memref_slice %arg17[%add3A_715, %dma_wait3A_737] : memref<50176x32xf32, #tpu.memory_space<vmem_shared>> -> memref<200x32xf32, #tpu.memory_space<vmem_shared>>
          tpu.wait_dma2 semaphore(%run_scoped3A_730 : memref<!tpu.dma_semaphore, #tpu.memory_space<semaphore_mem>>) src(%dma_wait3A_738 : memref<200x32xf32, #tpu.memory_space<vmem_shared>>) dst(%dma_wait3A_736 : memref<200x32xf32, #tpu.memory_space<hbm>>)
          tpu.yield
        }) : () -> ()
        "tpu.region"() ({
          %run_scoped3A_730 = tpu.sem_alloc : memref<!tpu.dma_semaphore, #tpu.memory_space<semaphore_mem>>
          %dma_start3A_731 = tpu.memref_slice %arg5[%add3A_715] : memref<50000xf32, #tpu.memory_space<hbm>> -> memref<200xf32, #tpu.memory_space<hbm>>
          %dma_start3A_732 = tpu.memref_slice %arg18[%add3A_715] : memref<50176xf32, #tpu.memory_space<vmem_shared>> -> memref<200xf32, #tpu.memory_space<vmem_shared>>
          tpu.enqueue_dma source(%dma_start3A_732 : memref<200xf32, #tpu.memory_space<vmem_shared>>) target(%dma_start3A_731 : memref<200xf32, #tpu.memory_space<hbm>>) target_semaphore(%run_scoped3A_730 : memref<!tpu.dma_semaphore, #tpu.memory_space<semaphore_mem>>)
          %dma_wait3A_733 = tpu.memref_slice %arg5[%add3A_715] : memref<50000xf32, #tpu.memory_space<hbm>> -> memref<200xf32, #tpu.memory_space<hbm>>
          %dma_wait3A_734 = tpu.memref_slice %arg18[%add3A_715] : memref<50176xf32, #tpu.memory_space<vmem_shared>> -> memref<200xf32, #tpu.memory_space<vmem_shared>>
          tpu.wait_dma2 semaphore(%run_scoped3A_730 : memref<!tpu.dma_semaphore, #tpu.memory_space<semaphore_mem>>) src(%dma_wait3A_734 : memref<200xf32, #tpu.memory_space<vmem_shared>>) dst(%dma_wait3A_733 : memref<200xf32, #tpu.memory_space<hbm>>)
          tpu.yield
        }) : () -> ()
      } else {
      }
      %eq3A_725 = arith.constant 1 : i32
      %eq3A_726 = arith.cmpi eq, %arg0, %eq3A_725 : i32
      %convert_element_type3A_727 = arith.extui %eq3A_726 : i1 to i32
      %cond3A_728 = arith.constant 0 : i32
      %cond3A_729 = arith.cmpi ne, %convert_element_type3A_727, %cond3A_728 : i32
      scf.if %cond3A_729 {
        "tpu.region"() ({
          %run_scoped3A_730 = tpu.sem_alloc : memref<!tpu.dma_semaphore, #tpu.memory_space<semaphore_mem>>
          %dma_start3A_731 = arith.constant 0 : i32
          %dma_start3A_732 = tpu.memref_slice %arg6[%add3A_715, %dma_start3A_731] : memref<50000x32xf32, #tpu.memory_space<hbm>> -> memref<200x32xf32, #tpu.memory_space<hbm>>
          %dma_start3A_733 = arith.constant 0 : i32
          %dma_start3A_734 = tpu.memref_slice %arg17[%add3A_715, %dma_start3A_733] : memref<50176x32xf32, #tpu.memory_space<vmem_shared>> -> memref<200x32xf32, #tpu.memory_space<vmem_shared>>
          tpu.enqueue_dma source(%dma_start3A_734 : memref<200x32xf32, #tpu.memory_space<vmem_shared>>) target(%dma_start3A_732 : memref<200x32xf32, #tpu.memory_space<hbm>>) target_semaphore(%run_scoped3A_730 : memref<!tpu.dma_semaphore, #tpu.memory_space<semaphore_mem>>)
          %dma_wait3A_735 = arith.constant 0 : i32
          %dma_wait3A_736 = tpu.memref_slice %arg6[%add3A_715, %dma_wait3A_735] : memref<50000x32xf32, #tpu.memory_space<hbm>> -> memref<200x32xf32, #tpu.memory_space<hbm>>
          %dma_wait3A_737 = arith.constant 0 : i32
          %dma_wait3A_738 = tpu.memref_slice %arg17[%add3A_715, %dma_wait3A_737] : memref<50176x32xf32, #tpu.memory_space<vmem_shared>> -> memref<200x32xf32, #tpu.memory_space<vmem_shared>>
          tpu.wait_dma2 semaphore(%run_scoped3A_730 : memref<!tpu.dma_semaphore, #tpu.memory_space<semaphore_mem>>) src(%dma_wait3A_738 : memref<200x32xf32, #tpu.memory_space<vmem_shared>>) dst(%dma_wait3A_736 : memref<200x32xf32, #tpu.memory_space<hbm>>)
          tpu.yield
        }) : () -> ()
        "tpu.region"() ({
          %run_scoped3A_730 = tpu.sem_alloc : memref<!tpu.dma_semaphore, #tpu.memory_space<semaphore_mem>>
          %dma_start3A_731 = tpu.memref_slice %arg7[%add3A_715] : memref<50000xf32, #tpu.memory_space<hbm>> -> memref<200xf32, #tpu.memory_space<hbm>>
          %dma_start3A_732 = tpu.memref_slice %arg18[%add3A_715] : memref<50176xf32, #tpu.memory_space<vmem_shared>> -> memref<200xf32, #tpu.memory_space<vmem_shared>>
          tpu.enqueue_dma source(%dma_start3A_732 : memref<200xf32, #tpu.memory_space<vmem_shared>>) target(%dma_start3A_731 : memref<200xf32, #tpu.memory_space<hbm>>) target_semaphore(%run_scoped3A_730 : memref<!tpu.dma_semaphore, #tpu.memory_space<semaphore_mem>>)
          %dma_wait3A_733 = tpu.memref_slice %arg7[%add3A_715] : memref<50000xf32, #tpu.memory_space<hbm>> -> memref<200xf32, #tpu.memory_space<hbm>>
          %dma_wait3A_734 = tpu.memref_slice %arg18[%add3A_715] : memref<50176xf32, #tpu.memory_space<vmem_shared>> -> memref<200xf32, #tpu.memory_space<vmem_shared>>
          tpu.wait_dma2 semaphore(%run_scoped3A_730 : memref<!tpu.dma_semaphore, #tpu.memory_space<semaphore_mem>>) src(%dma_wait3A_734 : memref<200xf32, #tpu.memory_space<vmem_shared>>) dst(%dma_wait3A_733 : memref<200xf32, #tpu.memory_space<hbm>>)
          tpu.yield
        }) : () -> ()
      } else {
      }
    } else {
    }
    return
  }
}

module attributes {stable_mosaic.version = 14 : i64} {
  func.func @_tc_body(%arg0: i32, %arg1: memref<1000x32xf32, #tpu.memory_space<vmem>>, %arg2: memref<1000x1xf32, #tpu.memory_space<vmem>>, %arg3: memref<1000x32xf32, #tpu.memory_space<vmem>>, %arg4: memref<1000x1xf32, #tpu.memory_space<vmem>>, %arg5: memref<1000x32xf32, #tpu.memory_space<vmem>>, %arg6: memref<32x64xf32, #tpu.memory_space<vmem>>, %arg7: memref<1x64xf32, #tpu.memory_space<vmem>>, %arg8: memref<32x64xf32, #tpu.memory_space<vmem>>, %arg9: memref<32x64xf32, #tpu.memory_space<vmem>>, %arg10: memref<1x64xf32, #tpu.memory_space<vmem>>, %arg11: memref<32x64xf32, #tpu.memory_space<vmem>>, %arg12: memref<64x5xf32, #tpu.memory_space<vmem>>, %arg13: memref<1x5xf32, #tpu.memory_space<vmem>>, %arg14: memref<1000x5xf32, #tpu.memory_space<vmem>>) attributes {dimension_semantics = [#tpu.dimension_semantics<arbitrary>], iteration_bounds = array<i64: 50>, scalar_prefetch = 0 : i64, scratch_operands = 0 : i64, tpu.core_type = #tpu.core_type<tc>, window_params = [{transform_indices = @transform_0, window_bounds = array<i64: 1000, 32>}, {transform_indices = @transform_1, window_bounds = array<i64: 1000, 1>}, {transform_indices = @transform_2, window_bounds = array<i64: 1000, 32>}, {transform_indices = @transform_3, window_bounds = array<i64: 1000, 1>}, {transform_indices = @transform_4, window_bounds = array<i64: 1000, 32>}, {pipeline_mode = #tpu.pipeline_mode<synchronous>, transform_indices = @transform_5, window_bounds = array<i64: 32, 64>}, {pipeline_mode = #tpu.pipeline_mode<synchronous>, transform_indices = @transform_6, window_bounds = array<i64: 1, 64>}, {pipeline_mode = #tpu.pipeline_mode<synchronous>, transform_indices = @transform_7, window_bounds = array<i64: 32, 64>}, {pipeline_mode = #tpu.pipeline_mode<synchronous>, transform_indices = @transform_8, window_bounds = array<i64: 32, 64>}, {pipeline_mode = #tpu.pipeline_mode<synchronous>, transform_indices = @transform_9, window_bounds = array<i64: 1, 64>}, {pipeline_mode = #tpu.pipeline_mode<synchronous>, transform_indices = @transform_10, window_bounds = array<i64: 32, 64>}, {pipeline_mode = #tpu.pipeline_mode<synchronous>, transform_indices = @transform_11, window_bounds = array<i64: 64, 5>}, {pipeline_mode = #tpu.pipeline_mode<synchronous>, transform_indices = @transform_12, window_bounds = array<i64: 1, 5>}, {transform_indices = @transform_13, window_bounds = array<i64: 1000, 5>}]} {
    %get3A = arith.constant 0 : index
    %get3A_0 = arith.constant 0 : index
    %get3A_1 = vector.load %arg1[%get3A, %get3A_0] : memref<1000x32xf32, #tpu.memory_space<vmem>>, vector<1000x32xf32>
    %get3A_2 = arith.constant 0 : index
    %get3A_3 = arith.constant 0 : index
    %get3A_4 = vector.load %arg2[%get3A_2, %get3A_3] : memref<1000x1xf32, #tpu.memory_space<vmem>>, vector<1000x1xf32>
    %max3A = arith.constant 1.000000e+00 : f32
    %max3A_5 = vector.broadcast %max3A : f32 to vector<1000x1xf32>
    %max3A_6 = arith.maximumf %get3A_4, %max3A_5 : vector<1000x1xf32>
    %div3A = vector.broadcast %max3A_6 : vector<1000x1xf32> to vector<1000x32xf32>
    %div3A_7 = arith.divf %get3A_1, %div3A : vector<1000x32xf32>
    %get3A_8 = arith.constant 0 : index
    %get3A_9 = arith.constant 0 : index
    %get3A_10 = vector.load %arg3[%get3A_8, %get3A_9] : memref<1000x32xf32, #tpu.memory_space<vmem>>, vector<1000x32xf32>
    %get3A_11 = arith.constant 0 : index
    %get3A_12 = arith.constant 0 : index
    %get3A_13 = vector.load %arg4[%get3A_11, %get3A_12] : memref<1000x1xf32, #tpu.memory_space<vmem>>, vector<1000x1xf32>
    %max3A_14 = arith.constant 1.000000e+00 : f32
    %max3A_15 = vector.broadcast %max3A_14 : f32 to vector<1000x1xf32>
    %max3A_16 = arith.maximumf %get3A_13, %max3A_15 : vector<1000x1xf32>
    %div3A_17 = vector.broadcast %max3A_16 : vector<1000x1xf32> to vector<1000x32xf32>
    %div3A_18 = arith.divf %get3A_10, %div3A_17 : vector<1000x32xf32>
    %get3A_19 = arith.constant 0 : index
    %get3A_20 = arith.constant 0 : index
    %get3A_21 = vector.load %arg6[%get3A_19, %get3A_20] : memref<32x64xf32, #tpu.memory_space<vmem>>, vector<32x64xf32>
    %dot_general3A = arith.constant dense<0.000000e+00> : vector<1000x64xf32>
    %dot_general3A_22 = tpu.matmul %div3A_7, %get3A_21, %dot_general3A {dimension_numbers = #tpu.dot_dimension_numbers<[1], [0], [0], [1], [0, 0, 1, 1], [], []>, transpose_lhs_hint = false} : vector<1000x32xf32>, vector<32x64xf32>, vector<1000x64xf32> -> vector<1000x64xf32>
    %get3A_23 = arith.constant 0 : index
    %get3A_24 = arith.constant 0 : index
    %get3A_25 = vector.load %arg9[%get3A_23, %get3A_24] : memref<32x64xf32, #tpu.memory_space<vmem>>, vector<32x64xf32>
    %dot_general3A_26 = arith.constant dense<0.000000e+00> : vector<1000x64xf32>
    %dot_general3A_27 = tpu.matmul %div3A_18, %get3A_25, %dot_general3A_26 {dimension_numbers = #tpu.dot_dimension_numbers<[1], [0], [0], [1], [0, 0, 1, 1], [], []>, transpose_lhs_hint = false} : vector<1000x32xf32>, vector<32x64xf32>, vector<1000x64xf32> -> vector<1000x64xf32>
    %add3A = arith.addf %dot_general3A_22, %dot_general3A_27 : vector<1000x64xf32>
    %get3A_28 = arith.constant 0 : index
    %get3A_29 = arith.constant 0 : index
    %get3A_30 = vector.load %arg5[%get3A_28, %get3A_29] : memref<1000x32xf32, #tpu.memory_space<vmem>>, vector<1000x32xf32>
    %get3A_31 = arith.constant 0 : index
    %get3A_32 = arith.constant 0 : index
    %get3A_33 = vector.load %arg8[%get3A_31, %get3A_32] : memref<32x64xf32, #tpu.memory_space<vmem>>, vector<32x64xf32>
    %get3A_34 = arith.constant 0 : index
    %get3A_35 = arith.constant 0 : index
    %get3A_36 = vector.load %arg11[%get3A_34, %get3A_35] : memref<32x64xf32, #tpu.memory_space<vmem>>, vector<32x64xf32>
    %add3A_37 = arith.addf %get3A_33, %get3A_36 : vector<32x64xf32>
    %dot_general3A_38 = arith.constant dense<0.000000e+00> : vector<1000x64xf32>
    %dot_general3A_39 = tpu.matmul %get3A_30, %add3A_37, %dot_general3A_38 {dimension_numbers = #tpu.dot_dimension_numbers<[1], [0], [0], [1], [0, 0, 1, 1], [], []>, transpose_lhs_hint = false} : vector<1000x32xf32>, vector<32x64xf32>, vector<1000x64xf32> -> vector<1000x64xf32>
    %add3A_40 = arith.addf %add3A, %dot_general3A_39 : vector<1000x64xf32>
    %get3A_41 = arith.constant 0 : index
    %get3A_42 = arith.constant 0 : index
    %get3A_43 = vector.load %arg7[%get3A_41, %get3A_42] : memref<1x64xf32, #tpu.memory_space<vmem>>, vector<1x64xf32>
    %add3A_44 = vector.broadcast %get3A_43 : vector<1x64xf32> to vector<1000x64xf32>
    %add3A_45 = arith.addf %add3A_40, %add3A_44 : vector<1000x64xf32>
    %get3A_46 = arith.constant 0 : index
    %get3A_47 = arith.constant 0 : index
    %get3A_48 = vector.load %arg10[%get3A_46, %get3A_47] : memref<1x64xf32, #tpu.memory_space<vmem>>, vector<1x64xf32>
    %add3A_49 = vector.broadcast %get3A_48 : vector<1x64xf32> to vector<1000x64xf32>
    %add3A_50 = arith.addf %add3A_45, %add3A_49 : vector<1000x64xf32>
    %mul3A = arith.constant 5.000000e-01 : f32
    %mul3A_51 = vector.broadcast %mul3A : f32 to vector<1000x64xf32>
    %mul3A_52 = arith.mulf %add3A_50, %mul3A_51 : vector<1000x64xf32>
    %ge3A = arith.constant 0.000000e+00 : f32
    %ge3A_53 = vector.broadcast %ge3A : f32 to vector<1000x64xf32>
    %ge3A_54 = arith.cmpf oge, %mul3A_52, %ge3A_53 : vector<1000x64xf32>
    %mul3A_55 = arith.constant 0.00999999977 : f32
    %mul3A_56 = vector.broadcast %mul3A_55 : f32 to vector<1000x64xf32>
    %mul3A_57 = arith.mulf %mul3A_56, %mul3A_52 : vector<1000x64xf32>
    %select_n3A = arith.select %ge3A_54, %mul3A_52, %mul3A_57 : vector<1000x64xi1>, vector<1000x64xf32>
    %get3A_58 = arith.constant 0 : index
    %get3A_59 = arith.constant 0 : index
    %get3A_60 = vector.load %arg12[%get3A_58, %get3A_59] : memref<64x5xf32, #tpu.memory_space<vmem>>, vector<64x5xf32>
    %dot_general3A_61 = arith.constant dense<0.000000e+00> : vector<1000x5xf32>
    %dot_general3A_62 = tpu.matmul %select_n3A, %get3A_60, %dot_general3A_61 {dimension_numbers = #tpu.dot_dimension_numbers<[1], [0], [0], [1], [0, 0, 1, 1], [], []>, transpose_lhs_hint = false} : vector<1000x64xf32>, vector<64x5xf32>, vector<1000x5xf32> -> vector<1000x5xf32>
    %get3A_63 = arith.constant 0 : index
    %get3A_64 = arith.constant 0 : index
    %get3A_65 = vector.load %arg13[%get3A_63, %get3A_64] : memref<1x5xf32, #tpu.memory_space<vmem>>, vector<1x5xf32>
    %add3A_66 = vector.broadcast %get3A_65 : vector<1x5xf32> to vector<1000x5xf32>
    %add3A_67 = arith.addf %dot_general3A_62, %add3A_66 : vector<1000x5xf32>
    %swap3A = arith.constant 0 : index
    %swap3A_68 = arith.constant 0 : index
    %swap3A_69 = vector.load %arg14[%swap3A, %swap3A_68] : memref<1000x5xf32, #tpu.memory_space<vmem>>, vector<1000x5xf32>
    tpu.vector_store %arg14[%swap3A, %swap3A_68], %add3A_67 {strides = array<i32>} : memref<1000x5xf32, #tpu.memory_space<vmem>>, vector<1000x5xf32>,
    return
  }
  func.func @transform_0(%arg0: i32) -> (i32, i32) {
    %c0_i32 = arith.constant 0 : i32
    %c0_i32_0 = arith.constant 0 : i32
    return %arg0, %c0_i32 : i32, i32
  }
  func.func @transform_1(%arg0: i32) -> (i32, i32) {
    %c0_i32 = arith.constant 0 : i32
    %c0_i32_0 = arith.constant 0 : i32
    return %arg0, %c0_i32 : i32, i32
  }
  func.func @transform_2(%arg0: i32) -> (i32, i32) {
    %c0_i32 = arith.constant 0 : i32
    %c0_i32_0 = arith.constant 0 : i32
    return %arg0, %c0_i32 : i32, i32
  }
  func.func @transform_3(%arg0: i32) -> (i32, i32) {
    %c0_i32 = arith.constant 0 : i32
    %c0_i32_0 = arith.constant 0 : i32
    return %arg0, %c0_i32 : i32, i32
  }
  func.func @transform_4(%arg0: i32) -> (i32, i32) {
    %c0_i32 = arith.constant 0 : i32
    %c0_i32_0 = arith.constant 0 : i32
    return %arg0, %c0_i32 : i32, i32
  }
  func.func @transform_5(%arg0: i32) -> (i32, i32) {
    %c0_i32 = arith.constant 0 : i32
    %c0_i32_0 = arith.constant 0 : i32
    %c0_i32_1 = arith.constant 0 : i32
    return %c0_i32, %c0_i32_0 : i32, i32
  }
  func.func @transform_6(%arg0: i32) -> (i32, i32) {
    %c0_i32 = arith.constant 0 : i32
    %c0_i32_0 = arith.constant 0 : i32
    %c0_i32_1 = arith.constant 0 : i32
    return %c0_i32, %c0_i32_0 : i32, i32
  }
  func.func @transform_7(%arg0: i32) -> (i32, i32) {
    %c0_i32 = arith.constant 0 : i32
    %c0_i32_0 = arith.constant 0 : i32
    %c0_i32_1 = arith.constant 0 : i32
    return %c0_i32, %c0_i32_0 : i32, i32
  }
  func.func @transform_8(%arg0: i32) -> (i32, i32) {
    %c0_i32 = arith.constant 0 : i32
    %c0_i32_0 = arith.constant 0 : i32
    %c0_i32_1 = arith.constant 0 : i32
    return %c0_i32, %c0_i32_0 : i32, i32
  }
  func.func @transform_9(%arg0: i32) -> (i32, i32) {
    %c0_i32 = arith.constant 0 : i32
    %c0_i32_0 = arith.constant 0 : i32
    %c0_i32_1 = arith.constant 0 : i32
    return %c0_i32, %c0_i32_0 : i32, i32
  }
  func.func @transform_10(%arg0: i32) -> (i32, i32) {
    %c0_i32 = arith.constant 0 : i32
    %c0_i32_0 = arith.constant 0 : i32
    %c0_i32_1 = arith.constant 0 : i32
    return %c0_i32, %c0_i32_0 : i32, i32
  }
  func.func @transform_11(%arg0: i32) -> (i32, i32) {
    %c0_i32 = arith.constant 0 : i32
    %c0_i32_0 = arith.constant 0 : i32
    %c0_i32_1 = arith.constant 0 : i32
    return %c0_i32, %c0_i32_0 : i32, i32
  }
  func.func @transform_12(%arg0: i32) -> (i32, i32) {
    %c0_i32 = arith.constant 0 : i32
    %c0_i32_0 = arith.constant 0 : i32
    %c0_i32_1 = arith.constant 0 : i32
    return %c0_i32, %c0_i32_0 : i32, i32
  }
  func.func @transform_13(%arg0: i32) -> (i32, i32) {
    %c0_i32 = arith.constant 0 : i32
    %c0_i32_0 = arith.constant 0 : i32
    return %arg0, %c0_i32 : i32, i32
  }
}

</mosaic_0001>

<sc_bundles>
// kernel: kernel.4.cloned.1.call-start
scs
__scs_entry_jumppad:
0x0: {  	(pc) =	sbr.rel $0x88, $3  }
0x1: {  	(tag) =	ssettag $0x0;
	lr =	simm.s32 $0x1  }
0x2: {  	[smem:$0x3F95] =	sst lr;
	_ =	strace $0xD0000000  }
0x3: {  	_ = 	snop  }
0x4: {  	_ = 	snop  }
0x5: {  	_ = 	snop  }
0x6: {  	_ = 	snop  }
0x7: {  	_ = 	snop  }
__scs_overlays_trampoline_lowered:
0x8: {  	[smem:$0x3FA4] =	sst s0  }
0x9: {  	[smem:$0x3FA5] =	sst s1  }
0xa: {  	[smem:$0x3FA6] =	sst s2  }
0xb: {  	[smem:$0x3FA7] =	sst s3  }
0xc: {  	[smem:$0x3FA8] =	sst s4  }
0xd: {  	[smem:$0x3FA9] =	sst s5  }
0xe: {  	[smem:$0x3FAA] =	sst s6  }
0xf: {  	[smem:$0x3FAB] =	sst s7  }
0x10: {  	[smem:$0x3FAC] =	sst s8  }
0x11: {  	[smem:$0x3FAD] =	sst s9;
	s0 =	simm.s32 @!p0 $0x0  }
0x12: {  	s1 =	sld [smem:$0x3F93];
	s0 =	simm.s32 @p0 $0x1  }
0x13: {  	[smem:$0x3FAE] =	sst s0;
	s0 =	simm.s32 @!p1 $0x0  }
0x14: {  	s2 =	sld [smem:$0x3F92];
	s0 =	simm.s32 @p1 $0x1  }
0x15: {  	[smem:$0x3FAF] =	sst s0;
	s0 =	simm.s32 @!p2 $0x0  }
0x16: {  	s3 =	sld [smem:$0x3FDB];
	s0 =	simm.s32 @p2 $0x1  }
0x17: {  	s4 =	simm.s32 $0x1BF5;
	[smem:$0x3FB1] =	sst s0  }
0x18: {  	s0 =	sld [smem:$0x3F94];
	_ =	swait.ge [sflag:s4], $0x0  }
0x19: {  	s7 =	sld [smem:$0x3F95]  }
0x1a: {  	s8 =	sadd.s32 $0xFFFFE003, lr  }
0x1b: {  	s9 =	sadd.s32 $0xFFFFFEF7, lr;
	s5 =	simm.s32 $0xFFFFFFFF;
	p2 =	slt.u32 s8, $0xFFFFF086  }
0x1c: {  	p1 =	slt.u32 s9, $0xF7A;
	s5 =	simm.s32 @!p2 $0x0  }
0x1d: {  	s5 =	simm.s32 @p1 $0x1;
	p0 =	seq.s32 s7, s2  }
0x1e: {  	s7 =	smul.u32 @!p0 $0xF7A, s2;
	p2 =	seq.s32 @!p0 s5, $0x0  }
0x1f: {  	s9 =	smul.u32 $0xF7A, s1;
	s8 =	simm.s32 @!p0 $0x1BF5;
	p2 =	por !p2, p0  }
0x20: {  	[sflag:s8] =	ssyncset.s32 @!p0 $0xFFFFF086;
	s6 =	sadd.s32 @!p0 s3, s7;
	s7 =	simm.s32 @!p0 $0x108  }
0x21: {  	s3 =	sadd.s32 s3, s9;
	s6 =	sadd.s32 @!p0 $0x88, s6;
	s7 =	simm.s32 @p2 $0x1082  }
0x22: {  	[simem:s7], [sflag:s8] =	dma.local @!p0 [hbm:s6], $0xF7A  }
0x23: {  	s9 =	sor.u32 $0xD0000000, s2;
	s6 =	simm.s32 $0x108;
	_ =	swait.ge @!p0 [sflag:s8], $0x0  }
0x24: {  	s3 =	sadd.s32 $0x88, s3;
	s6 =	simm.s32 @!p1 $0x1082;
	[sflag:s4] =	ssyncset.s32 $0xFFFFF086  }
0x25: {  	[simem:s6], [sflag:s4] =	dma.local [hbm:s3], $0xF7A  }
0x26: {  	[smem:$0x3F95] =	sst s1;
	(tag) =	ssettag s2;
	_ =	strace s9  }
0x27: {  	s1 =	sld [smem:$0x3FA5]  }
0x28: {  	s2 =	sld [smem:$0x3FA6]  }
0x29: {  	s4 =	sld [smem:$0x3FA8]  }
0x2a: {  	p0 =	seq.s32 s5, $0x0;
	s5 =	sld [smem:$0x3FA9]  }
0x2b: {  	s6 =	sld [smem:$0x3FAA]  }
0x2c: {  	s7 =	sld [smem:$0x3FAB]  }
0x2d: {  	s3 =	simm.s32 $0x108;
	s8 =	sld [smem:$0x3FAC]  }
0x2e: {  	s3 =	simm.s32 @!p0 $0x1082;
	s9 =	sld [smem:$0x3FAD]  }
0x2f: {  	lr =	sadd.s32 s0, s3;
	s0 =	sld [smem:$0x3FA4]  }
0x30: {  	s3 =	sld [smem:$0x3FA7]  }
0x31: {  	[smem:$0x3FB0] =	sst s10  }
0x32: {  	s10 =	sld [smem:$0x3FAE];
	_ =	sdelay $0x3  }
0x33: {  	p0 =	seq.s32 s10, $0x1;
	s10 =	sld [smem:$0x3FB0];
	_ =	sdelay $0x3  }
0x34: {  	[smem:$0x3FB0] =	sst s10  }
0x35: {  	s10 =	sld [smem:$0x3FAF];
	_ =	sdelay $0x3  }
0x36: {  	p1 =	seq.s32 s10, $0x1;
	s10 =	sld [smem:$0x3FB0];
	_ =	sdelay $0x3  }
0x37: {  	[smem:$0x3FB0] =	sst s10  }
0x38: {  	s10 =	sld [smem:$0x3FB1]  }
0x39: {  	_ = 	snop;
	(pc) =	sbr.ind lr, $3  }
0x3a: {  	_ = 	snop  }
0x3b: {  	_ = 	snop  }
0x3c: {  	p2 =	seq.s32 s10, $0x1;
	s10 =	sld [smem:$0x3FB0]  }
0x3d: {  	_ =	shalt  }
0x3e: {  	_ =	shalt  }
0x3f: {  	_ =	shalt  }
0x40: {  	_ =	shalt  }
0x41: {  	_ =	shalt  }
0x42: {  	_ =	shalt  }
0x43: {  	_ =	shalt  }
0x44: {  	_ =	shalt  }
0x45: {  	_ =	shalt  }
0x46: {  	_ =	shalt  }
0x47: {  	_ =	shalt  }
0x48: {  	_ =	shalt  }
0x49: {  	_ =	shalt  }
0x4a: {  	_ =	shalt  }
0x4b: {  	_ =	shalt  }
0x4c: {  	_ =	shalt  }
0x4d: {  	_ =	shalt  }
0x4e: {  	_ =	shalt  }
0x4f: {  	_ =	shalt  }
0x50: {  	_ =	shalt  }
0x51: {  	_ =	shalt  }
0x52: {  	_ =	shalt  }
0x53: {  	_ =	shalt  }
0x54: {  	_ =	shalt  }
0x55: {  	_ =	shalt  }
0x56: {  	_ =	shalt  }
0x57: {  	_ =	shalt  }
0x58: {  	_ =	shalt  }
0x59: {  	_ =	shalt  }
0x5a: {  	_ =	shalt  }
0x5b: {  	_ =	shalt  }
0x5c: {  	_ =	shalt  }
0x5d: {  	_ =	shalt  }
0x5e: {  	_ =	shalt  }
0x5f: {  	_ =	shalt  }
0x60: {  	_ =	shalt  }
0x61: {  	_ =	shalt  }
0x62: {  	_ =	shalt  }
0x63: {  	_ =	shalt  }
0x64: {  	_ =	shalt  }
0x65: {  	_ =	shalt  }
0x66: {  	_ =	shalt  }
0x67: {  	_ =	shalt  }
0x68: {  	_ =	shalt  }
0x69: {  	_ =	shalt  }
0x6a: {  	_ =	shalt  }
0x6b: {  	_ =	shalt  }
0x6c: {  	_ =	shalt  }
0x6d: {  	_ =	shalt  }
0x6e: {  	_ =	shalt  }
0x6f: {  	_ =	shalt  }
0x70: {  	_ =	shalt  }
0x71: {  	_ =	shalt  }
0x72: {  	_ =	shalt  }
0x73: {  	_ =	shalt  }
0x74: {  	_ =	shalt  }
0x75: {  	_ =	shalt  }
0x76: {  	_ =	shalt  }
0x77: {  	_ =	shalt  }
0x78: {  	_ =	shalt  }
0x79: {  	_ =	shalt  }
0x7a: {  	_ =	shalt  }
0x7b: {  	_ =	shalt  }
0x7c: {  	_ =	shalt  }
0x7d: {  	_ =	shalt  }
0x7e: {  	_ =	shalt  }
0x7f: {  	_ =	shalt  }
0x80: {  	_ =	shalt  }
0x81: {  	_ =	shalt  }
0x82: {  	_ =	shalt  }
0x83: {  	_ =	shalt  }
0x84: {  	_ =	shalt  }
0x85: {  	_ =	shalt  }
0x86: {  	_ =	shalt  }
0x87: {  	_ =	shalt  }
.Lfunc_end0:
.L_simem_size_0:
called_computation_lowered:
.L_overlay_start_0:
0x88: {  	s2 =	sld [smem:$0x3FD9]  }
0x89: {  	s3 =	sld [smem:$0x3FFE];
	_ =	sdelay $0x1  }
0x8a: {  	s1 =	srdreg.scid  }
0x8b: {  	s0 =	sand.u32 $0x1, s1  }
0x8c: {  	s17 =	sshll.u32 s0, $0xA;
	s2 =	sadd.s32 s3, s2  }
0x8d: {  	s2 =	sadd.s32 s2, s17  }
0x8e: {  	[smem:$0x3FBC] =	sst s2  }
0x8f: {  	_ = 	snop  }
0x90: {  	s2 =	sld [smem:$0x3FD0];
	(tm) =	ssettm $0x1  }
0x91: {  	s18 =	sld [smem:$0x3FFB];
	_ =	sdelay $0x3  }
0x92: {  	_ =	strace s18  }
0x93: {  	s3 =	sld [smem:$0x3FFC];
	_ =	sdelay $0x3  }
0x94: {  	_ =	strace s3  }
0x95: {  	s3 =	sld [smem:$0x3FFD];
	_ =	sdelay $0x3  }
0x96: {  	_ =	strace s3  }
0x97: {  	_ =	strace $0x8FFFFFFF  }
0x98: {  	s19 =	sld [smem:$0x3FDB];
	_ =	sdelay $0x1  }
0x99: {  	s4 =	simm.s32 $_scs_section_size  }
0x9a: {  	s5 =	simm.s32 $_size__tile_overlayer_lowered;
	s6 =	simm.s32 $_tile_overlayer_lowered  }
0x9b: {  	s22 =	simm.s32 $0x1BFF;
	s21 =	sshll.u32 s6, $0x1;
	s3 =	sadd.s32 s4, s19  }
0x9c: {  	s7 =	simm.s32 $0x0;
	s20 =	sshll.u32 s5, $0x1;
	s5 =	sadd.s32 s21, s3  }
0x9d: {  	[timem:s7], [sflag:s22] =	dma.local [hbm:s5], s20  }
0x9e: {  	_ =	swait.ge [sflag:s22], s20  }
0x9f: {  	s4 =	ssub.s32 $0x0, s20;
	[sflag:s22] =	ssyncset.done $0x0  }
0xa0: {  	[sflag:s22] =	ssyncadd.s32 s4;
	_ =	sdelay $0x1  }
0xa1: {  	s23 =	simm.s32 $0x1B8B  }
0xa2: {  	_ =	swait.ge [sflag:s23], $0x1  }
0xa3: {  	[sflag:s23] =	ssyncset.done $0x0  }
0xa4: {  	s25 =	simm.s32 $0x1B8E;
	s24 =	sld [smem:$0x3FFE];
	[sflag:s23] =	ssyncadd.s32 $0xFFFFFFFF  }
0xa5: {  	s26 =	simm.s32 $execute0_lowered;
	[smem:$0x3FD2] =	sst s25  }
0xa6: {  	s5 =	sshll.u32 s26, $0x1;
	_ =	strace $0x80000046;
	[dreg:$0x1] =	wrdreg $0xFFFFFFFF  }
0xa7: {  	s28 =	simm.s32 $_size_execute0_lowered;
	s3 =	sadd.s32 s3, s5;
	[dreg:$0x0] =	wrdreg $0x0  }
0xa8: {  	s5 =	sshll.u32 s28, $0x1;
	[dreg:$0x2] =	wrdreg s3  }
0xa9: {  	[dreg:$0x3] =	wrdreg s5  }
0xaa: {  	[dreg:$0x4] =	wrdreg $0xC0  }
0xab: {  	_ =	task [dreg:s7], $0x5FFFF  }
0xac: {  	[dreg:$0x1] =	wrdreg $0xFFFFFFFF  }
0xad: {  	[dreg:$0x0] =	wrdreg $0x60  }
0xae: {  	[dreg:$0x2] =	wrdreg s24  }
0xaf: {  	[dreg:$0x3] =	wrdreg s2  }
0xb0: {  	[dreg:$0x4] =	wrdreg $0x6A480  }
0xb1: {  	[dreg:$0x5] =	wrdreg $0x1F2480  }
0xb2: {  	[dreg:$0x6] =	wrdreg $0x9  }
0xb3: {  	_ =	task.clear_ibuf [dreg:s7], $0x7FFFF;
	_ =	strace $0x90000046  }
0xb4: {  	s29 =	simm.s32 $0x9;
	_ =	strace $0x80000048  }
0xb5: {  	_ =	swait.ge [sflag:s29], $0x1  }
0xb6: {  	[sflag:s29] =	ssyncadd.s32 $0xFFFFFFFF  }
0xb7: {  	_ =	strace $0x90000048  }
0xb8: {  	_ =	sfence  }
0xb9: {  	s30 =	sld [smem:$0x0];
	_ =	sdelay $0x2  }
0xba: {  	s31 =	sshll.u32 s1, $0xD;
	s1 =	sshrl.u32 s1, $0x2  }
0xbb: {  	s3 =	sand.u32 $0x4000, s31;
	s1 =	sadd.s32 s1, s30  }
0xbc: {  	s0 =	sor.u32 s3, s0;
	s1 =	sshll.u32 s1, $0x11  }
0xbd: {  	s0 =	sor.u32 s1, s0  }
0xbe: {  	s0 =	sadd.s32 $0x8F2B, s0  }
0xbf: {  	[sflag:s0] =	ssyncadd.remote.s32 $0x1  }
0xc0: {  	_ =	sfence.sel $0xFFFF  }
0xc1: {  	[dreg:$0x0] =	wrdreg $0xFFFFFFFF;
	(pc) =	sbr.abs _section_cstart, $3  }
0xc2: {  	[dreg:$0x1] =	wrdreg $0xFFFFFFFF  }
0xc3: {  	_ =	task.clear_ibuf [dreg:s7], $0x2FFFF;
	_ =	strace $0x9FFFFFFF  }
0xc4: {  	(tm) =	ssettm $0x7FFFFFFF  }
0xc5: {  	_ =	shalt  }
tec
execute0_lowered:
.L_overlay_start_1:
0x0: {  	(tag) =	ssettag $0x1  }
0x1: {  	s0 =	rddreg [dreg:$0x0]  }
0x2: {  	s4 =	rddreg [dreg:$0x1]  }
0x3: {  	s2 =	rddreg [dreg:$0x2]  }
0x4: {  	s3 =	rddreg [dreg:$0x3];
	s1 =	simm.s32 $0x0;
	s13 =	srdreg.scid  }
0x5: {  	s11 =	stileid.u32;
	[smem:$0x7FF] =	sst s1;
	s21 =	sadd.s32 $0x1E00, s0  }
0x6: {  	s7 =	sadd.s32 $0x188800, s0;
	s30 =	sadd.s32 $0x65E00, s0;
	s8 =	sand.u32 $0x1, s13  }
0x7: {  	s31 =	sadd.s32 $0x96C00, s0;
	s5 =	smul.u32 $0xC80, s11;
	s0 =	sadd.s32 $0xC7A00, s0  }
0x8: {  	s9 =	smul.u32 $0x64000, s11;
	_ =	strace $0x80000047;
	[dreg:$0x6] =	wrdreg s21  }
0x9: {  	s22 =	smul.u32 $0x19000, s11;
	s1 =	ssub.s32 $0x2, s8;
	[dreg:$0x7] =	wrdreg s30  }
0xa: {  	s14 =	smul.u32 $0x190000, s8;
	p0 =	seq.s32 s8, $0x1;
	[dreg:$0x8] =	wrdreg s31  }
0xb: {  	[dreg:$0x9] =	wrdreg s0;
	s6 =	sshrl.u32 s1, $0x1;
	s9 =	sshrl.u32 s9, $0x2  }
0xc: {  	s12 =	sadd.s32 $0x258, s5;
	s8 =	sadd.s32 $0x4B0, s5;
	s1 =	ssub.s32 s1, s6  }
0xd: {  	s6 =	sadd.s32 $0xC8, s5;
	s9 =	sadd.s32 s9, s2;
	[smem:$0x7F4] =	sst s1  }
0xe: {  	s23 =	sadd.s32 s22, s14;
	s17 =	sshll.u32 s12, $0x5;
	[dreg:$0xa] =	wrdreg s9  }
0xf: {  	s28 =	sadd.s32 s8, s3;
	s10 =	sshll.u32 s6, $0x5;
	[smem:$0x7F7] =	sst s23  }
0x10: {  	s9 =	sadd.s32 $0x190, s5;
	s13 =	sadd.s32 $0x1800, s23;
	[smem:$0x7C2] =	sst s28  }
0x11: {  	s15 =	sadd.s32 s10, s2;
	s16 =	sshll.u32 s9, $0x5;
	s13 =	sshrl.u32 s13, $0x3  }
0x12: {  	[dreg:$0xb] =	wrdreg s15;
	s10 =	sadd.s32 s16, s2;
	s18 =	sadd.s32 s13, s21  }
0x13: {  	s13 =	sadd.s32 $0x3E8, s5;
	s15 =	sshll.u32 s8, $0x5;
	[dreg:$0xc] =	wrdreg s10  }
0x14: {  	s16 =	sadd.s32 $0x640, s5;
	s10 =	sadd.s32 s17, s2;
	[dreg:$0x5] =	wrdreg s18  }
0x15: {  	s19 =	sshll.u32 s13, $0x5;
	[dreg:$0xd] =	wrdreg s10;
	s10 =	sadd.s32 $0x320, s5  }
0x16: {  	s20 =	sadd.s32 s15, s2;
	s17 =	sadd.s32 $0x708, s5;
	s14 =	sshll.u32 s10, $0x5  }
0x17: {  	s25 =	sshll.u32 s16, $0x5;
	[dreg:$0x10] =	wrdreg s20;
	s14 =	sadd.s32 s14, s2  }
0x18: {  	s18 =	sshll.u32 s17, $0x5;
	[dreg:$0xe] =	wrdreg s14;
	s14 =	sadd.s32 s19, s2  }
0x19: {  	s26 =	sadd.s32 s18, s2;
	[dreg:$0xf] =	wrdreg s14;
	s14 =	sadd.s32 $0x578, s5  }
0x1a: {  	s20 =	sadd.s32 $0xAF0, s5;
	[dreg:$0x13] =	wrdreg s26;
	s24 =	sshll.u32 s14, $0x5  }
0x1b: {  	s26 =	sshll.u32 s20, $0x5;
	s15 =	sadd.s32 s24, s2;
	s24 =	sadd.s32 $0x960, s5  }
0x1c: {  	[dreg:$0x11] =	wrdreg s15;
	s15 =	sadd.s32 s25, s2;
	s25 =	sadd.s32 $0x898, s5  }
0x1d: {  	s19 =	sshll.u32 s24, $0x5;
	[dreg:$0x12] =	wrdreg s15;
	s15 =	sadd.s32 $0x7D0, s5  }
0x1e: {  	s1 =	sshll.u32 s25, $0x5;
	s11 =	sadd.s32 s19, s2;
	s29 =	sshll.u32 s15, $0x5  }
0x1f: {  	[dreg:$0x18] =	wrdreg s11;
	s11 =	sadd.s32 $0xA28, s5;
	s18 =	sadd.s32 s29, s2  }
0x20: {  	s19 =	sshll.u32 s11, $0x5;
	[dreg:$0x16] =	wrdreg s18;
	s18 =	sadd.s32 s1, s2  }
0x21: {  	s1 =	sadd.s32 $0xBB8, s5;
	[dreg:$0x17] =	wrdreg s18;
	s18 =	sadd.s32 s19, s2  }
0x22: {  	s29 =	sshll.u32 s1, $0x5;
	[dreg:$0x1c] =	wrdreg s18;
	s18 =	sadd.s32 s26, s2  }
0x23: {  	s19 =	sadd.s32 s29, s2;
	[dreg:$0x1d] =	wrdreg s18  }
0x24: {  	s29 =	sadd.s32 s22, s2;
	[dreg:$0x1e] =	wrdreg s19  }
0x25: {  	s26 =	sshrl.u32 s23, $0x3;
	s23 =	sadd.s32 s9, s3;
	[smem:$0x7BB] =	sst s29  }
0x26: {  	s18 =	sadd.s32 s21, s26;
	[smem:$0x7BE] =	sst s23  }
0x27: {  	s19 =	sadd.s32 s5, s3;
	[dreg:$0x1f] =	wrdreg s18  }
0x28: {  	s21 =	sshrl.u32 s22, $0x3;
	s22 =	sadd.s32 s6, s3;
	[smem:$0x7BC] =	sst s19  }
0x29: {  	s26 =	sadd.s32 s12, s3;
	[smem:$0x7BD] =	sst s22  }
0x2a: {  	s29 =	sadd.s32 s10, s3;
	[smem:$0x7BF] =	sst s26  }
0x2b: {  	[smem:$0x7C0] =	sst s29;
	s26 =	sadd.s32 s13, s3  }
0x2c: {  	s29 =	sadd.s32 s14, s3;
	[smem:$0x7C1] =	sst s26  }
0x2d: {  	[smem:$0x7C3] =	sst s29;
	s29 =	sshll.u32 s14, $0x2;
	s14 =	sshrl.u32 s14, $0x3  }
0x2e: {  	[smem:$0x7E7] =	sst s14;
	s14 =	sadd.s32 s16, s3  }
0x2f: {  	[smem:$0x7C4] =	sst s14;
	s14 =	sshll.u32 s16, $0x2  }
0x30: {  	[smem:$0x7EA] =	sst s14;
	s14 =	sadd.s32 s17, s3  }
0x31: {  	[smem:$0x7C5] =	sst s14;
	s14 =	sshll.u32 s17, $0x2  }
0x32: {  	[smem:$0x7EF] =	sst s14;
	s14 =	sadd.s32 s15, s3  }
0x33: {  	[smem:$0x7C6] =	sst s14;
	s14 =	sshll.u32 s15, $0x2  }
0x34: {  	s18 =	sshll.u32 s6, $0x2;
	s15 =	sshrl.u32 s15, $0x3;
	[smem:$0x7C7] =	sst s14  }
0x35: {  	s6 =	sshrl.u32 s6, $0x3;
	[smem:$0x7C8] =	sst s15;
	s15 =	sadd.s32 s30, s21  }
0x36: {  	s14 =	sadd.s32 s4, s6;
	[smem:$0x7C9] =	sst s15  }
0x37: {  	s5 =	sshrl.u32 s5, $0x3;
	s15 =	sadd.s32 s31, s21;
	[smem:$0x7CF] =	sst s14  }
0x38: {  	s21 =	sadd.s32 s4, s5;
	[smem:$0x7CA] =	sst s15  }
0x39: {  	s22 =	sshll.u32 s12, $0x2;
	s5 =	sadd.s32 s0, s5;
	[smem:$0x7CB] =	sst s21  }
0x3a: {  	s14 =	sadd.s32 s31, s22;
	[smem:$0x7CC] =	sst s5  }
0x3b: {  	s15 =	sadd.s32 s30, s18;
	[smem:$0x7D6] =	sst s14  }
0x3c: {  	s19 =	sshll.u32 s9, $0x2;
	s21 =	sadd.s32 s31, s18;
	[smem:$0x7CD] =	sst s15  }
0x3d: {  	s18 =	sadd.s32 s30, s19;
	[smem:$0x7CE] =	sst s21  }
0x3e: {  	s28 =	sshll.u32 s8, $0x2;
	s19 =	sadd.s32 s31, s19;
	[smem:$0x7D1] =	sst s18  }
0x3f: {  	s14 =	sadd.s32 s31, s28;
	[smem:$0x7D2] =	sst s19  }
0x40: {  	s9 =	sshrl.u32 s9, $0x3;
	s15 =	sadd.s32 s0, s6;
	[smem:$0x7E2] =	sst s14  }
0x41: {  	s21 =	sadd.s32 s4, s9;
	[smem:$0x7D0] =	sst s15  }
0x42: {  	s6 =	sadd.s32 s0, s9;
	[smem:$0x7D3] =	sst s21  }
0x43: {  	s12 =	sshrl.u32 s12, $0x3;
	s9 =	sadd.s32 s30, s22;
	[smem:$0x7D4] =	sst s6  }
0x44: {  	s23 =	sshll.u32 s10, $0x2;
	s18 =	sadd.s32 s0, s12;
	[smem:$0x7D5] =	sst s9  }
0x45: {  	s10 =	sshrl.u32 s10, $0x3;
	s19 =	sadd.s32 s30, s23;
	[smem:$0x7D8] =	sst s18  }
0x46: {  	s22 =	sadd.s32 s4, s10;
	[smem:$0x7D9] =	sst s19  }
0x47: {  	[smem:$0x7DB] =	sst s22  }
0x48: {  	s15 =	sadd.s32 s4, s12;
	s22 =	sld [smem:$0x7E7]  }
0x49: {  	s21 =	sadd.s32 s31, s23;
	[smem:$0x7D7] =	sst s15  }
0x4a: {  	s26 =	sshll.u32 s13, $0x2;
	s23 =	sadd.s32 s0, s10;
	[smem:$0x7DA] =	sst s21  }
0x4b: {  	s6 =	sadd.s32 s30, s26;
	[smem:$0x7DC] =	sst s23  }
0x4c: {  	s13 =	sshrl.u32 s13, $0x3;
	s9 =	sadd.s32 s31, s26;
	[smem:$0x7DD] =	sst s6  }
0x4d: {  	s10 =	sadd.s32 s4, s13;
	[smem:$0x7DE] =	sst s9  }
0x4e: {  	s12 =	sadd.s32 s0, s13;
	[smem:$0x7DF] =	sst s10  }
0x4f: {  	s8 =	sshrl.u32 s8, $0x3;
	s13 =	sadd.s32 s30, s28;
	[smem:$0x7E0] =	sst s12  }
0x50: {  	s18 =	sadd.s32 s0, s8;
	[smem:$0x7E1] =	sst s13  }
0x51: {  	s19 =	sadd.s32 s30, s29;
	[smem:$0x7E4] =	sst s18  }
0x52: {  	[smem:$0x7E5] =	sst s19  }
0x53: {  	s21 =	sadd.s32 s31, s29;
	s29 =	sld [smem:$0x7EA]  }
0x54: {  	s15 =	sadd.s32 s4, s8;
	s13 =	sld [smem:$0x7EF]  }
0x55: {  	s16 =	sshrl.u32 s16, $0x3;
	[smem:$0x7E3] =	sst s15  }
0x56: {  	s10 =	sadd.s32 s4, s16;
	[smem:$0x7E6] =	sst s21  }
0x57: {  	s17 =	sshrl.u32 s17, $0x3;
	s12 =	sadd.s32 s0, s16;
	[smem:$0x7ED] =	sst s10  }
0x58: {  	s16 =	sadd.s32 s4, s17;
	[smem:$0x7EE] =	sst s12  }
0x59: {  	s19 =	sadd.s32 s1, s3;
	[smem:$0x7F2] =	sst s16  }
0x5a: {  	[smem:$0x7F6] =	sst s19  }
0x5b: {  	s21 =	sld [smem:$0x7F7];
	s23 =	sadd.s32 s4, s22  }
0x5c: {  	s26 =	sadd.s32 s0, s22;
	s0 =	sadd.s32 s0, s17;
	s17 =	sld [smem:$0x7F4]  }
0x5d: {  	s18 =	stileid.u32;
	[smem:$0x7E8] =	sst s23  }
0x5e: {  	p1 =	seq.s32 s18, $0xF;
	[smem:$0x7E9] =	sst s26  }
0x5f: {  	s1 =	simm.s32 @p1 $0xC738;
	[smem:$0x7F3] =	sst s0  }
0x60: {  	s22 =	sadd.s32 s11, s3;
	[dreg:$0x1b] =	wrdreg s1  }
0x61: {  	s11 =	simm.s32 @p1 $0xC5A8;
	[smem:$0x7F9] =	sst s22  }
0x62: {  	s28 =	simm.s32 $0xE80;
	[dreg:$0x19] =	wrdreg s11  }
0x63: {  	s8 =	sadd.s32 s30, s29;
	s14 =	sadd.s32 s30, s13;
	s30 =	rddreg [dreg:$0x1f]  }
0x64: {  	s6 =	simm.s32 $0x0;
	s9 =	sadd.s32 s31, s29;
	[smem:$0x7EB] =	sst s8  }
0x65: {  	s12 =	simm.s32 $0x7;
	s16 =	simm.s32 $0x2000;
	[smem:$0x7EC] =	sst s9  }
0x66: {  	s18 =	simm.s32 $0x3000;
	s15 =	sadd.s32 s31, s13;
	[smem:$0x7F0] =	sst s14  }
0x67: {  	s10 =	simm.s32 $0x5000;
	s23 =	sadd.s32 s25, s3;
	[smem:$0x7F1] =	sst s15  }
0x68: {  	s19 =	simm.s32 $0x1;
	s26 =	sadd.s32 s24, s3;
	[smem:$0x7FA] =	sst s23  }
0x69: {  	s25 =	simm.s32 @p1 $0xC418;
	s24 =	simm.s32 @p1 $0xC4E0;
	[smem:$0x7FB] =	sst s26  }
0x6a: {  	s29 =	sadd.s32 s20, s3;
	s20 =	simm.s32 @p1 $0xC670;
	[dreg:$0x14] =	wrdreg s25  }
0x6b: {  	s22 =	simm.s32 $0x6;
	s11 =	simm.s32 $0xC80;
	[dreg:$0x15] =	wrdreg s24  }
0x6c: {  	s13 =	simm.s32 $0xD80;
	s31 =	simm.s32 $0xE00;
	[smem:$0x7FC] =	sst s29  }
0x6d: {  	[dreg:$0x1a] =	wrdreg s20;
	s14 =	simm.s32 $0x80;
	s15 =	simm.s32 $0x1000  }
.Ltmp0:
0x6e: {  	s20 =	simm.s32 $0x4000;
	s8 =	simm.s32 $0x3;
	(pc) =	sbr.rel .LBB2_1-.Ltmp0, $4  }
0x6f: {  	s24 =	simm.s32 $0x4;
	s9 =	simm.s32 $0x2;
	s0 =	smax.u32 s17, $0x1  }
0x70: {  	s23 =	simm.s32 $0xA00;
	[smem:$0x7F5] =	sst s0;
	s0 =	sadd.s32 $0x1000, s21  }
0x71: {  	s25 =	simm.s32 $0x780;
	[smem:$0x7F8] =	sst s0;
	s0 =	sadd.s32 $0x100, s30  }
0x72: {  	v0 =	vimm.f32 $1.000000000e+00;
	v1 =	vimm.f32 $0.0e+00;
	s21 =	simm.s32 $0xD00;
	[smem:$0x7FD] =	sst s0;
	s0 =	simm.s32 $0x5  }
.LBB2_8:
0x73: {  	s1 =	sld [smem:$0x7C7];
	_ =	sdelay $0x1  }
0x74: {  	s17 =	rddreg [dreg:$0x16]  }
0x75: {  	s26 =	sshrl.u32 s17, $0x3;
	s1 =	sadd.s32 s29, s1  }
0x76: {  	[hbm:s1], [sflag:s5] =	dma.local [spmem:s26], $0x320  }
0x77: {  	_ =	swait.ge [sflag:s12], $0x320  }
0x78: {  	s26 =	sld [smem:$0x7C8]  }
0x79: {  	s30 =	sld [smem:$0x7C6];
	_ =	sdelay $0x1  }
0x7a: {  	[sflag:s12] =	ssyncset.done $0x0  }
0x7b: {  	[sflag:s12] =	ssyncadd.s32 $0xFFFFFCE0;
	s1 =	sadd.s32 s4, s26;
	s17 =	sshrl.u32 s30, $0x3  }
0x7c: {  	[hbm:s1], [sflag:s5] =	dma.local [spmem:s17], $0x19  }
0x7d: {  	_ =	swait.ge [sflag:s12], $0x19  }
0x7e: {  	s17 =	rddreg [dreg:$0x14]  }
0x7f: {  	s26 =	sshll.u32 s17, $0x5  }
0x80: {  	[sflag:s12] =	ssyncset.done $0x0;
	s30 =	sshll.u32 s17, $0x2;
	s1 =	sadd.s32 s26, s2  }
0x81: {  	[sflag:s12] =	ssyncadd.s32 $0xFFFFFFE7;
	s26 =	sadd.s32 s29, s30;
	s1 =	sshrl.u32 s1, $0x3  }
0x82: {  	[hbm:s26], [sflag:s5] =	dma.local [spmem:s1], $0x320  }
0x83: {  	_ =	swait.ge [sflag:s12], $0x320  }
0x84: {  	s30 =	sshrl.u32 s17, $0x3;
	s17 =	sadd.s32 s17, s3;
	[sflag:s12] =	ssyncset.done $0x0  }
0x85: {  	s1 =	sadd.s32 s4, s30;
	s26 =	sshrl.u32 s17, $0x3;
	[sflag:s12] =	ssyncadd.s32 $0xFFFFFCE0  }
0x86: {  	[hbm:s1], [sflag:s5] =	dma.local [spmem:s26], $0x19  }
0x87: {  	_ =	swait.ge [sflag:s12], $0x19  }
0x88: {  	s17 =	rddreg [dreg:$0x15]  }
0x89: {  	s26 =	sshll.u32 s17, $0x5  }
0x8a: {  	[sflag:s12] =	ssyncset.done $0x0;
	s30 =	sshll.u32 s17, $0x2;
	s1 =	sadd.s32 s26, s2  }
0x8b: {  	[sflag:s12] =	ssyncadd.s32 $0xFFFFFFE7;
	s26 =	sadd.s32 s29, s30;
	s1 =	sshrl.u32 s1, $0x3  }
0x8c: {  	[hbm:s26], [sflag:s5] =	dma.local [spmem:s1], $0x320  }
0x8d: {  	_ =	swait.ge [sflag:s12], $0x320  }
0x8e: {  	s30 =	sshrl.u32 s17, $0x3;
	s17 =	sadd.s32 s17, s3;
	[sflag:s12] =	ssyncset.done $0x0  }
0x8f: {  	s1 =	sadd.s32 s4, s30;
	s26 =	sshrl.u32 s17, $0x3;
	[sflag:s12] =	ssyncadd.s32 $0xFFFFFCE0  }
0x90: {  	[hbm:s1], [sflag:s5] =	dma.local [spmem:s26], $0x19  }
0x91: {  	_ =	swait.ge [sflag:s12], $0x19  }
0x92: {  	s17 =	rddreg [dreg:$0x19]  }
0x93: {  	s26 =	sshll.u32 s17, $0x5  }
0x94: {  	[sflag:s12] =	ssyncset.done $0x0;
	s30 =	sshll.u32 s17, $0x2;
	s1 =	sadd.s32 s26, s2  }
0x95: {  	[sflag:s12] =	ssyncadd.s32 $0xFFFFFFE7;
	s26 =	sadd.s32 s29, s30;
	s1 =	sshrl.u32 s1, $0x3  }
0x96: {  	[hbm:s26], [sflag:s5] =	dma.local [spmem:s1], $0x320  }
0x97: {  	_ =	swait.ge [sflag:s12], $0x320  }
0x98: {  	s30 =	sshrl.u32 s17, $0x3;
	s17 =	sadd.s32 s17, s3;
	[sflag:s12] =	ssyncset.done $0x0  }
0x99: {  	s1 =	sadd.s32 s4, s30;
	s26 =	sshrl.u32 s17, $0x3;
	[sflag:s12] =	ssyncadd.s32 $0xFFFFFCE0  }
0x9a: {  	[hbm:s1], [sflag:s5] =	dma.local [spmem:s26], $0x19  }
0x9b: {  	_ =	swait.ge [sflag:s12], $0x19  }
0x9c: {  	s17 =	rddreg [dreg:$0x1a]  }
0x9d: {  	s26 =	sshll.u32 s17, $0x5  }
0x9e: {  	[sflag:s12] =	ssyncset.done $0x0;
	s30 =	sshll.u32 s17, $0x2;
	s1 =	sadd.s32 s26, s2  }
0x9f: {  	[sflag:s12] =	ssyncadd.s32 $0xFFFFFFE7;
	s26 =	sadd.s32 s29, s30;
	s1 =	sshrl.u32 s1, $0x3  }
0xa0: {  	[hbm:s26], [sflag:s5] =	dma.local [spmem:s1], $0x320  }
0xa1: {  	_ =	swait.ge [sflag:s12], $0x320  }
0xa2: {  	s30 =	sshrl.u32 s17, $0x3;
	s17 =	sadd.s32 s17, s3;
	[sflag:s12] =	ssyncset.done $0x0  }
0xa3: {  	s1 =	sadd.s32 s4, s30;
	s26 =	sshrl.u32 s17, $0x3;
	[sflag:s12] =	ssyncadd.s32 $0xFFFFFCE0  }
0xa4: {  	[hbm:s1], [sflag:s5] =	dma.local [spmem:s26], $0x19  }
0xa5: {  	_ =	swait.ge [sflag:s12], $0x19  }
0xa6: {  	s17 =	rddreg [dreg:$0x1b]  }
0xa7: {  	s26 =	sshll.u32 s17, $0x5  }
0xa8: {  	[sflag:s12] =	ssyncset.done $0x0;
	s30 =	sshll.u32 s17, $0x2;
	s1 =	sadd.s32 s26, s2  }
0xa9: {  	[sflag:s12] =	ssyncadd.s32 $0xFFFFFFE7;
	s26 =	sadd.s32 s29, s30;
	s1 =	sshrl.u32 s1, $0x3  }
0xaa: {  	[hbm:s26], [sflag:s5] =	dma.local [spmem:s1], $0x320  }
0xab: {  	_ =	swait.ge [sflag:s12], $0x320  }
0xac: {  	s29 =	sshrl.u32 s17, $0x3;
	s30 =	sadd.s32 s17, s3;
	[sflag:s12] =	ssyncset.done $0x0  }
0xad: {  	s1 =	sadd.s32 s4, s29;
	s26 =	sshrl.u32 s30, $0x3;
	[sflag:s12] =	ssyncadd.s32 $0xFFFFFCE0  }
0xae: {  	[hbm:s1], [sflag:s5] =	dma.local [spmem:s26], $0x19  }
0xaf: {  	_ =	swait.ge [sflag:s12], $0x19  }
0xb0: {  	[sflag:s12] =	ssyncset.done $0x0  }
0xb1: {  	[sflag:s12] =	ssyncadd.s32 $0xFFFFFFE7  }
.LBB2_9:
0xb2: {  	s1 =	sld [smem:$0x7F5];
	_ =	sdelay $0x1  }
0xb3: {  	s6 =	sadd.s32 $0x1, s6  }
0xb4: {  	p2 =	sne.s32 s6, s1  }
.Ltmp1:
0xb5: {  	_ = 	snop;
	(pc) =	sbr.rel @!p2 .LBB2_10-.Ltmp1, $1  }
0xb6: {  	_ =	sdelay $0x3  }
.LBB2_1:
0xb7: {  	[tilespmem:$0x5000] =	vst v0  }
0xb8: {  	[tilespmem:$0x5010] =	vst v0  }
0xb9: {  	[tilespmem:$0x5020] =	vst v0  }
0xba: {  	[tilespmem:$0x5030] =	vst v0  }
0xbb: {  	[tilespmem:$0x5040] =	vst v0  }
0xbc: {  	[tilespmem:$0x5050] =	vst v0  }
0xbd: {  	[tilespmem:$0x5060] =	vst v0  }
0xbe: {  	[tilespmem:$0x5070] =	vst v0  }
0xbf: {  	[tilespmem:$0x6980] =	vst v1  }
0xc0: {  	[tilespmem:$0x6990] =	vst v1  }
0xc1: {  	[tilespmem:$0x69A0] =	vst v1  }
0xc2: {  	[tilespmem:$0x69B0] =	vst v1  }
0xc3: {  	[tilespmem:$0x69C0] =	vst v1  }
0xc4: {  	[tilespmem:$0x69D0] =	vst v1  }
0xc5: {  	[tilespmem:$0x69E0] =	vst v1  }
0xc6: {  	[tilespmem:$0x69F0] =	vst v1  }
0xc7: {  	[tilespmem:$0x6A00] =	vst v1  }
0xc8: {  	[tilespmem:$0x6A10] =	vst v1  }
0xc9: {  	[tilespmem:$0x6A20] =	vst v1  }
0xca: {  	[smem:$0x7BA] =	sst s6;
	[tilespmem:$0x6A30] =	vst v1;
	s5 =	simm.s32 $0x80;
	s26 =	simm.s32 $0x0  }
.LBB2_2:
0xcb: {  	p2 =	sne.s32 s5, $0x6380;
	[tilespmem:s26+$0x5080] =	vst v1;
	s29 =	smov.u32 s5;
	s5 =	sadd.s32 $0x80, s5  }
.Ltmp2:
0xcc: {  	[tilespmem:s26+$0x5090] =	vst v1;
	(pc) =	sbr.rel @p2 .LBB2_2-.Ltmp2, $2  }
0xcd: {  	_ =	sdelay $0x2  }
0xce: {  	s26 =	sshra.s32 s29, $0x2  }
0xcf: {  	[tilespmem:s26+$0x5080] =	vst v1  }
0xd0: {  	[tilespmem:s26+$0x5090] =	vst v1;
	s1 =	rddreg [dreg:$0xa];
	s5 =	simm.s32 $0x5080  }
0xd1: {  	[spmem:s1] =	stream.linear.scatter [tilespmem:s5], [sflag:$0x7], $0x1900, $0x38;
	[tilespmem:$0x1FE88] =	vst v63  }
0xd2: {  	_ =	swait.ge [sflag:s12], $0x1900  }
0xd3: {  	s4 =	sld [smem:$0x7BC]  }
0xd4: {  	[sflag:s12] =	ssyncset.done $0x0  }
0xd5: {  	s17 =	simm.s32 $0x6980;
	[sflag:s12] =	ssyncadd.s32 $0xFFFFE700  }
0xd6: {  	[spmem:s4] =	stream.linear.scatter [tilespmem:s17], [sflag:$0x7], $0xC8, $0x38;
	[tilespmem:$0x1FE88] =	vst v63  }
0xd7: {  	_ =	swait.ge [sflag:s12], $0xC8  }
0xd8: {  	[sflag:s12] =	ssyncset.done $0x0  }
0xd9: {  	s6 =	rddreg [dreg:$0xb];
	[sflag:s12] =	ssyncadd.s32 $0xFFFFFF38  }
0xda: {  	[spmem:s6] =	stream.linear.scatter [tilespmem:s5], [sflag:$0x7], $0x1900, $0x38;
	[tilespmem:$0x1FE88] =	vst v63  }
0xdb: {  	_ =	swait.ge [sflag:s12], $0x1900  }
0xdc: {  	s26 =	sld [smem:$0x7BD]  }
0xdd: {  	[sflag:s12] =	ssyncset.done $0x0  }
0xde: {  	[sflag:s12] =	ssyncadd.s32 $0xFFFFE700  }
0xdf: {  	[spmem:s26] =	stream.linear.scatter [tilespmem:s17], [sflag:$0x7], $0xC8, $0x38;
	[tilespmem:$0x1FE88] =	vst v63  }
0xe0: {  	_ =	swait.ge [sflag:s12], $0xC8  }
0xe1: {  	[sflag:s12] =	ssyncset.done $0x0  }
0xe2: {  	s29 =	rddreg [dreg:$0xc];
	[sflag:s12] =	ssyncadd.s32 $0xFFFFFF38  }
0xe3: {  	[spmem:s29] =	stream.linear.scatter [tilespmem:s5], [sflag:$0x7], $0x1900, $0x38;
	[tilespmem:$0x1FE88] =	vst v63  }
0xe4: {  	_ =	swait.ge [sflag:s12], $0x1900  }
0xe5: {  	s4 =	sld [smem:$0x7BE]  }
0xe6: {  	[sflag:s12] =	ssyncset.done $0x0  }
0xe7: {  	[sflag:s12] =	ssyncadd.s32 $0xFFFFE700  }
0xe8: {  	[spmem:s4] =	stream.linear.scatter [tilespmem:s17], [sflag:$0x7], $0xC8, $0x38;
	[tilespmem:$0x1FE88] =	vst v63  }
0xe9: {  	_ =	swait.ge [sflag:s12], $0xC8  }
0xea: {  	[sflag:s12] =	ssyncset.done $0x0  }
0xeb: {  	s6 =	rddreg [dreg:$0xd];
	[sflag:s12] =	ssyncadd.s32 $0xFFFFFF38  }
0xec: {  	[spmem:s6] =	stream.linear.scatter [tilespmem:s5], [sflag:$0x7], $0x1900, $0x38;
	[tilespmem:$0x1FE88] =	vst v63  }
0xed: {  	_ =	swait.ge [sflag:s12], $0x1900  }
0xee: {  	s26 =	sld [smem:$0x7BF]  }
0xef: {  	[sflag:s12] =	ssyncset.done $0x0  }
0xf0: {  	[sflag:s12] =	ssyncadd.s32 $0xFFFFE700  }
0xf1: {  	[spmem:s26] =	stream.linear.scatter [tilespmem:s17], [sflag:$0x7], $0xC8, $0x38;
	[tilespmem:$0x1FE88] =	vst v63  }
0xf2: {  	_ =	swait.ge [sflag:s12], $0xC8  }
0xf3: {  	[sflag:s12] =	ssyncset.done $0x0  }
0xf4: {  	s29 =	rddreg [dreg:$0xe];
	[sflag:s12] =	ssyncadd.s32 $0xFFFFFF38  }
0xf5: {  	[spmem:s29] =	stream.linear.scatter [tilespmem:s5], [sflag:$0x7], $0x1900, $0x38;
	[tilespmem:$0x1FE88] =	vst v63  }
0xf6: {  	_ =	swait.ge [sflag:s12], $0x1900  }
0xf7: {  	s4 =	sld [smem:$0x7C0]  }
0xf8: {  	[sflag:s12] =	ssyncset.done $0x0  }
0xf9: {  	[sflag:s12] =	ssyncadd.s32 $0xFFFFE700  }
0xfa: {  	[spmem:s4] =	stream.linear.scatter [tilespmem:s17], [sflag:$0x7], $0xC8, $0x38;
	[tilespmem:$0x1FE88] =	vst v63  }
0xfb: {  	_ =	swait.ge [sflag:s12], $0xC8  }
0xfc: {  	[sflag:s12] =	ssyncset.done $0x0  }
0xfd: {  	s6 =	rddreg [dreg:$0xf];
	[sflag:s12] =	ssyncadd.s32 $0xFFFFFF38  }
0xfe: {  	[spmem:s6] =	stream.linear.scatter [tilespmem:s5], [sflag:$0x7], $0x1900, $0x38;
	[tilespmem:$0x1FE88] =	vst v63  }
0xff: {  	_ =	swait.ge [sflag:s12], $0x1900  }
0x100: {  	s26 =	sld [smem:$0x7C1]  }
0x101: {  	[sflag:s12] =	ssyncset.done $0x0  }
0x102: {  	[sflag:s12] =	ssyncadd.s32 $0xFFFFE700  }
0x103: {  	[spmem:s26] =	stream.linear.scatter [tilespmem:s17], [sflag:$0x7], $0xC8, $0x38;
	[tilespmem:$0x1FE88] =	vst v63  }
0x104: {  	_ =	swait.ge [sflag:s12], $0xC8  }
0x105: {  	[sflag:s12] =	ssyncset.done $0x0  }
0x106: {  	s29 =	rddreg [dreg:$0x10];
	[sflag:s12] =	ssyncadd.s32 $0xFFFFFF38  }
0x107: {  	[spmem:s29] =	stream.linear.scatter [tilespmem:s5], [sflag:$0x7], $0x1900, $0x38;
	[tilespmem:$0x1FE88] =	vst v63  }
0x108: {  	_ =	swait.ge [sflag:s12], $0x1900  }
0x109: {  	s4 =	sld [smem:$0x7C2]  }
0x10a: {  	[sflag:s12] =	ssyncset.done $0x0  }
0x10b: {  	[sflag:s12] =	ssyncadd.s32 $0xFFFFE700  }
0x10c: {  	[spmem:s4] =	stream.linear.scatter [tilespmem:s17], [sflag:$0x7], $0xC8, $0x38;
	[tilespmem:$0x1FE88] =	vst v63  }
0x10d: {  	_ =	swait.ge [sflag:s12], $0xC8  }
0x10e: {  	[sflag:s12] =	ssyncset.done $0x0  }
0x10f: {  	s6 =	rddreg [dreg:$0x11];
	[sflag:s12] =	ssyncadd.s32 $0xFFFFFF38  }
0x110: {  	[spmem:s6] =	stream.linear.scatter [tilespmem:s5], [sflag:$0x7], $0x1900, $0x38;
	[tilespmem:$0x1FE88] =	vst v63  }
0x111: {  	_ =	swait.ge [sflag:s12], $0x1900  }
0x112: {  	s26 =	sld [smem:$0x7C3]  }
0x113: {  	[sflag:s12] =	ssyncset.done $0x0  }
0x114: {  	[sflag:s12] =	ssyncadd.s32 $0xFFFFE700  }
0x115: {  	[spmem:s26] =	stream.linear.scatter [tilespmem:s17], [sflag:$0x7], $0xC8, $0x38;
	[tilespmem:$0x1FE88] =	vst v63  }
0x116: {  	_ =	swait.ge [sflag:s12], $0xC8  }
0x117: {  	[sflag:s12] =	ssyncset.done $0x0  }
0x118: {  	s29 =	rddreg [dreg:$0x12];
	[sflag:s12] =	ssyncadd.s32 $0xFFFFFF38  }
0x119: {  	[spmem:s29] =	stream.linear.scatter [tilespmem:s5], [sflag:$0x7], $0x1900, $0x38;
	[tilespmem:$0x1FE88] =	vst v63  }
0x11a: {  	_ =	swait.ge [sflag:s12], $0x1900  }
0x11b: {  	s4 =	sld [smem:$0x7C4]  }
0x11c: {  	[sflag:s12] =	ssyncset.done $0x0  }
0x11d: {  	[sflag:s12] =	ssyncadd.s32 $0xFFFFE700  }
0x11e: {  	[spmem:s4] =	stream.linear.scatter [tilespmem:s17], [sflag:$0x7], $0xC8, $0x38;
	[tilespmem:$0x1FE88] =	vst v63  }
0x11f: {  	_ =	swait.ge [sflag:s12], $0xC8  }
0x120: {  	[sflag:s12] =	ssyncset.done $0x0  }
0x121: {  	s6 =	rddreg [dreg:$0x13];
	[sflag:s12] =	ssyncadd.s32 $0xFFFFFF38  }
0x122: {  	[spmem:s6] =	stream.linear.scatter [tilespmem:s5], [sflag:$0x7], $0x1900, $0x38;
	[tilespmem:$0x1FE88] =	vst v63  }
0x123: {  	_ =	swait.ge [sflag:s12], $0x1900  }
0x124: {  	s26 =	sld [smem:$0x7C5]  }
0x125: {  	[sflag:s12] =	ssyncset.done $0x0  }
0x126: {  	[sflag:s12] =	ssyncadd.s32 $0xFFFFE700  }
0x127: {  	[spmem:s26] =	stream.linear.scatter [tilespmem:s17], [sflag:$0x7], $0xC8, $0x38;
	[tilespmem:$0x1FE88] =	vst v63  }
0x128: {  	_ =	swait.ge [sflag:s12], $0xC8  }
0x129: {  	s5 =	simm.s32 @!p1 $0x5080;
	[sflag:s12] =	ssyncset.done $0x0  }
0x12a: {  	s26 =	simm.s32 @!p1 $0x7;
	s1 =	rddreg [dreg:$0x16];
	[sflag:s12] =	ssyncadd.s32 $0xFFFFFF38  }
0x12b: {  	[spmem:s1] =	stream.linear.scatter @!p1 [tilespmem:s5], [sflag:$0x7], $0x1900, $0x38;
	[tilespmem:$0x1FE88] =	vst v63  }
0x12c: {  	_ =	swait.ge @!p1 [sflag:s26], $0x1900  }
0x12d: {  	s1 =	sld [smem:$0x7C6]  }
0x12e: {  	[sflag:s26] =	ssyncset.done @!p1 $0x0  }
0x12f: {  	s29 =	simm.s32 @!p1 $0x6980;
	[sflag:s26] =	ssyncadd.s32 @!p1 $0xFFFFE700  }
0x130: {  	[spmem:s1] =	stream.linear.scatter @!p1 [tilespmem:s29], [sflag:$0x7], $0xC8, $0x38;
	[tilespmem:$0x1FE88] =	vst v63  }
0x131: {  	_ =	swait.ge @!p1 [sflag:s26], $0xC8  }
0x132: {  	[sflag:s26] =	ssyncset.done @!p1 $0x0  }
0x133: {  	s1 =	rddreg [dreg:$0x17];
	[sflag:s26] =	ssyncadd.s32 @!p1 $0xFFFFFF38  }
0x134: {  	[spmem:s1] =	stream.linear.scatter @!p1 [tilespmem:s5], [sflag:$0x7], $0x1900, $0x38;
	[tilespmem:$0x1FE88] =	vst v63  }
0x135: {  	_ =	swait.ge @!p1 [sflag:s26], $0x1900  }
0x136: {  	s1 =	sld [smem:$0x7FA]  }
0x137: {  	[sflag:s26] =	ssyncset.done @!p1 $0x0  }
0x138: {  	[sflag:s26] =	ssyncadd.s32 @!p1 $0xFFFFE700  }
0x139: {  	[spmem:s1] =	stream.linear.scatter @!p1 [tilespmem:s29], [sflag:$0x7], $0xC8, $0x38;
	[tilespmem:$0x1FE88] =	vst v63  }
0x13a: {  	_ =	swait.ge @!p1 [sflag:s26], $0xC8  }
0x13b: {  	[sflag:s26] =	ssyncset.done @!p1 $0x0  }
0x13c: {  	s1 =	rddreg [dreg:$0x18];
	[sflag:s26] =	ssyncadd.s32 @!p1 $0xFFFFFF38  }
0x13d: {  	[spmem:s1] =	stream.linear.scatter @!p1 [tilespmem:s5], [sflag:$0x7], $0x1900, $0x38;
	[tilespmem:$0x1FE88] =	vst v63  }
0x13e: {  	_ =	swait.ge @!p1 [sflag:s26], $0x1900  }
0x13f: {  	s1 =	sld [smem:$0x7FB]  }
0x140: {  	[sflag:s26] =	ssyncset.done @!p1 $0x0  }
0x141: {  	[sflag:s26] =	ssyncadd.s32 @!p1 $0xFFFFE700  }
0x142: {  	[spmem:s1] =	stream.linear.scatter @!p1 [tilespmem:s29], [sflag:$0x7], $0xC8, $0x38;
	[tilespmem:$0x1FE88] =	vst v63  }
0x143: {  	_ =	swait.ge @!p1 [sflag:s26], $0xC8  }
0x144: {  	[sflag:s26] =	ssyncset.done @!p1 $0x0  }
0x145: {  	s1 =	rddreg [dreg:$0x1c];
	[sflag:s26] =	ssyncadd.s32 @!p1 $0xFFFFFF38  }
0x146: {  	[spmem:s1] =	stream.linear.scatter @!p1 [tilespmem:s5], [sflag:$0x7], $0x1900, $0x38;
	[tilespmem:$0x1FE88] =	vst v63  }
0x147: {  	_ =	swait.ge @!p1 [sflag:s26], $0x1900  }
0x148: {  	s1 =	sld [smem:$0x7F9]  }
0x149: {  	[sflag:s26] =	ssyncset.done @!p1 $0x0  }
0x14a: {  	[sflag:s26] =	ssyncadd.s32 @!p1 $0xFFFFE700  }
0x14b: {  	[spmem:s1] =	stream.linear.scatter @!p1 [tilespmem:s29], [sflag:$0x7], $0xC8, $0x38;
	[tilespmem:$0x1FE88] =	vst v63  }
0x14c: {  	_ =	swait.ge @!p1 [sflag:s26], $0xC8  }
0x14d: {  	[sflag:s26] =	ssyncset.done @!p1 $0x0  }
0x14e: {  	s1 =	rddreg [dreg:$0x1d];
	[sflag:s26] =	ssyncadd.s32 @!p1 $0xFFFFFF38  }
0x14f: {  	[spmem:s1] =	stream.linear.scatter @!p1 [tilespmem:s5], [sflag:$0x7], $0x1900, $0x38;
	[tilespmem:$0x1FE88] =	vst v63  }
0x150: {  	_ =	swait.ge @!p1 [sflag:s26], $0x1900  }
0x151: {  	s1 =	sld [smem:$0x7FC]  }
0x152: {  	[sflag:s26] =	ssyncset.done @!p1 $0x0  }
0x153: {  	[sflag:s26] =	ssyncadd.s32 @!p1 $0xFFFFE700  }
0x154: {  	[spmem:s1] =	stream.linear.scatter @!p1 [tilespmem:s29], [sflag:$0x7], $0xC8, $0x38;
	[tilespmem:$0x1FE88] =	vst v63  }
0x155: {  	_ =	swait.ge @!p1 [sflag:s26], $0xC8  }
0x156: {  	[sflag:s26] =	ssyncset.done @!p1 $0x0  }
0x157: {  	s1 =	rddreg [dreg:$0x1e];
	[sflag:s26] =	ssyncadd.s32 @!p1 $0xFFFFFF38  }
0x158: {  	[spmem:s1] =	stream.linear.scatter @!p1 [tilespmem:s5], [sflag:$0x7], $0x1900, $0x38;
	[tilespmem:$0x1FE88] =	vst v63  }
0x159: {  	_ =	swait.ge @!p1 [sflag:s26], $0x1900  }
0x15a: {  	s1 =	sld [smem:$0x7F6]  }
0x15b: {  	[sflag:s26] =	ssyncset.done @!p1 $0x0  }
0x15c: {  	[sflag:s26] =	ssyncadd.s32 @!p1 $0xFFFFE700  }
0x15d: {  	[spmem:s1] =	stream.linear.scatter @!p1 [tilespmem:s29], [sflag:$0x7], $0xC8, $0x38;
	[tilespmem:$0x1FE88] =	vst v63  }
0x15e: {  	_ =	swait.ge @!p1 [sflag:s26], $0xC8  }
0x15f: {  	[sflag:s26] =	ssyncset.done @!p1 $0x0  }
0x160: {  	[sflag:s26] =	ssyncadd.s32 @!p1 $0xFFFFFF38  }
0x161: {  	[bflag:$0x0] =	sbarrier.arrive $0xFFFF  }
0x162: {  	s5 =	simm.s32 $0x0;
	s29 =	rddreg [dreg:$0x1f]  }
0x163: {  	[tilespmem:s5], [sflag:$0x7] =	stream.linear.gather [hbm4b:s29+s5], $0x800, $0x38;
	[tilespmem:$0x1FE88] =	vst v63  }
0x164: {  	_ =	swait.ge [sflag:s12], $0x800  }
0x165: {  	[sflag:s12] =	ssyncset.done $0x0  }
0x166: {  	[sflag:s12] =	ssyncadd.s32 $0xFFFFF800  }
0x167: {  	[tilespmem:s15], [sflag:$0x3] =	stream.indirect.gather [hbm4b:s7+s14], $0x20, s5, s14, $0xb8;
	[tilespmem:$0x1FE88] =	vst v63  }
0x168: {  	_ = 	snop  }
0x169: {  	[tilespmem:s16], [sflag:$0x4] =	stream.indirect.gather [hbm4b:s7+s14], $0x20, s14, s14, $0xb8;
	[tilespmem:$0x1FE88] =	vst v63  }
0x16a: {  	s30 =	simm.s32 $0x100  }
0x16b: {  	[tilespmem:s18], [sflag:$0x5] =	stream.indirect.gather [hbm4b:s7+s14], $0x20, s30, s14, $0xb8;
	[tilespmem:$0x1FE88] =	vst v63  }
0x16c: {  	s4 =	simm.s32 $0x180  }
0x16d: {  	[tilespmem:s20], [sflag:$0x6] =	stream.indirect.gather [hbm4b:s7+s14], $0x20, s4, s14, $0xb8;
	[tilespmem:$0x1FE88] =	vst v63  }
0x16e: {  	_ =	swait.ge [sflag:s8], $0x1000  }
0x16f: {  	[sflag:s8] =	ssyncset.done $0x0  }
0x170: {  	s29 =	simm.s32 $0x400;
	[sflag:s8] =	ssyncadd.s32 $0xFFFFF000  }
0x171: {  	[spmem:s2] =	stream.indirect.scatter.add.f32 [tilespmem:s15], [sflag:$0x7], $0x20, s29, s14, $0xb8;
	[tilespmem:$0x1FE88] =	vst v63  }
0x172: {  	_ =	swait.ge [sflag:s12], $0x1000  }
0x173: {  	[sflag:s12] =	ssyncset.done $0x0  }
0x174: {  	[sflag:s12] =	ssyncadd.s32 $0xFFFFF000  }
0x175: {  	[spmem:s3] =	stream.indirect.scatter.add.f32 [tilespmem:s10], [sflag:$0x7], $0x1, s29, s14, $0xb8;
	[tilespmem:$0x1FE88] =	vst v63  }
0x176: {  	_ =	swait.ge [sflag:s12], $0x80  }
0x177: {  	[sflag:s12] =	ssyncset.done $0x0  }
0x178: {  	s6 =	simm.s32 $0x200;
	[sflag:s12] =	ssyncadd.s32 $0xFFFFFF80  }
0x179: {  	[tilespmem:s15], [sflag:$0x3] =	stream.indirect.gather [hbm4b:s7+s14], $0x20, s6, s14, $0xb8;
	[tilespmem:$0x1FE88] =	vst v63  }
0x17a: {  	_ =	swait.ge [sflag:s24], $0x1000  }
0x17b: {  	[sflag:s24] =	ssyncset.done $0x0  }
0x17c: {  	s17 =	simm.s32 $0x480;
	[sflag:s24] =	ssyncadd.s32 $0xFFFFF000  }
0x17d: {  	[spmem:s2] =	stream.indirect.scatter.add.f32 [tilespmem:s16], [sflag:$0x7], $0x20, s17, s14, $0xb8;
	[tilespmem:$0x1FE88] =	vst v63  }
0x17e: {  	_ =	swait.ge [sflag:s12], $0x1000  }
0x17f: {  	[sflag:s12] =	ssyncset.done $0x0  }
0x180: {  	[sflag:s12] =	ssyncadd.s32 $0xFFFFF000  }
0x181: {  	[spmem:s3] =	stream.indirect.scatter.add.f32 [tilespmem:s10], [sflag:$0x7], $0x1, s17, s14, $0xb8;
	[tilespmem:$0x1FE88] =	vst v63  }
0x182: {  	_ =	swait.ge [sflag:s12], $0x80  }
0x183: {  	s26 =	sld [smem:$0x7FD]  }
0x184: {  	[sflag:s12] =	ssyncset.done $0x0  }
0x185: {  	s4 =	simm.s32 $0x800;
	[sflag:s12] =	ssyncadd.s32 $0xFFFFFF80  }
0x186: {  	[tilespmem:s4], [sflag:$0x2] =	stream.linear.gather [hbm4b:s26+s5], $0x800, $0x38;
	[tilespmem:$0x1FE88] =	vst v63  }
0x187: {  	s6 =	simm.s32 $0x280  }
0x188: {  	[tilespmem:s16], [sflag:$0x4] =	stream.indirect.gather [hbm4b:s7+s14], $0x20, s6, s14, $0xb8;
	[tilespmem:$0x1FE88] =	vst v63  }
0x189: {  	_ =	swait.ge [sflag:s0], $0x1000  }
0x18a: {  	[sflag:s0] =	ssyncset.done $0x0  }
0x18b: {  	s4 =	simm.s32 $0x500;
	[sflag:s0] =	ssyncadd.s32 $0xFFFFF000  }
0x18c: {  	[spmem:s2] =	stream.indirect.scatter.add.f32 [tilespmem:s18], [sflag:$0x7], $0x20, s4, s14, $0xb8;
	[tilespmem:$0x1FE88] =	vst v63  }
0x18d: {  	_ =	swait.ge [sflag:s12], $0x1000  }
0x18e: {  	[sflag:s12] =	ssyncset.done $0x0  }
0x18f: {  	[sflag:s12] =	ssyncadd.s32 $0xFFFFF000  }
0x190: {  	[spmem:s3] =	stream.indirect.scatter.add.f32 [tilespmem:s10], [sflag:$0x7], $0x1, s4, s14, $0xb8;
	[tilespmem:$0x1FE88] =	vst v63  }
0x191: {  	_ =	swait.ge [sflag:s12], $0x80  }
0x192: {  	[sflag:s12] =	ssyncset.done $0x0  }
0x193: {  	s17 =	simm.s32 $0x300;
	[sflag:s12] =	ssyncadd.s32 $0xFFFFFF80  }
0x194: {  	[tilespmem:s18], [sflag:$0x5] =	stream.indirect.gather [hbm4b:s7+s14], $0x20, s17, s14, $0xb8;
	[tilespmem:$0x1FE88] =	vst v63  }
0x195: {  	_ =	swait.ge [sflag:s22], $0x1000  }
0x196: {  	[sflag:s22] =	ssyncset.done $0x0  }
0x197: {  	s26 =	simm.s32 $0x580;
	[sflag:s22] =	ssyncadd.s32 $0xFFFFF000  }
0x198: {  	[spmem:s2] =	stream.indirect.scatter.add.f32 [tilespmem:s20], [sflag:$0x7], $0x20, s26, s14, $0xb8;
	[tilespmem:$0x1FE88] =	vst v63  }
0x199: {  	_ =	swait.ge [sflag:s12], $0x1000  }
0x19a: {  	[sflag:s12] =	ssyncset.done $0x0  }
0x19b: {  	[sflag:s12] =	ssyncadd.s32 $0xFFFFF000  }
0x19c: {  	[spmem:s3] =	stream.indirect.scatter.add.f32 [tilespmem:s10], [sflag:$0x7], $0x1, s26, s14, $0xb8;
	[tilespmem:$0x1FE88] =	vst v63  }
0x19d: {  	_ =	swait.ge [sflag:s12], $0x80  }
0x19e: {  	[sflag:s12] =	ssyncset.done $0x0  }
0x19f: {  	s6 =	simm.s32 $0x380;
	[sflag:s12] =	ssyncadd.s32 $0xFFFFFF80  }
0x1a0: {  	[tilespmem:s20], [sflag:$0x6] =	stream.indirect.gather [hbm4b:s7+s14], $0x20, s6, s14, $0xb8;
	[tilespmem:$0x1FE88] =	vst v63  }
0x1a1: {  	_ =	swait.ge [sflag:s8], $0x1000  }
0x1a2: {  	[sflag:s8] =	ssyncset.done $0x0  }
0x1a3: {  	s17 =	simm.s32 $0x600;
	[sflag:s8] =	ssyncadd.s32 $0xFFFFF000  }
0x1a4: {  	[spmem:s2] =	stream.indirect.scatter.add.f32 [tilespmem:s15], [sflag:$0x7], $0x20, s17, s14, $0xb8;
	[tilespmem:$0x1FE88] =	vst v63  }
0x1a5: {  	_ =	swait.ge [sflag:s12], $0x1000  }
0x1a6: {  	[sflag:s12] =	ssyncset.done $0x0  }
0x1a7: {  	[sflag:s12] =	ssyncadd.s32 $0xFFFFF000  }
0x1a8: {  	[spmem:s3] =	stream.indirect.scatter.add.f32 [tilespmem:s10], [sflag:$0x7], $0x1, s17, s14, $0xb8;
	[tilespmem:$0x1FE88] =	vst v63  }
0x1a9: {  	_ =	swait.ge [sflag:s12], $0x80  }
0x1aa: {  	[sflag:s12] =	ssyncset.done $0x0  }
0x1ab: {  	[sflag:s12] =	ssyncadd.s32 $0xFFFFFF80  }
0x1ac: {  	_ =	swait.ge [sflag:s9], $0x800  }
0x1ad: {  	[sflag:s9] =	ssyncset.done $0x0  }
0x1ae: {  	s1 =	simm.s32 $0x800;
	[sflag:s9] =	ssyncadd.s32 $0xFFFFF800  }
0x1af: {  	[tilespmem:s15], [sflag:$0x3] =	stream.indirect.gather [hbm4b:s7+s14], $0x20, s1, s14, $0xb8;
	[tilespmem:$0x1FE88] =	vst v63  }
0x1b0: {  	_ =	swait.ge [sflag:s24], $0x1000  }
0x1b1: {  	[sflag:s24] =	ssyncset.done $0x0  }
0x1b2: {  	s26 =	simm.s32 $0x680;
	[sflag:s24] =	ssyncadd.s32 $0xFFFFF000  }
0x1b3: {  	[spmem:s2] =	stream.indirect.scatter.add.f32 [tilespmem:s16], [sflag:$0x7], $0x20, s26, s14, $0xb8;
	[tilespmem:$0x1FE88] =	vst v63  }
0x1b4: {  	_ =	swait.ge [sflag:s12], $0x1000  }
0x1b5: {  	[sflag:s12] =	ssyncset.done $0x0  }
0x1b6: {  	[sflag:s12] =	ssyncadd.s32 $0xFFFFF000  }
0x1b7: {  	[spmem:s3] =	stream.indirect.scatter.add.f32 [tilespmem:s10], [sflag:$0x7], $0x1, s26, s14, $0xb8;
	[tilespmem:$0x1FE88] =	vst v63  }
0x1b8: {  	_ =	swait.ge [sflag:s12], $0x80  }
0x1b9: {  	[sflag:s12] =	ssyncset.done $0x0  }
0x1ba: {  	s5 =	simm.s32 $0x880;
	[sflag:s12] =	ssyncadd.s32 $0xFFFFFF80  }
0x1bb: {  	[tilespmem:s16], [sflag:$0x4] =	stream.indirect.gather [hbm4b:s7+s14], $0x20, s5, s14, $0xb8;
	[tilespmem:$0x1FE88] =	vst v63  }
0x1bc: {  	_ =	swait.ge [sflag:s0], $0x1000  }
0x1bd: {  	[sflag:s0] =	ssyncset.done $0x0  }
0x1be: {  	s6 =	simm.s32 $0x700;
	[sflag:s0] =	ssyncadd.s32 $0xFFFFF000  }
0x1bf: {  	[spmem:s2] =	stream.indirect.scatter.add.f32 [tilespmem:s18], [sflag:$0x7], $0x20, s6, s14, $0xb8;
	[tilespmem:$0x1FE88] =	vst v63  }
0x1c0: {  	_ =	swait.ge [sflag:s12], $0x1000  }
0x1c1: {  	[sflag:s12] =	ssyncset.done $0x0  }
0x1c2: {  	[sflag:s12] =	ssyncadd.s32 $0xFFFFF000  }
0x1c3: {  	[spmem:s3] =	stream.indirect.scatter.add.f32 [tilespmem:s10], [sflag:$0x7], $0x1, s6, s14, $0xb8;
	[tilespmem:$0x1FE88] =	vst v63  }
0x1c4: {  	_ =	swait.ge [sflag:s12], $0x80  }
0x1c5: {  	[sflag:s12] =	ssyncset.done $0x0  }
0x1c6: {  	s9 =	simm.s32 $0x900;
	[sflag:s12] =	ssyncadd.s32 $0xFFFFFF80  }
0x1c7: {  	[tilespmem:s18], [sflag:$0x5] =	stream.indirect.gather [hbm4b:s7+s14], $0x20, s9, s14, $0xb8;
	[tilespmem:$0x1FE88] =	vst v63  }
0x1c8: {  	_ =	swait.ge [sflag:s22], $0x1000  }
0x1c9: {  	[sflag:s22] =	ssyncset.done $0x0  }
0x1ca: {  	[sflag:s22] =	ssyncadd.s32 $0xFFFFF000  }
0x1cb: {  	[spmem:s2] =	stream.indirect.scatter.add.f32 [tilespmem:s20], [sflag:$0x7], $0x20, s25, s14, $0xb8;
	[tilespmem:$0x1FE88] =	vst v63  }
0x1cc: {  	_ =	swait.ge [sflag:s12], $0x1000  }
0x1cd: {  	[sflag:s12] =	ssyncset.done $0x0  }
0x1ce: {  	[sflag:s12] =	ssyncadd.s32 $0xFFFFF000  }
0x1cf: {  	[spmem:s3] =	stream.indirect.scatter.add.f32 [tilespmem:s10], [sflag:$0x7], $0x1, s25, s14, $0xb8;
	[tilespmem:$0x1FE88] =	vst v63  }
0x1d0: {  	_ =	swait.ge [sflag:s12], $0x80  }
0x1d1: {  	[sflag:s12] =	ssyncset.done $0x0  }
0x1d2: {  	s1 =	simm.s32 $0x980;
	[sflag:s12] =	ssyncadd.s32 $0xFFFFFF80  }
0x1d3: {  	[tilespmem:s20], [sflag:$0x6] =	stream.indirect.gather [hbm4b:s7+s14], $0x20, s1, s14, $0xb8;
	[tilespmem:$0x1FE88] =	vst v63  }
0x1d4: {  	_ =	swait.ge [sflag:s8], $0x1000  }
0x1d5: {  	[sflag:s8] =	ssyncset.done $0x0  }
0x1d6: {  	s17 =	simm.s32 $0xC00;
	[sflag:s8] =	ssyncadd.s32 $0xFFFFF000  }
0x1d7: {  	[spmem:s2] =	stream.indirect.scatter.add.f32 [tilespmem:s15], [sflag:$0x7], $0x20, s17, s14, $0xb8;
	[tilespmem:$0x1FE88] =	vst v63  }
0x1d8: {  	_ =	swait.ge [sflag:s12], $0x1000  }
0x1d9: {  	[sflag:s12] =	ssyncset.done $0x0  }
0x1da: {  	[sflag:s12] =	ssyncadd.s32 $0xFFFFF000  }
0x1db: {  	[spmem:s3] =	stream.indirect.scatter.add.f32 [tilespmem:s10], [sflag:$0x7], $0x1, s17, s14, $0xb8;
	[tilespmem:$0x1FE88] =	vst v63  }
0x1dc: {  	_ =	swait.ge [sflag:s12], $0x80  }
0x1dd: {  	[sflag:s12] =	ssyncset.done $0x0  }
0x1de: {  	[sflag:s12] =	ssyncadd.s32 $0xFFFFFF80  }
0x1df: {  	[tilespmem:s15], [sflag:$0x3] =	stream.indirect.gather [hbm4b:s7+s14], $0x20, s23, s14, $0xb8;
	[tilespmem:$0x1FE88] =	vst v63  }
0x1e0: {  	_ =	swait.ge [sflag:s24], $0x1000  }
0x1e1: {  	[sflag:s24] =	ssyncset.done $0x0  }
0x1e2: {  	[sflag:s24] =	ssyncadd.s32 $0xFFFFF000  }
0x1e3: {  	[spmem:s2] =	stream.indirect.scatter.add.f32 [tilespmem:s16], [sflag:$0x7], $0x20, s11, s14, $0xb8;
	[tilespmem:$0x1FE88] =	vst v63  }
0x1e4: {  	_ =	swait.ge [sflag:s12], $0x1000  }
0x1e5: {  	[sflag:s12] =	ssyncset.done $0x0  }
0x1e6: {  	[sflag:s12] =	ssyncadd.s32 $0xFFFFF000  }
0x1e7: {  	[spmem:s3] =	stream.indirect.scatter.add.f32 [tilespmem:s10], [sflag:$0x7], $0x1, s11, s14, $0xb8;
	[tilespmem:$0x1FE88] =	vst v63  }
0x1e8: {  	_ =	swait.ge [sflag:s12], $0x80  }
0x1e9: {  	s26 =	sld [smem:$0x7F8];
	_ =	sdelay $0x2  }
0x1ea: {  	[sflag:s12] =	ssyncset.done $0x0;
	s17 =	rddreg [dreg:$0x6];
	s23 =	sshrl.u32 s26, $0x3  }
0x1eb: {  	[sflag:s12] =	ssyncadd.s32 $0xFFFFFF80;
	s5 =	sadd.s32 s17, s23;
	s23 =	simm.s32 $0x0  }
0x1ec: {  	[tilespmem:s23], [sflag:$0x1] =	stream.linear.gather [hbm4b:s5+s23], $0x800, $0x38;
	[tilespmem:$0x1FE88] =	vst v63  }
0x1ed: {  	s9 =	simm.s32 $0xA80  }
0x1ee: {  	[tilespmem:s16], [sflag:$0x4] =	stream.indirect.gather [hbm4b:s7+s14], $0x20, s9, s14, $0xb8;
	[tilespmem:$0x1FE88] =	vst v63  }
0x1ef: {  	_ =	swait.ge [sflag:s0], $0x1000  }
0x1f0: {  	[sflag:s0] =	ssyncset.done $0x0  }
0x1f1: {  	[sflag:s0] =	ssyncadd.s32 $0xFFFFF000  }
0x1f2: {  	[spmem:s2] =	stream.indirect.scatter.add.f32 [tilespmem:s18], [sflag:$0x7], $0x20, s21, s14, $0xb8;
	[tilespmem:$0x1FE88] =	vst v63  }
0x1f3: {  	_ =	swait.ge [sflag:s12], $0x1000  }
0x1f4: {  	[sflag:s12] =	ssyncset.done $0x0  }
0x1f5: {  	[sflag:s12] =	ssyncadd.s32 $0xFFFFF000  }
0x1f6: {  	[spmem:s3] =	stream.indirect.scatter.add.f32 [tilespmem:s10], [sflag:$0x7], $0x1, s21, s14, $0xb8;
	[tilespmem:$0x1FE88] =	vst v63  }
0x1f7: {  	_ =	swait.ge [sflag:s12], $0x80  }
0x1f8: {  	[sflag:s12] =	ssyncset.done $0x0  }
0x1f9: {  	s9 =	simm.s32 $0xB00;
	[sflag:s12] =	ssyncadd.s32 $0xFFFFFF80  }
0x1fa: {  	[tilespmem:s18], [sflag:$0x5] =	stream.indirect.gather [hbm4b:s7+s14], $0x20, s9, s14, $0xb8;
	[tilespmem:$0x1FE88] =	vst v63  }
0x1fb: {  	_ =	swait.ge [sflag:s22], $0x1000  }
0x1fc: {  	[sflag:s22] =	ssyncset.done $0x0  }
0x1fd: {  	[sflag:s22] =	ssyncadd.s32 $0xFFFFF000  }
0x1fe: {  	[spmem:s2] =	stream.indirect.scatter.add.f32 [tilespmem:s20], [sflag:$0x7], $0x20, s13, s14, $0xb8;
	[tilespmem:$0x1FE88] =	vst v63  }
0x1ff: {  	_ =	swait.ge [sflag:s12], $0x1000  }
0x200: {  	[sflag:s12] =	ssyncset.done $0x0  }
0x201: {  	[sflag:s12] =	ssyncadd.s32 $0xFFFFF000  }
0x202: {  	[spmem:s3] =	stream.indirect.scatter.add.f32 [tilespmem:s10], [sflag:$0x7], $0x1, s13, s14, $0xb8;
	[tilespmem:$0x1FE88] =	vst v63  }
0x203: {  	_ =	swait.ge [sflag:s12], $0x80  }
0x204: {  	[sflag:s12] =	ssyncset.done $0x0  }
0x205: {  	s9 =	simm.s32 $0xB80;
	[sflag:s12] =	ssyncadd.s32 $0xFFFFFF80  }
0x206: {  	[tilespmem:s20], [sflag:$0x6] =	stream.indirect.gather [hbm4b:s7+s14], $0x20, s9, s14, $0xb8;
	[tilespmem:$0x1FE88] =	vst v63  }
0x207: {  	_ =	swait.ge [sflag:s8], $0x1000  }
0x208: {  	[sflag:s8] =	ssyncset.done $0x0  }
0x209: {  	[sflag:s8] =	ssyncadd.s32 $0xFFFFF000  }
0x20a: {  	[spmem:s2] =	stream.indirect.scatter.add.f32 [tilespmem:s15], [sflag:$0x7], $0x20, s31, s14, $0xb8;
	[tilespmem:$0x1FE88] =	vst v63  }
0x20b: {  	_ =	swait.ge [sflag:s12], $0x1000  }
0x20c: {  	[sflag:s12] =	ssyncset.done $0x0  }
0x20d: {  	[sflag:s12] =	ssyncadd.s32 $0xFFFFF000  }
0x20e: {  	[spmem:s3] =	stream.indirect.scatter.add.f32 [tilespmem:s10], [sflag:$0x7], $0x1, s31, s14, $0xb8;
	[tilespmem:$0x1FE88] =	vst v63  }
0x20f: {  	_ =	swait.ge [sflag:s12], $0x80  }
0x210: {  	[sflag:s12] =	ssyncset.done $0x0  }
0x211: {  	[sflag:s12] =	ssyncadd.s32 $0xFFFFFF80  }
0x212: {  	_ =	swait.ge [sflag:s19], $0x800  }
0x213: {  	[sflag:s19] =	ssyncset.done $0x0  }
0x214: {  	[sflag:s19] =	ssyncadd.s32 $0xFFFFF800  }
0x215: {  	[tilespmem:s15], [sflag:$0x3] =	stream.indirect.gather [hbm4b:s7+s14], $0x20, s23, s14, $0xb8;
	[tilespmem:$0x1FE88] =	vst v63  }
0x216: {  	_ =	swait.ge [sflag:s24], $0x1000  }
0x217: {  	[sflag:s24] =	ssyncset.done $0x0  }
0x218: {  	[sflag:s24] =	ssyncadd.s32 $0xFFFFF000  }
0x219: {  	[spmem:s2] =	stream.indirect.scatter.add.f32 [tilespmem:s16], [sflag:$0x7], $0x20, s28, s14, $0xb8;
	[tilespmem:$0x1FE88] =	vst v63  }
0x21a: {  	_ =	swait.ge [sflag:s12], $0x1000  }
0x21b: {  	[sflag:s12] =	ssyncset.done $0x0  }
0x21c: {  	[sflag:s12] =	ssyncadd.s32 $0xFFFFF000  }
0x21d: {  	[spmem:s3] =	stream.indirect.scatter.add.f32 [tilespmem:s10], [sflag:$0x7], $0x1, s28, s14, $0xb8;
	[tilespmem:$0x1FE88] =	vst v63  }
0x21e: {  	_ =	swait.ge [sflag:s12], $0x80  }
0x21f: {  	[sflag:s12] =	ssyncset.done $0x0  }
0x220: {  	[sflag:s12] =	ssyncadd.s32 $0xFFFFFF80  }
0x221: {  	[tilespmem:s16], [sflag:$0x4] =	stream.indirect.gather [hbm4b:s7+s14], $0x20, s14, s14, $0xb8;
	[tilespmem:$0x1FE88] =	vst v63  }
0x222: {  	_ =	swait.ge [sflag:s0], $0x1000  }
0x223: {  	[sflag:s0] =	ssyncset.done $0x0  }
0x224: {  	s9 =	simm.s32 $0xF00;
	[sflag:s0] =	ssyncadd.s32 $0xFFFFF000  }
0x225: {  	[spmem:s2] =	stream.indirect.scatter.add.f32 [tilespmem:s18], [sflag:$0x7], $0x20, s9, s14, $0xb8;
	[tilespmem:$0x1FE88] =	vst v63  }
0x226: {  	_ =	swait.ge [sflag:s12], $0x1000  }
0x227: {  	[sflag:s12] =	ssyncset.done $0x0  }
0x228: {  	[sflag:s12] =	ssyncadd.s32 $0xFFFFF000  }
0x229: {  	[spmem:s3] =	stream.indirect.scatter.add.f32 [tilespmem:s10], [sflag:$0x7], $0x1, s9, s14, $0xb8;
	[tilespmem:$0x1FE88] =	vst v63  }
0x22a: {  	_ =	swait.ge [sflag:s12], $0x80  }
0x22b: {  	[sflag:s12] =	ssyncset.done $0x0  }
0x22c: {  	[sflag:s12] =	ssyncadd.s32 $0xFFFFFF80  }
0x22d: {  	[tilespmem:s18], [sflag:$0x5] =	stream.indirect.gather [hbm4b:s7+s14], $0x20, s30, s14, $0xb8;
	[tilespmem:$0x1FE88] =	vst v63  }
0x22e: {  	_ =	swait.ge [sflag:s22], $0x1000  }
0x22f: {  	[sflag:s22] =	ssyncset.done $0x0  }
0x230: {  	s30 =	simm.s32 $0xF80;
	[sflag:s22] =	ssyncadd.s32 $0xFFFFF000  }
0x231: {  	[spmem:s2] =	stream.indirect.scatter.add.f32 [tilespmem:s20], [sflag:$0x7], $0x20, s30, s14, $0xb8;
	[tilespmem:$0x1FE88] =	vst v63  }
0x232: {  	_ =	swait.ge [sflag:s12], $0x1000  }
0x233: {  	[sflag:s12] =	ssyncset.done $0x0  }
0x234: {  	[sflag:s12] =	ssyncadd.s32 $0xFFFFF000  }
0x235: {  	[spmem:s3] =	stream.indirect.scatter.add.f32 [tilespmem:s10], [sflag:$0x7], $0x1, s30, s14, $0xb8;
	[tilespmem:$0x1FE88] =	vst v63  }
0x236: {  	_ =	swait.ge [sflag:s12], $0x80  }
0x237: {  	[sflag:s12] =	ssyncset.done $0x0  }
0x238: {  	s5 =	simm.s32 $0x180;
	[sflag:s12] =	ssyncadd.s32 $0xFFFFFF80  }
0x239: {  	[tilespmem:s20], [sflag:$0x6] =	stream.indirect.gather [hbm4b:s7+s14], $0x20, s5, s14, $0xb8;
	[tilespmem:$0x1FE88] =	vst v63  }
0x23a: {  	_ =	swait.ge [sflag:s8], $0x1000  }
0x23b: {  	[sflag:s8] =	ssyncset.done $0x0  }
0x23c: {  	[sflag:s8] =	ssyncadd.s32 $0xFFFFF000  }
0x23d: {  	[spmem:s2] =	stream.indirect.scatter.add.f32 [tilespmem:s15], [sflag:$0x7], $0x20, s29, s14, $0xb8;
	[tilespmem:$0x1FE88] =	vst v63  }
0x23e: {  	_ =	swait.ge [sflag:s12], $0x1000  }
0x23f: {  	[sflag:s12] =	ssyncset.done $0x0  }
0x240: {  	[sflag:s12] =	ssyncadd.s32 $0xFFFFF000  }
0x241: {  	[spmem:s3] =	stream.indirect.scatter.add.f32 [tilespmem:s10], [sflag:$0x7], $0x1, s29, s14, $0xb8;
	[tilespmem:$0x1FE88] =	vst v63  }
0x242: {  	_ =	swait.ge [sflag:s12], $0x80  }
0x243: {  	[sflag:s12] =	ssyncset.done $0x0  }
0x244: {  	s29 =	simm.s32 $0x200;
	[sflag:s12] =	ssyncadd.s32 $0xFFFFFF80  }
0x245: {  	[tilespmem:s15], [sflag:$0x3] =	stream.indirect.gather [hbm4b:s7+s14], $0x20, s29, s14, $0xb8;
	[tilespmem:$0x1FE88] =	vst v63  }
0x246: {  	_ =	swait.ge [sflag:s24], $0x1000  }
0x247: {  	[sflag:s24] =	ssyncset.done $0x0  }
0x248: {  	s29 =	simm.s32 $0x480;
	[sflag:s24] =	ssyncadd.s32 $0xFFFFF000  }
0x249: {  	[spmem:s2] =	stream.indirect.scatter.add.f32 [tilespmem:s16], [sflag:$0x7], $0x20, s29, s14, $0xb8;
	[tilespmem:$0x1FE88] =	vst v63  }
0x24a: {  	_ =	swait.ge [sflag:s12], $0x1000  }
0x24b: {  	[sflag:s12] =	ssyncset.done $0x0  }
0x24c: {  	[sflag:s12] =	ssyncadd.s32 $0xFFFFF000  }
0x24d: {  	[spmem:s3] =	stream.indirect.scatter.add.f32 [tilespmem:s10], [sflag:$0x7], $0x1, s29, s14, $0xb8;
	[tilespmem:$0x1FE88] =	vst v63  }
0x24e: {  	_ =	swait.ge [sflag:s12], $0x80  }
0x24f: {  	s29 =	rddreg [dreg:$0x5];
	[sflag:s12] =	ssyncset.done $0x0  }
0x250: {  	[sflag:s12] =	ssyncadd.s32 $0xFFFFFF80;
	s5 =	sadd.s32 $0x0, s29;
	s29 =	simm.s32 $0x800  }
0x251: {  	[tilespmem:s29], [sflag:$0x2] =	stream.linear.gather [hbm4b:s5+s23], $0x800, $0x38;
	[tilespmem:$0x1FE88] =	vst v63  }
0x252: {  	s29 =	simm.s32 $0x280  }
0x253: {  	[tilespmem:s16], [sflag:$0x4] =	stream.indirect.gather [hbm4b:s7+s14], $0x20, s29, s14, $0xb8;
	[tilespmem:$0x1FE88] =	vst v63  }
0x254: {  	_ =	swait.ge [sflag:s0], $0x1000  }
0x255: {  	[sflag:s0] =	ssyncset.done $0x0  }
0x256: {  	[sflag:s0] =	ssyncadd.s32 $0xFFFFF000  }
0x257: {  	[spmem:s2] =	stream.indirect.scatter.add.f32 [tilespmem:s18], [sflag:$0x7], $0x20, s4, s14, $0xb8;
	[tilespmem:$0x1FE88] =	vst v63  }
0x258: {  	_ =	swait.ge [sflag:s12], $0x1000  }
0x259: {  	[sflag:s12] =	ssyncset.done $0x0  }
0x25a: {  	[sflag:s12] =	ssyncadd.s32 $0xFFFFF000  }
0x25b: {  	[spmem:s3] =	stream.indirect.scatter.add.f32 [tilespmem:s10], [sflag:$0x7], $0x1, s4, s14, $0xb8;
	[tilespmem:$0x1FE88] =	vst v63  }
0x25c: {  	_ =	swait.ge [sflag:s12], $0x80  }
0x25d: {  	[sflag:s12] =	ssyncset.done $0x0  }
0x25e: {  	s29 =	simm.s32 $0x300;
	[sflag:s12] =	ssyncadd.s32 $0xFFFFFF80  }
0x25f: {  	[tilespmem:s18], [sflag:$0x5] =	stream.indirect.gather [hbm4b:s7+s14], $0x20, s29, s14, $0xb8;
	[tilespmem:$0x1FE88] =	vst v63  }
0x260: {  	_ =	swait.ge [sflag:s22], $0x1000  }
0x261: {  	[sflag:s22] =	ssyncset.done $0x0  }
0x262: {  	s29 =	simm.s32 $0x580;
	[sflag:s22] =	ssyncadd.s32 $0xFFFFF000  }
0x263: {  	[spmem:s2] =	stream.indirect.scatter.add.f32 [tilespmem:s20], [sflag:$0x7], $0x20, s29, s14, $0xb8;
	[tilespmem:$0x1FE88] =	vst v63  }
0x264: {  	_ =	swait.ge [sflag:s12], $0x1000  }
0x265: {  	[sflag:s12] =	ssyncset.done $0x0  }
0x266: {  	[sflag:s12] =	ssyncadd.s32 $0xFFFFF000  }
0x267: {  	[spmem:s3] =	stream.indirect.scatter.add.f32 [tilespmem:s10], [sflag:$0x7], $0x1, s29, s14, $0xb8;
	[tilespmem:$0x1FE88] =	vst v63  }
0x268: {  	_ =	swait.ge [sflag:s12], $0x80  }
0x269: {  	[sflag:s12] =	ssyncset.done $0x0  }
0x26a: {  	s29 =	simm.s32 $0x380;
	[sflag:s12] =	ssyncadd.s32 $0xFFFFFF80  }
0x26b: {  	[tilespmem:s20], [sflag:$0x6] =	stream.indirect.gather [hbm4b:s7+s14], $0x20, s29, s14, $0xb8;
	[tilespmem:$0x1FE88] =	vst v63  }
0x26c: {  	_ =	swait.ge [sflag:s8], $0x1000  }
0x26d: {  	[sflag:s8] =	ssyncset.done $0x0  }
0x26e: {  	s29 =	simm.s32 $0x600;
	[sflag:s8] =	ssyncadd.s32 $0xFFFFF000  }
0x26f: {  	[spmem:s2] =	stream.indirect.scatter.add.f32 [tilespmem:s15], [sflag:$0x7], $0x20, s29, s14, $0xb8;
	[tilespmem:$0x1FE88] =	vst v63  }
0x270: {  	_ =	swait.ge [sflag:s12], $0x1000  }
0x271: {  	[sflag:s12] =	ssyncset.done $0x0  }
0x272: {  	[sflag:s12] =	ssyncadd.s32 $0xFFFFF000  }
0x273: {  	[spmem:s3] =	stream.indirect.scatter.add.f32 [tilespmem:s10], [sflag:$0x7], $0x1, s29, s14, $0xb8;
	[tilespmem:$0x1FE88] =	vst v63  }
0x274: {  	_ =	swait.ge [sflag:s12], $0x80  }
0x275: {  	[sflag:s12] =	ssyncset.done $0x0  }
0x276: {  	s6 =	simm.s32 $0x2;
	[sflag:s12] =	ssyncadd.s32 $0xFFFFFF80  }
0x277: {  	_ =	swait.ge [sflag:s6], $0x800  }
0x278: {  	[sflag:s6] =	ssyncset.done $0x0  }
0x279: {  	s5 =	simm.s32 $0x800;
	[sflag:s6] =	ssyncadd.s32 $0xFFFFF800  }
0x27a: {  	[tilespmem:s15], [sflag:$0x3] =	stream.indirect.gather [hbm4b:s7+s14], $0x20, s5, s14, $0xb8;
	[tilespmem:$0x1FE88] =	vst v63  }
0x27b: {  	_ =	swait.ge [sflag:s24], $0x1000  }
0x27c: {  	[sflag:s24] =	ssyncset.done $0x0  }
0x27d: {  	s5 =	simm.s32 $0x680;
	[sflag:s24] =	ssyncadd.s32 $0xFFFFF000  }
0x27e: {  	[spmem:s2] =	stream.indirect.scatter.add.f32 [tilespmem:s16], [sflag:$0x7], $0x20, s5, s14, $0xb8;
	[tilespmem:$0x1FE88] =	vst v63  }
0x27f: {  	_ =	swait.ge [sflag:s12], $0x1000  }
0x280: {  	[sflag:s12] =	ssyncset.done $0x0  }
0x281: {  	[sflag:s12] =	ssyncadd.s32 $0xFFFFF000  }
0x282: {  	[spmem:s3] =	stream.indirect.scatter.add.f32 [tilespmem:s10], [sflag:$0x7], $0x1, s5, s14, $0xb8;
	[tilespmem:$0x1FE88] =	vst v63  }
0x283: {  	_ =	swait.ge [sflag:s12], $0x80  }
0x284: {  	[sflag:s12] =	ssyncset.done $0x0  }
0x285: {  	s29 =	simm.s32 $0x880;
	[sflag:s12] =	ssyncadd.s32 $0xFFFFFF80  }
0x286: {  	[tilespmem:s16], [sflag:$0x4] =	stream.indirect.gather [hbm4b:s7+s14], $0x20, s29, s14, $0xb8;
	[tilespmem:$0x1FE88] =	vst v63  }
0x287: {  	_ =	swait.ge [sflag:s0], $0x1000  }
0x288: {  	[sflag:s0] =	ssyncset.done $0x0  }
0x289: {  	s5 =	simm.s32 $0x700;
	[sflag:s0] =	ssyncadd.s32 $0xFFFFF000  }
0x28a: {  	[spmem:s2] =	stream.indirect.scatter.add.f32 [tilespmem:s18], [sflag:$0x7], $0x20, s5, s14, $0xb8;
	[tilespmem:$0x1FE88] =	vst v63  }
0x28b: {  	_ =	swait.ge [sflag:s12], $0x1000  }
0x28c: {  	[sflag:s12] =	ssyncset.done $0x0  }
0x28d: {  	[sflag:s12] =	ssyncadd.s32 $0xFFFFF000  }
0x28e: {  	[spmem:s3] =	stream.indirect.scatter.add.f32 [tilespmem:s10], [sflag:$0x7], $0x1, s5, s14, $0xb8;
	[tilespmem:$0x1FE88] =	vst v63  }
0x28f: {  	_ =	swait.ge [sflag:s12], $0x80  }
0x290: {  	[sflag:s12] =	ssyncset.done $0x0  }
0x291: {  	s29 =	simm.s32 $0x900;
	[sflag:s12] =	ssyncadd.s32 $0xFFFFFF80  }
0x292: {  	[tilespmem:s18], [sflag:$0x5] =	stream.indirect.gather [hbm4b:s7+s14], $0x20, s29, s14, $0xb8;
	[tilespmem:$0x1FE88] =	vst v63  }
0x293: {  	_ =	swait.ge [sflag:s22], $0x1000  }
0x294: {  	[sflag:s22] =	ssyncset.done $0x0  }
0x295: {  	[sflag:s22] =	ssyncadd.s32 $0xFFFFF000  }
0x296: {  	[spmem:s2] =	stream.indirect.scatter.add.f32 [tilespmem:s20], [sflag:$0x7], $0x20, s25, s14, $0xb8;
	[tilespmem:$0x1FE88] =	vst v63  }
0x297: {  	_ =	swait.ge [sflag:s12], $0x1000  }
0x298: {  	[sflag:s12] =	ssyncset.done $0x0  }
0x299: {  	[sflag:s12] =	ssyncadd.s32 $0xFFFFF000  }
0x29a: {  	[spmem:s3] =	stream.indirect.scatter.add.f32 [tilespmem:s10], [sflag:$0x7], $0x1, s25, s14, $0xb8;
	[tilespmem:$0x1FE88] =	vst v63  }
0x29b: {  	_ =	swait.ge [sflag:s12], $0x80  }
0x29c: {  	s5 =	simm.s32 $0x200;
	[sflag:s12] =	ssyncset.done $0x0  }
.LBB2_4:
0x29d: {  	[sflag:s12] =	ssyncadd.s32 $0xFFFFFF80  }
0x29e: {  	[tilespmem:s20], [sflag:$0x6] =	stream.indirect.gather [hbm4b:s7+s14], $0x20, s1, s14, $0xb8;
	[tilespmem:$0x1FE88] =	vst v63  }
0x29f: {  	_ =	swait.ge [sflag:s8], $0x1000  }
0x2a0: {  	[sflag:s8] =	ssyncset.done $0x0  }
0x2a1: {  	s4 =	simm.s32 $0xC00;
	[sflag:s8] =	ssyncadd.s32 $0xFFFFF000  }
0x2a2: {  	[spmem:s2] =	stream.indirect.scatter.add.f32 [tilespmem:s15], [sflag:$0x7], $0x20, s4, s14, $0xb8;
	[tilespmem:$0x1FE88] =	vst v63  }
0x2a3: {  	_ =	swait.ge [sflag:s12], $0x1000  }
0x2a4: {  	[sflag:s12] =	ssyncset.done $0x0  }
0x2a5: {  	[sflag:s12] =	ssyncadd.s32 $0xFFFFF000  }
0x2a6: {  	[spmem:s3] =	stream.indirect.scatter.add.f32 [tilespmem:s10], [sflag:$0x7], $0x1, s4, s14, $0xb8;
	[tilespmem:$0x1FE88] =	vst v63  }
0x2a7: {  	_ =	swait.ge [sflag:s12], $0x80  }
0x2a8: {  	[sflag:s12] =	ssyncset.done $0x0  }
0x2a9: {  	s4 =	simm.s32 $0xA00;
	[sflag:s12] =	ssyncadd.s32 $0xFFFFFF80  }
0x2aa: {  	[tilespmem:s15], [sflag:$0x3] =	stream.indirect.gather [hbm4b:s7+s14], $0x20, s4, s14, $0xb8;
	[tilespmem:$0x1FE88] =	vst v63  }
0x2ab: {  	_ =	swait.ge [sflag:s24], $0x1000  }
0x2ac: {  	[sflag:s24] =	ssyncset.done $0x0  }
0x2ad: {  	[sflag:s24] =	ssyncadd.s32 $0xFFFFF000  }
0x2ae: {  	[spmem:s2] =	stream.indirect.scatter.add.f32 [tilespmem:s16], [sflag:$0x7], $0x20, s11, s14, $0xb8;
	[tilespmem:$0x1FE88] =	vst v63  }
0x2af: {  	_ =	swait.ge [sflag:s12], $0x1000  }
0x2b0: {  	[sflag:s12] =	ssyncset.done $0x0  }
0x2b1: {  	[sflag:s12] =	ssyncadd.s32 $0xFFFFF000  }
0x2b2: {  	[spmem:s3] =	stream.indirect.scatter.add.f32 [tilespmem:s10], [sflag:$0x7], $0x1, s11, s14, $0xb8;
	[tilespmem:$0x1FE88] =	vst v63  }
0x2b3: {  	s26 =	sadd.s32 $0x1000, s26;
	_ =	swait.ge [sflag:s12], $0x80  }
0x2b4: {  	s4 =	sshrl.u32 s26, $0x3;
	[sflag:s12] =	ssyncset.done $0x0  }
0x2b5: {  	s1 =	sadd.s32 s17, s4;
	[sflag:s12] =	ssyncadd.s32 $0xFFFFFF80  }
0x2b6: {  	[tilespmem:s23], [sflag:$0x1] =	stream.linear.gather [hbm4b:s1+s23], $0x800, $0x38;
	[tilespmem:$0x1FE88] =	vst v63  }
0x2b7: {  	s4 =	simm.s32 $0xA80  }
0x2b8: {  	[tilespmem:s16], [sflag:$0x4] =	stream.indirect.gather [hbm4b:s7+s14], $0x20, s4, s14, $0xb8;
	[tilespmem:$0x1FE88] =	vst v63  }
0x2b9: {  	_ =	swait.ge [sflag:s0], $0x1000  }
0x2ba: {  	[sflag:s0] =	ssyncset.done $0x0  }
0x2bb: {  	[sflag:s0] =	ssyncadd.s32 $0xFFFFF000  }
0x2bc: {  	[spmem:s2] =	stream.indirect.scatter.add.f32 [tilespmem:s18], [sflag:$0x7], $0x20, s21, s14, $0xb8;
	[tilespmem:$0x1FE88] =	vst v63  }
0x2bd: {  	_ =	swait.ge [sflag:s12], $0x1000  }
0x2be: {  	[sflag:s12] =	ssyncset.done $0x0  }
0x2bf: {  	[sflag:s12] =	ssyncadd.s32 $0xFFFFF000  }
0x2c0: {  	[spmem:s3] =	stream.indirect.scatter.add.f32 [tilespmem:s10], [sflag:$0x7], $0x1, s21, s14, $0xb8;
	[tilespmem:$0x1FE88] =	vst v63  }
0x2c1: {  	_ =	swait.ge [sflag:s12], $0x80  }
0x2c2: {  	[sflag:s12] =	ssyncset.done $0x0  }
0x2c3: {  	s4 =	simm.s32 $0xB00;
	[sflag:s12] =	ssyncadd.s32 $0xFFFFFF80  }
0x2c4: {  	[tilespmem:s18], [sflag:$0x5] =	stream.indirect.gather [hbm4b:s7+s14], $0x20, s4, s14, $0xb8;
	[tilespmem:$0x1FE88] =	vst v63  }
0x2c5: {  	_ =	swait.ge [sflag:s22], $0x1000  }
0x2c6: {  	[sflag:s22] =	ssyncset.done $0x0  }
0x2c7: {  	[sflag:s22] =	ssyncadd.s32 $0xFFFFF000  }
0x2c8: {  	[spmem:s2] =	stream.indirect.scatter.add.f32 [tilespmem:s20], [sflag:$0x7], $0x20, s13, s14, $0xb8;
	[tilespmem:$0x1FE88] =	vst v63  }
0x2c9: {  	_ =	swait.ge [sflag:s12], $0x1000  }
0x2ca: {  	[sflag:s12] =	ssyncset.done $0x0  }
0x2cb: {  	[sflag:s12] =	ssyncadd.s32 $0xFFFFF000  }
0x2cc: {  	[spmem:s3] =	stream.indirect.scatter.add.f32 [tilespmem:s10], [sflag:$0x7], $0x1, s13, s14, $0xb8;
	[tilespmem:$0x1FE88] =	vst v63  }
0x2cd: {  	_ =	swait.ge [sflag:s12], $0x80  }
0x2ce: {  	[sflag:s12] =	ssyncset.done $0x0  }
0x2cf: {  	s4 =	simm.s32 $0xB80;
	[sflag:s12] =	ssyncadd.s32 $0xFFFFFF80  }
0x2d0: {  	[tilespmem:s20], [sflag:$0x6] =	stream.indirect.gather [hbm4b:s7+s14], $0x20, s4, s14, $0xb8;
	[tilespmem:$0x1FE88] =	vst v63  }
0x2d1: {  	_ =	swait.ge [sflag:s8], $0x1000  }
0x2d2: {  	[sflag:s8] =	ssyncset.done $0x0  }
0x2d3: {  	[sflag:s8] =	ssyncadd.s32 $0xFFFFF000  }
0x2d4: {  	[spmem:s2] =	stream.indirect.scatter.add.f32 [tilespmem:s15], [sflag:$0x7], $0x20, s31, s14, $0xb8;
	[tilespmem:$0x1FE88] =	vst v63  }
0x2d5: {  	_ =	swait.ge [sflag:s12], $0x1000  }
0x2d6: {  	[sflag:s12] =	ssyncset.done $0x0  }
0x2d7: {  	[sflag:s12] =	ssyncadd.s32 $0xFFFFF000  }
0x2d8: {  	[spmem:s3] =	stream.indirect.scatter.add.f32 [tilespmem:s10], [sflag:$0x7], $0x1, s31, s14, $0xb8;
	[tilespmem:$0x1FE88] =	vst v63  }
0x2d9: {  	_ =	swait.ge [sflag:s12], $0x80  }
0x2da: {  	[sflag:s12] =	ssyncset.done $0x0  }
0x2db: {  	[sflag:s12] =	ssyncadd.s32 $0xFFFFFF80  }
0x2dc: {  	_ =	swait.ge [sflag:s19], $0x800  }
0x2dd: {  	[sflag:s19] =	ssyncset.done $0x0  }
0x2de: {  	[sflag:s19] =	ssyncadd.s32 $0xFFFFF800  }
0x2df: {  	[tilespmem:s15], [sflag:$0x3] =	stream.indirect.gather [hbm4b:s7+s14], $0x20, s23, s14, $0xb8;
	[tilespmem:$0x1FE88] =	vst v63  }
0x2e0: {  	_ =	swait.ge [sflag:s24], $0x1000  }
0x2e1: {  	[sflag:s24] =	ssyncset.done $0x0  }
0x2e2: {  	[sflag:s24] =	ssyncadd.s32 $0xFFFFF000  }
0x2e3: {  	[spmem:s2] =	stream.indirect.scatter.add.f32 [tilespmem:s16], [sflag:$0x7], $0x20, s28, s14, $0xb8;
	[tilespmem:$0x1FE88] =	vst v63  }
0x2e4: {  	_ =	swait.ge [sflag:s12], $0x1000  }
0x2e5: {  	[sflag:s12] =	ssyncset.done $0x0  }
0x2e6: {  	[sflag:s12] =	ssyncadd.s32 $0xFFFFF000  }
0x2e7: {  	[spmem:s3] =	stream.indirect.scatter.add.f32 [tilespmem:s10], [sflag:$0x7], $0x1, s28, s14, $0xb8;
	[tilespmem:$0x1FE88] =	vst v63  }
0x2e8: {  	_ =	swait.ge [sflag:s12], $0x80  }
0x2e9: {  	[sflag:s12] =	ssyncset.done $0x0  }
0x2ea: {  	[sflag:s12] =	ssyncadd.s32 $0xFFFFFF80  }
0x2eb: {  	[tilespmem:s16], [sflag:$0x4] =	stream.indirect.gather [hbm4b:s7+s14], $0x20, s14, s14, $0xb8;
	[tilespmem:$0x1FE88] =	vst v63  }
0x2ec: {  	_ =	swait.ge [sflag:s0], $0x1000  }
0x2ed: {  	[sflag:s0] =	ssyncset.done $0x0  }
0x2ee: {  	[sflag:s0] =	ssyncadd.s32 $0xFFFFF000  }
0x2ef: {  	[spmem:s2] =	stream.indirect.scatter.add.f32 [tilespmem:s18], [sflag:$0x7], $0x20, s9, s14, $0xb8;
	[tilespmem:$0x1FE88] =	vst v63  }
0x2f0: {  	_ =	swait.ge [sflag:s12], $0x1000  }
0x2f1: {  	[sflag:s12] =	ssyncset.done $0x0  }
0x2f2: {  	[sflag:s12] =	ssyncadd.s32 $0xFFFFF000  }
0x2f3: {  	[spmem:s3] =	stream.indirect.scatter.add.f32 [tilespmem:s10], [sflag:$0x7], $0x1, s9, s14, $0xb8;
	[tilespmem:$0x1FE88] =	vst v63  }
0x2f4: {  	_ =	swait.ge [sflag:s12], $0x80  }
0x2f5: {  	[sflag:s12] =	ssyncset.done $0x0  }
0x2f6: {  	s4 =	simm.s32 $0x100;
	[sflag:s12] =	ssyncadd.s32 $0xFFFFFF80  }
0x2f7: {  	[tilespmem:s18], [sflag:$0x5] =	stream.indirect.gather [hbm4b:s7+s14], $0x20, s4, s14, $0xb8;
	[tilespmem:$0x1FE88] =	vst v63  }
0x2f8: {  	_ =	swait.ge [sflag:s22], $0x1000  }
0x2f9: {  	[sflag:s22] =	ssyncset.done $0x0  }
0x2fa: {  	[sflag:s22] =	ssyncadd.s32 $0xFFFFF000  }
0x2fb: {  	[spmem:s2] =	stream.indirect.scatter.add.f32 [tilespmem:s20], [sflag:$0x7], $0x20, s30, s14, $0xb8;
	[tilespmem:$0x1FE88] =	vst v63  }
0x2fc: {  	_ =	swait.ge [sflag:s12], $0x1000  }
0x2fd: {  	[sflag:s12] =	ssyncset.done $0x0  }
0x2fe: {  	[sflag:s12] =	ssyncadd.s32 $0xFFFFF000  }
0x2ff: {  	[spmem:s3] =	stream.indirect.scatter.add.f32 [tilespmem:s10], [sflag:$0x7], $0x1, s30, s14, $0xb8;
	[tilespmem:$0x1FE88] =	vst v63  }
0x300: {  	_ =	swait.ge [sflag:s12], $0x80  }
0x301: {  	[sflag:s12] =	ssyncset.done $0x0  }
0x302: {  	s4 =	simm.s32 $0x180;
	[sflag:s12] =	ssyncadd.s32 $0xFFFFFF80  }
0x303: {  	[tilespmem:s20], [sflag:$0x6] =	stream.indirect.gather [hbm4b:s7+s14], $0x20, s4, s14, $0xb8;
	[tilespmem:$0x1FE88] =	vst v63  }
0x304: {  	_ =	swait.ge [sflag:s8], $0x1000  }
0x305: {  	[sflag:s8] =	ssyncset.done $0x0  }
0x306: {  	s4 =	simm.s32 $0x400;
	[sflag:s8] =	ssyncadd.s32 $0xFFFFF000  }
0x307: {  	[spmem:s2] =	stream.indirect.scatter.add.f32 [tilespmem:s15], [sflag:$0x7], $0x20, s4, s14, $0xb8;
	[tilespmem:$0x1FE88] =	vst v63  }
0x308: {  	_ =	swait.ge [sflag:s12], $0x1000  }
0x309: {  	[sflag:s12] =	ssyncset.done $0x0  }
0x30a: {  	[sflag:s12] =	ssyncadd.s32 $0xFFFFF000  }
0x30b: {  	[spmem:s3] =	stream.indirect.scatter.add.f32 [tilespmem:s10], [sflag:$0x7], $0x1, s4, s14, $0xb8;
	[tilespmem:$0x1FE88] =	vst v63  }
0x30c: {  	_ =	swait.ge [sflag:s12], $0x80  }
0x30d: {  	[sflag:s12] =	ssyncset.done $0x0  }
0x30e: {  	s4 =	simm.s32 $0x200;
	[sflag:s12] =	ssyncadd.s32 $0xFFFFFF80  }
0x30f: {  	[tilespmem:s15], [sflag:$0x3] =	stream.indirect.gather [hbm4b:s7+s14], $0x20, s4, s14, $0xb8;
	[tilespmem:$0x1FE88] =	vst v63  }
0x310: {  	_ =	swait.ge [sflag:s24], $0x1000  }
0x311: {  	[sflag:s24] =	ssyncset.done $0x0  }
0x312: {  	s4 =	simm.s32 $0x480;
	[sflag:s24] =	ssyncadd.s32 $0xFFFFF000  }
0x313: {  	[spmem:s2] =	stream.indirect.scatter.add.f32 [tilespmem:s16], [sflag:$0x7], $0x20, s4, s14, $0xb8;
	[tilespmem:$0x1FE88] =	vst v63  }
0x314: {  	_ =	swait.ge [sflag:s12], $0x1000  }
0x315: {  	[sflag:s12] =	ssyncset.done $0x0  }
0x316: {  	[sflag:s12] =	ssyncadd.s32 $0xFFFFF000  }
0x317: {  	[spmem:s3] =	stream.indirect.scatter.add.f32 [tilespmem:s10], [sflag:$0x7], $0x1, s4, s14, $0xb8;
	[tilespmem:$0x1FE88] =	vst v63  }
0x318: {  	_ =	swait.ge [sflag:s12], $0x80  }
0x319: {  	s29 =	smov.u32 s5;
	s4 =	rddreg [dreg:$0x5];
	[sflag:s12] =	ssyncset.done $0x0  }
0x31a: {  	[sflag:s12] =	ssyncadd.s32 $0xFFFFFF80;
	s1 =	sadd.s32 s29, s4;
	s29 =	simm.s32 $0x800  }
0x31b: {  	[tilespmem:s29], [sflag:$0x2] =	stream.linear.gather [hbm4b:s1+s23], $0x800, $0x38;
	[tilespmem:$0x1FE88] =	vst v63  }
0x31c: {  	s4 =	simm.s32 $0x280  }
0x31d: {  	[tilespmem:s16], [sflag:$0x4] =	stream.indirect.gather [hbm4b:s7+s14], $0x20, s4, s14, $0xb8;
	[tilespmem:$0x1FE88] =	vst v63  }
0x31e: {  	_ =	swait.ge [sflag:s0], $0x1000  }
0x31f: {  	[sflag:s0] =	ssyncset.done $0x0  }
0x320: {  	s4 =	simm.s32 $0x500;
	[sflag:s0] =	ssyncadd.s32 $0xFFFFF000  }
0x321: {  	[spmem:s2] =	stream.indirect.scatter.add.f32 [tilespmem:s18], [sflag:$0x7], $0x20, s4, s14, $0xb8;
	[tilespmem:$0x1FE88] =	vst v63  }
0x322: {  	_ =	swait.ge [sflag:s12], $0x1000  }
0x323: {  	[sflag:s12] =	ssyncset.done $0x0  }
0x324: {  	[sflag:s12] =	ssyncadd.s32 $0xFFFFF000  }
0x325: {  	[spmem:s3] =	stream.indirect.scatter.add.f32 [tilespmem:s10], [sflag:$0x7], $0x1, s4, s14, $0xb8;
	[tilespmem:$0x1FE88] =	vst v63  }
0x326: {  	_ =	swait.ge [sflag:s12], $0x80  }
0x327: {  	[sflag:s12] =	ssyncset.done $0x0  }
0x328: {  	s4 =	simm.s32 $0x300;
	[sflag:s12] =	ssyncadd.s32 $0xFFFFFF80  }
0x329: {  	[tilespmem:s18], [sflag:$0x5] =	stream.indirect.gather [hbm4b:s7+s14], $0x20, s4, s14, $0xb8;
	[tilespmem:$0x1FE88] =	vst v63  }
0x32a: {  	_ =	swait.ge [sflag:s22], $0x1000  }
0x32b: {  	[sflag:s22] =	ssyncset.done $0x0  }
0x32c: {  	s4 =	simm.s32 $0x580;
	[sflag:s22] =	ssyncadd.s32 $0xFFFFF000  }
0x32d: {  	[spmem:s2] =	stream.indirect.scatter.add.f32 [tilespmem:s20], [sflag:$0x7], $0x20, s4, s14, $0xb8;
	[tilespmem:$0x1FE88] =	vst v63  }
0x32e: {  	_ =	swait.ge [sflag:s12], $0x1000  }
0x32f: {  	[sflag:s12] =	ssyncset.done $0x0  }
0x330: {  	[sflag:s12] =	ssyncadd.s32 $0xFFFFF000  }
0x331: {  	[spmem:s3] =	stream.indirect.scatter.add.f32 [tilespmem:s10], [sflag:$0x7], $0x1, s4, s14, $0xb8;
	[tilespmem:$0x1FE88] =	vst v63  }
0x332: {  	_ =	swait.ge [sflag:s12], $0x80  }
0x333: {  	[sflag:s12] =	ssyncset.done $0x0  }
0x334: {  	s4 =	simm.s32 $0x380;
	[sflag:s12] =	ssyncadd.s32 $0xFFFFFF80  }
0x335: {  	[tilespmem:s20], [sflag:$0x6] =	stream.indirect.gather [hbm4b:s7+s14], $0x20, s4, s14, $0xb8;
	[tilespmem:$0x1FE88] =	vst v63  }
0x336: {  	_ =	swait.ge [sflag:s8], $0x1000  }
0x337: {  	[sflag:s8] =	ssyncset.done $0x0  }
0x338: {  	s4 =	simm.s32 $0x600;
	[sflag:s8] =	ssyncadd.s32 $0xFFFFF000  }
0x339: {  	[spmem:s2] =	stream.indirect.scatter.add.f32 [tilespmem:s15], [sflag:$0x7], $0x20, s4, s14, $0xb8;
	[tilespmem:$0x1FE88] =	vst v63  }
0x33a: {  	_ =	swait.ge [sflag:s12], $0x1000  }
0x33b: {  	[sflag:s12] =	ssyncset.done $0x0  }
0x33c: {  	[sflag:s12] =	ssyncadd.s32 $0xFFFFF000  }
0x33d: {  	[spmem:s3] =	stream.indirect.scatter.add.f32 [tilespmem:s10], [sflag:$0x7], $0x1, s4, s14, $0xb8;
	[tilespmem:$0x1FE88] =	vst v63  }
0x33e: {  	_ =	swait.ge [sflag:s12], $0x80  }
0x33f: {  	[sflag:s12] =	ssyncset.done $0x0  }
0x340: {  	[sflag:s12] =	ssyncadd.s32 $0xFFFFFF80  }
0x341: {  	_ =	swait.ge [sflag:s6], $0x800  }
0x342: {  	[sflag:s6] =	ssyncset.done $0x0  }
0x343: {  	[sflag:s6] =	ssyncadd.s32 $0xFFFFF800  }
0x344: {  	[tilespmem:s15], [sflag:$0x3] =	stream.indirect.gather [hbm4b:s7+s14], $0x20, s29, s14, $0xb8;
	[tilespmem:$0x1FE88] =	vst v63  }
0x345: {  	_ =	swait.ge [sflag:s24], $0x1000  }
0x346: {  	[sflag:s24] =	ssyncset.done $0x0  }
0x347: {  	s29 =	simm.s32 $0x680;
	[sflag:s24] =	ssyncadd.s32 $0xFFFFF000  }
0x348: {  	[spmem:s2] =	stream.indirect.scatter.add.f32 [tilespmem:s16], [sflag:$0x7], $0x20, s29, s14, $0xb8;
	[tilespmem:$0x1FE88] =	vst v63  }
0x349: {  	_ =	swait.ge [sflag:s12], $0x1000  }
0x34a: {  	[sflag:s12] =	ssyncset.done $0x0  }
0x34b: {  	[sflag:s12] =	ssyncadd.s32 $0xFFFFF000  }
0x34c: {  	[spmem:s3] =	stream.indirect.scatter.add.f32 [tilespmem:s10], [sflag:$0x7], $0x1, s29, s14, $0xb8;
	[tilespmem:$0x1FE88] =	vst v63  }
0x34d: {  	_ =	swait.ge [sflag:s12], $0x80  }
0x34e: {  	[sflag:s12] =	ssyncset.done $0x0  }
0x34f: {  	s29 =	simm.s32 $0x880;
	[sflag:s12] =	ssyncadd.s32 $0xFFFFFF80  }
0x350: {  	[tilespmem:s16], [sflag:$0x4] =	stream.indirect.gather [hbm4b:s7+s14], $0x20, s29, s14, $0xb8;
	[tilespmem:$0x1FE88] =	vst v63  }
0x351: {  	_ =	swait.ge [sflag:s0], $0x1000  }
0x352: {  	[sflag:s0] =	ssyncset.done $0x0  }
0x353: {  	s29 =	simm.s32 $0x700;
	[sflag:s0] =	ssyncadd.s32 $0xFFFFF000  }
0x354: {  	[spmem:s2] =	stream.indirect.scatter.add.f32 [tilespmem:s18], [sflag:$0x7], $0x20, s29, s14, $0xb8;
	[tilespmem:$0x1FE88] =	vst v63  }
0x355: {  	_ =	swait.ge [sflag:s12], $0x1000  }
0x356: {  	[sflag:s12] =	ssyncset.done $0x0  }
0x357: {  	[sflag:s12] =	ssyncadd.s32 $0xFFFFF000  }
0x358: {  	[spmem:s3] =	stream.indirect.scatter.add.f32 [tilespmem:s10], [sflag:$0x7], $0x1, s29, s14, $0xb8;
	[tilespmem:$0x1FE88] =	vst v63  }
0x359: {  	_ =	swait.ge [sflag:s12], $0x80  }
0x35a: {  	[sflag:s12] =	ssyncset.done $0x0  }
0x35b: {  	s29 =	simm.s32 $0x900;
	[sflag:s12] =	ssyncadd.s32 $0xFFFFFF80  }
0x35c: {  	[tilespmem:s18], [sflag:$0x5] =	stream.indirect.gather [hbm4b:s7+s14], $0x20, s29, s14, $0xb8;
	[tilespmem:$0x1FE88] =	vst v63  }
0x35d: {  	_ =	swait.ge [sflag:s22], $0x1000  }
0x35e: {  	[sflag:s22] =	ssyncset.done $0x0  }
0x35f: {  	[sflag:s22] =	ssyncadd.s32 $0xFFFFF000  }
0x360: {  	[spmem:s2] =	stream.indirect.scatter.add.f32 [tilespmem:s20], [sflag:$0x7], $0x20, s25, s14, $0xb8;
	[tilespmem:$0x1FE88] =	vst v63  }
0x361: {  	p2 =	sne.s32 s5, $0x2E00;
	_ =	swait.ge [sflag:s12], $0x1000  }
.Ltmp3:
0x362: {  	[sflag:s12] =	ssyncset.done $0x0;
	(pc) =	sbr.rel @p2 .LBB2_4-.Ltmp3, $4  }
0x363: {  	[sflag:s12] =	ssyncadd.s32 $0xFFFFF000  }
0x364: {  	[spmem:s3] =	stream.indirect.scatter.add.f32 [tilespmem:s10], [sflag:$0x7], $0x1, s25, s14, $0xb8;
	[tilespmem:$0x1FE88] =	vst v63  }
0x365: {  	_ =	swait.ge [sflag:s12], $0x80  }
0x366: {  	s5 =	sadd.s32 $0x200, s5;
	s1 =	simm.s32 $0x980;
	[sflag:s12] =	ssyncset.done $0x0  }
0x367: {  	[sflag:s12] =	ssyncadd.s32 $0xFFFFFF80  }
0x368: {  	[tilespmem:s20], [sflag:$0x6] =	stream.indirect.gather [hbm4b:s7+s14], $0x20, s1, s14, $0xb8;
	[tilespmem:$0x1FE88] =	vst v63  }
0x369: {  	_ =	swait.ge [sflag:s8], $0x1000  }
0x36a: {  	[sflag:s8] =	ssyncset.done $0x0  }
0x36b: {  	s4 =	simm.s32 $0xC00;
	[sflag:s8] =	ssyncadd.s32 $0xFFFFF000  }
0x36c: {  	[spmem:s2] =	stream.indirect.scatter.add.f32 [tilespmem:s15], [sflag:$0x7], $0x20, s4, s14, $0xb8;
	[tilespmem:$0x1FE88] =	vst v63  }
0x36d: {  	_ =	swait.ge [sflag:s12], $0x1000  }
0x36e: {  	[sflag:s12] =	ssyncset.done $0x0  }
0x36f: {  	[sflag:s12] =	ssyncadd.s32 $0xFFFFF000  }
0x370: {  	[spmem:s3] =	stream.indirect.scatter.add.f32 [tilespmem:s10], [sflag:$0x7], $0x1, s4, s14, $0xb8;
	[tilespmem:$0x1FE88] =	vst v63  }
0x371: {  	_ =	swait.ge [sflag:s12], $0x80  }
0x372: {  	[sflag:s12] =	ssyncset.done $0x0  }
0x373: {  	s5 =	simm.s32 $0xA00;
	[sflag:s12] =	ssyncadd.s32 $0xFFFFFF80  }
0x374: {  	[tilespmem:s15], [sflag:$0x3] =	stream.indirect.gather [hbm4b:s7+s14], $0x20, s5, s14, $0xb8;
	[tilespmem:$0x1FE88] =	vst v63  }
0x375: {  	_ =	swait.ge [sflag:s24], $0x1000  }
0x376: {  	[sflag:s24] =	ssyncset.done $0x0  }
0x377: {  	[sflag:s24] =	ssyncadd.s32 $0xFFFFF000  }
0x378: {  	[spmem:s2] =	stream.indirect.scatter.add.f32 [tilespmem:s16], [sflag:$0x7], $0x20, s11, s14, $0xb8;
	[tilespmem:$0x1FE88] =	vst v63  }
0x379: {  	_ =	swait.ge [sflag:s12], $0x1000  }
0x37a: {  	[sflag:s12] =	ssyncset.done $0x0  }
0x37b: {  	[sflag:s12] =	ssyncadd.s32 $0xFFFFF000  }
0x37c: {  	[spmem:s3] =	stream.indirect.scatter.add.f32 [tilespmem:s10], [sflag:$0x7], $0x1, s11, s14, $0xb8;
	[tilespmem:$0x1FE88] =	vst v63  }
0x37d: {  	_ =	swait.ge [sflag:s12], $0x80  }
0x37e: {  	[sflag:s12] =	ssyncset.done $0x0  }
0x37f: {  	s6 =	simm.s32 $0xA80;
	[sflag:s12] =	ssyncadd.s32 $0xFFFFFF80  }
0x380: {  	[tilespmem:s16], [sflag:$0x4] =	stream.indirect.gather [hbm4b:s7+s14], $0x20, s6, s14, $0xb8;
	[tilespmem:$0x1FE88] =	vst v63  }
0x381: {  	_ =	swait.ge [sflag:s0], $0x1000  }
0x382: {  	[sflag:s0] =	ssyncset.done $0x0  }
0x383: {  	[sflag:s0] =	ssyncadd.s32 $0xFFFFF000  }
0x384: {  	[spmem:s2] =	stream.indirect.scatter.add.f32 [tilespmem:s18], [sflag:$0x7], $0x20, s21, s14, $0xb8;
	[tilespmem:$0x1FE88] =	vst v63  }
0x385: {  	_ =	swait.ge [sflag:s12], $0x1000  }
0x386: {  	[sflag:s12] =	ssyncset.done $0x0  }
0x387: {  	[sflag:s12] =	ssyncadd.s32 $0xFFFFF000  }
0x388: {  	[spmem:s3] =	stream.indirect.scatter.add.f32 [tilespmem:s10], [sflag:$0x7], $0x1, s21, s14, $0xb8;
	[tilespmem:$0x1FE88] =	vst v63  }
0x389: {  	_ =	swait.ge [sflag:s12], $0x80  }
0x38a: {  	[sflag:s12] =	ssyncset.done $0x0  }
0x38b: {  	s17 =	simm.s32 $0xB00;
	[sflag:s12] =	ssyncadd.s32 $0xFFFFFF80  }
0x38c: {  	[tilespmem:s18], [sflag:$0x5] =	stream.indirect.gather [hbm4b:s7+s14], $0x20, s17, s14, $0xb8;
	[tilespmem:$0x1FE88] =	vst v63  }
0x38d: {  	_ =	swait.ge [sflag:s22], $0x1000  }
0x38e: {  	[sflag:s22] =	ssyncset.done $0x0  }
0x38f: {  	[sflag:s22] =	ssyncadd.s32 $0xFFFFF000  }
0x390: {  	[spmem:s2] =	stream.indirect.scatter.add.f32 [tilespmem:s20], [sflag:$0x7], $0x20, s13, s14, $0xb8;
	[tilespmem:$0x1FE88] =	vst v63  }
0x391: {  	_ =	swait.ge [sflag:s12], $0x1000  }
0x392: {  	[sflag:s12] =	ssyncset.done $0x0  }
0x393: {  	[sflag:s12] =	ssyncadd.s32 $0xFFFFF000  }
0x394: {  	[spmem:s3] =	stream.indirect.scatter.add.f32 [tilespmem:s10], [sflag:$0x7], $0x1, s13, s14, $0xb8;
	[tilespmem:$0x1FE88] =	vst v63  }
0x395: {  	_ =	swait.ge [sflag:s12], $0x80  }
0x396: {  	[sflag:s12] =	ssyncset.done $0x0  }
0x397: {  	s23 =	simm.s32 $0xB80;
	[sflag:s12] =	ssyncadd.s32 $0xFFFFFF80  }
0x398: {  	[tilespmem:s20], [sflag:$0x6] =	stream.indirect.gather [hbm4b:s7+s14], $0x20, s23, s14, $0xb8;
	[tilespmem:$0x1FE88] =	vst v63  }
0x399: {  	_ =	swait.ge [sflag:s8], $0x1000  }
0x39a: {  	[sflag:s8] =	ssyncset.done $0x0  }
0x39b: {  	[sflag:s8] =	ssyncadd.s32 $0xFFFFF000  }
0x39c: {  	[spmem:s2] =	stream.indirect.scatter.add.f32 [tilespmem:s15], [sflag:$0x7], $0x20, s31, s14, $0xb8;
	[tilespmem:$0x1FE88] =	vst v63  }
0x39d: {  	_ =	swait.ge [sflag:s12], $0x1000  }
0x39e: {  	[sflag:s12] =	ssyncset.done $0x0  }
0x39f: {  	[sflag:s12] =	ssyncadd.s32 $0xFFFFF000  }
0x3a0: {  	[spmem:s3] =	stream.indirect.scatter.add.f32 [tilespmem:s10], [sflag:$0x7], $0x1, s31, s14, $0xb8;
	[tilespmem:$0x1FE88] =	vst v63  }
0x3a1: {  	_ =	swait.ge [sflag:s12], $0x80  }
0x3a2: {  	[sflag:s12] =	ssyncset.done $0x0  }
0x3a3: {  	[sflag:s12] =	ssyncadd.s32 $0xFFFFFF80  }
0x3a4: {  	_ =	swait.ge [sflag:s24], $0x1000  }
0x3a5: {  	[sflag:s24] =	ssyncset.done $0x0  }
0x3a6: {  	[sflag:s24] =	ssyncadd.s32 $0xFFFFF000  }
0x3a7: {  	[spmem:s2] =	stream.indirect.scatter.add.f32 [tilespmem:s16], [sflag:$0x7], $0x20, s28, s14, $0xb8;
	[tilespmem:$0x1FE88] =	vst v63  }
0x3a8: {  	_ =	swait.ge [sflag:s12], $0x1000  }
0x3a9: {  	[sflag:s12] =	ssyncset.done $0x0  }
0x3aa: {  	[sflag:s12] =	ssyncadd.s32 $0xFFFFF000  }
0x3ab: {  	[spmem:s3] =	stream.indirect.scatter.add.f32 [tilespmem:s10], [sflag:$0x7], $0x1, s28, s14, $0xb8;
	[tilespmem:$0x1FE88] =	vst v63  }
0x3ac: {  	_ =	swait.ge [sflag:s12], $0x80  }
0x3ad: {  	[sflag:s12] =	ssyncset.done $0x0  }
0x3ae: {  	[sflag:s12] =	ssyncadd.s32 $0xFFFFFF80  }
0x3af: {  	_ =	swait.ge [sflag:s0], $0x1000  }
0x3b0: {  	[sflag:s0] =	ssyncset.done $0x0  }
0x3b1: {  	[sflag:s0] =	ssyncadd.s32 $0xFFFFF000  }
0x3b2: {  	[spmem:s2] =	stream.indirect.scatter.add.f32 [tilespmem:s18], [sflag:$0x7], $0x20, s9, s14, $0xb8;
	[tilespmem:$0x1FE88] =	vst v63  }
0x3b3: {  	_ =	swait.ge [sflag:s12], $0x1000  }
0x3b4: {  	[sflag:s12] =	ssyncset.done $0x0  }
0x3b5: {  	[sflag:s12] =	ssyncadd.s32 $0xFFFFF000  }
0x3b6: {  	[spmem:s3] =	stream.indirect.scatter.add.f32 [tilespmem:s10], [sflag:$0x7], $0x1, s9, s14, $0xb8;
	[tilespmem:$0x1FE88] =	vst v63  }
0x3b7: {  	_ =	swait.ge [sflag:s12], $0x80  }
0x3b8: {  	[sflag:s12] =	ssyncset.done $0x0  }
0x3b9: {  	[sflag:s12] =	ssyncadd.s32 $0xFFFFFF80  }
0x3ba: {  	_ =	swait.ge [sflag:s22], $0x1000  }
0x3bb: {  	[sflag:s22] =	ssyncset.done $0x0  }
0x3bc: {  	[sflag:s22] =	ssyncadd.s32 $0xFFFFF000  }
0x3bd: {  	[spmem:s2] =	stream.indirect.scatter.add.f32 [tilespmem:s20], [sflag:$0x7], $0x20, s30, s14, $0xb8;
	[tilespmem:$0x1FE88] =	vst v63  }
0x3be: {  	_ =	swait.ge [sflag:s12], $0x1000  }
0x3bf: {  	[sflag:s12] =	ssyncset.done $0x0  }
0x3c0: {  	[sflag:s12] =	ssyncadd.s32 $0xFFFFF000  }
0x3c1: {  	[spmem:s3] =	stream.indirect.scatter.add.f32 [tilespmem:s10], [sflag:$0x7], $0x1, s30, s14, $0xb8;
	[tilespmem:$0x1FE88] =	vst v63  }
0x3c2: {  	_ =	swait.ge [sflag:s12], $0x80  }
0x3c3: {  	[sflag:s12] =	ssyncset.done $0x0  }
0x3c4: {  	[sflag:s12] =	ssyncadd.s32 $0xFFFFFF80  }
.Ltmp4:
0x3c5: {  	[bflag:$0x0] =	sbarrier.arrive $0xFFFF;
	(pc) =	sbr.rel @!p0 .LBB2_6-.Ltmp4, $4  }
0x3c6: {  	s30 =	sld [smem:$0x7BB]  }
0x3c7: {  	s26 =	stileid.u32  }
0x3c8: {  	s29 =	sshll.u32 s26, $0x6  }
0x3c9: {  	s5 =	sor.u32 $0x1C07, s29;
	s23 =	simm.s32 $0xA00;
	s26 =	sshrl.u32 s30, $0x3  }
0x3ca: {  	s1 =	sld [smem:$0x7CA];
	_ =	sdelay $0x1  }
0x3cb: {  	s5 =	sor.u32 $0x1C07, s29  }
0x3cc: {  	[hbm:s1], [sflag:s5] =	dma.local [spmem:s26], $0x320  }
0x3cd: {  	_ =	swait.ge [sflag:s12], $0x320  }
0x3ce: {  	s26 =	sld [smem:$0x7BC]  }
0x3cf: {  	s17 =	sld [smem:$0x7CC]  }
0x3d0: {  	[sflag:s12] =	ssyncset.done $0x0  }
0x3d1: {  	[sflag:s12] =	ssyncadd.s32 $0xFFFFFCE0;
	s1 =	sshrl.u32 s26, $0x3  }
0x3d2: {  	[hbm:s17], [sflag:s5] =	dma.local [spmem:s1], $0x19  }
0x3d3: {  	_ =	swait.ge [sflag:s12], $0x19  }
0x3d4: {  	s4 =	sld [smem:$0x7CE]  }
0x3d5: {  	[sflag:s12] =	ssyncset.done $0x0;
	s30 =	rddreg [dreg:$0xb]  }
0x3d6: {  	[sflag:s12] =	ssyncadd.s32 $0xFFFFFFE7;
	s1 =	sshrl.u32 s30, $0x3  }
0x3d7: {  	[hbm:s4], [sflag:s5] =	dma.local [spmem:s1], $0x320  }
0x3d8: {  	_ =	swait.ge [sflag:s12], $0x320  }
0x3d9: {  	s6 =	sld [smem:$0x7BD]  }
0x3da: {  	s9 =	sld [smem:$0x7D0]  }
0x3db: {  	[sflag:s12] =	ssyncset.done $0x0  }
0x3dc: {  	[sflag:s12] =	ssyncadd.s32 $0xFFFFFCE0;
	s1 =	sshrl.u32 s6, $0x3  }
0x3dd: {  	[hbm:s9], [sflag:s5] =	dma.local [spmem:s1], $0x19  }
0x3de: {  	_ =	swait.ge [sflag:s12], $0x19  }
0x3df: {  	s26 =	sld [smem:$0x7D2]  }
0x3e0: {  	[sflag:s12] =	ssyncset.done $0x0;
	s17 =	rddreg [dreg:$0xc]  }
0x3e1: {  	[sflag:s12] =	ssyncadd.s32 $0xFFFFFFE7;
	s1 =	sshrl.u32 s17, $0x3  }
0x3e2: {  	[hbm:s26], [sflag:s5] =	dma.local [spmem:s1], $0x320  }
0x3e3: {  	_ =	swait.ge [sflag:s12], $0x320  }
0x3e4: {  	s30 =	sld [smem:$0x7BE]  }
0x3e5: {  	s4 =	sld [smem:$0x7D4]  }
0x3e6: {  	[sflag:s12] =	ssyncset.done $0x0  }
0x3e7: {  	[sflag:s12] =	ssyncadd.s32 $0xFFFFFCE0;
	s1 =	sshrl.u32 s30, $0x3  }
0x3e8: {  	[hbm:s4], [sflag:s5] =	dma.local [spmem:s1], $0x19  }
0x3e9: {  	_ =	swait.ge [sflag:s12], $0x19  }
0x3ea: {  	s9 =	sld [smem:$0x7D6]  }
0x3eb: {  	[sflag:s12] =	ssyncset.done $0x0;
	s6 =	rddreg [dreg:$0xd]  }
0x3ec: {  	[sflag:s12] =	ssyncadd.s32 $0xFFFFFFE7;
	s1 =	sshrl.u32 s6, $0x3  }
0x3ed: {  	[hbm:s9], [sflag:s5] =	dma.local [spmem:s1], $0x320  }
0x3ee: {  	_ =	swait.ge [sflag:s12], $0x320  }
0x3ef: {  	s17 =	sld [smem:$0x7BF]  }
0x3f0: {  	s26 =	sld [smem:$0x7D8]  }
0x3f1: {  	[sflag:s12] =	ssyncset.done $0x0  }
0x3f2: {  	[sflag:s12] =	ssyncadd.s32 $0xFFFFFCE0;
	s1 =	sshrl.u32 s17, $0x3  }
0x3f3: {  	[hbm:s26], [sflag:s5] =	dma.local [spmem:s1], $0x19  }
0x3f4: {  	_ =	swait.ge [sflag:s12], $0x19  }
0x3f5: {  	s4 =	sld [smem:$0x7DA]  }
0x3f6: {  	[sflag:s12] =	ssyncset.done $0x0;
	s30 =	rddreg [dreg:$0xe]  }
0x3f7: {  	[sflag:s12] =	ssyncadd.s32 $0xFFFFFFE7;
	s1 =	sshrl.u32 s30, $0x3  }
0x3f8: {  	[hbm:s4], [sflag:s5] =	dma.local [spmem:s1], $0x320  }
0x3f9: {  	_ =	swait.ge [sflag:s12], $0x320  }
0x3fa: {  	s6 =	sld [smem:$0x7C0]  }
0x3fb: {  	s9 =	sld [smem:$0x7DC]  }
0x3fc: {  	[sflag:s12] =	ssyncset.done $0x0  }
0x3fd: {  	[sflag:s12] =	ssyncadd.s32 $0xFFFFFCE0;
	s1 =	sshrl.u32 s6, $0x3  }
0x3fe: {  	[hbm:s9], [sflag:s5] =	dma.local [spmem:s1], $0x19  }
0x3ff: {  	_ =	swait.ge [sflag:s12], $0x19  }
0x400: {  	s26 =	sld [smem:$0x7DE]  }
0x401: {  	[sflag:s12] =	ssyncset.done $0x0;
	s17 =	rddreg [dreg:$0xf]  }
0x402: {  	[sflag:s12] =	ssyncadd.s32 $0xFFFFFFE7;
	s1 =	sshrl.u32 s17, $0x3  }
0x403: {  	[hbm:s26], [sflag:s5] =	dma.local [spmem:s1], $0x320  }
0x404: {  	_ =	swait.ge [sflag:s12], $0x320  }
0x405: {  	s30 =	sld [smem:$0x7C1]  }
0x406: {  	s4 =	sld [smem:$0x7E0]  }
0x407: {  	[sflag:s12] =	ssyncset.done $0x0  }
0x408: {  	[sflag:s12] =	ssyncadd.s32 $0xFFFFFCE0;
	s1 =	sshrl.u32 s30, $0x3  }
0x409: {  	[hbm:s4], [sflag:s5] =	dma.local [spmem:s1], $0x19  }
0x40a: {  	_ =	swait.ge [sflag:s12], $0x19  }
0x40b: {  	s9 =	sld [smem:$0x7E2]  }
0x40c: {  	[sflag:s12] =	ssyncset.done $0x0;
	s6 =	rddreg [dreg:$0x10]  }
0x40d: {  	[sflag:s12] =	ssyncadd.s32 $0xFFFFFFE7;
	s1 =	sshrl.u32 s6, $0x3  }
0x40e: {  	[hbm:s9], [sflag:s5] =	dma.local [spmem:s1], $0x320  }
0x40f: {  	_ =	swait.ge [sflag:s12], $0x320  }
0x410: {  	s17 =	sld [smem:$0x7C2]  }
0x411: {  	s26 =	sld [smem:$0x7E4]  }
0x412: {  	[sflag:s12] =	ssyncset.done $0x0  }
0x413: {  	[sflag:s12] =	ssyncadd.s32 $0xFFFFFCE0;
	s1 =	sshrl.u32 s17, $0x3  }
0x414: {  	[hbm:s26], [sflag:s5] =	dma.local [spmem:s1], $0x19  }
0x415: {  	_ =	swait.ge [sflag:s12], $0x19  }
0x416: {  	s4 =	sld [smem:$0x7E6]  }
0x417: {  	[sflag:s12] =	ssyncset.done $0x0;
	s30 =	rddreg [dreg:$0x11]  }
0x418: {  	[sflag:s12] =	ssyncadd.s32 $0xFFFFFFE7;
	s1 =	sshrl.u32 s30, $0x3  }
0x419: {  	[hbm:s4], [sflag:s5] =	dma.local [spmem:s1], $0x320  }
0x41a: {  	_ =	swait.ge [sflag:s12], $0x320  }
0x41b: {  	s6 =	sld [smem:$0x7C3]  }
0x41c: {  	s9 =	sld [smem:$0x7E9]  }
0x41d: {  	[sflag:s12] =	ssyncset.done $0x0  }
0x41e: {  	[sflag:s12] =	ssyncadd.s32 $0xFFFFFCE0;
	s1 =	sshrl.u32 s6, $0x3  }
0x41f: {  	[hbm:s9], [sflag:s5] =	dma.local [spmem:s1], $0x19  }
0x420: {  	_ =	swait.ge [sflag:s12], $0x19  }
0x421: {  	s26 =	sld [smem:$0x7EC]  }
0x422: {  	[sflag:s12] =	ssyncset.done $0x0;
	s17 =	rddreg [dreg:$0x12]  }
0x423: {  	[sflag:s12] =	ssyncadd.s32 $0xFFFFFFE7;
	s1 =	sshrl.u32 s17, $0x3  }
0x424: {  	[hbm:s26], [sflag:s5] =	dma.local [spmem:s1], $0x320  }
0x425: {  	_ =	swait.ge [sflag:s12], $0x320  }
0x426: {  	s30 =	sld [smem:$0x7C4]  }
0x427: {  	s4 =	sld [smem:$0x7EE]  }
0x428: {  	[sflag:s12] =	ssyncset.done $0x0  }
0x429: {  	[sflag:s12] =	ssyncadd.s32 $0xFFFFFCE0;
	s1 =	sshrl.u32 s30, $0x3  }
0x42a: {  	[hbm:s4], [sflag:s5] =	dma.local [spmem:s1], $0x19  }
0x42b: {  	_ =	swait.ge [sflag:s12], $0x19  }
0x42c: {  	s9 =	sld [smem:$0x7F1]  }
0x42d: {  	[sflag:s12] =	ssyncset.done $0x0;
	s6 =	rddreg [dreg:$0x13]  }
0x42e: {  	[sflag:s12] =	ssyncadd.s32 $0xFFFFFFE7;
	s1 =	sshrl.u32 s6, $0x3  }
0x42f: {  	[hbm:s9], [sflag:s5] =	dma.local [spmem:s1], $0x320  }
0x430: {  	_ =	swait.ge [sflag:s12], $0x320  }
0x431: {  	s26 =	sld [smem:$0x7C5]  }
0x432: {  	s30 =	sld [smem:$0x7F3]  }
0x433: {  	[sflag:s12] =	ssyncset.done $0x0  }
0x434: {  	[sflag:s12] =	ssyncadd.s32 $0xFFFFFCE0;
	s1 =	sshrl.u32 s26, $0x3  }
0x435: {  	[hbm:s30], [sflag:s5] =	dma.local [spmem:s1], $0x19  }
.Ltmp5:
0x436: {  	_ = 	snop;
	(pc) =	sbr.rel @p1 .LBB2_9-.Ltmp5, $4  }
.Ltmp6:
0x437: {  	_ =	swait.ge [sflag:s12], $0x19;
	(pc) =	sbr.rel @!p1 .LBB2_8-.Ltmp6, $4  }
0x438: {  	s29 =	rddreg [dreg:$0x8]  }
0x439: {  	[sflag:s12] =	ssyncset.done $0x0;
	s4 =	rddreg [dreg:$0x9]  }
0x43a: {  	s9 =	simm.s32 $0x2;
	s6 =	sld [smem:$0x7BA];
	[sflag:s12] =	ssyncadd.s32 $0xFFFFFFE7  }
0x43b: {  	_ = 	snop  }
.LBB2_6:
0x43c: {  	s1 =	sld [smem:$0x7C9];
	_ =	sdelay $0x2  }
0x43d: {  	[hbm:s1], [sflag:s5] =	dma.local [spmem:s26], $0x320  }
0x43e: {  	_ =	swait.ge [sflag:s12], $0x320  }
0x43f: {  	s26 =	sld [smem:$0x7BC]  }
0x440: {  	s17 =	sld [smem:$0x7CB]  }
0x441: {  	[sflag:s12] =	ssyncset.done $0x0  }
0x442: {  	[sflag:s12] =	ssyncadd.s32 $0xFFFFFCE0;
	s1 =	sshrl.u32 s26, $0x3  }
0x443: {  	[hbm:s17], [sflag:s5] =	dma.local [spmem:s1], $0x19  }
0x444: {  	_ =	swait.ge [sflag:s12], $0x19  }
0x445: {  	s4 =	sld [smem:$0x7CD]  }
0x446: {  	[sflag:s12] =	ssyncset.done $0x0;
	s30 =	rddreg [dreg:$0xb]  }
0x447: {  	[sflag:s12] =	ssyncadd.s32 $0xFFFFFFE7;
	s1 =	sshrl.u32 s30, $0x3  }
0x448: {  	[hbm:s4], [sflag:s5] =	dma.local [spmem:s1], $0x320  }
0x449: {  	_ =	swait.ge [sflag:s12], $0x320  }
0x44a: {  	s6 =	sld [smem:$0x7BD]  }
0x44b: {  	s9 =	sld [smem:$0x7CF]  }
0x44c: {  	[sflag:s12] =	ssyncset.done $0x0  }
0x44d: {  	[sflag:s12] =	ssyncadd.s32 $0xFFFFFCE0;
	s1 =	sshrl.u32 s6, $0x3  }
0x44e: {  	[hbm:s9], [sflag:s5] =	dma.local [spmem:s1], $0x19  }
0x44f: {  	_ =	swait.ge [sflag:s12], $0x19  }
0x450: {  	s26 =	sld [smem:$0x7D1]  }
0x451: {  	[sflag:s12] =	ssyncset.done $0x0;
	s17 =	rddreg [dreg:$0xc]  }
0x452: {  	[sflag:s12] =	ssyncadd.s32 $0xFFFFFFE7;
	s1 =	sshrl.u32 s17, $0x3  }
0x453: {  	[hbm:s26], [sflag:s5] =	dma.local [spmem:s1], $0x320  }
0x454: {  	_ =	swait.ge [sflag:s12], $0x320  }
0x455: {  	s30 =	sld [smem:$0x7BE]  }
0x456: {  	s4 =	sld [smem:$0x7D3]  }
0x457: {  	[sflag:s12] =	ssyncset.done $0x0  }
0x458: {  	[sflag:s12] =	ssyncadd.s32 $0xFFFFFCE0;
	s1 =	sshrl.u32 s30, $0x3  }
0x459: {  	[hbm:s4], [sflag:s5] =	dma.local [spmem:s1], $0x19  }
0x45a: {  	_ =	swait.ge [sflag:s12], $0x19  }
0x45b: {  	s9 =	sld [smem:$0x7D5]  }
0x45c: {  	[sflag:s12] =	ssyncset.done $0x0;
	s6 =	rddreg [dreg:$0xd]  }
0x45d: {  	[sflag:s12] =	ssyncadd.s32 $0xFFFFFFE7;
	s1 =	sshrl.u32 s6, $0x3  }
0x45e: {  	[hbm:s9], [sflag:s5] =	dma.local [spmem:s1], $0x320  }
0x45f: {  	_ =	swait.ge [sflag:s12], $0x320  }
0x460: {  	s17 =	sld [smem:$0x7BF]  }
0x461: {  	s26 =	sld [smem:$0x7D7]  }
0x462: {  	[sflag:s12] =	ssyncset.done $0x0  }
0x463: {  	[sflag:s12] =	ssyncadd.s32 $0xFFFFFCE0;
	s1 =	sshrl.u32 s17, $0x3  }
0x464: {  	[hbm:s26], [sflag:s5] =	dma.local [spmem:s1], $0x19  }
0x465: {  	_ =	swait.ge [sflag:s12], $0x19  }
0x466: {  	s4 =	sld [smem:$0x7D9]  }
0x467: {  	[sflag:s12] =	ssyncset.done $0x0;
	s30 =	rddreg [dreg:$0xe]  }
0x468: {  	[sflag:s12] =	ssyncadd.s32 $0xFFFFFFE7;
	s1 =	sshrl.u32 s30, $0x3  }
0x469: {  	[hbm:s4], [sflag:s5] =	dma.local [spmem:s1], $0x320  }
0x46a: {  	_ =	swait.ge [sflag:s12], $0x320  }
0x46b: {  	s6 =	sld [smem:$0x7C0]  }
0x46c: {  	s9 =	sld [smem:$0x7DB]  }
0x46d: {  	[sflag:s12] =	ssyncset.done $0x0  }
0x46e: {  	[sflag:s12] =	ssyncadd.s32 $0xFFFFFCE0;
	s1 =	sshrl.u32 s6, $0x3  }
0x46f: {  	[hbm:s9], [sflag:s5] =	dma.local [spmem:s1], $0x19  }
0x470: {  	_ =	swait.ge [sflag:s12], $0x19  }
0x471: {  	s26 =	sld [smem:$0x7DD]  }
0x472: {  	[sflag:s12] =	ssyncset.done $0x0;
	s17 =	rddreg [dreg:$0xf]  }
0x473: {  	[sflag:s12] =	ssyncadd.s32 $0xFFFFFFE7;
	s1 =	sshrl.u32 s17, $0x3  }
0x474: {  	[hbm:s26], [sflag:s5] =	dma.local [spmem:s1], $0x320  }
0x475: {  	_ =	swait.ge [sflag:s12], $0x320  }
0x476: {  	s30 =	sld [smem:$0x7C1]  }
0x477: {  	s4 =	sld [smem:$0x7DF]  }
0x478: {  	[sflag:s12] =	ssyncset.done $0x0  }
0x479: {  	[sflag:s12] =	ssyncadd.s32 $0xFFFFFCE0;
	s1 =	sshrl.u32 s30, $0x3  }
0x47a: {  	[hbm:s4], [sflag:s5] =	dma.local [spmem:s1], $0x19  }
0x47b: {  	_ =	swait.ge [sflag:s12], $0x19  }
0x47c: {  	s9 =	sld [smem:$0x7E1]  }
0x47d: {  	[sflag:s12] =	ssyncset.done $0x0;
	s6 =	rddreg [dreg:$0x10]  }
0x47e: {  	[sflag:s12] =	ssyncadd.s32 $0xFFFFFFE7;
	s1 =	sshrl.u32 s6, $0x3  }
0x47f: {  	[hbm:s9], [sflag:s5] =	dma.local [spmem:s1], $0x320  }
0x480: {  	_ =	swait.ge [sflag:s12], $0x320  }
0x481: {  	s17 =	sld [smem:$0x7C2]  }
0x482: {  	s26 =	sld [smem:$0x7E3]  }
0x483: {  	[sflag:s12] =	ssyncset.done $0x0  }
0x484: {  	[sflag:s12] =	ssyncadd.s32 $0xFFFFFCE0;
	s1 =	sshrl.u32 s17, $0x3  }
0x485: {  	[hbm:s26], [sflag:s5] =	dma.local [spmem:s1], $0x19  }
0x486: {  	_ =	swait.ge [sflag:s12], $0x19  }
0x487: {  	s4 =	sld [smem:$0x7E5]  }
0x488: {  	[sflag:s12] =	ssyncset.done $0x0;
	s30 =	rddreg [dreg:$0x11]  }
0x489: {  	[sflag:s12] =	ssyncadd.s32 $0xFFFFFFE7;
	s1 =	sshrl.u32 s30, $0x3  }
0x48a: {  	[hbm:s4], [sflag:s5] =	dma.local [spmem:s1], $0x320  }
0x48b: {  	_ =	swait.ge [sflag:s12], $0x320  }
0x48c: {  	s6 =	sld [smem:$0x7C3]  }
0x48d: {  	s9 =	sld [smem:$0x7E8]  }
0x48e: {  	[sflag:s12] =	ssyncset.done $0x0  }
0x48f: {  	[sflag:s12] =	ssyncadd.s32 $0xFFFFFCE0;
	s1 =	sshrl.u32 s6, $0x3  }
0x490: {  	[hbm:s9], [sflag:s5] =	dma.local [spmem:s1], $0x19  }
0x491: {  	_ =	swait.ge [sflag:s12], $0x19  }
0x492: {  	s26 =	sld [smem:$0x7EB]  }
0x493: {  	[sflag:s12] =	ssyncset.done $0x0;
	s17 =	rddreg [dreg:$0x12]  }
0x494: {  	[sflag:s12] =	ssyncadd.s32 $0xFFFFFFE7;
	s1 =	sshrl.u32 s17, $0x3  }
0x495: {  	[hbm:s26], [sflag:s5] =	dma.local [spmem:s1], $0x320  }
0x496: {  	_ =	swait.ge [sflag:s12], $0x320  }
0x497: {  	s30 =	sld [smem:$0x7C4]  }
0x498: {  	s4 =	sld [smem:$0x7ED]  }
0x499: {  	[sflag:s12] =	ssyncset.done $0x0  }
0x49a: {  	[sflag:s12] =	ssyncadd.s32 $0xFFFFFCE0;
	s1 =	sshrl.u32 s30, $0x3  }
0x49b: {  	[hbm:s4], [sflag:s5] =	dma.local [spmem:s1], $0x19  }
0x49c: {  	_ =	swait.ge [sflag:s12], $0x19  }
0x49d: {  	s9 =	sld [smem:$0x7F0]  }
0x49e: {  	[sflag:s12] =	ssyncset.done $0x0;
	s6 =	rddreg [dreg:$0x13]  }
0x49f: {  	[sflag:s12] =	ssyncadd.s32 $0xFFFFFFE7;
	s1 =	sshrl.u32 s6, $0x3  }
0x4a0: {  	[hbm:s9], [sflag:s5] =	dma.local [spmem:s1], $0x320  }
0x4a1: {  	_ =	swait.ge [sflag:s12], $0x320  }
0x4a2: {  	s26 =	sld [smem:$0x7C5]  }
0x4a3: {  	s30 =	sld [smem:$0x7F2]  }
0x4a4: {  	[sflag:s12] =	ssyncset.done $0x0  }
0x4a5: {  	[sflag:s12] =	ssyncadd.s32 $0xFFFFFCE0;
	s1 =	sshrl.u32 s26, $0x3  }
0x4a6: {  	[hbm:s30], [sflag:s5] =	dma.local [spmem:s1], $0x19  }
.Ltmp7:
0x4a7: {  	_ = 	snop;
	(pc) =	sbr.rel @p1 .LBB2_9-.Ltmp7, $4  }
.Ltmp8:
0x4a8: {  	_ =	swait.ge [sflag:s12], $0x19;
	(pc) =	sbr.rel @!p1 .LBB2_8-.Ltmp8, $4  }
0x4a9: {  	[sflag:s12] =	ssyncset.done $0x0;
	s29 =	rddreg [dreg:$0x7]  }
0x4aa: {  	s6 =	sld [smem:$0x7BA];
	[sflag:s12] =	ssyncadd.s32 $0xFFFFFFE7  }
0x4ab: {  	s9 =	simm.s32 $0x2;
	s4 =	rddreg [dreg:$0x1]  }
0x4ac: {  	_ = 	snop  }
.LBB2_10:
0x4ad: {  	_ =	sfence.sel $0x180000  }
0x4ae: {  	[bflag:$0x0] =	sbarrier.arrive $0xFFFF  }
0x4af: {  	_ =	strace $0x90000047  }
0x4b0: {  	s0 =	stileid.u32;
	[bflag:$0x2] =	sbarrier.arrive $0xFFFF  }
0x4b1: {  	p0 =	sne.s32 s0, $0x0;
	s0 =	rddreg [dreg:$0x4]  }
0x4b2: {  	s0 =	sadd.s32 @!p0 $0x100000, s0  }
0x4b3: {  	[sflag:s0] =	ssyncadd.tile.s32 @!p0 $0x1;
	_ =	shalt  }
.Lfunc_end2:
_tile_overlayer_lowered:
.L_overlay_start_2:
0x4b4: {  	(tag) =	ssettag $0x2  }
0x4b5: {  	s0 =	rddreg [dreg:$0x0];
	s2 =	stileid.u32  }
0x4b6: {  	s1 =	rddreg [dreg:$0x1];
	p0 =	sne.s32 s2, $0x0  }
0x4b7: {  	s3 =	rddreg [dreg:$0x2];
	[bflag:$0x3] =	sbarrier.arrive $0xFFFF;
	s2 =	simm.s32 @!p0 $0x1C07  }
0x4b8: {  	[timem:s3], [sflag:s2] =	dma.local @!p0 [hbm:s0], s1  }
0x4b9: {  	s0 =	simm.s32 @!p0 $0x7  }
0x4ba: {  	_ =	swait.ge @!p0 [sflag:s0], s1  }
0x4bb: {  	s1 =	ssub.s32 @!p0 $0x0, s1;
	[sflag:s0] =	ssyncset.done @!p0 $0x0  }
0x4bc: {  	[sflag:s0] =	ssyncadd.s32 @!p0 s1  }
0x4bd: {  	[bflag:$0x3] =	sbarrier.arrive $0xFFFF  }
0x4be: {  	_ =	shalt  }

</sc_bundles>
